<compile_context>
chip_gen: v7x
topology: tpu7x:2x2x1
jax: 0.10.2.dev20260603
libtpu: 0.0.44.dev20260713+nightly
codegen_flags: <defaults>
</compile_context>

<pallas_src>
import functools

import jax
import jax.numpy as jnp
from jax import lax
from jax.experimental import pallas as pl
from jax.experimental.pallas import tpu as pltpu
from jax.experimental.pallas import tpu_sc as plsc

TID_DIM = 32
N_TABLE = 288
N_TOTAL = 64 * 12 * 5000
NW = 32
PER_W = N_TOTAL // NW
CHUNK = 1000
DCH = 664
TCH = CHUNK - DCH
NCHUNK = PER_W // CHUNK
NGRP = TCH // 16
BT_PER_W = (64 * 12) // NW
N_SPLIT = 5000 // CHUNK

_mesh = plsc.VectorSubcoreMesh(core_axis_name="c", subcore_axis_name="s")


@functools.partial(
    pl.kernel,
    mesh=_mesh,
    out_type=jax.ShapeDtypeStruct((64, 12, 5000, TID_DIM), jnp.float32),
    compiler_params=pltpu.CompilerParams(
        use_tc_tiling_on_sc=False, needs_layout_passes=False
    ),
    scratch_types=[
        pltpu.VMEM((N_TABLE, TID_DIM), jnp.float32),
        pltpu.VMEM((CHUNK,), jnp.int32),
        pltpu.VMEM((CHUNK,), jnp.int32),
        pltpu.VMEM((DCH, TID_DIM), jnp.float32),
        pltpu.VMEM((DCH, TID_DIM), jnp.float32),
        pltpu.VMEM((TCH, TID_DIM), jnp.float32),
        pltpu.VMEM((TCH, TID_DIM), jnp.float32),
        pltpu.SemaphoreType.DMA,
        pltpu.SemaphoreType.DMA,
        pltpu.SemaphoreType.DMA,
        pltpu.SemaphoreType.DMA,
        pltpu.SemaphoreType.DMA,
    ],
)
def _gather_kernel(table2d_hbm, idx_hbm, out_hbm,
                   table_v, idx0_v, idx1_v, drows0_v, drows1_v,
                   trows0_v, trows1_v, dsem0, dsem1, tsem0, tsem1, gsem):
    wid = lax.axis_index("s") * 2 + lax.axis_index("c")
    w_base = wid * PER_W
    idx_bufs = (idx0_v, idx1_v)
    drows = (drows0_v, drows1_v)
    trows = (trows0_v, trows1_v)
    dsems = (dsem0, dsem1)
    tsems = (tsem0, tsem1)

    pltpu.sync_copy(table2d_hbm, table_v)

    lane = lax.iota(jnp.int32, 16)
    out_lane = lane * TID_DIM

    def chunk_body(g, carry):
        for b in range(2):
            j = g * 2 + b
            base = w_base + j * CHUNK
            bt = wid * BT_PER_W + j // N_SPLIT
            b_i = bt // 12
            t_i = bt % 12
            n0 = (j % N_SPLIT) * CHUNK

            @pl.when(g > 0)
            def _wait_prev_stores():
                pltpu.make_async_copy(
                    drows[b], out_hbm.at[0, 0, pl.ds(0, DCH)], dsems[b]
                ).wait()
                pltpu.make_async_copy(
                    trows[b], out_hbm.at[0, 0, pl.ds(0, TCH)], tsems[b]
                ).wait()

            pltpu.sync_copy(idx_hbm.at[pl.ds(base, CHUNK)], idx_bufs[b])

            gcp = pltpu.async_copy(
                table2d_hbm.at[idx_bufs[b].at[pl.ds(0, DCH)]],
                drows[b],
                gsem,
            )

            @plsc.parallel_loop(0, NGRP, unroll=4)
            def grp_body(grp):
                idxv = idx_bufs[b][pl.ds(DCH + grp * 16, 16)]
                row_ids = lane + grp * 16
                for d in range(TID_DIM):
                    dv = jnp.full((16,), d, jnp.int32)
                    val = plsc.load_gather(table_v, [idxv, dv])
                    plsc.store_scatter(trows[b], [row_ids, dv], val)

            gcp.wait()
            pltpu.async_copy(
                drows[b],
                out_hbm.at[b_i, t_i, pl.ds(n0, DCH)],
                dsems[b],
            )
            pltpu.async_copy(
                trows[b],
                out_hbm.at[b_i, t_i, pl.ds(n0 + DCH, TCH)],
                tsems[b],
            )
        return carry

    lax.fori_loop(0, NCHUNK // 2, chunk_body, 0)

    for b in range(2):
        pltpu.make_async_copy(
            drows[b], out_hbm.at[0, 0, pl.ds(0, DCH)], dsems[b]
        ).wait()
        pltpu.make_async_copy(
            trows[b], out_hbm.at[0, 0, pl.ds(0, TCH)], tsems[b]
        ).wait()


def kernel(tid, node_emb_in, node_emb_out, tid_table, adp_emb):
    idx = tid.reshape(-1).astype(jnp.int32)
    x_tid = _gather_kernel(tid_table, idx)
    return (node_emb_in, node_emb_out, x_tid, adp_emb)

# --- scband reference (transcript-rebuilt; emitter-appended) ---
"""Pipeline reference for scband-aux-info-embeddings-23716809408864 (READ-ONLY COPY).

The authoritative reference and input builder live on the scoring server;
editing this copy changes nothing except your own understanding.
"""

import jax, jax.numpy as jnp
import numpy as np

N_SERIES = 5000
N_TIDS = 288
T_WINDOW = 12
NODE_DIM = 64
TID_DIM = 32
ADP_DIM = 16
B = 64
T = 12


def _xavier_uniform(key, shape):
    fan_in = int(np.prod(shape[1:])) if len(shape) > 1 else shape[0]
    fan_out = shape[0] * (int(np.prod(shape[2:])) if len(shape) > 2 else 1)
    bound = float(np.sqrt(6.0 / (fan_in + fan_out)))
    return jax.random.uniform(key, shape, jnp.float32, -bound, bound)


def setup_inputs(seed: int = 0) -> dict:
    key = jax.random.key(seed)
    k1, k2, k3, k4, k5 = jax.random.split(key, 5)
    tid = jax.random.randint(k1, (B, T, N_SERIES), 0, N_TIDS, dtype=jnp.int64 if jax.config.jax_enable_x64 else jnp.int32)
    node_emb_in = _xavier_uniform(k2, (N_SERIES, NODE_DIM))
    node_emb_out = _xavier_uniform(k3, (N_SERIES, NODE_DIM))
    tid_table = _xavier_uniform(k4, (N_TIDS, TID_DIM))
    adp_emb = _xavier_uniform(k5, (T_WINDOW, N_SERIES, ADP_DIM))
    return {
        "tid": tid,
        "node_emb_in": node_emb_in,
        "node_emb_out": node_emb_out,
        "tid_table": tid_table,
        "adp_emb": adp_emb,
    }


def reference(tid, node_emb_in, node_emb_out, tid_table, adp_emb):
    # AuxInfoEmbeddings.forward with diw_emb_dim=0 (x_diw=None dropped):
    # x_node_in  = node_emb_in parameter (passed through)
    # x_node_out = node_emb_out parameter (single_node_emb=False)
    # x_tid      = embedding lookup: tid_table[tid], shape (B, T, N, TID_DIM)
    # x_adp      = adp_emb parameter (passed through)
    x_tid = jnp.take(tid_table, tid, axis=0)
    return (node_emb_in, node_emb_out, x_tid, adp_emb)

if __name__ == "__main__":
    import jax
    _d = setup_inputs()
    print(jax.jit(kernel)(*tuple(_d.values())))

</pallas_src>

<mosaic_0001>
#map = affine_map<(d0, d1) -> (0, 0)>
#map1 = affine_map<(d0, d1) -> (0)>
#map2 = affine_map<(d0, d1) -> (0, 0, 0, 0)>
module attributes {stable_mosaic.version = 14 : i64} {
  func.func @_gather_kernel(%arg0: i32, %arg1: i32, %arg2: memref<288x32xf32, #tpu.memory_space<hbm>>, %arg3: memref<3840000xi32, #tpu.memory_space<hbm>>, %arg4: memref<64x12x5000x32xf32, #tpu.memory_space<hbm>>, %arg5: memref<288x32xf32, #tpu.memory_space<vmem>>, %arg6: memref<1000xi32, #tpu.memory_space<vmem>>, %arg7: memref<1000xi32, #tpu.memory_space<vmem>>, %arg8: memref<664x32xf32, #tpu.memory_space<vmem>>, %arg9: memref<664x32xf32, #tpu.memory_space<vmem>>, %arg10: memref<336x32xf32, #tpu.memory_space<vmem>>, %arg11: memref<336x32xf32, #tpu.memory_space<vmem>>, %arg12: memref<!tpu.dma_semaphore, #tpu.memory_space<semaphore_mem>>, %arg13: memref<!tpu.dma_semaphore, #tpu.memory_space<semaphore_mem>>, %arg14: memref<!tpu.dma_semaphore, #tpu.memory_space<semaphore_mem>>, %arg15: memref<!tpu.dma_semaphore, #tpu.memory_space<semaphore_mem>>, %arg16: memref<!tpu.dma_semaphore, #tpu.memory_space<semaphore_mem>>) attributes {dimension_semantics = [#tpu.dimension_semantics<core_parallel>, #tpu.dimension_semantics<subcore_parallel>], iteration_bounds = array<i64: 2, 16>, scalar_prefetch = 0 : i64, scratch_operands = 12 : i64, tpu.core_type = #tpu.core_type<sc_vector_subcore>, window_params = [{transform_indices = #map}, {transform_indices = #map1}, {transform_indices = #map2}]} {
    %mul3A = arith.constant 2 : i32
    %mul3A_0 = arith.muli %arg1, %mul3A : i32
    %add3A = arith.addi %mul3A_0, %arg0 : i32
    %mul3A_1 = arith.constant 120000 : i32
    %mul3A_2 = arith.muli %add3A, %mul3A_1 : i32
    "tpu.region"() ({
      %run_scoped3A = tpu.sem_alloc : memref<!tpu.dma_semaphore, #tpu.memory_space<semaphore_mem>>
      tpu.enqueue_dma source(%arg2 : memref<288x32xf32, #tpu.memory_space<hbm>>) target(%arg5 : memref<288x32xf32, #tpu.memory_space<vmem>>) target_semaphore(%run_scoped3A : memref<!tpu.dma_semaphore, #tpu.memory_space<semaphore_mem>>)
      tpu.wait_dma2 semaphore(%run_scoped3A : memref<!tpu.dma_semaphore, #tpu.memory_space<semaphore_mem>>) src(%arg2 : memref<288x32xf32, #tpu.memory_space<hbm>>) dst(%arg5 : memref<288x32xf32, #tpu.memory_space<vmem>>)
      tpu.yield
    }) : () -> ()
    %iota3A = tpu.iota {dimensions = array<i32: 0>} : vector<16xi32>
    %mul3A_3 = arith.constant 32 : i32
    %mul3A_4 = vector.broadcast %mul3A_3 : i32 to vector<16xi32>
    %mul3A_5 = arith.muli %iota3A, %mul3A_4 : vector<16xi32>
    %scan3A = arith.constant 0 : i32
    %scan3A_6 = arith.constant 0 : i32
    %scan3A_7 = arith.constant 60 : i32
    %scan3A_8 = arith.addi %scan3A_6, %scan3A_7 : i32
    %scan3A_9 = arith.constant 1 : i32
    scf.for %scan3A_50 = %scan3A_6 to %scan3A_8 step %scan3A_9  : i32 {
      %mul3A_51 = arith.constant 2 : i32
      %mul3A_52 = arith.muli %scan3A_50, %mul3A_51 : i32
      %add3A_53 = arith.constant 0 : i32
      %add3A_54 = arith.addi %mul3A_52, %add3A_53 : i32
      %mul3A_55 = arith.constant 1000 : i32
      %mul3A_56 = arith.muli %add3A_54, %mul3A_55 : i32
      %add3A_57 = arith.addi %mul3A_2, %mul3A_56 : i32
      %mul3A_58 = arith.constant 24 : i32
      %mul3A_59 = arith.muli %add3A, %mul3A_58 : i32
      %jit3A = arith.constant 5 : i32
      %div3A = arith.divsi %add3A_54, %jit3A : i32
      %sign3A = arith.constant 0 : i32
      %sign3A_60 = arith.cmpi sgt, %add3A_54, %sign3A : i32
      %sign3A_61 = arith.extui %sign3A_60 : i1 to i32
      %sign3A_62 = arith.constant 0 : i32
      %sign3A_63 = arith.cmpi slt, %add3A_54, %sign3A_62 : i32
      %sign3A_64 = arith.extui %sign3A_63 : i1 to i32
      %sign3A_65 = arith.subi %sign3A_61, %sign3A_64 : i32
      %sign3A_66 = arith.constant 0 : i32
      %sign3A_67 = arith.cmpi sgt, %jit3A, %sign3A_66 : i32
      %sign3A_68 = arith.extui %sign3A_67 : i1 to i32
      %sign3A_69 = arith.constant 0 : i32
      %sign3A_70 = arith.cmpi slt, %jit3A, %sign3A_69 : i32
      %sign3A_71 = arith.extui %sign3A_70 : i1 to i32
      %sign3A_72 = arith.subi %sign3A_68, %sign3A_71 : i32
      %ne3A = arith.cmpi ne, %sign3A_65, %sign3A_72 : i32
      %rem3A = arith.remsi %add3A_54, %jit3A : i32
      %ne3A_73 = arith.constant 0 : i32
      %ne3A_74 = arith.cmpi ne, %rem3A, %ne3A_73 : i32
      %and3A = arith.andi %ne3A, %ne3A_74 : i1
      %sub3A = arith.constant 1 : i32
      %sub3A_75 = arith.subi %div3A, %sub3A : i32
      %select_n3A = arith.select %and3A, %sub3A_75, %div3A : i32
      %add3A_76 = arith.addi %mul3A_59, %select_n3A : i32
      %jit3A_77 = arith.constant 12 : i32
      %div3A_78 = arith.divsi %add3A_76, %jit3A_77 : i32
      %sign3A_79 = arith.constant 0 : i32
      %sign3A_80 = arith.cmpi sgt, %add3A_76, %sign3A_79 : i32
      %sign3A_81 = arith.extui %sign3A_80 : i1 to i32
      %sign3A_82 = arith.constant 0 : i32
      %sign3A_83 = arith.cmpi slt, %add3A_76, %sign3A_82 : i32
      %sign3A_84 = arith.extui %sign3A_83 : i1 to i32
      %sign3A_85 = arith.subi %sign3A_81, %sign3A_84 : i32
      %sign3A_86 = arith.constant 0 : i32
      %sign3A_87 = arith.cmpi sgt, %jit3A_77, %sign3A_86 : i32
      %sign3A_88 = arith.extui %sign3A_87 : i1 to i32
      %sign3A_89 = arith.constant 0 : i32
      %sign3A_90 = arith.cmpi slt, %jit3A_77, %sign3A_89 : i32
      %sign3A_91 = arith.extui %sign3A_90 : i1 to i32
      %sign3A_92 = arith.subi %sign3A_88, %sign3A_91 : i32
      %ne3A_93 = arith.cmpi ne, %sign3A_85, %sign3A_92 : i32
      %rem3A_94 = arith.remsi %add3A_76, %jit3A_77 : i32
      %ne3A_95 = arith.constant 0 : i32
      %ne3A_96 = arith.cmpi ne, %rem3A_94, %ne3A_95 : i32
      %and3A_97 = arith.andi %ne3A_93, %ne3A_96 : i1
      %sub3A_98 = arith.constant 1 : i32
      %sub3A_99 = arith.subi %div3A_78, %sub3A_98 : i32
      %select_n3A_100 = arith.select %and3A_97, %sub3A_99, %div3A_78 : i32
      %jit3A_101 = arith.constant 12 : i32
      %eq3A = arith.constant 0 : i32
      %eq3A_102 = arith.cmpi eq, %jit3A_101, %eq3A : i32
      %jit3A_103 = arith.constant 1 : i32
      %select_n3A_104 = arith.select %eq3A_102, %jit3A_103, %jit3A_101 : i32
      %rem3A_105 = arith.remsi %add3A_76, %select_n3A_104 : i32
      %ne3A_106 = arith.constant 0 : i32
      %ne3A_107 = arith.cmpi ne, %rem3A_105, %ne3A_106 : i32
      %lt3A = arith.constant 0 : i32
      %lt3A_108 = arith.cmpi slt, %rem3A_105, %lt3A : i32
      %lt3A_109 = arith.constant 0 : i32
      %lt3A_110 = arith.cmpi slt, %select_n3A_104, %lt3A_109 : i32
      %ne3A_111 = arith.xori %lt3A_108, %lt3A_110 : i1
      %and3A_112 = arith.andi %ne3A_111, %ne3A_107 : i1
      %add3A_113 = arith.addi %rem3A_105, %select_n3A_104 : i32
      %select_n3A_114 = arith.select %and3A_112, %add3A_113, %rem3A_105 : i32
      %jit3A_115 = arith.constant 5 : i32
      %eq3A_116 = arith.constant 0 : i32
      %eq3A_117 = arith.cmpi eq, %jit3A_115, %eq3A_116 : i32
      %jit3A_118 = arith.constant 1 : i32
      %select_n3A_119 = arith.select %eq3A_117, %jit3A_118, %jit3A_115 : i32
      %rem3A_120 = arith.remsi %add3A_54, %select_n3A_119 : i32
      %ne3A_121 = arith.constant 0 : i32
      %ne3A_122 = arith.cmpi ne, %rem3A_120, %ne3A_121 : i32
      %lt3A_123 = arith.constant 0 : i32
      %lt3A_124 = arith.cmpi slt, %rem3A_120, %lt3A_123 : i32
      %lt3A_125 = arith.constant 0 : i32
      %lt3A_126 = arith.cmpi slt, %select_n3A_119, %lt3A_125 : i32
      %ne3A_127 = arith.xori %lt3A_124, %lt3A_126 : i1
      %and3A_128 = arith.andi %ne3A_127, %ne3A_122 : i1
      %add3A_129 = arith.addi %rem3A_120, %select_n3A_119 : i32
      %select_n3A_130 = arith.select %and3A_128, %add3A_129, %rem3A_120 : i32
      %mul3A_131 = arith.constant 1000 : i32
      %mul3A_132 = arith.muli %select_n3A_130, %mul3A_131 : i32
      %gt3A = arith.constant 0 : i32
      %gt3A_133 = arith.cmpi sgt, %scan3A_50, %gt3A : i32
      %convert_element_type3A = arith.extui %gt3A_133 : i1 to i32
      %cond3A = arith.constant 0 : i32
      %cond3A_134 = arith.cmpi ne, %convert_element_type3A, %cond3A : i32
      scf.if %cond3A_134 {
        %dma_wait3A_284 = arith.constant 0 : i32
        %dma_wait3A_285 = arith.constant 0 : i32
        %dma_wait3A_286 = arith.constant 0 : i32
        %dma_wait3A_287 = arith.constant 0 : i32
        %dma_wait3A_288 = tpu.memref_slice %arg4[%dma_wait3A_284, %dma_wait3A_285, %dma_wait3A_286, %dma_wait3A_287] : memref<64x12x5000x32xf32, #tpu.memory_space<hbm>> -> memref<1x1x664x32xf32, #tpu.memory_space<hbm>>
        %dma_wait3A_289 = tpu.memref_squeeze %dma_wait3A_288 : memref<1x1x664x32xf32, #tpu.memory_space<hbm>> -> memref<664x32xf32, #tpu.memory_space<hbm>>
        %dma_wait3A_290 = arith.constant 0 : i32
        %dma_wait3A_291 = arith.constant 0 : i32
        %dma_wait3A_292 = tpu.memref_slice %arg4[%dma_wait3A_284, %dma_wait3A_285, %dma_wait3A_290, %dma_wait3A_291] : memref<64x12x5000x32xf32, #tpu.memory_space<hbm>> -> memref<1x1x664x32xf32, #tpu.memory_space<hbm>>
        %dma_wait3A_293 = tpu.memref_squeeze %dma_wait3A_292 : memref<1x1x664x32xf32, #tpu.memory_space<hbm>> -> memref<664x32xf32, #tpu.memory_space<hbm>>
        tpu.wait_dma2 semaphore(%arg12 : memref<!tpu.dma_semaphore, #tpu.memory_space<semaphore_mem>>) src(%arg8 : memref<664x32xf32, #tpu.memory_space<vmem>>) dst(%dma_wait3A_293 : memref<664x32xf32, #tpu.memory_space<hbm>>)
        %dma_wait3A_294 = arith.constant 0 : i32
        %dma_wait3A_295 = arith.constant 0 : i32
        %dma_wait3A_296 = arith.constant 0 : i32
        %dma_wait3A_297 = arith.constant 0 : i32
        %dma_wait3A_298 = tpu.memref_slice %arg4[%dma_wait3A_294, %dma_wait3A_295, %dma_wait3A_296, %dma_wait3A_297] : memref<64x12x5000x32xf32, #tpu.memory_space<hbm>> -> memref<1x1x336x32xf32, #tpu.memory_space<hbm>>
        %dma_wait3A_299 = tpu.memref_squeeze %dma_wait3A_298 : memref<1x1x336x32xf32, #tpu.memory_space<hbm>> -> memref<336x32xf32, #tpu.memory_space<hbm>>
        %dma_wait3A_300 = arith.constant 0 : i32
        %dma_wait3A_301 = arith.constant 0 : i32
        %dma_wait3A_302 = tpu.memref_slice %arg4[%dma_wait3A_294, %dma_wait3A_295, %dma_wait3A_300, %dma_wait3A_301] : memref<64x12x5000x32xf32, #tpu.memory_space<hbm>> -> memref<1x1x336x32xf32, #tpu.memory_space<hbm>>
        %dma_wait3A_303 = tpu.memref_squeeze %dma_wait3A_302 : memref<1x1x336x32xf32, #tpu.memory_space<hbm>> -> memref<336x32xf32, #tpu.memory_space<hbm>>
        tpu.wait_dma2 semaphore(%arg14 : memref<!tpu.dma_semaphore, #tpu.memory_space<semaphore_mem>>) src(%arg10 : memref<336x32xf32, #tpu.memory_space<vmem>>) dst(%dma_wait3A_303 : memref<336x32xf32, #tpu.memory_space<hbm>>)
      } else {
      }
      "tpu.region"() ({
        %run_scoped3A = tpu.sem_alloc : memref<!tpu.dma_semaphore, #tpu.memory_space<semaphore_mem>>
        %dma_start3A_284 = tpu.memref_slice %arg3[%add3A_57] : memref<3840000xi32, #tpu.memory_space<hbm>> -> memref<1000xi32, #tpu.memory_space<hbm>>
        %dma_start3A_285 = tpu.memref_slice %arg3[%add3A_57] : memref<3840000xi32, #tpu.memory_space<hbm>> -> memref<1000xi32, #tpu.memory_space<hbm>>
        tpu.enqueue_dma source(%dma_start3A_285 : memref<1000xi32, #tpu.memory_space<hbm>>) target(%arg6 : memref<1000xi32, #tpu.memory_space<vmem>>) target_semaphore(%run_scoped3A : memref<!tpu.dma_semaphore, #tpu.memory_space<semaphore_mem>>)
        %dma_wait3A_286 = tpu.memref_slice %arg3[%add3A_57] : memref<3840000xi32, #tpu.memory_space<hbm>> -> memref<1000xi32, #tpu.memory_space<hbm>>
        %dma_wait3A_287 = tpu.memref_slice %arg3[%add3A_57] : memref<3840000xi32, #tpu.memory_space<hbm>> -> memref<1000xi32, #tpu.memory_space<hbm>>
        tpu.wait_dma2 semaphore(%run_scoped3A : memref<!tpu.dma_semaphore, #tpu.memory_space<semaphore_mem>>) src(%dma_wait3A_287 : memref<1000xi32, #tpu.memory_space<hbm>>) dst(%arg6 : memref<1000xi32, #tpu.memory_space<vmem>>)
        tpu.yield
      }) : () -> ()
      %dma_start3A = arith.constant 0 : i32
      %dma_start3A_135 = tpu.memref_slice %arg6[%dma_start3A] : memref<1000xi32, #tpu.memory_space<vmem>> -> memref<664xi32, #tpu.memory_space<vmem>>
      %dma_start3A_136 = arith.constant 0 : i32
      %dma_start3A_137 = arith.constant 0 : i32
      %dma_start3A_138 = tpu.memref_slice %arg2[%dma_start3A_136, %dma_start3A_137] : memref<288x32xf32, #tpu.memory_space<hbm>> -> memref<288x32xf32, #tpu.memory_space<hbm>>
      tpu.enqueue_indirect_dma source(%dma_start3A_138 : memref<288x32xf32, #tpu.memory_space<hbm>>) target(%arg8 : memref<664x32xf32, #tpu.memory_space<vmem>>) offsets(%dma_start3A_135 : memref<664xi32, #tpu.memory_space<vmem>>) semaphore(%arg16 : memref<!tpu.dma_semaphore, #tpu.memory_space<semaphore_mem>>)
      %parallel_loop3A = arith.constant 0 : i32
      %parallel_loop3A_139 = arith.constant 21 : i32
      %parallel_loop3A_140 = arith.constant 1 : i32
      scf.for %parallel_loop3A_284 = %parallel_loop3A to %parallel_loop3A_139 step %parallel_loop3A_140  : i32 {
        %parallel_loop3A_285 = arith.constant 16 : i32
        %parallel_loop3A_286 = arith.muli %parallel_loop3A_284, %parallel_loop3A_285 : i32
        %parallel_loop3A_287 = arith.constant 664 : i32
        %parallel_loop3A_288 = arith.addi %parallel_loop3A_287, %parallel_loop3A_286 : i32
        %parallel_loop3A_289 = arith.index_cast %parallel_loop3A_288 : i32 to index
        %parallel_loop3A_290 = tpu.vector_load %arg6[%parallel_loop3A_289] {strides = array<i32>} : memref<1000xi32, #tpu.memory_space<vmem>>, vector<16xi32>,
        %parallel_loop3A_291 = arith.constant 16 : i32
        %parallel_loop3A_292 = arith.muli %parallel_loop3A_284, %parallel_loop3A_291 : i32
        %parallel_loop3A_293 = vector.broadcast %parallel_loop3A_292 : i32 to vector<16xi32>
        %parallel_loop3A_294 = arith.addi %iota3A, %parallel_loop3A_293 : vector<16xi32>
        %parallel_loop3A_295 = arith.constant 0 : i32
        %parallel_loop3A_296 = vector.broadcast %parallel_loop3A_295 : i32 to vector<16xi32>
        %parallel_loop3A_297 = tpu.vector_load_idx %arg5[%parallel_loop3A_290, %parallel_loop3A_296] : memref<288x32xf32, #tpu.memory_space<vmem>>[vector<16xi32>, vector<16xi32>], vector<16xf32>,
        tpu.vector_store_idx %arg10[%parallel_loop3A_294, %parallel_loop3A_296], %parallel_loop3A_297 : memref<336x32xf32, #tpu.memory_space<vmem>>[vector<16xi32>, vector<16xi32>], vector<16xf32>,
        %parallel_loop3A_298 = arith.constant 1 : i32
        %parallel_loop3A_299 = vector.broadcast %parallel_loop3A_298 : i32 to vector<16xi32>
        %parallel_loop3A_300 = tpu.vector_load_idx %arg5[%parallel_loop3A_290, %parallel_loop3A_299] : memref<288x32xf32, #tpu.memory_space<vmem>>[vector<16xi32>, vector<16xi32>], vector<16xf32>,
        tpu.vector_store_idx %arg10[%parallel_loop3A_294, %parallel_loop3A_299], %parallel_loop3A_300 : memref<336x32xf32, #tpu.memory_space<vmem>>[vector<16xi32>, vector<16xi32>], vector<16xf32>,
        %parallel_loop3A_301 = arith.constant 2 : i32
        %parallel_loop3A_302 = vector.broadcast %parallel_loop3A_301 : i32 to vector<16xi32>
        %parallel_loop3A_303 = tpu.vector_load_idx %arg5[%parallel_loop3A_290, %parallel_loop3A_302] : memref<288x32xf32, #tpu.memory_space<vmem>>[vector<16xi32>, vector<16xi32>], vector<16xf32>,
        tpu.vector_store_idx %arg10[%parallel_loop3A_294, %parallel_loop3A_302], %parallel_loop3A_303 : memref<336x32xf32, #tpu.memory_space<vmem>>[vector<16xi32>, vector<16xi32>], vector<16xf32>,
        %parallel_loop3A_304 = arith.constant 3 : i32
        %parallel_loop3A_305 = vector.broadcast %parallel_loop3A_304 : i32 to vector<16xi32>
        %parallel_loop3A_306 = tpu.vector_load_idx %arg5[%parallel_loop3A_290, %parallel_loop3A_305] : memref<288x32xf32, #tpu.memory_space<vmem>>[vector<16xi32>, vector<16xi32>], vector<16xf32>,
        tpu.vector_store_idx %arg10[%parallel_loop3A_294, %parallel_loop3A_305], %parallel_loop3A_306 : memref<336x32xf32, #tpu.memory_space<vmem>>[vector<16xi32>, vector<16xi32>], vector<16xf32>,
        %parallel_loop3A_307 = arith.constant 4 : i32
        %parallel_loop3A_308 = vector.broadcast %parallel_loop3A_307 : i32 to vector<16xi32>
        %parallel_loop3A_309 = tpu.vector_load_idx %arg5[%parallel_loop3A_290, %parallel_loop3A_308] : memref<288x32xf32, #tpu.memory_space<vmem>>[vector<16xi32>, vector<16xi32>], vector<16xf32>,
        tpu.vector_store_idx %arg10[%parallel_loop3A_294, %parallel_loop3A_308], %parallel_loop3A_309 : memref<336x32xf32, #tpu.memory_space<vmem>>[vector<16xi32>, vector<16xi32>], vector<16xf32>,
        %parallel_loop3A_310 = arith.constant 5 : i32
        %parallel_loop3A_311 = vector.broadcast %parallel_loop3A_310 : i32 to vector<16xi32>
        %parallel_loop3A_312 = tpu.vector_load_idx %arg5[%parallel_loop3A_290, %parallel_loop3A_311] : memref<288x32xf32, #tpu.memory_space<vmem>>[vector<16xi32>, vector<16xi32>], vector<16xf32>,
        tpu.vector_store_idx %arg10[%parallel_loop3A_294, %parallel_loop3A_311], %parallel_loop3A_312 : memref<336x32xf32, #tpu.memory_space<vmem>>[vector<16xi32>, vector<16xi32>], vector<16xf32>,
        %parallel_loop3A_313 = arith.constant 6 : i32
        %parallel_loop3A_314 = vector.broadcast %parallel_loop3A_313 : i32 to vector<16xi32>
        %parallel_loop3A_315 = tpu.vector_load_idx %arg5[%parallel_loop3A_290, %parallel_loop3A_314] : memref<288x32xf32, #tpu.memory_space<vmem>>[vector<16xi32>, vector<16xi32>], vector<16xf32>,
        tpu.vector_store_idx %arg10[%parallel_loop3A_294, %parallel_loop3A_314], %parallel_loop3A_315 : memref<336x32xf32, #tpu.memory_space<vmem>>[vector<16xi32>, vector<16xi32>], vector<16xf32>,
        %parallel_loop3A_316 = arith.constant 7 : i32
        %parallel_loop3A_317 = vector.broadcast %parallel_loop3A_316 : i32 to vector<16xi32>
        %parallel_loop3A_318 = tpu.vector_load_idx %arg5[%parallel_loop3A_290, %parallel_loop3A_317] : memref<288x32xf32, #tpu.memory_space<vmem>>[vector<16xi32>, vector<16xi32>], vector<16xf32>,
        tpu.vector_store_idx %arg10[%parallel_loop3A_294, %parallel_loop3A_317], %parallel_loop3A_318 : memref<336x32xf32, #tpu.memory_space<vmem>>[vector<16xi32>, vector<16xi32>], vector<16xf32>,
        %parallel_loop3A_319 = arith.constant 8 : i32
        %parallel_loop3A_320 = vector.broadcast %parallel_loop3A_319 : i32 to vector<16xi32>
        %parallel_loop3A_321 = tpu.vector_load_idx %arg5[%parallel_loop3A_290, %parallel_loop3A_320] : memref<288x32xf32, #tpu.memory_space<vmem>>[vector<16xi32>, vector<16xi32>], vector<16xf32>,
        tpu.vector_store_idx %arg10[%parallel_loop3A_294, %parallel_loop3A_320], %parallel_loop3A_321 : memref<336x32xf32, #tpu.memory_space<vmem>>[vector<16xi32>, vector<16xi32>], vector<16xf32>,
        %parallel_loop3A_322 = arith.constant 9 : i32
        %parallel_loop3A_323 = vector.broadcast %parallel_loop3A_322 : i32 to vector<16xi32>
        %parallel_loop3A_324 = tpu.vector_load_idx %arg5[%parallel_loop3A_290, %parallel_loop3A_323] : memref<288x32xf32, #tpu.memory_space<vmem>>[vector<16xi32>, vector<16xi32>], vector<16xf32>,
        tpu.vector_store_idx %arg10[%parallel_loop3A_294, %parallel_loop3A_323], %parallel_loop3A_324 : memref<336x32xf32, #tpu.memory_space<vmem>>[vector<16xi32>, vector<16xi32>], vector<16xf32>,
        %parallel_loop3A_325 = arith.constant 10 : i32
        %parallel_loop3A_326 = vector.broadcast %parallel_loop3A_325 : i32 to vector<16xi32>
        %parallel_loop3A_327 = tpu.vector_load_idx %arg5[%parallel_loop3A_290, %parallel_loop3A_326] : memref<288x32xf32, #tpu.memory_space<vmem>>[vector<16xi32>, vector<16xi32>], vector<16xf32>,
        tpu.vector_store_idx %arg10[%parallel_loop3A_294, %parallel_loop3A_326], %parallel_loop3A_327 : memref<336x32xf32, #tpu.memory_space<vmem>>[vector<16xi32>, vector<16xi32>], vector<16xf32>,
        %parallel_loop3A_328 = arith.constant 11 : i32
        %parallel_loop3A_329 = vector.broadcast %parallel_loop3A_328 : i32 to vector<16xi32>
        %parallel_loop3A_330 = tpu.vector_load_idx %arg5[%parallel_loop3A_290, %parallel_loop3A_329] : memref<288x32xf32, #tpu.memory_space<vmem>>[vector<16xi32>, vector<16xi32>], vector<16xf32>,
        tpu.vector_store_idx %arg10[%parallel_loop3A_294, %parallel_loop3A_329], %parallel_loop3A_330 : memref<336x32xf32, #tpu.memory_space<vmem>>[vector<16xi32>, vector<16xi32>], vector<16xf32>,
        %parallel_loop3A_331 = arith.constant 12 : i32
        %parallel_loop3A_332 = vector.broadcast %parallel_loop3A_331 : i32 to vector<16xi32>
        %parallel_loop3A_333 = tpu.vector_load_idx %arg5[%parallel_loop3A_290, %parallel_loop3A_332] : memref<288x32xf32, #tpu.memory_space<vmem>>[vector<16xi32>, vector<16xi32>], vector<16xf32>,
        tpu.vector_store_idx %arg10[%parallel_loop3A_294, %parallel_loop3A_332], %parallel_loop3A_333 : memref<336x32xf32, #tpu.memory_space<vmem>>[vector<16xi32>, vector<16xi32>], vector<16xf32>,
        %parallel_loop3A_334 = arith.constant 13 : i32
        %parallel_loop3A_335 = vector.broadcast %parallel_loop3A_334 : i32 to vector<16xi32>
        %parallel_loop3A_336 = tpu.vector_load_idx %arg5[%parallel_loop3A_290, %parallel_loop3A_335] : memref<288x32xf32, #tpu.memory_space<vmem>>[vector<16xi32>, vector<16xi32>], vector<16xf32>,
        tpu.vector_store_idx %arg10[%parallel_loop3A_294, %parallel_loop3A_335], %parallel_loop3A_336 : memref<336x32xf32, #tpu.memory_space<vmem>>[vector<16xi32>, vector<16xi32>], vector<16xf32>,
        %parallel_loop3A_337 = arith.constant 14 : i32
        %parallel_loop3A_338 = vector.broadcast %parallel_loop3A_337 : i32 to vector<16xi32>
        %parallel_loop3A_339 = tpu.vector_load_idx %arg5[%parallel_loop3A_290, %parallel_loop3A_338] : memref<288x32xf32, #tpu.memory_space<vmem>>[vector<16xi32>, vector<16xi32>], vector<16xf32>,
        tpu.vector_store_idx %arg10[%parallel_loop3A_294, %parallel_loop3A_338], %parallel_loop3A_339 : memref<336x32xf32, #tpu.memory_space<vmem>>[vector<16xi32>, vector<16xi32>], vector<16xf32>,
        %parallel_loop3A_340 = arith.constant 15 : i32
        %parallel_loop3A_341 = vector.broadcast %parallel_loop3A_340 : i32 to vector<16xi32>
        %parallel_loop3A_342 = tpu.vector_load_idx %arg5[%parallel_loop3A_290, %parallel_loop3A_341] : memref<288x32xf32, #tpu.memory_space<vmem>>[vector<16xi32>, vector<16xi32>], vector<16xf32>,
        tpu.vector_store_idx %arg10[%parallel_loop3A_294, %parallel_loop3A_341], %parallel_loop3A_342 : memref<336x32xf32, #tpu.memory_space<vmem>>[vector<16xi32>, vector<16xi32>], vector<16xf32>,
        %parallel_loop3A_343 = arith.constant 16 : i32
        %parallel_loop3A_344 = vector.broadcast %parallel_loop3A_343 : i32 to vector<16xi32>
        %parallel_loop3A_345 = tpu.vector_load_idx %arg5[%parallel_loop3A_290, %parallel_loop3A_344] : memref<288x32xf32, #tpu.memory_space<vmem>>[vector<16xi32>, vector<16xi32>], vector<16xf32>,
        tpu.vector_store_idx %arg10[%parallel_loop3A_294, %parallel_loop3A_344], %parallel_loop3A_345 : memref<336x32xf32, #tpu.memory_space<vmem>>[vector<16xi32>, vector<16xi32>], vector<16xf32>,
        %parallel_loop3A_346 = arith.constant 17 : i32
        %parallel_loop3A_347 = vector.broadcast %parallel_loop3A_346 : i32 to vector<16xi32>
        %parallel_loop3A_348 = tpu.vector_load_idx %arg5[%parallel_loop3A_290, %parallel_loop3A_347] : memref<288x32xf32, #tpu.memory_space<vmem>>[vector<16xi32>, vector<16xi32>], vector<16xf32>,
        tpu.vector_store_idx %arg10[%parallel_loop3A_294, %parallel_loop3A_347], %parallel_loop3A_348 : memref<336x32xf32, #tpu.memory_space<vmem>>[vector<16xi32>, vector<16xi32>], vector<16xf32>,
        %parallel_loop3A_349 = arith.constant 18 : i32
        %parallel_loop3A_350 = vector.broadcast %parallel_loop3A_349 : i32 to vector<16xi32>
        %parallel_loop3A_351 = tpu.vector_load_idx %arg5[%parallel_loop3A_290, %parallel_loop3A_350] : memref<288x32xf32, #tpu.memory_space<vmem>>[vector<16xi32>, vector<16xi32>], vector<16xf32>,
        tpu.vector_store_idx %arg10[%parallel_loop3A_294, %parallel_loop3A_350], %parallel_loop3A_351 : memref<336x32xf32, #tpu.memory_space<vmem>>[vector<16xi32>, vector<16xi32>], vector<16xf32>,
        %parallel_loop3A_352 = arith.constant 19 : i32
        %parallel_loop3A_353 = vector.broadcast %parallel_loop3A_352 : i32 to vector<16xi32>
        %parallel_loop3A_354 = tpu.vector_load_idx %arg5[%parallel_loop3A_290, %parallel_loop3A_353] : memref<288x32xf32, #tpu.memory_space<vmem>>[vector<16xi32>, vector<16xi32>], vector<16xf32>,
        tpu.vector_store_idx %arg10[%parallel_loop3A_294, %parallel_loop3A_353], %parallel_loop3A_354 : memref<336x32xf32, #tpu.memory_space<vmem>>[vector<16xi32>, vector<16xi32>], vector<16xf32>,
        %parallel_loop3A_355 = arith.constant 20 : i32
        %parallel_loop3A_356 = vector.broadcast %parallel_loop3A_355 : i32 to vector<16xi32>
        %parallel_loop3A_357 = tpu.vector_load_idx %arg5[%parallel_loop3A_290, %parallel_loop3A_356] : memref<288x32xf32, #tpu.memory_space<vmem>>[vector<16xi32>, vector<16xi32>], vector<16xf32>,
        tpu.vector_store_idx %arg10[%parallel_loop3A_294, %parallel_loop3A_356], %parallel_loop3A_357 : memref<336x32xf32, #tpu.memory_space<vmem>>[vector<16xi32>, vector<16xi32>], vector<16xf32>,
        %parallel_loop3A_358 = arith.constant 21 : i32
        %parallel_loop3A_359 = vector.broadcast %parallel_loop3A_358 : i32 to vector<16xi32>
        %parallel_loop3A_360 = tpu.vector_load_idx %arg5[%parallel_loop3A_290, %parallel_loop3A_359] : memref<288x32xf32, #tpu.memory_space<vmem>>[vector<16xi32>, vector<16xi32>], vector<16xf32>,
        tpu.vector_store_idx %arg10[%parallel_loop3A_294, %parallel_loop3A_359], %parallel_loop3A_360 : memref<336x32xf32, #tpu.memory_space<vmem>>[vector<16xi32>, vector<16xi32>], vector<16xf32>,
        %parallel_loop3A_361 = arith.constant 22 : i32
        %parallel_loop3A_362 = vector.broadcast %parallel_loop3A_361 : i32 to vector<16xi32>
        %parallel_loop3A_363 = tpu.vector_load_idx %arg5[%parallel_loop3A_290, %parallel_loop3A_362] : memref<288x32xf32, #tpu.memory_space<vmem>>[vector<16xi32>, vector<16xi32>], vector<16xf32>,
        tpu.vector_store_idx %arg10[%parallel_loop3A_294, %parallel_loop3A_362], %parallel_loop3A_363 : memref<336x32xf32, #tpu.memory_space<vmem>>[vector<16xi32>, vector<16xi32>], vector<16xf32>,
        %parallel_loop3A_364 = arith.constant 23 : i32
        %parallel_loop3A_365 = vector.broadcast %parallel_loop3A_364 : i32 to vector<16xi32>
        %parallel_loop3A_366 = tpu.vector_load_idx %arg5[%parallel_loop3A_290, %parallel_loop3A_365] : memref<288x32xf32, #tpu.memory_space<vmem>>[vector<16xi32>, vector<16xi32>], vector<16xf32>,
        tpu.vector_store_idx %arg10[%parallel_loop3A_294, %parallel_loop3A_365], %parallel_loop3A_366 : memref<336x32xf32, #tpu.memory_space<vmem>>[vector<16xi32>, vector<16xi32>], vector<16xf32>,
        %parallel_loop3A_367 = arith.constant 24 : i32
        %parallel_loop3A_368 = vector.broadcast %parallel_loop3A_367 : i32 to vector<16xi32>
        %parallel_loop3A_369 = tpu.vector_load_idx %arg5[%parallel_loop3A_290, %parallel_loop3A_368] : memref<288x32xf32, #tpu.memory_space<vmem>>[vector<16xi32>, vector<16xi32>], vector<16xf32>,
        tpu.vector_store_idx %arg10[%parallel_loop3A_294, %parallel_loop3A_368], %parallel_loop3A_369 : memref<336x32xf32, #tpu.memory_space<vmem>>[vector<16xi32>, vector<16xi32>], vector<16xf32>,
        %parallel_loop3A_370 = arith.constant 25 : i32
        %parallel_loop3A_371 = vector.broadcast %parallel_loop3A_370 : i32 to vector<16xi32>
        %parallel_loop3A_372 = tpu.vector_load_idx %arg5[%parallel_loop3A_290, %parallel_loop3A_371] : memref<288x32xf32, #tpu.memory_space<vmem>>[vector<16xi32>, vector<16xi32>], vector<16xf32>,
        tpu.vector_store_idx %arg10[%parallel_loop3A_294, %parallel_loop3A_371], %parallel_loop3A_372 : memref<336x32xf32, #tpu.memory_space<vmem>>[vector<16xi32>, vector<16xi32>], vector<16xf32>,
        %parallel_loop3A_373 = arith.constant 26 : i32
        %parallel_loop3A_374 = vector.broadcast %parallel_loop3A_373 : i32 to vector<16xi32>
        %parallel_loop3A_375 = tpu.vector_load_idx %arg5[%parallel_loop3A_290, %parallel_loop3A_374] : memref<288x32xf32, #tpu.memory_space<vmem>>[vector<16xi32>, vector<16xi32>], vector<16xf32>,
        tpu.vector_store_idx %arg10[%parallel_loop3A_294, %parallel_loop3A_374], %parallel_loop3A_375 : memref<336x32xf32, #tpu.memory_space<vmem>>[vector<16xi32>, vector<16xi32>], vector<16xf32>,
        %parallel_loop3A_376 = arith.constant 27 : i32
        %parallel_loop3A_377 = vector.broadcast %parallel_loop3A_376 : i32 to vector<16xi32>
        %parallel_loop3A_378 = tpu.vector_load_idx %arg5[%parallel_loop3A_290, %parallel_loop3A_377] : memref<288x32xf32, #tpu.memory_space<vmem>>[vector<16xi32>, vector<16xi32>], vector<16xf32>,
        tpu.vector_store_idx %arg10[%parallel_loop3A_294, %parallel_loop3A_377], %parallel_loop3A_378 : memref<336x32xf32, #tpu.memory_space<vmem>>[vector<16xi32>, vector<16xi32>], vector<16xf32>,
        %parallel_loop3A_379 = arith.constant 28 : i32
        %parallel_loop3A_380 = vector.broadcast %parallel_loop3A_379 : i32 to vector<16xi32>
        %parallel_loop3A_381 = tpu.vector_load_idx %arg5[%parallel_loop3A_290, %parallel_loop3A_380] : memref<288x32xf32, #tpu.memory_space<vmem>>[vector<16xi32>, vector<16xi32>], vector<16xf32>,
        tpu.vector_store_idx %arg10[%parallel_loop3A_294, %parallel_loop3A_380], %parallel_loop3A_381 : memref<336x32xf32, #tpu.memory_space<vmem>>[vector<16xi32>, vector<16xi32>], vector<16xf32>,
        %parallel_loop3A_382 = arith.constant 29 : i32
        %parallel_loop3A_383 = vector.broadcast %parallel_loop3A_382 : i32 to vector<16xi32>
        %parallel_loop3A_384 = tpu.vector_load_idx %arg5[%parallel_loop3A_290, %parallel_loop3A_383] : memref<288x32xf32, #tpu.memory_space<vmem>>[vector<16xi32>, vector<16xi32>], vector<16xf32>,
        tpu.vector_store_idx %arg10[%parallel_loop3A_294, %parallel_loop3A_383], %parallel_loop3A_384 : memref<336x32xf32, #tpu.memory_space<vmem>>[vector<16xi32>, vector<16xi32>], vector<16xf32>,
        %parallel_loop3A_385 = arith.constant 30 : i32
        %parallel_loop3A_386 = vector.broadcast %parallel_loop3A_385 : i32 to vector<16xi32>
        %parallel_loop3A_387 = tpu.vector_load_idx %arg5[%parallel_loop3A_290, %parallel_loop3A_386] : memref<288x32xf32, #tpu.memory_space<vmem>>[vector<16xi32>, vector<16xi32>], vector<16xf32>,
        tpu.vector_store_idx %arg10[%parallel_loop3A_294, %parallel_loop3A_386], %parallel_loop3A_387 : memref<336x32xf32, #tpu.memory_space<vmem>>[vector<16xi32>, vector<16xi32>], vector<16xf32>,
        %parallel_loop3A_388 = arith.constant 31 : i32
        %parallel_loop3A_389 = vector.broadcast %parallel_loop3A_388 : i32 to vector<16xi32>
        %parallel_loop3A_390 = tpu.vector_load_idx %arg5[%parallel_loop3A_290, %parallel_loop3A_389] : memref<288x32xf32, #tpu.memory_space<vmem>>[vector<16xi32>, vector<16xi32>], vector<16xf32>,
        tpu.vector_store_idx %arg10[%parallel_loop3A_294, %parallel_loop3A_389], %parallel_loop3A_390 : memref<336x32xf32, #tpu.memory_space<vmem>>[vector<16xi32>, vector<16xi32>], vector<16xf32>,
      } {sc.loop_unroll_factor = 4 : i64, sc.parallel_access}
      %dma_wait3A_141 = arith.constant 0 : i32
      %dma_wait3A_142 = tpu.memref_slice %arg6[%dma_wait3A_141] : memref<1000xi32, #tpu.memory_space<vmem>> -> memref<664xi32, #tpu.memory_space<vmem>>
      %dma_wait3A_143 = arith.constant 0 : i32
      %dma_wait3A_144 = arith.constant 0 : i32
      %dma_wait3A_145 = tpu.memref_slice %arg2[%dma_wait3A_143, %dma_wait3A_144] : memref<288x32xf32, #tpu.memory_space<hbm>> -> memref<288x32xf32, #tpu.memory_space<hbm>>
      tpu.wait_indirect_dma semaphore(%arg16 : memref<!tpu.dma_semaphore, #tpu.memory_space<semaphore_mem>>) src(%dma_wait3A_145 : memref<288x32xf32, #tpu.memory_space<hbm>>) dst(%arg8 : memref<664x32xf32, #tpu.memory_space<vmem>>)
      %dma_start3A_146 = arith.constant 0 : i32
      %dma_start3A_147 = tpu.memref_slice %arg4[%select_n3A_100, %select_n3A_114, %mul3A_132, %dma_start3A_146] : memref<64x12x5000x32xf32, #tpu.memory_space<hbm>> -> memref<1x1x664x32xf32, #tpu.memory_space<hbm>>
      %dma_start3A_148 = tpu.memref_squeeze %dma_start3A_147 : memref<1x1x664x32xf32, #tpu.memory_space<hbm>> -> memref<664x32xf32, #tpu.memory_space<hbm>>
      %dma_start3A_149 = arith.constant 0 : i32
      %dma_start3A_150 = tpu.memref_slice %arg4[%select_n3A_100, %select_n3A_114, %mul3A_132, %dma_start3A_149] : memref<64x12x5000x32xf32, #tpu.memory_space<hbm>> -> memref<1x1x664x32xf32, #tpu.memory_space<hbm>>
      %dma_start3A_151 = tpu.memref_squeeze %dma_start3A_150 : memref<1x1x664x32xf32, #tpu.memory_space<hbm>> -> memref<664x32xf32, #tpu.memory_space<hbm>>
      tpu.enqueue_dma source(%arg8 : memref<664x32xf32, #tpu.memory_space<vmem>>) target(%dma_start3A_151 : memref<664x32xf32, #tpu.memory_space<hbm>>) target_semaphore(%arg12 : memref<!tpu.dma_semaphore, #tpu.memory_space<semaphore_mem>>)
      %add3A_152 = arith.constant 664 : i32
      %add3A_153 = arith.addi %mul3A_132, %add3A_152 : i32
      %dma_start3A_154 = arith.constant 0 : i32
      %dma_start3A_155 = tpu.memref_slice %arg4[%select_n3A_100, %select_n3A_114, %add3A_153, %dma_start3A_154] : memref<64x12x5000x32xf32, #tpu.memory_space<hbm>> -> memref<1x1x336x32xf32, #tpu.memory_space<hbm>>
      %dma_start3A_156 = tpu.memref_squeeze %dma_start3A_155 : memref<1x1x336x32xf32, #tpu.memory_space<hbm>> -> memref<336x32xf32, #tpu.memory_space<hbm>>
      %dma_start3A_157 = arith.constant 0 : i32
      %dma_start3A_158 = tpu.memref_slice %arg4[%select_n3A_100, %select_n3A_114, %add3A_153, %dma_start3A_157] : memref<64x12x5000x32xf32, #tpu.memory_space<hbm>> -> memref<1x1x336x32xf32, #tpu.memory_space<hbm>>
      %dma_start3A_159 = tpu.memref_squeeze %dma_start3A_158 : memref<1x1x336x32xf32, #tpu.memory_space<hbm>> -> memref<336x32xf32, #tpu.memory_space<hbm>>
      tpu.enqueue_dma source(%arg10 : memref<336x32xf32, #tpu.memory_space<vmem>>) target(%dma_start3A_159 : memref<336x32xf32, #tpu.memory_space<hbm>>) target_semaphore(%arg14 : memref<!tpu.dma_semaphore, #tpu.memory_space<semaphore_mem>>)
      %mul3A_160 = arith.constant 2 : i32
      %mul3A_161 = arith.muli %scan3A_50, %mul3A_160 : i32
      %add3A_162 = arith.constant 1 : i32
      %add3A_163 = arith.addi %mul3A_161, %add3A_162 : i32
      %mul3A_164 = arith.constant 1000 : i32
      %mul3A_165 = arith.muli %add3A_163, %mul3A_164 : i32
      %add3A_166 = arith.addi %mul3A_2, %mul3A_165 : i32
      %mul3A_167 = arith.constant 24 : i32
      %mul3A_168 = arith.muli %add3A, %mul3A_167 : i32
      %jit3A_169 = arith.constant 5 : i32
      %div3A_170 = arith.divsi %add3A_163, %jit3A_169 : i32
      %sign3A_171 = arith.constant 0 : i32
      %sign3A_172 = arith.cmpi sgt, %add3A_163, %sign3A_171 : i32
      %sign3A_173 = arith.extui %sign3A_172 : i1 to i32
      %sign3A_174 = arith.constant 0 : i32
      %sign3A_175 = arith.cmpi slt, %add3A_163, %sign3A_174 : i32
      %sign3A_176 = arith.extui %sign3A_175 : i1 to i32
      %sign3A_177 = arith.subi %sign3A_173, %sign3A_176 : i32
      %sign3A_178 = arith.constant 0 : i32
      %sign3A_179 = arith.cmpi sgt, %jit3A_169, %sign3A_178 : i32
      %sign3A_180 = arith.extui %sign3A_179 : i1 to i32
      %sign3A_181 = arith.constant 0 : i32
      %sign3A_182 = arith.cmpi slt, %jit3A_169, %sign3A_181 : i32
      %sign3A_183 = arith.extui %sign3A_182 : i1 to i32
      %sign3A_184 = arith.subi %sign3A_180, %sign3A_183 : i32
      %ne3A_185 = arith.cmpi ne, %sign3A_177, %sign3A_184 : i32
      %rem3A_186 = arith.remsi %add3A_163, %jit3A_169 : i32
      %ne3A_187 = arith.constant 0 : i32
      %ne3A_188 = arith.cmpi ne, %rem3A_186, %ne3A_187 : i32
      %and3A_189 = arith.andi %ne3A_185, %ne3A_188 : i1
      %sub3A_190 = arith.constant 1 : i32
      %sub3A_191 = arith.subi %div3A_170, %sub3A_190 : i32
      %select_n3A_192 = arith.select %and3A_189, %sub3A_191, %div3A_170 : i32
      %add3A_193 = arith.addi %mul3A_168, %select_n3A_192 : i32
      %jit3A_194 = arith.constant 12 : i32
      %div3A_195 = arith.divsi %add3A_193, %jit3A_194 : i32
      %sign3A_196 = arith.constant 0 : i32
      %sign3A_197 = arith.cmpi sgt, %add3A_193, %sign3A_196 : i32
      %sign3A_198 = arith.extui %sign3A_197 : i1 to i32
      %sign3A_199 = arith.constant 0 : i32
      %sign3A_200 = arith.cmpi slt, %add3A_193, %sign3A_199 : i32
      %sign3A_201 = arith.extui %sign3A_200 : i1 to i32
      %sign3A_202 = arith.subi %sign3A_198, %sign3A_201 : i32
      %sign3A_203 = arith.constant 0 : i32
      %sign3A_204 = arith.cmpi sgt, %jit3A_194, %sign3A_203 : i32
      %sign3A_205 = arith.extui %sign3A_204 : i1 to i32
      %sign3A_206 = arith.constant 0 : i32
      %sign3A_207 = arith.cmpi slt, %jit3A_194, %sign3A_206 : i32
      %sign3A_208 = arith.extui %sign3A_207 : i1 to i32
      %sign3A_209 = arith.subi %sign3A_205, %sign3A_208 : i32
      %ne3A_210 = arith.cmpi ne, %sign3A_202, %sign3A_209 : i32
      %rem3A_211 = arith.remsi %add3A_193, %jit3A_194 : i32
      %ne3A_212 = arith.constant 0 : i32
      %ne3A_213 = arith.cmpi ne, %rem3A_211, %ne3A_212 : i32
      %and3A_214 = arith.andi %ne3A_210, %ne3A_213 : i1
      %sub3A_215 = arith.constant 1 : i32
      %sub3A_216 = arith.subi %div3A_195, %sub3A_215 : i32
      %select_n3A_217 = arith.select %and3A_214, %sub3A_216, %div3A_195 : i32
      %jit3A_218 = arith.constant 12 : i32
      %eq3A_219 = arith.constant 0 : i32
      %eq3A_220 = arith.cmpi eq, %jit3A_218, %eq3A_219 : i32
      %jit3A_221 = arith.constant 1 : i32
      %select_n3A_222 = arith.select %eq3A_220, %jit3A_221, %jit3A_218 : i32
      %rem3A_223 = arith.remsi %add3A_193, %select_n3A_222 : i32
      %ne3A_224 = arith.constant 0 : i32
      %ne3A_225 = arith.cmpi ne, %rem3A_223, %ne3A_224 : i32
      %lt3A_226 = arith.constant 0 : i32
      %lt3A_227 = arith.cmpi slt, %rem3A_223, %lt3A_226 : i32
      %lt3A_228 = arith.constant 0 : i32
      %lt3A_229 = arith.cmpi slt, %select_n3A_222, %lt3A_228 : i32
      %ne3A_230 = arith.xori %lt3A_227, %lt3A_229 : i1
      %and3A_231 = arith.andi %ne3A_230, %ne3A_225 : i1
      %add3A_232 = arith.addi %rem3A_223, %select_n3A_222 : i32
      %select_n3A_233 = arith.select %and3A_231, %add3A_232, %rem3A_223 : i32
      %jit3A_234 = arith.constant 5 : i32
      %eq3A_235 = arith.constant 0 : i32
      %eq3A_236 = arith.cmpi eq, %jit3A_234, %eq3A_235 : i32
      %jit3A_237 = arith.constant 1 : i32
      %select_n3A_238 = arith.select %eq3A_236, %jit3A_237, %jit3A_234 : i32
      %rem3A_239 = arith.remsi %add3A_163, %select_n3A_238 : i32
      %ne3A_240 = arith.constant 0 : i32
      %ne3A_241 = arith.cmpi ne, %rem3A_239, %ne3A_240 : i32
      %lt3A_242 = arith.constant 0 : i32
      %lt3A_243 = arith.cmpi slt, %rem3A_239, %lt3A_242 : i32
      %lt3A_244 = arith.constant 0 : i32
      %lt3A_245 = arith.cmpi slt, %select_n3A_238, %lt3A_244 : i32
      %ne3A_246 = arith.xori %lt3A_243, %lt3A_245 : i1
      %and3A_247 = arith.andi %ne3A_246, %ne3A_241 : i1
      %add3A_248 = arith.addi %rem3A_239, %select_n3A_238 : i32
      %select_n3A_249 = arith.select %and3A_247, %add3A_248, %rem3A_239 : i32
      %mul3A_250 = arith.constant 1000 : i32
      %mul3A_251 = arith.muli %select_n3A_249, %mul3A_250 : i32
      %gt3A_252 = arith.constant 0 : i32
      %gt3A_253 = arith.cmpi sgt, %scan3A_50, %gt3A_252 : i32
      %convert_element_type3A_254 = arith.extui %gt3A_253 : i1 to i32
      %cond3A_255 = arith.constant 0 : i32
      %cond3A_256 = arith.cmpi ne, %convert_element_type3A_254, %cond3A_255 : i32
      scf.if %cond3A_256 {
        %dma_wait3A_284 = arith.constant 0 : i32
        %dma_wait3A_285 = arith.constant 0 : i32
        %dma_wait3A_286 = arith.constant 0 : i32
        %dma_wait3A_287 = arith.constant 0 : i32
        %dma_wait3A_288 = tpu.memref_slice %arg4[%dma_wait3A_284, %dma_wait3A_285, %dma_wait3A_286, %dma_wait3A_287] : memref<64x12x5000x32xf32, #tpu.memory_space<hbm>> -> memref<1x1x664x32xf32, #tpu.memory_space<hbm>>
        %dma_wait3A_289 = tpu.memref_squeeze %dma_wait3A_288 : memref<1x1x664x32xf32, #tpu.memory_space<hbm>> -> memref<664x32xf32, #tpu.memory_space<hbm>>
        %dma_wait3A_290 = arith.constant 0 : i32
        %dma_wait3A_291 = arith.constant 0 : i32
        %dma_wait3A_292 = tpu.memref_slice %arg4[%dma_wait3A_284, %dma_wait3A_285, %dma_wait3A_290, %dma_wait3A_291] : memref<64x12x5000x32xf32, #tpu.memory_space<hbm>> -> memref<1x1x664x32xf32, #tpu.memory_space<hbm>>
        %dma_wait3A_293 = tpu.memref_squeeze %dma_wait3A_292 : memref<1x1x664x32xf32, #tpu.memory_space<hbm>> -> memref<664x32xf32, #tpu.memory_space<hbm>>
        tpu.wait_dma2 semaphore(%arg13 : memref<!tpu.dma_semaphore, #tpu.memory_space<semaphore_mem>>) src(%arg9 : memref<664x32xf32, #tpu.memory_space<vmem>>) dst(%dma_wait3A_293 : memref<664x32xf32, #tpu.memory_space<hbm>>)
        %dma_wait3A_294 = arith.constant 0 : i32
        %dma_wait3A_295 = arith.constant 0 : i32
        %dma_wait3A_296 = arith.constant 0 : i32
        %dma_wait3A_297 = arith.constant 0 : i32
        %dma_wait3A_298 = tpu.memref_slice %arg4[%dma_wait3A_294, %dma_wait3A_295, %dma_wait3A_296, %dma_wait3A_297] : memref<64x12x5000x32xf32, #tpu.memory_space<hbm>> -> memref<1x1x336x32xf32, #tpu.memory_space<hbm>>
        %dma_wait3A_299 = tpu.memref_squeeze %dma_wait3A_298 : memref<1x1x336x32xf32, #tpu.memory_space<hbm>> -> memref<336x32xf32, #tpu.memory_space<hbm>>
        %dma_wait3A_300 = arith.constant 0 : i32
        %dma_wait3A_301 = arith.constant 0 : i32
        %dma_wait3A_302 = tpu.memref_slice %arg4[%dma_wait3A_294, %dma_wait3A_295, %dma_wait3A_300, %dma_wait3A_301] : memref<64x12x5000x32xf32, #tpu.memory_space<hbm>> -> memref<1x1x336x32xf32, #tpu.memory_space<hbm>>
        %dma_wait3A_303 = tpu.memref_squeeze %dma_wait3A_302 : memref<1x1x336x32xf32, #tpu.memory_space<hbm>> -> memref<336x32xf32, #tpu.memory_space<hbm>>
        tpu.wait_dma2 semaphore(%arg15 : memref<!tpu.dma_semaphore, #tpu.memory_space<semaphore_mem>>) src(%arg11 : memref<336x32xf32, #tpu.memory_space<vmem>>) dst(%dma_wait3A_303 : memref<336x32xf32, #tpu.memory_space<hbm>>)
      } else {
      }
      "tpu.region"() ({
        %run_scoped3A = tpu.sem_alloc : memref<!tpu.dma_semaphore, #tpu.memory_space<semaphore_mem>>
        %dma_start3A_284 = tpu.memref_slice %arg3[%add3A_166] : memref<3840000xi32, #tpu.memory_space<hbm>> -> memref<1000xi32, #tpu.memory_space<hbm>>
        %dma_start3A_285 = tpu.memref_slice %arg3[%add3A_166] : memref<3840000xi32, #tpu.memory_space<hbm>> -> memref<1000xi32, #tpu.memory_space<hbm>>
        tpu.enqueue_dma source(%dma_start3A_285 : memref<1000xi32, #tpu.memory_space<hbm>>) target(%arg7 : memref<1000xi32, #tpu.memory_space<vmem>>) target_semaphore(%run_scoped3A : memref<!tpu.dma_semaphore, #tpu.memory_space<semaphore_mem>>)
        %dma_wait3A_286 = tpu.memref_slice %arg3[%add3A_166] : memref<3840000xi32, #tpu.memory_space<hbm>> -> memref<1000xi32, #tpu.memory_space<hbm>>
        %dma_wait3A_287 = tpu.memref_slice %arg3[%add3A_166] : memref<3840000xi32, #tpu.memory_space<hbm>> -> memref<1000xi32, #tpu.memory_space<hbm>>
        tpu.wait_dma2 semaphore(%run_scoped3A : memref<!tpu.dma_semaphore, #tpu.memory_space<semaphore_mem>>) src(%dma_wait3A_287 : memref<1000xi32, #tpu.memory_space<hbm>>) dst(%arg7 : memref<1000xi32, #tpu.memory_space<vmem>>)
        tpu.yield
      }) : () -> ()
      %dma_start3A_257 = arith.constant 0 : i32
      %dma_start3A_258 = tpu.memref_slice %arg7[%dma_start3A_257] : memref<1000xi32, #tpu.memory_space<vmem>> -> memref<664xi32, #tpu.memory_space<vmem>>
      %dma_start3A_259 = arith.constant 0 : i32
      %dma_start3A_260 = arith.constant 0 : i32
      %dma_start3A_261 = tpu.memref_slice %arg2[%dma_start3A_259, %dma_start3A_260] : memref<288x32xf32, #tpu.memory_space<hbm>> -> memref<288x32xf32, #tpu.memory_space<hbm>>
      tpu.enqueue_indirect_dma source(%dma_start3A_261 : memref<288x32xf32, #tpu.memory_space<hbm>>) target(%arg9 : memref<664x32xf32, #tpu.memory_space<vmem>>) offsets(%dma_start3A_258 : memref<664xi32, #tpu.memory_space<vmem>>) semaphore(%arg16 : memref<!tpu.dma_semaphore, #tpu.memory_space<semaphore_mem>>)
      %parallel_loop3A_262 = arith.constant 0 : i32
      %parallel_loop3A_263 = arith.constant 21 : i32
      %parallel_loop3A_264 = arith.constant 1 : i32
      scf.for %parallel_loop3A_284 = %parallel_loop3A_262 to %parallel_loop3A_263 step %parallel_loop3A_264  : i32 {
        %parallel_loop3A_285 = arith.constant 16 : i32
        %parallel_loop3A_286 = arith.muli %parallel_loop3A_284, %parallel_loop3A_285 : i32
        %parallel_loop3A_287 = arith.constant 664 : i32
        %parallel_loop3A_288 = arith.addi %parallel_loop3A_287, %parallel_loop3A_286 : i32
        %parallel_loop3A_289 = arith.index_cast %parallel_loop3A_288 : i32 to index
        %parallel_loop3A_290 = tpu.vector_load %arg7[%parallel_loop3A_289] {strides = array<i32>} : memref<1000xi32, #tpu.memory_space<vmem>>, vector<16xi32>,
        %parallel_loop3A_291 = arith.constant 16 : i32
        %parallel_loop3A_292 = arith.muli %parallel_loop3A_284, %parallel_loop3A_291 : i32
        %parallel_loop3A_293 = vector.broadcast %parallel_loop3A_292 : i32 to vector<16xi32>
        %parallel_loop3A_294 = arith.addi %iota3A, %parallel_loop3A_293 : vector<16xi32>
        %parallel_loop3A_295 = arith.constant 0 : i32
        %parallel_loop3A_296 = vector.broadcast %parallel_loop3A_295 : i32 to vector<16xi32>
        %parallel_loop3A_297 = tpu.vector_load_idx %arg5[%parallel_loop3A_290, %parallel_loop3A_296] : memref<288x32xf32, #tpu.memory_space<vmem>>[vector<16xi32>, vector<16xi32>], vector<16xf32>,
        tpu.vector_store_idx %arg11[%parallel_loop3A_294, %parallel_loop3A_296], %parallel_loop3A_297 : memref<336x32xf32, #tpu.memory_space<vmem>>[vector<16xi32>, vector<16xi32>], vector<16xf32>,
        %parallel_loop3A_298 = arith.constant 1 : i32
        %parallel_loop3A_299 = vector.broadcast %parallel_loop3A_298 : i32 to vector<16xi32>
        %parallel_loop3A_300 = tpu.vector_load_idx %arg5[%parallel_loop3A_290, %parallel_loop3A_299] : memref<288x32xf32, #tpu.memory_space<vmem>>[vector<16xi32>, vector<16xi32>], vector<16xf32>,
        tpu.vector_store_idx %arg11[%parallel_loop3A_294, %parallel_loop3A_299], %parallel_loop3A_300 : memref<336x32xf32, #tpu.memory_space<vmem>>[vector<16xi32>, vector<16xi32>], vector<16xf32>,
        %parallel_loop3A_301 = arith.constant 2 : i32
        %parallel_loop3A_302 = vector.broadcast %parallel_loop3A_301 : i32 to vector<16xi32>
        %parallel_loop3A_303 = tpu.vector_load_idx %arg5[%parallel_loop3A_290, %parallel_loop3A_302] : memref<288x32xf32, #tpu.memory_space<vmem>>[vector<16xi32>, vector<16xi32>], vector<16xf32>,
        tpu.vector_store_idx %arg11[%parallel_loop3A_294, %parallel_loop3A_302], %parallel_loop3A_303 : memref<336x32xf32, #tpu.memory_space<vmem>>[vector<16xi32>, vector<16xi32>], vector<16xf32>,
        %parallel_loop3A_304 = arith.constant 3 : i32
        %parallel_loop3A_305 = vector.broadcast %parallel_loop3A_304 : i32 to vector<16xi32>
        %parallel_loop3A_306 = tpu.vector_load_idx %arg5[%parallel_loop3A_290, %parallel_loop3A_305] : memref<288x32xf32, #tpu.memory_space<vmem>>[vector<16xi32>, vector<16xi32>], vector<16xf32>,
        tpu.vector_store_idx %arg11[%parallel_loop3A_294, %parallel_loop3A_305], %parallel_loop3A_306 : memref<336x32xf32, #tpu.memory_space<vmem>>[vector<16xi32>, vector<16xi32>], vector<16xf32>,
        %parallel_loop3A_307 = arith.constant 4 : i32
        %parallel_loop3A_308 = vector.broadcast %parallel_loop3A_307 : i32 to vector<16xi32>
        %parallel_loop3A_309 = tpu.vector_load_idx %arg5[%parallel_loop3A_290, %parallel_loop3A_308] : memref<288x32xf32, #tpu.memory_space<vmem>>[vector<16xi32>, vector<16xi32>], vector<16xf32>,
        tpu.vector_store_idx %arg11[%parallel_loop3A_294, %parallel_loop3A_308], %parallel_loop3A_309 : memref<336x32xf32, #tpu.memory_space<vmem>>[vector<16xi32>, vector<16xi32>], vector<16xf32>,
        %parallel_loop3A_310 = arith.constant 5 : i32
        %parallel_loop3A_311 = vector.broadcast %parallel_loop3A_310 : i32 to vector<16xi32>
        %parallel_loop3A_312 = tpu.vector_load_idx %arg5[%parallel_loop3A_290, %parallel_loop3A_311] : memref<288x32xf32, #tpu.memory_space<vmem>>[vector<16xi32>, vector<16xi32>], vector<16xf32>,
        tpu.vector_store_idx %arg11[%parallel_loop3A_294, %parallel_loop3A_311], %parallel_loop3A_312 : memref<336x32xf32, #tpu.memory_space<vmem>>[vector<16xi32>, vector<16xi32>], vector<16xf32>,
        %parallel_loop3A_313 = arith.constant 6 : i32
        %parallel_loop3A_314 = vector.broadcast %parallel_loop3A_313 : i32 to vector<16xi32>
        %parallel_loop3A_315 = tpu.vector_load_idx %arg5[%parallel_loop3A_290, %parallel_loop3A_314] : memref<288x32xf32, #tpu.memory_space<vmem>>[vector<16xi32>, vector<16xi32>], vector<16xf32>,
        tpu.vector_store_idx %arg11[%parallel_loop3A_294, %parallel_loop3A_314], %parallel_loop3A_315 : memref<336x32xf32, #tpu.memory_space<vmem>>[vector<16xi32>, vector<16xi32>], vector<16xf32>,
        %parallel_loop3A_316 = arith.constant 7 : i32
        %parallel_loop3A_317 = vector.broadcast %parallel_loop3A_316 : i32 to vector<16xi32>
        %parallel_loop3A_318 = tpu.vector_load_idx %arg5[%parallel_loop3A_290, %parallel_loop3A_317] : memref<288x32xf32, #tpu.memory_space<vmem>>[vector<16xi32>, vector<16xi32>], vector<16xf32>,
        tpu.vector_store_idx %arg11[%parallel_loop3A_294, %parallel_loop3A_317], %parallel_loop3A_318 : memref<336x32xf32, #tpu.memory_space<vmem>>[vector<16xi32>, vector<16xi32>], vector<16xf32>,
        %parallel_loop3A_319 = arith.constant 8 : i32
        %parallel_loop3A_320 = vector.broadcast %parallel_loop3A_319 : i32 to vector<16xi32>
        %parallel_loop3A_321 = tpu.vector_load_idx %arg5[%parallel_loop3A_290, %parallel_loop3A_320] : memref<288x32xf32, #tpu.memory_space<vmem>>[vector<16xi32>, vector<16xi32>], vector<16xf32>,
        tpu.vector_store_idx %arg11[%parallel_loop3A_294, %parallel_loop3A_320], %parallel_loop3A_321 : memref<336x32xf32, #tpu.memory_space<vmem>>[vector<16xi32>, vector<16xi32>], vector<16xf32>,
        %parallel_loop3A_322 = arith.constant 9 : i32
        %parallel_loop3A_323 = vector.broadcast %parallel_loop3A_322 : i32 to vector<16xi32>
        %parallel_loop3A_324 = tpu.vector_load_idx %arg5[%parallel_loop3A_290, %parallel_loop3A_323] : memref<288x32xf32, #tpu.memory_space<vmem>>[vector<16xi32>, vector<16xi32>], vector<16xf32>,
        tpu.vector_store_idx %arg11[%parallel_loop3A_294, %parallel_loop3A_323], %parallel_loop3A_324 : memref<336x32xf32, #tpu.memory_space<vmem>>[vector<16xi32>, vector<16xi32>], vector<16xf32>,
        %parallel_loop3A_325 = arith.constant 10 : i32
        %parallel_loop3A_326 = vector.broadcast %parallel_loop3A_325 : i32 to vector<16xi32>
        %parallel_loop3A_327 = tpu.vector_load_idx %arg5[%parallel_loop3A_290, %parallel_loop3A_326] : memref<288x32xf32, #tpu.memory_space<vmem>>[vector<16xi32>, vector<16xi32>], vector<16xf32>,
        tpu.vector_store_idx %arg11[%parallel_loop3A_294, %parallel_loop3A_326], %parallel_loop3A_327 : memref<336x32xf32, #tpu.memory_space<vmem>>[vector<16xi32>, vector<16xi32>], vector<16xf32>,
        %parallel_loop3A_328 = arith.constant 11 : i32
        %parallel_loop3A_329 = vector.broadcast %parallel_loop3A_328 : i32 to vector<16xi32>
        %parallel_loop3A_330 = tpu.vector_load_idx %arg5[%parallel_loop3A_290, %parallel_loop3A_329] : memref<288x32xf32, #tpu.memory_space<vmem>>[vector<16xi32>, vector<16xi32>], vector<16xf32>,
        tpu.vector_store_idx %arg11[%parallel_loop3A_294, %parallel_loop3A_329], %parallel_loop3A_330 : memref<336x32xf32, #tpu.memory_space<vmem>>[vector<16xi32>, vector<16xi32>], vector<16xf32>,
        %parallel_loop3A_331 = arith.constant 12 : i32
        %parallel_loop3A_332 = vector.broadcast %parallel_loop3A_331 : i32 to vector<16xi32>
        %parallel_loop3A_333 = tpu.vector_load_idx %arg5[%parallel_loop3A_290, %parallel_loop3A_332] : memref<288x32xf32, #tpu.memory_space<vmem>>[vector<16xi32>, vector<16xi32>], vector<16xf32>,
        tpu.vector_store_idx %arg11[%parallel_loop3A_294, %parallel_loop3A_332], %parallel_loop3A_333 : memref<336x32xf32, #tpu.memory_space<vmem>>[vector<16xi32>, vector<16xi32>], vector<16xf32>,
        %parallel_loop3A_334 = arith.constant 13 : i32
        %parallel_loop3A_335 = vector.broadcast %parallel_loop3A_334 : i32 to vector<16xi32>
        %parallel_loop3A_336 = tpu.vector_load_idx %arg5[%parallel_loop3A_290, %parallel_loop3A_335] : memref<288x32xf32, #tpu.memory_space<vmem>>[vector<16xi32>, vector<16xi32>], vector<16xf32>,
        tpu.vector_store_idx %arg11[%parallel_loop3A_294, %parallel_loop3A_335], %parallel_loop3A_336 : memref<336x32xf32, #tpu.memory_space<vmem>>[vector<16xi32>, vector<16xi32>], vector<16xf32>,
        %parallel_loop3A_337 = arith.constant 14 : i32
        %parallel_loop3A_338 = vector.broadcast %parallel_loop3A_337 : i32 to vector<16xi32>
        %parallel_loop3A_339 = tpu.vector_load_idx %arg5[%parallel_loop3A_290, %parallel_loop3A_338] : memref<288x32xf32, #tpu.memory_space<vmem>>[vector<16xi32>, vector<16xi32>], vector<16xf32>,
        tpu.vector_store_idx %arg11[%parallel_loop3A_294, %parallel_loop3A_338], %parallel_loop3A_339 : memref<336x32xf32, #tpu.memory_space<vmem>>[vector<16xi32>, vector<16xi32>], vector<16xf32>,
        %parallel_loop3A_340 = arith.constant 15 : i32
        %parallel_loop3A_341 = vector.broadcast %parallel_loop3A_340 : i32 to vector<16xi32>
        %parallel_loop3A_342 = tpu.vector_load_idx %arg5[%parallel_loop3A_290, %parallel_loop3A_341] : memref<288x32xf32, #tpu.memory_space<vmem>>[vector<16xi32>, vector<16xi32>], vector<16xf32>,
        tpu.vector_store_idx %arg11[%parallel_loop3A_294, %parallel_loop3A_341], %parallel_loop3A_342 : memref<336x32xf32, #tpu.memory_space<vmem>>[vector<16xi32>, vector<16xi32>], vector<16xf32>,
        %parallel_loop3A_343 = arith.constant 16 : i32
        %parallel_loop3A_344 = vector.broadcast %parallel_loop3A_343 : i32 to vector<16xi32>
        %parallel_loop3A_345 = tpu.vector_load_idx %arg5[%parallel_loop3A_290, %parallel_loop3A_344] : memref<288x32xf32, #tpu.memory_space<vmem>>[vector<16xi32>, vector<16xi32>], vector<16xf32>,
        tpu.vector_store_idx %arg11[%parallel_loop3A_294, %parallel_loop3A_344], %parallel_loop3A_345 : memref<336x32xf32, #tpu.memory_space<vmem>>[vector<16xi32>, vector<16xi32>], vector<16xf32>,
        %parallel_loop3A_346 = arith.constant 17 : i32
        %parallel_loop3A_347 = vector.broadcast %parallel_loop3A_346 : i32 to vector<16xi32>
        %parallel_loop3A_348 = tpu.vector_load_idx %arg5[%parallel_loop3A_290, %parallel_loop3A_347] : memref<288x32xf32, #tpu.memory_space<vmem>>[vector<16xi32>, vector<16xi32>], vector<16xf32>,
        tpu.vector_store_idx %arg11[%parallel_loop3A_294, %parallel_loop3A_347], %parallel_loop3A_348 : memref<336x32xf32, #tpu.memory_space<vmem>>[vector<16xi32>, vector<16xi32>], vector<16xf32>,
        %parallel_loop3A_349 = arith.constant 18 : i32
        %parallel_loop3A_350 = vector.broadcast %parallel_loop3A_349 : i32 to vector<16xi32>
        %parallel_loop3A_351 = tpu.vector_load_idx %arg5[%parallel_loop3A_290, %parallel_loop3A_350] : memref<288x32xf32, #tpu.memory_space<vmem>>[vector<16xi32>, vector<16xi32>], vector<16xf32>,
        tpu.vector_store_idx %arg11[%parallel_loop3A_294, %parallel_loop3A_350], %parallel_loop3A_351 : memref<336x32xf32, #tpu.memory_space<vmem>>[vector<16xi32>, vector<16xi32>], vector<16xf32>,
        %parallel_loop3A_352 = arith.constant 19 : i32
        %parallel_loop3A_353 = vector.broadcast %parallel_loop3A_352 : i32 to vector<16xi32>
        %parallel_loop3A_354 = tpu.vector_load_idx %arg5[%parallel_loop3A_290, %parallel_loop3A_353] : memref<288x32xf32, #tpu.memory_space<vmem>>[vector<16xi32>, vector<16xi32>], vector<16xf32>,
        tpu.vector_store_idx %arg11[%parallel_loop3A_294, %parallel_loop3A_353], %parallel_loop3A_354 : memref<336x32xf32, #tpu.memory_space<vmem>>[vector<16xi32>, vector<16xi32>], vector<16xf32>,
        %parallel_loop3A_355 = arith.constant 20 : i32
        %parallel_loop3A_356 = vector.broadcast %parallel_loop3A_355 : i32 to vector<16xi32>
        %parallel_loop3A_357 = tpu.vector_load_idx %arg5[%parallel_loop3A_290, %parallel_loop3A_356] : memref<288x32xf32, #tpu.memory_space<vmem>>[vector<16xi32>, vector<16xi32>], vector<16xf32>,
        tpu.vector_store_idx %arg11[%parallel_loop3A_294, %parallel_loop3A_356], %parallel_loop3A_357 : memref<336x32xf32, #tpu.memory_space<vmem>>[vector<16xi32>, vector<16xi32>], vector<16xf32>,
        %parallel_loop3A_358 = arith.constant 21 : i32
        %parallel_loop3A_359 = vector.broadcast %parallel_loop3A_358 : i32 to vector<16xi32>
        %parallel_loop3A_360 = tpu.vector_load_idx %arg5[%parallel_loop3A_290, %parallel_loop3A_359] : memref<288x32xf32, #tpu.memory_space<vmem>>[vector<16xi32>, vector<16xi32>], vector<16xf32>,
        tpu.vector_store_idx %arg11[%parallel_loop3A_294, %parallel_loop3A_359], %parallel_loop3A_360 : memref<336x32xf32, #tpu.memory_space<vmem>>[vector<16xi32>, vector<16xi32>], vector<16xf32>,
        %parallel_loop3A_361 = arith.constant 22 : i32
        %parallel_loop3A_362 = vector.broadcast %parallel_loop3A_361 : i32 to vector<16xi32>
        %parallel_loop3A_363 = tpu.vector_load_idx %arg5[%parallel_loop3A_290, %parallel_loop3A_362] : memref<288x32xf32, #tpu.memory_space<vmem>>[vector<16xi32>, vector<16xi32>], vector<16xf32>,
        tpu.vector_store_idx %arg11[%parallel_loop3A_294, %parallel_loop3A_362], %parallel_loop3A_363 : memref<336x32xf32, #tpu.memory_space<vmem>>[vector<16xi32>, vector<16xi32>], vector<16xf32>,
        %parallel_loop3A_364 = arith.constant 23 : i32
        %parallel_loop3A_365 = vector.broadcast %parallel_loop3A_364 : i32 to vector<16xi32>
        %parallel_loop3A_366 = tpu.vector_load_idx %arg5[%parallel_loop3A_290, %parallel_loop3A_365] : memref<288x32xf32, #tpu.memory_space<vmem>>[vector<16xi32>, vector<16xi32>], vector<16xf32>,
        tpu.vector_store_idx %arg11[%parallel_loop3A_294, %parallel_loop3A_365], %parallel_loop3A_366 : memref<336x32xf32, #tpu.memory_space<vmem>>[vector<16xi32>, vector<16xi32>], vector<16xf32>,
        %parallel_loop3A_367 = arith.constant 24 : i32
        %parallel_loop3A_368 = vector.broadcast %parallel_loop3A_367 : i32 to vector<16xi32>
        %parallel_loop3A_369 = tpu.vector_load_idx %arg5[%parallel_loop3A_290, %parallel_loop3A_368] : memref<288x32xf32, #tpu.memory_space<vmem>>[vector<16xi32>, vector<16xi32>], vector<16xf32>,
        tpu.vector_store_idx %arg11[%parallel_loop3A_294, %parallel_loop3A_368], %parallel_loop3A_369 : memref<336x32xf32, #tpu.memory_space<vmem>>[vector<16xi32>, vector<16xi32>], vector<16xf32>,
        %parallel_loop3A_370 = arith.constant 25 : i32
        %parallel_loop3A_371 = vector.broadcast %parallel_loop3A_370 : i32 to vector<16xi32>
        %parallel_loop3A_372 = tpu.vector_load_idx %arg5[%parallel_loop3A_290, %parallel_loop3A_371] : memref<288x32xf32, #tpu.memory_space<vmem>>[vector<16xi32>, vector<16xi32>], vector<16xf32>,
        tpu.vector_store_idx %arg11[%parallel_loop3A_294, %parallel_loop3A_371], %parallel_loop3A_372 : memref<336x32xf32, #tpu.memory_space<vmem>>[vector<16xi32>, vector<16xi32>], vector<16xf32>,
        %parallel_loop3A_373 = arith.constant 26 : i32
        %parallel_loop3A_374 = vector.broadcast %parallel_loop3A_373 : i32 to vector<16xi32>
        %parallel_loop3A_375 = tpu.vector_load_idx %arg5[%parallel_loop3A_290, %parallel_loop3A_374] : memref<288x32xf32, #tpu.memory_space<vmem>>[vector<16xi32>, vector<16xi32>], vector<16xf32>,
        tpu.vector_store_idx %arg11[%parallel_loop3A_294, %parallel_loop3A_374], %parallel_loop3A_375 : memref<336x32xf32, #tpu.memory_space<vmem>>[vector<16xi32>, vector<16xi32>], vector<16xf32>,
        %parallel_loop3A_376 = arith.constant 27 : i32
        %parallel_loop3A_377 = vector.broadcast %parallel_loop3A_376 : i32 to vector<16xi32>
        %parallel_loop3A_378 = tpu.vector_load_idx %arg5[%parallel_loop3A_290, %parallel_loop3A_377] : memref<288x32xf32, #tpu.memory_space<vmem>>[vector<16xi32>, vector<16xi32>], vector<16xf32>,
        tpu.vector_store_idx %arg11[%parallel_loop3A_294, %parallel_loop3A_377], %parallel_loop3A_378 : memref<336x32xf32, #tpu.memory_space<vmem>>[vector<16xi32>, vector<16xi32>], vector<16xf32>,
        %parallel_loop3A_379 = arith.constant 28 : i32
        %parallel_loop3A_380 = vector.broadcast %parallel_loop3A_379 : i32 to vector<16xi32>
        %parallel_loop3A_381 = tpu.vector_load_idx %arg5[%parallel_loop3A_290, %parallel_loop3A_380] : memref<288x32xf32, #tpu.memory_space<vmem>>[vector<16xi32>, vector<16xi32>], vector<16xf32>,
        tpu.vector_store_idx %arg11[%parallel_loop3A_294, %parallel_loop3A_380], %parallel_loop3A_381 : memref<336x32xf32, #tpu.memory_space<vmem>>[vector<16xi32>, vector<16xi32>], vector<16xf32>,
        %parallel_loop3A_382 = arith.constant 29 : i32
        %parallel_loop3A_383 = vector.broadcast %parallel_loop3A_382 : i32 to vector<16xi32>
        %parallel_loop3A_384 = tpu.vector_load_idx %arg5[%parallel_loop3A_290, %parallel_loop3A_383] : memref<288x32xf32, #tpu.memory_space<vmem>>[vector<16xi32>, vector<16xi32>], vector<16xf32>,
        tpu.vector_store_idx %arg11[%parallel_loop3A_294, %parallel_loop3A_383], %parallel_loop3A_384 : memref<336x32xf32, #tpu.memory_space<vmem>>[vector<16xi32>, vector<16xi32>], vector<16xf32>,
        %parallel_loop3A_385 = arith.constant 30 : i32
        %parallel_loop3A_386 = vector.broadcast %parallel_loop3A_385 : i32 to vector<16xi32>
        %parallel_loop3A_387 = tpu.vector_load_idx %arg5[%parallel_loop3A_290, %parallel_loop3A_386] : memref<288x32xf32, #tpu.memory_space<vmem>>[vector<16xi32>, vector<16xi32>], vector<16xf32>,
        tpu.vector_store_idx %arg11[%parallel_loop3A_294, %parallel_loop3A_386], %parallel_loop3A_387 : memref<336x32xf32, #tpu.memory_space<vmem>>[vector<16xi32>, vector<16xi32>], vector<16xf32>,
        %parallel_loop3A_388 = arith.constant 31 : i32
        %parallel_loop3A_389 = vector.broadcast %parallel_loop3A_388 : i32 to vector<16xi32>
        %parallel_loop3A_390 = tpu.vector_load_idx %arg5[%parallel_loop3A_290, %parallel_loop3A_389] : memref<288x32xf32, #tpu.memory_space<vmem>>[vector<16xi32>, vector<16xi32>], vector<16xf32>,
        tpu.vector_store_idx %arg11[%parallel_loop3A_294, %parallel_loop3A_389], %parallel_loop3A_390 : memref<336x32xf32, #tpu.memory_space<vmem>>[vector<16xi32>, vector<16xi32>], vector<16xf32>,
      } {sc.loop_unroll_factor = 4 : i64, sc.parallel_access}
      %dma_wait3A_265 = arith.constant 0 : i32
      %dma_wait3A_266 = tpu.memref_slice %arg7[%dma_wait3A_265] : memref<1000xi32, #tpu.memory_space<vmem>> -> memref<664xi32, #tpu.memory_space<vmem>>
      %dma_wait3A_267 = arith.constant 0 : i32
      %dma_wait3A_268 = arith.constant 0 : i32
      %dma_wait3A_269 = tpu.memref_slice %arg2[%dma_wait3A_267, %dma_wait3A_268] : memref<288x32xf32, #tpu.memory_space<hbm>> -> memref<288x32xf32, #tpu.memory_space<hbm>>
      tpu.wait_indirect_dma semaphore(%arg16 : memref<!tpu.dma_semaphore, #tpu.memory_space<semaphore_mem>>) src(%dma_wait3A_269 : memref<288x32xf32, #tpu.memory_space<hbm>>) dst(%arg9 : memref<664x32xf32, #tpu.memory_space<vmem>>)
      %dma_start3A_270 = arith.constant 0 : i32
      %dma_start3A_271 = tpu.memref_slice %arg4[%select_n3A_217, %select_n3A_233, %mul3A_251, %dma_start3A_270] : memref<64x12x5000x32xf32, #tpu.memory_space<hbm>> -> memref<1x1x664x32xf32, #tpu.memory_space<hbm>>
      %dma_start3A_272 = tpu.memref_squeeze %dma_start3A_271 : memref<1x1x664x32xf32, #tpu.memory_space<hbm>> -> memref<664x32xf32, #tpu.memory_space<hbm>>
      %dma_start3A_273 = arith.constant 0 : i32
      %dma_start3A_274 = tpu.memref_slice %arg4[%select_n3A_217, %select_n3A_233, %mul3A_251, %dma_start3A_273] : memref<64x12x5000x32xf32, #tpu.memory_space<hbm>> -> memref<1x1x664x32xf32, #tpu.memory_space<hbm>>
      %dma_start3A_275 = tpu.memref_squeeze %dma_start3A_274 : memref<1x1x664x32xf32, #tpu.memory_space<hbm>> -> memref<664x32xf32, #tpu.memory_space<hbm>>
      tpu.enqueue_dma source(%arg9 : memref<664x32xf32, #tpu.memory_space<vmem>>) target(%dma_start3A_275 : memref<664x32xf32, #tpu.memory_space<hbm>>) target_semaphore(%arg13 : memref<!tpu.dma_semaphore, #tpu.memory_space<semaphore_mem>>)
      %add3A_276 = arith.constant 664 : i32
      %add3A_277 = arith.addi %mul3A_251, %add3A_276 : i32
      %dma_start3A_278 = arith.constant 0 : i32
      %dma_start3A_279 = tpu.memref_slice %arg4[%select_n3A_217, %select_n3A_233, %add3A_277, %dma_start3A_278] : memref<64x12x5000x32xf32, #tpu.memory_space<hbm>> -> memref<1x1x336x32xf32, #tpu.memory_space<hbm>>
      %dma_start3A_280 = tpu.memref_squeeze %dma_start3A_279 : memref<1x1x336x32xf32, #tpu.memory_space<hbm>> -> memref<336x32xf32, #tpu.memory_space<hbm>>
      %dma_start3A_281 = arith.constant 0 : i32
      %dma_start3A_282 = tpu.memref_slice %arg4[%select_n3A_217, %select_n3A_233, %add3A_277, %dma_start3A_281] : memref<64x12x5000x32xf32, #tpu.memory_space<hbm>> -> memref<1x1x336x32xf32, #tpu.memory_space<hbm>>
      %dma_start3A_283 = tpu.memref_squeeze %dma_start3A_282 : memref<1x1x336x32xf32, #tpu.memory_space<hbm>> -> memref<336x32xf32, #tpu.memory_space<hbm>>
      tpu.enqueue_dma source(%arg11 : memref<336x32xf32, #tpu.memory_space<vmem>>) target(%dma_start3A_283 : memref<336x32xf32, #tpu.memory_space<hbm>>) target_semaphore(%arg15 : memref<!tpu.dma_semaphore, #tpu.memory_space<semaphore_mem>>)
    }
    %scan3A_10 = arith.constant 60 : i32
    %dma_wait3A = arith.constant 0 : i32
    %dma_wait3A_11 = arith.constant 0 : i32
    %dma_wait3A_12 = arith.constant 0 : i32
    %dma_wait3A_13 = arith.constant 0 : i32
    %dma_wait3A_14 = tpu.memref_slice %arg4[%dma_wait3A, %dma_wait3A_11, %dma_wait3A_12, %dma_wait3A_13] : memref<64x12x5000x32xf32, #tpu.memory_space<hbm>> -> memref<1x1x664x32xf32, #tpu.memory_space<hbm>>
    %dma_wait3A_15 = tpu.memref_squeeze %dma_wait3A_14 : memref<1x1x664x32xf32, #tpu.memory_space<hbm>> -> memref<664x32xf32, #tpu.memory_space<hbm>>
    %dma_wait3A_16 = arith.constant 0 : i32
    %dma_wait3A_17 = arith.constant 0 : i32
    %dma_wait3A_18 = tpu.memref_slice %arg4[%dma_wait3A, %dma_wait3A_11, %dma_wait3A_16, %dma_wait3A_17] : memref<64x12x5000x32xf32, #tpu.memory_space<hbm>> -> memref<1x1x664x32xf32, #tpu.memory_space<hbm>>
    %dma_wait3A_19 = tpu.memref_squeeze %dma_wait3A_18 : memref<1x1x664x32xf32, #tpu.memory_space<hbm>> -> memref<664x32xf32, #tpu.memory_space<hbm>>
    tpu.wait_dma2 semaphore(%arg12 : memref<!tpu.dma_semaphore, #tpu.memory_space<semaphore_mem>>) src(%arg8 : memref<664x32xf32, #tpu.memory_space<vmem>>) dst(%dma_wait3A_19 : memref<664x32xf32, #tpu.memory_space<hbm>>)
    %dma_wait3A_20 = arith.constant 0 : i32
    %dma_wait3A_21 = arith.constant 0 : i32
    %dma_wait3A_22 = arith.constant 0 : i32
    %dma_wait3A_23 = arith.constant 0 : i32
    %dma_wait3A_24 = tpu.memref_slice %arg4[%dma_wait3A_20, %dma_wait3A_21, %dma_wait3A_22, %dma_wait3A_23] : memref<64x12x5000x32xf32, #tpu.memory_space<hbm>> -> memref<1x1x336x32xf32, #tpu.memory_space<hbm>>
    %dma_wait3A_25 = tpu.memref_squeeze %dma_wait3A_24 : memref<1x1x336x32xf32, #tpu.memory_space<hbm>> -> memref<336x32xf32, #tpu.memory_space<hbm>>
    %dma_wait3A_26 = arith.constant 0 : i32
    %dma_wait3A_27 = arith.constant 0 : i32
    %dma_wait3A_28 = tpu.memref_slice %arg4[%dma_wait3A_20, %dma_wait3A_21, %dma_wait3A_26, %dma_wait3A_27] : memref<64x12x5000x32xf32, #tpu.memory_space<hbm>> -> memref<1x1x336x32xf32, #tpu.memory_space<hbm>>
    %dma_wait3A_29 = tpu.memref_squeeze %dma_wait3A_28 : memref<1x1x336x32xf32, #tpu.memory_space<hbm>> -> memref<336x32xf32, #tpu.memory_space<hbm>>
    tpu.wait_dma2 semaphore(%arg14 : memref<!tpu.dma_semaphore, #tpu.memory_space<semaphore_mem>>) src(%arg10 : memref<336x32xf32, #tpu.memory_space<vmem>>) dst(%dma_wait3A_29 : memref<336x32xf32, #tpu.memory_space<hbm>>)
    %dma_wait3A_30 = arith.constant 0 : i32
    %dma_wait3A_31 = arith.constant 0 : i32
    %dma_wait3A_32 = arith.constant 0 : i32
    %dma_wait3A_33 = arith.constant 0 : i32
    %dma_wait3A_34 = tpu.memref_slice %arg4[%dma_wait3A_30, %dma_wait3A_31, %dma_wait3A_32, %dma_wait3A_33] : memref<64x12x5000x32xf32, #tpu.memory_space<hbm>> -> memref<1x1x664x32xf32, #tpu.memory_space<hbm>>
    %dma_wait3A_35 = tpu.memref_squeeze %dma_wait3A_34 : memref<1x1x664x32xf32, #tpu.memory_space<hbm>> -> memref<664x32xf32, #tpu.memory_space<hbm>>
    %dma_wait3A_36 = arith.constant 0 : i32
    %dma_wait3A_37 = arith.constant 0 : i32
    %dma_wait3A_38 = tpu.memref_slice %arg4[%dma_wait3A_30, %dma_wait3A_31, %dma_wait3A_36, %dma_wait3A_37] : memref<64x12x5000x32xf32, #tpu.memory_space<hbm>> -> memref<1x1x664x32xf32, #tpu.memory_space<hbm>>
    %dma_wait3A_39 = tpu.memref_squeeze %dma_wait3A_38 : memref<1x1x664x32xf32, #tpu.memory_space<hbm>> -> memref<664x32xf32, #tpu.memory_space<hbm>>
    tpu.wait_dma2 semaphore(%arg13 : memref<!tpu.dma_semaphore, #tpu.memory_space<semaphore_mem>>) src(%arg9 : memref<664x32xf32, #tpu.memory_space<vmem>>) dst(%dma_wait3A_39 : memref<664x32xf32, #tpu.memory_space<hbm>>)
    %dma_wait3A_40 = arith.constant 0 : i32
    %dma_wait3A_41 = arith.constant 0 : i32
    %dma_wait3A_42 = arith.constant 0 : i32
    %dma_wait3A_43 = arith.constant 0 : i32
    %dma_wait3A_44 = tpu.memref_slice %arg4[%dma_wait3A_40, %dma_wait3A_41, %dma_wait3A_42, %dma_wait3A_43] : memref<64x12x5000x32xf32, #tpu.memory_space<hbm>> -> memref<1x1x336x32xf32, #tpu.memory_space<hbm>>
    %dma_wait3A_45 = tpu.memref_squeeze %dma_wait3A_44 : memref<1x1x336x32xf32, #tpu.memory_space<hbm>> -> memref<336x32xf32, #tpu.memory_space<hbm>>
    %dma_wait3A_46 = arith.constant 0 : i32
    %dma_wait3A_47 = arith.constant 0 : i32
    %dma_wait3A_48 = tpu.memref_slice %arg4[%dma_wait3A_40, %dma_wait3A_41, %dma_wait3A_46, %dma_wait3A_47] : memref<64x12x5000x32xf32, #tpu.memory_space<hbm>> -> memref<1x1x336x32xf32, #tpu.memory_space<hbm>>
    %dma_wait3A_49 = tpu.memref_squeeze %dma_wait3A_48 : memref<1x1x336x32xf32, #tpu.memory_space<hbm>> -> memref<336x32xf32, #tpu.memory_space<hbm>>
    tpu.wait_dma2 semaphore(%arg15 : memref<!tpu.dma_semaphore, #tpu.memory_space<semaphore_mem>>) src(%arg11 : memref<336x32xf32, #tpu.memory_space<vmem>>) dst(%dma_wait3A_49 : memref<336x32xf32, #tpu.memory_space<hbm>>)
    return
  }
}

</mosaic_0001>

<sc_bundles>
// kernel: kernel.3.cloned.1.call-start
scs
__scs_entry_jumppad:
0x0: {  	(pc) =	sbr.rel $0x88, $3  }
0x1: {  	(tag) =	ssettag $0x0;
	lr =	simm.s32 $0x1  }
0x2: {  	[smem:$0x3F9C] =	sst lr;
	_ =	strace $0xD0000000  }
0x3: {  	_ = 	snop  }
0x4: {  	_ = 	snop  }
0x5: {  	_ = 	snop  }
0x6: {  	_ = 	snop  }
0x7: {  	_ = 	snop  }
__scs_overlays_trampoline_lowered:
0x8: {  	[smem:$0x3FAB] =	sst s0  }
0x9: {  	[smem:$0x3FAC] =	sst s1  }
0xa: {  	[smem:$0x3FAD] =	sst s2  }
0xb: {  	[smem:$0x3FAE] =	sst s3  }
0xc: {  	[smem:$0x3FAF] =	sst s4  }
0xd: {  	[smem:$0x3FB0] =	sst s5  }
0xe: {  	[smem:$0x3FB1] =	sst s6  }
0xf: {  	[smem:$0x3FB2] =	sst s7  }
0x10: {  	[smem:$0x3FB3] =	sst s8  }
0x11: {  	[smem:$0x3FB4] =	sst s9;
	s0 =	simm.s32 @!p0 $0x0  }
0x12: {  	s1 =	sld [smem:$0x3F9A];
	s0 =	simm.s32 @p0 $0x1  }
0x13: {  	[smem:$0x3FB5] =	sst s0;
	s0 =	simm.s32 @!p1 $0x0  }
0x14: {  	s2 =	sld [smem:$0x3F99];
	s0 =	simm.s32 @p1 $0x1  }
0x15: {  	[smem:$0x3FB6] =	sst s0;
	s0 =	simm.s32 @!p2 $0x0  }
0x16: {  	s3 =	sld [smem:$0x3FDB];
	s0 =	simm.s32 @p2 $0x1  }
0x17: {  	s4 =	simm.s32 $0x1BF5;
	[smem:$0x3FB8] =	sst s0  }
0x18: {  	s0 =	sld [smem:$0x3F9B];
	_ =	swait.ge [sflag:s4], $0x0  }
0x19: {  	s7 =	sld [smem:$0x3F9C]  }
0x1a: {  	s8 =	sadd.s32 $0xFFFFE003, lr  }
0x1b: {  	s9 =	sadd.s32 $0xFFFFFEF7, lr;
	s5 =	simm.s32 $0xFFFFFFFF;
	p2 =	slt.u32 s8, $0xFFFFF086  }
0x1c: {  	p1 =	slt.u32 s9, $0xF7A;
	s5 =	simm.s32 @!p2 $0x0  }
0x1d: {  	s5 =	simm.s32 @p1 $0x1;
	p0 =	seq.s32 s7, s2  }
0x1e: {  	s7 =	smul.u32 @!p0 $0xF7A, s2;
	p2 =	seq.s32 @!p0 s5, $0x0  }
0x1f: {  	s9 =	smul.u32 $0xF7A, s1;
	s8 =	simm.s32 @!p0 $0x1BF5;
	p2 =	por !p2, p0  }
0x20: {  	[sflag:s8] =	ssyncset.s32 @!p0 $0xFFFFF086;
	s6 =	sadd.s32 @!p0 s3, s7;
	s7 =	simm.s32 @!p0 $0x108  }
0x21: {  	s3 =	sadd.s32 s3, s9;
	s6 =	sadd.s32 @!p0 $0x88, s6;
	s7 =	simm.s32 @p2 $0x1082  }
0x22: {  	[simem:s7], [sflag:s8] =	dma.local @!p0 [hbm:s6], $0xF7A  }
0x23: {  	s9 =	sor.u32 $0xD0000000, s2;
	s6 =	simm.s32 $0x108;
	_ =	swait.ge @!p0 [sflag:s8], $0x0  }
0x24: {  	s3 =	sadd.s32 $0x88, s3;
	s6 =	simm.s32 @!p1 $0x1082;
	[sflag:s4] =	ssyncset.s32 $0xFFFFF086  }
0x25: {  	[simem:s6], [sflag:s4] =	dma.local [hbm:s3], $0xF7A  }
0x26: {  	[smem:$0x3F9C] =	sst s1;
	(tag) =	ssettag s2;
	_ =	strace s9  }
0x27: {  	s1 =	sld [smem:$0x3FAC]  }
0x28: {  	s2 =	sld [smem:$0x3FAD]  }
0x29: {  	s4 =	sld [smem:$0x3FAF]  }
0x2a: {  	p0 =	seq.s32 s5, $0x0;
	s5 =	sld [smem:$0x3FB0]  }
0x2b: {  	s6 =	sld [smem:$0x3FB1]  }
0x2c: {  	s7 =	sld [smem:$0x3FB2]  }
0x2d: {  	s3 =	simm.s32 $0x108;
	s8 =	sld [smem:$0x3FB3]  }
0x2e: {  	s3 =	simm.s32 @!p0 $0x1082;
	s9 =	sld [smem:$0x3FB4]  }
0x2f: {  	lr =	sadd.s32 s0, s3;
	s0 =	sld [smem:$0x3FAB]  }
0x30: {  	s3 =	sld [smem:$0x3FAE]  }
0x31: {  	[smem:$0x3FB7] =	sst s10  }
0x32: {  	s10 =	sld [smem:$0x3FB5];
	_ =	sdelay $0x3  }
0x33: {  	p0 =	seq.s32 s10, $0x1;
	s10 =	sld [smem:$0x3FB7];
	_ =	sdelay $0x3  }
0x34: {  	[smem:$0x3FB7] =	sst s10  }
0x35: {  	s10 =	sld [smem:$0x3FB6];
	_ =	sdelay $0x3  }
0x36: {  	p1 =	seq.s32 s10, $0x1;
	s10 =	sld [smem:$0x3FB7];
	_ =	sdelay $0x3  }
0x37: {  	[smem:$0x3FB7] =	sst s10  }
0x38: {  	s10 =	sld [smem:$0x3FB8]  }
0x39: {  	_ = 	snop;
	(pc) =	sbr.ind lr, $3  }
0x3a: {  	_ = 	snop  }
0x3b: {  	_ = 	snop  }
0x3c: {  	p2 =	seq.s32 s10, $0x1;
	s10 =	sld [smem:$0x3FB7]  }
0x3d: {  	_ =	shalt  }
0x3e: {  	_ =	shalt  }
0x3f: {  	_ =	shalt  }
0x40: {  	_ =	shalt  }
0x41: {  	_ =	shalt  }
0x42: {  	_ =	shalt  }
0x43: {  	_ =	shalt  }
0x44: {  	_ =	shalt  }
0x45: {  	_ =	shalt  }
0x46: {  	_ =	shalt  }
0x47: {  	_ =	shalt  }
0x48: {  	_ =	shalt  }
0x49: {  	_ =	shalt  }
0x4a: {  	_ =	shalt  }
0x4b: {  	_ =	shalt  }
0x4c: {  	_ =	shalt  }
0x4d: {  	_ =	shalt  }
0x4e: {  	_ =	shalt  }
0x4f: {  	_ =	shalt  }
0x50: {  	_ =	shalt  }
0x51: {  	_ =	shalt  }
0x52: {  	_ =	shalt  }
0x53: {  	_ =	shalt  }
0x54: {  	_ =	shalt  }
0x55: {  	_ =	shalt  }
0x56: {  	_ =	shalt  }
0x57: {  	_ =	shalt  }
0x58: {  	_ =	shalt  }
0x59: {  	_ =	shalt  }
0x5a: {  	_ =	shalt  }
0x5b: {  	_ =	shalt  }
0x5c: {  	_ =	shalt  }
0x5d: {  	_ =	shalt  }
0x5e: {  	_ =	shalt  }
0x5f: {  	_ =	shalt  }
0x60: {  	_ =	shalt  }
0x61: {  	_ =	shalt  }
0x62: {  	_ =	shalt  }
0x63: {  	_ =	shalt  }
0x64: {  	_ =	shalt  }
0x65: {  	_ =	shalt  }
0x66: {  	_ =	shalt  }
0x67: {  	_ =	shalt  }
0x68: {  	_ =	shalt  }
0x69: {  	_ =	shalt  }
0x6a: {  	_ =	shalt  }
0x6b: {  	_ =	shalt  }
0x6c: {  	_ =	shalt  }
0x6d: {  	_ =	shalt  }
0x6e: {  	_ =	shalt  }
0x6f: {  	_ =	shalt  }
0x70: {  	_ =	shalt  }
0x71: {  	_ =	shalt  }
0x72: {  	_ =	shalt  }
0x73: {  	_ =	shalt  }
0x74: {  	_ =	shalt  }
0x75: {  	_ =	shalt  }
0x76: {  	_ =	shalt  }
0x77: {  	_ =	shalt  }
0x78: {  	_ =	shalt  }
0x79: {  	_ =	shalt  }
0x7a: {  	_ =	shalt  }
0x7b: {  	_ =	shalt  }
0x7c: {  	_ =	shalt  }
0x7d: {  	_ =	shalt  }
0x7e: {  	_ =	shalt  }
0x7f: {  	_ =	shalt  }
0x80: {  	_ =	shalt  }
0x81: {  	_ =	shalt  }
0x82: {  	_ =	shalt  }
0x83: {  	_ =	shalt  }
0x84: {  	_ =	shalt  }
0x85: {  	_ =	shalt  }
0x86: {  	_ =	shalt  }
0x87: {  	_ =	shalt  }
.Lfunc_end0:
.L_simem_size_0:
called_computation.1_lowered:
.L_overlay_start_0:
0x88: {  	s2 =	sld [smem:$0x3FD9]  }
0x89: {  	s3 =	sld [smem:$0x3FFE];
	_ =	sdelay $0x1  }
0x8a: {  	s1 =	srdreg.scid  }
0x8b: {  	s0 =	sand.u32 $0x1, s1  }
0x8c: {  	s14 =	sshll.u32 s0, $0xA;
	s2 =	sadd.s32 s3, s2  }
0x8d: {  	s2 =	sadd.s32 s2, s14  }
0x8e: {  	[smem:$0x3FC3] =	sst s2  }
0x8f: {  	_ = 	snop  }
0x90: {  	s2 =	sld [smem:$0x3FD0];
	_ =	sdelay $0x2  }
0x91: {  	s15 =	simm.s32 $0xA;
	s4 =	simm.s32 $0x10  }
0x92: {  	[smem:s4], [sflag:s15] =	dma.local [hbm:s2], $0x1  }
0x93: {  	_ =	swait.eq [sflag:s15], $0x1  }
0x94: {  	[sflag:s15] =	ssyncset.done $0x0  }
0x95: {  	s16 =	sld [smem:$0x11];
	[sflag:s15] =	ssyncadd.s32 $0xFFFFFFFF  }
0x96: {  	s17 =	sld [smem:$0x12];
	(tm) =	ssettm $0x1  }
0x97: {  	s18 =	sld [smem:$0x3FFB];
	_ =	sdelay $0x3  }
0x98: {  	_ =	strace s18  }
0x99: {  	s4 =	sld [smem:$0x3FFC];
	_ =	sdelay $0x3  }
0x9a: {  	_ =	strace s4  }
0x9b: {  	s4 =	sld [smem:$0x3FFD];
	_ =	sdelay $0x3  }
0x9c: {  	_ =	strace s4  }
0x9d: {  	_ =	strace $0x8FFFFFFF  }
0x9e: {  	s19 =	sld [smem:$0x3FDB];
	_ =	sdelay $0x1  }
0x9f: {  	s5 =	simm.s32 $_scs_section_size  }
0xa0: {  	s6 =	simm.s32 $_size__tile_overlayer_lowered;
	s7 =	simm.s32 $_tile_overlayer_lowered  }
0xa1: {  	s22 =	simm.s32 $0x1BFF;
	s21 =	sshll.u32 s7, $0x1;
	s4 =	sadd.s32 s5, s19  }
0xa2: {  	s8 =	simm.s32 $0x0;
	s20 =	sshll.u32 s6, $0x1;
	s6 =	sadd.s32 s21, s4  }
0xa3: {  	[timem:s8], [sflag:s22] =	dma.local [hbm:s6], s20  }
0xa4: {  	_ =	swait.ge [sflag:s22], s20  }
0xa5: {  	s5 =	ssub.s32 $0x0, s20;
	[sflag:s22] =	ssyncset.done $0x0  }
0xa6: {  	[sflag:s22] =	ssyncadd.s32 s5;
	_ =	sdelay $0x1  }
0xa7: {  	s23 =	simm.s32 $0x1B8B  }
0xa8: {  	_ =	swait.ge [sflag:s23], $0x1  }
0xa9: {  	[sflag:s23] =	ssyncset.done $0x0  }
0xaa: {  	s25 =	simm.s32 $0x1B8E;
	s24 =	sld [smem:$0x3FFE];
	[sflag:s23] =	ssyncadd.s32 $0xFFFFFFFF  }
0xab: {  	s26 =	simm.s32 $execute0_lowered;
	[smem:$0x3FD2] =	sst s25  }
0xac: {  	s6 =	sshll.u32 s26, $0x1;
	_ =	strace $0x80000046;
	[dreg:$0x1] =	wrdreg $0xFFFFFFFF  }
0xad: {  	s28 =	simm.s32 $_size_execute0_lowered;
	s4 =	sadd.s32 s4, s6;
	[dreg:$0x0] =	wrdreg $0x0  }
0xae: {  	s6 =	sshll.u32 s28, $0x1;
	[dreg:$0x2] =	wrdreg s4  }
0xaf: {  	[dreg:$0x3] =	wrdreg s6  }
0xb0: {  	[dreg:$0x4] =	wrdreg $0xC0  }
0xb1: {  	_ =	task [dreg:s8], $0x5FFFF  }
0xb2: {  	[dreg:$0x1] =	wrdreg $0xFFFFFFFF  }
0xb3: {  	[dreg:$0x0] =	wrdreg $0x60  }
0xb4: {  	[dreg:$0x2] =	wrdreg s16  }
0xb5: {  	[dreg:$0x3] =	wrdreg s24  }
0xb6: {  	[dreg:$0x4] =	wrdreg s17  }
0xb7: {  	[dreg:$0x5] =	wrdreg $0x9  }
0xb8: {  	_ =	task.clear_ibuf [dreg:s8], $0x6FFFF;
	_ =	strace $0x90000046  }
0xb9: {  	s29 =	simm.s32 $0x9;
	_ =	strace $0x80000048  }
0xba: {  	_ =	swait.ge [sflag:s29], $0x1  }
0xbb: {  	[sflag:s29] =	ssyncadd.s32 $0xFFFFFFFF  }
0xbc: {  	_ =	strace $0x90000048  }
0xbd: {  	_ =	sfence  }
0xbe: {  	s30 =	sld [smem:$0x0];
	_ =	sdelay $0x2  }
0xbf: {  	s31 =	sshll.u32 s1, $0xD;
	s1 =	sshrl.u32 s1, $0x2  }
0xc0: {  	s3 =	sand.u32 $0x4000, s31;
	s1 =	sadd.s32 s1, s30  }
0xc1: {  	s0 =	sor.u32 s3, s0;
	s1 =	sshll.u32 s1, $0x11  }
0xc2: {  	s0 =	sor.u32 s1, s0  }
0xc3: {  	s0 =	sadd.s32 $0x8F2B, s0  }
0xc4: {  	[sflag:s0] =	ssyncadd.remote.s32 $0x1  }
0xc5: {  	_ =	sfence.sel $0xFFFF  }
0xc6: {  	[dreg:$0x0] =	wrdreg $0xFFFFFFFF;
	(pc) =	sbr.abs _section_cstart, $3  }
0xc7: {  	[dreg:$0x1] =	wrdreg $0xFFFFFFFF  }
0xc8: {  	_ =	task.clear_ibuf [dreg:s8], $0x2FFFF;
	_ =	strace $0x9FFFFFFF  }
0xc9: {  	(tm) =	ssettm $0x7FFFFFFF  }
tec
execute0_lowered:
.L_overlay_start_1:
0x0: {  	(tag) =	ssettag $0x1  }
0x1: {  	v0 =	vlaneseq.u32  }
0x2: {  	v37 =	vmul.u32 $0x20, v0;
	_ =	sdelay $0x1  }
0x3: {  	v0 =	vor.u32 $0x2800, v37  }
0x4: {  	v32 =	vor.u32 $0x2801, v37;
	[tilespmem:$0x1FDF0] =	vst v0  }
0x5: {  	v33 =	vor.u32 $0x2802, v37;
	[tilespmem:$0x1FE00] =	vst v32  }
0x6: {  	v34 =	vor.u32 $0x2803, v37;
	[tilespmem:$0x1FE10] =	vst v33  }
0x7: {  	v35 =	vor.u32 $0x2804, v37;
	[tilespmem:$0x1FE20] =	vst v34  }
0x8: {  	v36 =	vor.u32 $0x2805, v37;
	[tilespmem:$0x1FE30] =	vst v35  }
0x9: {  	v38 =	vor.u32 $0x2806, v37;
	[tilespmem:$0x1FE40] =	vst v36  }
0xa: {  	v39 =	vor.u32 $0x2807, v37;
	[tilespmem:$0x1FE50] =	vst v38  }
0xb: {  	v40 =	vor.u32 $0x2808, v37;
	[tilespmem:$0x1FE60] =	vst v39  }
0xc: {  	s1 =	rddreg [dreg:$0x0];
	v41 =	vor.u32 $0x2809, v37;
	[tilespmem:$0x1FE70] =	vst v40  }
0xd: {  	s6 =	rddreg [dreg:$0x1];
	s4 =	simm.s32 $0x0;
	v42 =	vor.u32 $0x280A, v37;
	[tilespmem:$0x1FE80] =	vst v41  }
0xe: {  	[smem:$0x7FF] =	sst s4;
	v43 =	vor.u32 $0x280B, v37;
	[tilespmem:$0x1FE90] =	vst v42  }
0xf: {  	s2 =	rddreg [dreg:$0x2];
	v44 =	vor.u32 $0x280C, v37;
	_ =	strace $0x80000047;
	[tilespmem:$0x1FEA0] =	vst v43  }
0x10: {  	v45 =	vor.u32 $0x280D, v37;
	[tilespmem:$0x1FEB0] =	vst v44  }
0x11: {  	v46 =	vor.u32 $0x280E, v37;
	[tilespmem:$0x1FEC0] =	vst v45  }
0x12: {  	v47 =	vor.u32 $0x280F, v37;
	[tilespmem:$0x1FED0] =	vst v46  }
0x13: {  	v48 =	vor.u32 $0x2810, v37;
	[tilespmem:$0x1FEE0] =	vst v47  }
0x14: {  	v49 =	vor.u32 $0x2811, v37;
	[tilespmem:$0x1FEF0] =	vst v48  }
0x15: {  	v50 =	vor.u32 $0x2812, v37;
	[tilespmem:$0x1FF00] =	vst v49  }
0x16: {  	v51 =	vor.u32 $0x2813, v37;
	[tilespmem:$0x1FF10] =	vst v50  }
0x17: {  	v52 =	vor.u32 $0x2814, v37;
	[tilespmem:$0x1FF20] =	vst v51  }
0x18: {  	v53 =	vor.u32 $0x2815, v37;
	[tilespmem:$0x1FF30] =	vst v52  }
0x19: {  	v54 =	vor.u32 $0x2816, v37;
	[tilespmem:$0x1FF40] =	vst v53  }
0x1a: {  	v55 =	vor.u32 $0x2817, v37;
	[tilespmem:$0x1FF50] =	vst v54  }
0x1b: {  	v56 =	vor.u32 $0x2818, v37;
	[tilespmem:$0x1FF60] =	vst v55  }
0x1c: {  	s5 =	srdreg.scid;
	s0 =	stileid.u32;
	s10 =	simm.s32 $0x2400;
	v57 =	vor.u32 $0x2819, v37;
	[tilespmem:$0x1FF70] =	vst v56  }
0x1d: {  	s11 =	simm.s32 $0x298;
	s12 =	simm.s32 $0x2BD0;
	s13 =	simm.s32 $0xD1D0;
	v58 =	vor.u32 $0x281A, v37;
	[tilespmem:$0x1FF80] =	vst v57  }
0x1e: {  	s14 =	simm.s32 $0x5;
	s15 =	simm.s32 $0x27E8;
	s16 =	simm.s32 $0x7ED0;
	v59 =	vor.u32 $0x281B, v37;
	[tilespmem:$0x1FF90] =	vst v58  }
0x1f: {  	s17 =	simm.s32 $0xFBD0;
	s18 =	simm.s32 $0x1;
	s5 =	sand.u32 $0x1, s5;
	v60 =	vor.u32 $0x281C, v37;
	[tilespmem:$0x1FFA0] =	vst v59  }
0x20: {  	s19 =	simm.s32 $0x3;
	s20 =	simm.s32 $0x2;
	s8 =	ssub.s32 $0x2, s5;
	v61 =	vor.u32 $0x281D, v37;
	[tilespmem:$0x1FFB0] =	vst v60  }
0x21: {  	s21 =	simm.s32 $0x4;
	s7 =	sshll.u32 s0, $0x1;
	s9 =	sshrl.u32 s8, $0x1;
	v62 =	vor.u32 $0x281E, v37;
	[tilespmem:$0x1FFC0] =	vst v61  }
0x22: {  	s22 =	simm.s32 $0x0;
	s7 =	sor.u32 s5, s7;
	v63 =	vor.u32 $0x281F, v37;
	s8 =	ssub.s32 s8, s9;
	[tilespmem:$0x1FFD0] =	vst v62  }
0x23: {  	s6 =	sadd.s32 $0x1000, s6;
	s5 =	smul.u32 $0x1D4C0, s7;
	s31 =	smax.u32 s8, $0x1;
	[tilespmem:$0x1FFE0] =	vst v63  }
0x24: {  	s7 =	smul.u32 $0x18, s7;
	s9 =	simm.s32 $0x6;
	[tilespmem:$0x1FFF0] =	vst v37;
	[dreg:$0x4] =	wrdreg s31  }
.LBB2_1:
0x25: {  	[tilespmem:s4], [sflag:$0x6] =	stream.linear.gather [hbm4b:s1+s4], $0x2400, $0x38;
	[tilespmem:$0x125D0] =	vst v63  }
0x26: {  	_ =	swait.ge [sflag:s9], $0x2400  }
0x27: {  	[sflag:s9] =	ssyncset.done $0x0  }
0x28: {  	s23 =	simm.s32 $0x0;
	[sflag:s9] =	ssyncadd.s32 $0xFFFFDC00  }
.LBB2_2:
0x29: {  	p0 =	seq.s32 s23, $0x0  }
0x2a: {  	s24 =	simm.s32 @!p0 $0x1  }
0x2b: {  	_ =	swait.ge @!p0 [sflag:s24], $0x5300  }
0x2c: {  	s25 =	smul.u32 $0x7D0, s23;
	[sflag:s24] =	ssyncset.done @!p0 $0x0  }
0x2d: {  	[sflag:s24] =	ssyncadd.s32 @!p0 $0xFFFFAD00;
	s24 =	simm.s32 @!p0 $0x3  }
0x2e: {  	s25 =	sadd.s32 s5, s25;
	_ =	swait.ge @!p0 [sflag:s24], $0x2A00  }
0x2f: {  	s25 =	sshrl.u32 s25, $0x3;
	[sflag:s24] =	ssyncset.done @!p0 $0x0  }
0x30: {  	s25 =	sadd.s32 s6, s25;
	[sflag:s24] =	ssyncadd.s32 @!p0 $0xFFFFD600  }
0x31: {  	[tilespmem:s10], [sflag:$0x6] =	stream.linear.gather [hbm4b:s25+s4], $0x3E8, $0x38;
	[tilespmem:$0x125D0] =	vst v63  }
0x32: {  	_ =	swait.ge [sflag:s9], $0x3E8  }
0x33: {  	[sflag:s9] =	ssyncset.done $0x0  }
0x34: {  	s26 =	simm.s32 $0x26C8;
	[sflag:s9] =	ssyncadd.s32 $0xFFFFFC18  }
0x35: {  	[tilespmem:s12], [sflag:$0x5] =	stream.indirect.gather [hbm4b:s1+s11], $0x20, s10, s11, $0xb8;
	[tilespmem:$0x125D0] =	vst v63  }
0x36: {  	v0 =	vld [tilespmem:s26+$0x0];
	_ =	sdelay $0x2  }
0x37: {  	v1 =	vld [tilespmem:s26+$0xFFFFFFD0];
	_ =	sdelay $0x1  }
0x38: {  	v2 =	vld [tilespmem:s26+$0xFFFFFFE0];
	v14 =	vshll.u32 v0, $0x5;
	_ =	sdelay $0x1  }
0x39: {  	s0 =	simm.s32 $0x30  }
0x3a: {  	v3 =	vld [tilespmem:s26+$0xFFFFFFF0];
	v13 =	vshll.u32 v1, $0x5;
	v0 =	vmov s0  }
0x3b: {  	v0 =	vshll.u32 v0, $0x5  }
0x3c: {  	s3 =	simm.s32 $0x0;
	v9 =	vshll.u32 v2, $0x5;
	v0 =	vor.u32 v37, v0;
	v1 =	vld.idx.msk [tilespmem:v14+s4+$0x0], $0xffff  }
0x3d: {  	v2 =	vmov s3;
	v4 =	vor.u32 $0x1, v14  }
0x3e: {  	s8 =	simm.s32 $0x10;
	v2 =	vshll.u32 v2, $0x5  }
0x3f: {  	v12 =	vshll.u32 v3, $0x5;
	v3 =	vmov s8;
	v10 =	vor.u32 v37, v2;
	v5 =	vld.idx.msk [tilespmem:v13+s4+$0x0], $0xffff  }
0x40: {  	v3 =	vshll.u32 v3, $0x5;
	v2 =	vor.u32 $0x1, v13  }
0x41: {  	s25 =	simm.s32 $0x20;
	v11 =	vor.u32 v37, v3;
	v6 =	vld.idx.msk [tilespmem:v9+s4+$0x0], $0xffff;
	[tilespmem:v0+s13+$0x0] =	vst.idx.msk $0xffff, v1  }
0x42: {  	v3 =	vmov s25;
	v7 =	vor.u32 $0x1, v0;
	v1 =	vor.u32 $0x1, v9;
	v4 =	vld.idx.msk [tilespmem:v4+s4+$0x0], $0xffff  }
0x43: {  	v8 =	vor.u32 $0x2, v14;
	v3 =	vshll.u32 v3, $0x5  }
0x44: {  	v36 =	vor.u32 v37, v3;
	v15 =	vld.idx.msk [tilespmem:v12+s4+$0x0], $0xffff;
	[tilespmem:v10+s13+$0x0] =	vst.idx.msk $0xffff, v5  }
0x45: {  	v3 =	vor.u32 $0x1, v12;
	v5 =	vor.u32 $0x1, v10;
	v2 =	vld.idx.msk [tilespmem:v2+s4+$0x0], $0xffff  }
0x46: {  	v16 =	vor.u32 $0x2, v13;
	[tilespmem:v11+s13+$0x0] =	vst.idx.msk $0xffff, v6  }
0x47: {  	v6 =	vor.u32 $0x1, v11;
	v1 =	vld.idx.msk [tilespmem:v1+s4+$0x0], $0xffff;
	[tilespmem:v7+s13+$0x0] =	vst.idx.msk $0xffff, v4  }
0x48: {  	v4 =	vor.u32 $0x2, v9;
	v7 =	vld.idx.msk [tilespmem:v8+s4+$0x0], $0xffff;
	v8 =	vor.u32 $0x2, v0  }
0x49: {  	[tilespmem:v36+s13+$0x0] =	vst.idx.msk $0xffff, v15;
	v15 =	vor.u32 $0x3, v14  }
0x4a: {  	v17 =	vor.u32 $0x1, v36;
	v3 =	vld.idx.msk [tilespmem:v3+s4+$0x0], $0xffff;
	[tilespmem:v5+s13+$0x0] =	vst.idx.msk $0xffff, v2  }
0x4b: {  	v2 =	vor.u32 $0x2, v12;
	v5 =	vor.u32 $0x2, v10;
	v16 =	vld.idx.msk [tilespmem:v16+s4+$0x0], $0xffff  }
0x4c: {  	v18 =	vor.u32 $0x3, v13;
	[tilespmem:v6+s13+$0x0] =	vst.idx.msk $0xffff, v1  }
0x4d: {  	v1 =	vor.u32 $0x2, v11;
	v4 =	vld.idx.msk [tilespmem:v4+s4+$0x0], $0xffff;
	[tilespmem:v8+s13+$0x0] =	vst.idx.msk $0xffff, v7  }
0x4e: {  	v6 =	vor.u32 $0x3, v9;
	v8 =	vor.u32 $0x3, v0;
	v7 =	vld.idx.msk [tilespmem:v15+s4+$0x0], $0xffff  }
0x4f: {  	[tilespmem:v17+s13+$0x0] =	vst.idx.msk $0xffff, v3;
	v3 =	vor.u32 $0x4, v14  }
0x50: {  	v2 =	vld.idx.msk [tilespmem:v2+s4+$0x0], $0xffff;
	[tilespmem:v5+s13+$0x0] =	vst.idx.msk $0xffff, v16;
	v15 =	vor.u32 $0x2, v36  }
0x51: {  	v5 =	vor.u32 $0x3, v10;
	v16 =	vor.u32 $0x3, v12;
	v17 =	vld.idx.msk [tilespmem:v18+s4+$0x0], $0xffff  }
0x52: {  	v18 =	vor.u32 $0x4, v13;
	[tilespmem:v1+s13+$0x0] =	vst.idx.msk $0xffff, v4  }
0x53: {  	v1 =	vor.u32 $0x3, v11;
	v4 =	vld.idx.msk [tilespmem:v6+s4+$0x0], $0xffff;
	[tilespmem:v8+s13+$0x0] =	vst.idx.msk $0xffff, v7  }
0x54: {  	v6 =	vor.u32 $0x4, v9;
	v7 =	vor.u32 $0x4, v0;
	v3 =	vld.idx.msk [tilespmem:v3+s4+$0x0], $0xffff  }
0x55: {  	[tilespmem:v15+s13+$0x0] =	vst.idx.msk $0xffff, v2;
	v2 =	vor.u32 $0x5, v14  }
0x56: {  	v8 =	vor.u32 $0x3, v36;
	[tilespmem:v5+s13+$0x0] =	vst.idx.msk $0xffff, v17;
	v15 =	vld.idx.msk [tilespmem:v16+s4+$0x0], $0xffff  }
0x57: {  	v5 =	vor.u32 $0x4, v12;
	v16 =	vor.u32 $0x4, v10;
	v17 =	vld.idx.msk [tilespmem:v18+s4+$0x0], $0xffff  }
0x58: {  	v18 =	vor.u32 $0x5, v13;
	[tilespmem:v1+s13+$0x0] =	vst.idx.msk $0xffff, v4  }
0x59: {  	v1 =	vor.u32 $0x4, v11;
	v4 =	vld.idx.msk [tilespmem:v6+s4+$0x0], $0xffff;
	[tilespmem:v7+s13+$0x0] =	vst.idx.msk $0xffff, v3  }
0x5a: {  	v6 =	vor.u32 $0x5, v0;
	v3 =	vor.u32 $0x5, v9;
	v2 =	vld.idx.msk [tilespmem:v2+s4+$0x0], $0xffff  }
0x5b: {  	[tilespmem:v8+s13+$0x0] =	vst.idx.msk $0xffff, v15;
	v7 =	vor.u32 $0x6, v14  }
0x5c: {  	v8 =	vor.u32 $0x4, v36;
	[tilespmem:v16+s13+$0x0] =	vst.idx.msk $0xffff, v17;
	v5 =	vld.idx.msk [tilespmem:v5+s4+$0x0], $0xffff  }
0x5d: {  	v15 =	vor.u32 $0x5, v12;
	v16 =	vor.u32 $0x5, v10;
	v17 =	vld.idx.msk [tilespmem:v18+s4+$0x0], $0xffff  }
0x5e: {  	v18 =	vor.u32 $0x6, v13;
	[tilespmem:v1+s13+$0x0] =	vst.idx.msk $0xffff, v4  }
0x5f: {  	v1 =	vor.u32 $0x5, v11;
	v3 =	vld.idx.msk [tilespmem:v3+s4+$0x0], $0xffff;
	[tilespmem:v6+s13+$0x0] =	vst.idx.msk $0xffff, v2  }
0x60: {  	v2 =	vor.u32 $0x6, v9;
	v6 =	vor.u32 $0x6, v0;
	v4 =	vld.idx.msk [tilespmem:v7+s4+$0x0], $0xffff  }
0x61: {  	[tilespmem:v8+s13+$0x0] =	vst.idx.msk $0xffff, v5;
	v5 =	vor.u32 $0x7, v14  }
0x62: {  	[tilespmem:v16+s13+$0x0] =	vst.idx.msk $0xffff, v17;
	v7 =	vor.u32 $0x5, v36;
	v8 =	vld.idx.msk [tilespmem:v15+s4+$0x0], $0xffff  }
0x63: {  	v16 =	vor.u32 $0x6, v10;
	v15 =	vor.u32 $0x6, v12;
	v17 =	vld.idx.msk [tilespmem:v18+s4+$0x0], $0xffff  }
0x64: {  	v18 =	vor.u32 $0x7, v13;
	[tilespmem:v1+s13+$0x0] =	vst.idx.msk $0xffff, v3  }
0x65: {  	v1 =	vor.u32 $0x6, v11;
	v2 =	vld.idx.msk [tilespmem:v2+s4+$0x0], $0xffff;
	[tilespmem:v6+s13+$0x0] =	vst.idx.msk $0xffff, v4  }
0x66: {  	v3 =	vor.u32 $0x7, v9;
	v4 =	vld.idx.msk [tilespmem:v5+s4+$0x0], $0xffff;
	v5 =	vor.u32 $0x7, v0  }
0x67: {  	[tilespmem:v7+s13+$0x0] =	vst.idx.msk $0xffff, v8;
	v6 =	vor.u32 $0x8, v14  }
0x68: {  	v7 =	vor.u32 $0x6, v36;
	[tilespmem:v16+s13+$0x0] =	vst.idx.msk $0xffff, v17;
	v8 =	vld.idx.msk [tilespmem:v15+s4+$0x0], $0xffff  }
0x69: {  	v16 =	vor.u32 $0x7, v12;
	v15 =	vor.u32 $0x7, v10;
	v17 =	vld.idx.msk [tilespmem:v18+s4+$0x0], $0xffff  }
0x6a: {  	v18 =	vor.u32 $0x8, v13;
	[tilespmem:v1+s13+$0x0] =	vst.idx.msk $0xffff, v2  }
0x6b: {  	v1 =	vor.u32 $0x7, v11;
	v2 =	vld.idx.msk [tilespmem:v3+s4+$0x0], $0xffff;
	[tilespmem:v5+s13+$0x0] =	vst.idx.msk $0xffff, v4  }
0x6c: {  	v3 =	vor.u32 $0x8, v9;
	v5 =	vor.u32 $0x8, v0;
	v4 =	vld.idx.msk [tilespmem:v6+s4+$0x0], $0xffff  }
0x6d: {  	[tilespmem:v7+s13+$0x0] =	vst.idx.msk $0xffff, v8;
	v6 =	vor.u32 $0x9, v14  }
0x6e: {  	v7 =	vor.u32 $0x7, v36;
	[tilespmem:v15+s13+$0x0] =	vst.idx.msk $0xffff, v17;
	v8 =	vld.idx.msk [tilespmem:v16+s4+$0x0], $0xffff  }
0x6f: {  	v15 =	vor.u32 $0x8, v10;
	v16 =	vor.u32 $0x8, v12;
	v17 =	vld.idx.msk [tilespmem:v18+s4+$0x0], $0xffff  }
0x70: {  	v18 =	vor.u32 $0x9, v13;
	[tilespmem:v1+s13+$0x0] =	vst.idx.msk $0xffff, v2  }
0x71: {  	v1 =	vor.u32 $0x8, v11;
	v2 =	vld.idx.msk [tilespmem:v3+s4+$0x0], $0xffff;
	[tilespmem:v5+s13+$0x0] =	vst.idx.msk $0xffff, v4  }
0x72: {  	v3 =	vor.u32 $0x9, v9;
	v5 =	vor.u32 $0x9, v0;
	v4 =	vld.idx.msk [tilespmem:v6+s4+$0x0], $0xffff  }
0x73: {  	[tilespmem:v7+s13+$0x0] =	vst.idx.msk $0xffff, v8;
	v6 =	vor.u32 $0xA, v14  }
0x74: {  	v7 =	vor.u32 $0x8, v36;
	[tilespmem:v15+s13+$0x0] =	vst.idx.msk $0xffff, v17;
	v8 =	vld.idx.msk [tilespmem:v16+s4+$0x0], $0xffff  }
0x75: {  	v15 =	vor.u32 $0x9, v10;
	v16 =	vor.u32 $0x9, v12;
	v17 =	vld.idx.msk [tilespmem:v18+s4+$0x0], $0xffff  }
0x76: {  	v18 =	vor.u32 $0xA, v13;
	[tilespmem:v1+s13+$0x0] =	vst.idx.msk $0xffff, v2  }
0x77: {  	v1 =	vor.u32 $0x9, v11;
	v2 =	vld.idx.msk [tilespmem:v3+s4+$0x0], $0xffff;
	[tilespmem:v5+s13+$0x0] =	vst.idx.msk $0xffff, v4  }
0x78: {  	v3 =	vor.u32 $0xA, v9;
	v5 =	vor.u32 $0xA, v0;
	v4 =	vld.idx.msk [tilespmem:v6+s4+$0x0], $0xffff  }
0x79: {  	[tilespmem:v7+s13+$0x0] =	vst.idx.msk $0xffff, v8;
	v6 =	vor.u32 $0xB, v14  }
0x7a: {  	v7 =	vor.u32 $0x9, v36;
	[tilespmem:v15+s13+$0x0] =	vst.idx.msk $0xffff, v17;
	v8 =	vld.idx.msk [tilespmem:v16+s4+$0x0], $0xffff  }
0x7b: {  	v15 =	vor.u32 $0xA, v10;
	v16 =	vor.u32 $0xA, v12;
	v17 =	vld.idx.msk [tilespmem:v18+s4+$0x0], $0xffff  }
0x7c: {  	v18 =	vor.u32 $0xB, v13;
	[tilespmem:v1+s13+$0x0] =	vst.idx.msk $0xffff, v2  }
0x7d: {  	v1 =	vor.u32 $0xA, v11;
	v2 =	vld.idx.msk [tilespmem:v3+s4+$0x0], $0xffff;
	[tilespmem:v5+s13+$0x0] =	vst.idx.msk $0xffff, v4  }
0x7e: {  	v3 =	vor.u32 $0xB, v9;
	v5 =	vor.u32 $0xB, v0;
	v4 =	vld.idx.msk [tilespmem:v6+s4+$0x0], $0xffff  }
0x7f: {  	[tilespmem:v7+s13+$0x0] =	vst.idx.msk $0xffff, v8;
	v6 =	vor.u32 $0xC, v14  }
0x80: {  	v7 =	vor.u32 $0xA, v36;
	[tilespmem:v15+s13+$0x0] =	vst.idx.msk $0xffff, v17;
	v8 =	vld.idx.msk [tilespmem:v16+s4+$0x0], $0xffff  }
0x81: {  	v15 =	vor.u32 $0xB, v10;
	v16 =	vor.u32 $0xB, v12;
	v17 =	vld.idx.msk [tilespmem:v18+s4+$0x0], $0xffff  }
0x82: {  	v18 =	vor.u32 $0xC, v13;
	[tilespmem:v1+s13+$0x0] =	vst.idx.msk $0xffff, v2  }
0x83: {  	v1 =	vor.u32 $0xB, v11;
	v2 =	vld.idx.msk [tilespmem:v3+s4+$0x0], $0xffff;
	[tilespmem:v5+s13+$0x0] =	vst.idx.msk $0xffff, v4  }
0x84: {  	v3 =	vor.u32 $0xC, v9;
	v5 =	vor.u32 $0xC, v0;
	v4 =	vld.idx.msk [tilespmem:v6+s4+$0x0], $0xffff  }
0x85: {  	[tilespmem:v7+s13+$0x0] =	vst.idx.msk $0xffff, v8;
	v6 =	vor.u32 $0xD, v14  }
0x86: {  	v7 =	vor.u32 $0xB, v36;
	[tilespmem:v15+s13+$0x0] =	vst.idx.msk $0xffff, v17;
	v8 =	vld.idx.msk [tilespmem:v16+s4+$0x0], $0xffff  }
0x87: {  	v15 =	vor.u32 $0xC, v12;
	v16 =	vor.u32 $0xC, v10;
	v17 =	vld.idx.msk [tilespmem:v18+s4+$0x0], $0xffff  }
0x88: {  	v18 =	vor.u32 $0xD, v13;
	[tilespmem:v1+s13+$0x0] =	vst.idx.msk $0xffff, v2  }
0x89: {  	v1 =	vor.u32 $0xC, v11;
	v2 =	vld.idx.msk [tilespmem:v3+s4+$0x0], $0xffff;
	[tilespmem:v5+s13+$0x0] =	vst.idx.msk $0xffff, v4  }
0x8a: {  	v3 =	vor.u32 $0xD, v9;
	v5 =	vor.u32 $0xD, v0;
	v4 =	vld.idx.msk [tilespmem:v6+s4+$0x0], $0xffff  }
0x8b: {  	[tilespmem:v7+s13+$0x0] =	vst.idx.msk $0xffff, v8;
	v6 =	vor.u32 $0xE, v14  }
0x8c: {  	v7 =	vor.u32 $0xC, v36;
	[tilespmem:v16+s13+$0x0] =	vst.idx.msk $0xffff, v17;
	v8 =	vld.idx.msk [tilespmem:v15+s4+$0x0], $0xffff  }
0x8d: {  	v16 =	vor.u32 $0xD, v10;
	v15 =	vor.u32 $0xD, v12;
	v17 =	vld.idx.msk [tilespmem:v18+s4+$0x0], $0xffff  }
0x8e: {  	v18 =	vor.u32 $0xE, v13;
	[tilespmem:v1+s13+$0x0] =	vst.idx.msk $0xffff, v2  }
0x8f: {  	v1 =	vor.u32 $0xD, v11;
	v2 =	vld.idx.msk [tilespmem:v3+s4+$0x0], $0xffff;
	[tilespmem:v5+s13+$0x0] =	vst.idx.msk $0xffff, v4  }
0x90: {  	v3 =	vor.u32 $0xE, v9;
	v5 =	vor.u32 $0xE, v0;
	v4 =	vld.idx.msk [tilespmem:v6+s4+$0x0], $0xffff  }
0x91: {  	[tilespmem:v7+s13+$0x0] =	vst.idx.msk $0xffff, v8;
	v6 =	vor.u32 $0xF, v14  }
0x92: {  	v7 =	vor.u32 $0xD, v36;
	[tilespmem:v16+s13+$0x0] =	vst.idx.msk $0xffff, v17;
	v8 =	vld.idx.msk [tilespmem:v15+s4+$0x0], $0xffff  }
0x93: {  	v16 =	vor.u32 $0xE, v10;
	v15 =	vor.u32 $0xE, v12;
	v17 =	vld.idx.msk [tilespmem:v18+s4+$0x0], $0xffff  }
0x94: {  	v18 =	vor.u32 $0xF, v13;
	[tilespmem:v1+s13+$0x0] =	vst.idx.msk $0xffff, v2  }
0x95: {  	v1 =	vor.u32 $0xE, v11;
	v2 =	vld.idx.msk [tilespmem:v3+s4+$0x0], $0xffff;
	[tilespmem:v5+s13+$0x0] =	vst.idx.msk $0xffff, v4  }
0x96: {  	v3 =	vor.u32 $0xF, v9;
	v5 =	vor.u32 $0xF, v0;
	v4 =	vld.idx.msk [tilespmem:v6+s4+$0x0], $0xffff  }
0x97: {  	[tilespmem:v7+s13+$0x0] =	vst.idx.msk $0xffff, v8;
	v6 =	vor.u32 $0x10, v14  }
0x98: {  	v7 =	vor.u32 $0xE, v36;
	[tilespmem:v16+s13+$0x0] =	vst.idx.msk $0xffff, v17;
	v8 =	vld.idx.msk [tilespmem:v15+s4+$0x0], $0xffff  }
0x99: {  	v16 =	vor.u32 $0xF, v10;
	v15 =	vor.u32 $0xF, v12;
	v17 =	vld.idx.msk [tilespmem:v18+s4+$0x0], $0xffff  }
0x9a: {  	v18 =	vor.u32 $0x10, v13;
	[tilespmem:v1+s13+$0x0] =	vst.idx.msk $0xffff, v2  }
0x9b: {  	v1 =	vor.u32 $0xF, v11;
	v2 =	vld.idx.msk [tilespmem:v3+s4+$0x0], $0xffff;
	[tilespmem:v5+s13+$0x0] =	vst.idx.msk $0xffff, v4  }
0x9c: {  	v3 =	vor.u32 $0x10, v9;
	v5 =	vor.u32 $0x10, v0;
	v4 =	vld.idx.msk [tilespmem:v6+s4+$0x0], $0xffff  }
0x9d: {  	[tilespmem:v7+s13+$0x0] =	vst.idx.msk $0xffff, v8;
	v6 =	vor.u32 $0x11, v14  }
0x9e: {  	v7 =	vor.u32 $0xF, v36;
	[tilespmem:v16+s13+$0x0] =	vst.idx.msk $0xffff, v17;
	v8 =	vld.idx.msk [tilespmem:v15+s4+$0x0], $0xffff  }
0x9f: {  	s26 =	simm.s32 $0x2708;
	v16 =	vor.u32 $0x10, v12;
	v15 =	vor.u32 $0x10, v10;
	v17 =	vld.idx.msk [tilespmem:v18+s4+$0x0], $0xffff  }
0xa0: {  	v19 =	vld [tilespmem:s26+$0xFFFFFFD0];
	v18 =	vor.u32 $0x11, v13;
	[tilespmem:v1+s13+$0x0] =	vst.idx.msk $0xffff, v2  }
0xa1: {  	v1 =	vld.idx.msk [tilespmem:v3+s4+$0x0], $0xffff;
	[tilespmem:v5+s13+$0x0] =	vst.idx.msk $0xffff, v4  }
0xa2: {  	v3 =	vor.u32 $0x11, v0;
	v2 =	vld.idx.msk [tilespmem:v6+s4+$0x0], $0xffff  }
0xa3: {  	[tilespmem:v7+s13+$0x0] =	vst.idx.msk $0xffff, v8;
	v4 =	vld [tilespmem:s26+$0x0];
	v5 =	vor.u32 $0x10, v11;
	v7 =	vor.u32 $0x12, v14  }
0xa4: {  	[tilespmem:v15+s13+$0x0] =	vst.idx.msk $0xffff, v17;
	v8 =	vor.u32 $0x11, v9;
	v15 =	vor.u32 $0x10, v36;
	v6 =	vld.idx.msk [tilespmem:v16+s4+$0x0], $0xffff  }
0xa5: {  	v17 =	vor.u32 $0x11, v10;
	v16 =	vld.idx.msk [tilespmem:v18+s4+$0x0], $0xffff;
	v18 =	vor.u32 $0x11, v12  }
0xa6: {  	v21 =	vld [tilespmem:s26+$0xFFFFFFE0];
	v20 =	vor.u32 $0x12, v13  }
0xa7: {  	v22 =	vld [tilespmem:s26+$0xFFFFFFF0];
	[tilespmem:v3+s13+$0x0] =	vst.idx.msk $0xffff, v2  }
0xa8: {  	[tilespmem:v5+s13+$0x0] =	vst.idx.msk $0xffff, v1;
	v2 =	vshll.u32 v4, $0x5;
	v1 =	vld.idx.msk [tilespmem:v7+s4+$0x0], $0xffff;
	v7 =	vor.u32 $0x12, v0  }
0xa9: {  	s3 =	simm.s32 $0x40;
	[tilespmem:v15+s13+$0x0] =	vst.idx.msk $0xffff, v6;
	v6 =	vld.idx.msk [tilespmem:v8+s4+$0x0], $0xffff;
	v8 =	vor.u32 $0x13, v14  }
0xaa: {  	s0 =	simm.s32 $0x70;
	v23 =	vmov s3;
	v5 =	vshll.u32 v19, $0x5;
	[tilespmem:v17+s13+$0x0] =	vst.idx.msk $0xffff, v16;
	v15 =	vld.idx.msk [tilespmem:v18+s4+$0x0], $0xffff  }
0xab: {  	v17 =	vor.u32 $0x11, v36;
	v4 =	vshll.u32 v21, $0x5;
	v18 =	vld.idx.msk [tilespmem:v20+s4+$0x0], $0xffff;
	v20 =	vmov s0  }
0xac: {  	v16 =	vor.u32 $0x11, v11;
	v3 =	vshll.u32 v22, $0x5;
	v20 =	vshll.u32 v20, $0x5  }
0xad: {  	s8 =	simm.s32 $0x50;
	v23 =	vshll.u32 v23, $0x5;
	v19 =	vor.u32 $0x12, v9;
	v56 =	vld.idx.msk [tilespmem:v2+s4+$0x0], $0xffff;
	[tilespmem:v7+s13+$0x0] =	vst.idx.msk $0xffff, v1;
	v1 =	vor.u32 v37, v20  }
0xae: {  	v26 =	vor.u32 $0x13, v0;
	v25 =	vor.u32 $0x1, v2;
	v7 =	vmov s8;
	v20 =	vld.idx.msk [tilespmem:v8+s4+$0x0], $0xffff  }
0xaf: {  	v28 =	vor.u32 $0x14, v14;
	s26 =	simm.s32 $0x60;
	v24 =	vld.idx.msk [tilespmem:v5+s4+$0x0], $0xffff;
	v27 =	vshll.u32 v7, $0x5;
	v7 =	vor.u32 v37, v23  }
0xb0: {  	v29 =	vor.u32 $0x1, v5;
	v58 =	vld.idx.msk [tilespmem:v4+s4+$0x0], $0xffff;
	[tilespmem:v17+s13+$0x0] =	vst.idx.msk $0xffff, v15;
	v17 =	vor.u32 $0x12, v10;
	v8 =	vmov s26  }
0xb1: {  	v57 =	vor.u32 $0x12, v12;
	[tilespmem:v16+s13+$0x0] =	vst.idx.msk $0xffff, v6;
	v16 =	vld.idx.msk [tilespmem:v3+s4+$0x0], $0xffff;
	v6 =	vshll.u32 v8, $0x5;
	v8 =	vor.u32 v37, v27  }
0xb2: {  	v15 =	vld.idx.msk [tilespmem:v19+s4+$0x0], $0xffff;
	v27 =	vor.u32 $0x1, v4;
	v6 =	vor.u32 v37, v6;
	[tilespmem:v1+s13+$0x0] =	vst.idx.msk $0xffff, v56  }
0xb3: {  	v60 =	vor.u32 $0x13, v13;
	v30 =	vor.u32 $0x12, v11;
	v25 =	vld.idx.msk [tilespmem:v25+s4+$0x0], $0xffff;
	[tilespmem:v26+s13+$0x0] =	vst.idx.msk $0xffff, v20  }
0xb4: {  	v19 =	vor.u32 $0x1, v3;
	[tilespmem:v7+s13+$0x0] =	vst.idx.msk $0xffff, v24;
	v24 =	vor.u32 $0x1, v1;
	v26 =	vld.idx.msk [tilespmem:v28+s4+$0x0], $0xffff  }
0xb5: {  	[tilespmem:v17+s13+$0x0] =	vst.idx.msk $0xffff, v18;
	v20 =	vor.u32 $0x13, v9;
	v28 =	vld.idx.msk [tilespmem:v29+s4+$0x0], $0xffff;
	v29 =	vor.u32 $0x14, v0  }
0xb6: {  	v61 =	vor.u32 $0x2, v2;
	v59 =	vld.idx.msk [tilespmem:v57+s4+$0x0], $0xffff;
	v31 =	vor.u32 $0x1, v7;
	[tilespmem:v8+s13+$0x0] =	vst.idx.msk $0xffff, v58  }
0xb7: {  	v17 =	vor.u32 $0x1, v8;
	v27 =	vld.idx.msk [tilespmem:v27+s4+$0x0], $0xffff;
	[tilespmem:v6+s13+$0x0] =	vst.idx.msk $0xffff, v16;
	v16 =	vor.u32 $0x15, v14  }
0xb8: {  	v62 =	vor.u32 $0x12, v36;
	v32 =	vor.u32 $0x2, v5;
	[tilespmem:v30+s13+$0x0] =	vst.idx.msk $0xffff, v15;
	v15 =	vld.idx.msk [tilespmem:v60+s4+$0x0], $0xffff  }
0xb9: {  	v33 =	vor.u32 $0x1, v6;
	v18 =	vld.idx.msk [tilespmem:v19+s4+$0x0], $0xffff;
	v19 =	vor.u32 $0x2, v4;
	[tilespmem:v24+s13+$0x0] =	vst.idx.msk $0xffff, v25  }
0xba: {  	v30 =	vor.u32 $0x2, v3;
	v20 =	vld.idx.msk [tilespmem:v20+s4+$0x0], $0xffff;
	v24 =	vor.u32 $0x13, v10;
	[tilespmem:v29+s13+$0x0] =	vst.idx.msk $0xffff, v26  }
0xbb: {  	v25 =	vor.u32 $0x13, v12;
	v23 =	vld.idx.msk [tilespmem:v61+s4+$0x0], $0xffff;
	[tilespmem:v31+s13+$0x0] =	vst.idx.msk $0xffff, v28;
	v28 =	vor.u32 $0x2, v1  }
0xbc: {  	v26 =	vor.u32 $0x14, v13;
	v16 =	vld.idx.msk [tilespmem:v16+s4+$0x0], $0xffff;
	[tilespmem:v17+s13+$0x0] =	vst.idx.msk $0xffff, v27;
	v27 =	vor.u32 $0x15, v0  }
0xbd: {  	[tilespmem:v62+s13+$0x0] =	vst.idx.msk $0xffff, v59;
	v31 =	vor.u32 $0x2, v7;
	v29 =	vld.idx.msk [tilespmem:v32+s4+$0x0], $0xffff;
	v17 =	vor.u32 $0x3, v2  }
0xbe: {  	v38 =	vor.u32 $0x2, v8;
	v19 =	vld.idx.msk [tilespmem:v19+s4+$0x0], $0xffff;
	[tilespmem:v33+s13+$0x0] =	vst.idx.msk $0xffff, v18;
	v18 =	vor.u32 $0x16, v14  }
0xbf: {  	v63 =	vor.u32 $0x3, v5;
	v40 =	vor.u32 $0x2, v6;
	v39 =	vld.idx.msk [tilespmem:v30+s4+$0x0], $0xffff;
	[tilespmem:v24+s13+$0x0] =	vst.idx.msk $0xffff, v15  }
0xc0: {  	v30 =	vor.u32 $0x3, v4;
	v15 =	vld.idx.msk [tilespmem:v25+s4+$0x0], $0xffff;
	v24 =	vor.u32 $0x13, v11;
	[tilespmem:v28+s13+$0x0] =	vst.idx.msk $0xffff, v23  }
0xc1: {  	v25 =	vor.u32 $0x3, v3;
	v41 =	vld.idx.msk [tilespmem:v26+s4+$0x0], $0xffff;
	v26 =	vor.u32 $0x13, v36;
	[tilespmem:v27+s13+$0x0] =	vst.idx.msk $0xffff, v16  }
0xc2: {  	v28 =	vor.u32 $0x14, v9;
	v17 =	vld.idx.msk [tilespmem:v17+s4+$0x0], $0xffff;
	[tilespmem:v31+s13+$0x0] =	vst.idx.msk $0xffff, v29;
	v27 =	vor.u32 $0x3, v1  }
0xc3: {  	v16 =	vor.u32 $0x14, v12;
	v31 =	vor.u32 $0x16, v0;
	v18 =	vld.idx.msk [tilespmem:v18+s4+$0x0], $0xffff;
	[tilespmem:v38+s13+$0x0] =	vst.idx.msk $0xffff, v19  }
0xc4: {  	v42 =	vor.u32 $0x3, v7;
	v29 =	vld.idx.msk [tilespmem:v63+s4+$0x0], $0xffff;
	v19 =	vor.u32 $0x4, v2;
	[tilespmem:v40+s13+$0x0] =	vst.idx.msk $0xffff, v39  }
0xc5: {  	v43 =	vor.u32 $0x17, v14;
	v44 =	vor.u32 $0x3, v8;
	v30 =	vld.idx.msk [tilespmem:v30+s4+$0x0], $0xffff;
	[tilespmem:v24+s13+$0x0] =	vst.idx.msk $0xffff, v20  }
0xc6: {  	v45 =	vor.u32 $0x4, v5;
	v20 =	vld.idx.msk [tilespmem:v25+s4+$0x0], $0xffff;
	v24 =	vor.u32 $0x3, v6;
	[tilespmem:v26+s13+$0x0] =	vst.idx.msk $0xffff, v15  }
0xc7: {  	v25 =	vor.u32 $0x4, v4;
	v15 =	vld.idx.msk [tilespmem:v28+s4+$0x0], $0xffff;
	v26 =	vor.u32 $0x14, v10;
	[tilespmem:v27+s13+$0x0] =	vst.idx.msk $0xffff, v17  }
0xc8: {  	v28 =	vor.u32 $0x4, v3;
	v16 =	vld.idx.msk [tilespmem:v16+s4+$0x0], $0xffff;
	v17 =	vor.u32 $0x14, v11;
	[tilespmem:v31+s13+$0x0] =	vst.idx.msk $0xffff, v18  }
0xc9: {  	v27 =	vor.u32 $0x15, v13;
	v19 =	vld.idx.msk [tilespmem:v19+s4+$0x0], $0xffff;
	[tilespmem:v42+s13+$0x0] =	vst.idx.msk $0xffff, v29  }
0xca: {  	v18 =	vor.u32 $0x15, v9;
	v21 =	vld.idx.msk [tilespmem:v43+s4+$0x0], $0xffff;
	[tilespmem:v44+s13+$0x0] =	vst.idx.msk $0xffff, v30  }
0xcb: {  	v29 =	vor.u32 $0x4, v1;
	v31 =	vld.idx.msk [tilespmem:v45+s4+$0x0], $0xffff;
	[tilespmem:v24+s13+$0x0] =	vst.idx.msk $0xffff, v20  }
0xcc: {  	v46 =	vor.u32 $0x5, v2;
	v30 =	vor.u32 $0x17, v0;
	v25 =	vld.idx.msk [tilespmem:v25+s4+$0x0], $0xffff;
	[tilespmem:v26+s13+$0x0] =	vst.idx.msk $0xffff, v41  }
0xcd: {  	v47 =	vor.u32 $0x4, v7;
	v20 =	vor.u32 $0x18, v14;
	v49 =	vld.idx.msk [tilespmem:v28+s4+$0x0], $0xffff;
	[tilespmem:v17+s13+$0x0] =	vst.idx.msk $0xffff, v15  }
0xce: {  	v48 =	vor.u32 $0x5, v5;
	v24 =	vor.u32 $0x4, v8;
	v15 =	vld.idx.msk [tilespmem:v27+s4+$0x0], $0xffff  }
0xcf: {  	s0 =	simm.s32 $0x2748;
	v26 =	vor.u32 $0x4, v6;
	v28 =	vor.u32 $0x5, v4;
	v18 =	vld.idx.msk [tilespmem:v18+s4+$0x0], $0xffff  }
0xd0: {  	v17 =	vor.u32 $0x14, v36;
	v27 =	vor.u32 $0x5, v3;
	[tilespmem:v29+s13+$0x0] =	vst.idx.msk $0xffff, v19;
	v35 =	vld [tilespmem:s0+$0xFFFFFFF0]  }
0xd1: {  	v19 =	vor.u32 $0x15, v12;
	v29 =	vor.u32 $0x15, v10;
	v22 =	vld.idx.msk [tilespmem:v46+s4+$0x0], $0xffff;
	[tilespmem:v30+s13+$0x0] =	vst.idx.msk $0xffff, v21  }
0xd2: {  	v50 =	vor.u32 $0x16, v13;
	[tilespmem:v47+s13+$0x0] =	vst.idx.msk $0xffff, v31;
	v30 =	vor.u32 $0x5, v1;
	v20 =	vld.idx.msk [tilespmem:v20+s4+$0x0], $0xffff  }
0xd3: {  	v31 =	vld.idx.msk [tilespmem:v48+s4+$0x0], $0xffff;
	[tilespmem:v24+s13+$0x0] =	vst.idx.msk $0xffff, v25;
	v24 =	vor.u32 $0x6, v2;
	v25 =	vor.u32 $0x18, v0  }
0xd4: {  	v52 =	vor.u32 $0x19, v14;
	v51 =	vor.u32 $0x5, v7;
	v28 =	vld.idx.msk [tilespmem:v28+s4+$0x0], $0xffff;
	[tilespmem:v26+s13+$0x0] =	vst.idx.msk $0xffff, v49  }
0xd5: {  	v53 =	vor.u32 $0x6, v5;
	v26 =	vor.u32 $0x5, v8;
	[tilespmem:v17+s13+$0x0] =	vst.idx.msk $0xffff, v16;
	v16 =	vld.idx.msk [tilespmem:v27+s4+$0x0], $0xffff  }
0xd6: {  	v17 =	vor.u32 $0x5, v6;
	v27 =	vor.u32 $0x6, v4;
	[tilespmem:v29+s13+$0x0] =	vst.idx.msk $0xffff, v15;
	v15 =	vld.idx.msk [tilespmem:v19+s4+$0x0], $0xffff  }
0xd7: {  	v19 =	vor.u32 $0x15, v11;
	v29 =	vor.u32 $0x6, v3;
	[tilespmem:v30+s13+$0x0] =	vst.idx.msk $0xffff, v22;
	v21 =	vld.idx.msk [tilespmem:v50+s4+$0x0], $0xffff  }
0xd8: {  	v54 =	vor.u32 $0x15, v36;
	v30 =	vor.u32 $0x16, v9;
	v24 =	vld.idx.msk [tilespmem:v24+s4+$0x0], $0xffff;
	[tilespmem:v25+s13+$0x0] =	vst.idx.msk $0xffff, v20  }
0xd9: {  	v20 =	vor.u32 $0x16, v12;
	[tilespmem:v51+s13+$0x0] =	vst.idx.msk $0xffff, v31;
	v25 =	vor.u32 $0x6, v1;
	v23 =	vld.idx.msk [tilespmem:v52+s4+$0x0], $0xffff  }
0xda: {  	v55 =	vor.u32 $0x6, v7;
	v31 =	vld.idx.msk [tilespmem:v53+s4+$0x0], $0xffff;
	[tilespmem:v26+s13+$0x0] =	vst.idx.msk $0xffff, v28;
	v26 =	vor.u32 $0x7, v2  }
0xdb: {  	v56 =	vor.u32 $0x7, v5;
	v28 =	vor.u32 $0x19, v0;
	v27 =	vld.idx.msk [tilespmem:v27+s4+$0x0], $0xffff;
	[tilespmem:v17+s13+$0x0] =	vst.idx.msk $0xffff, v16  }
0xdc: {  	v16 =	vor.u32 $0x1A, v14;
	v17 =	vor.u32 $0x6, v8;
	[tilespmem:v19+s13+$0x0] =	vst.idx.msk $0xffff, v18;
	v18 =	vld.idx.msk [tilespmem:v29+s4+$0x0], $0xffff  }
0xdd: {  	v19 =	vor.u32 $0x6, v6;
	[tilespmem:v54+s13+$0x0] =	vst.idx.msk $0xffff, v15;
	v29 =	vor.u32 $0x7, v4;
	v15 =	vld.idx.msk [tilespmem:v30+s4+$0x0], $0xffff  }
0xde: {  	v57 =	vor.u32 $0x16, v10;
	v30 =	vor.u32 $0x7, v3;
	[tilespmem:v25+s13+$0x0] =	vst.idx.msk $0xffff, v24;
	v20 =	vld.idx.msk [tilespmem:v20+s4+$0x0], $0xffff  }
0xdf: {  	v24 =	vor.u32 $0x16, v11;
	v25 =	vor.u32 $0x17, v13;
	v26 =	vld.idx.msk [tilespmem:v26+s4+$0x0], $0xffff;
	[tilespmem:v55+s13+$0x0] =	vst.idx.msk $0xffff, v31  }
0xe0: {  	v58 =	vor.u32 $0x17, v9;
	[tilespmem:v28+s13+$0x0] =	vst.idx.msk $0xffff, v23;
	v28 =	vor.u32 $0x7, v1;
	v31 =	vld.idx.msk [tilespmem:v56+s4+$0x0], $0xffff  }
0xe1: {  	v59 =	vor.u32 $0x7, v7;
	v16 =	vld.idx.msk [tilespmem:v16+s4+$0x0], $0xffff;
	[tilespmem:v17+s13+$0x0] =	vst.idx.msk $0xffff, v27;
	v17 =	vor.u32 $0x8, v2  }
0xe2: {  	v60 =	vor.u32 $0x8, v5;
	v27 =	vor.u32 $0x1A, v0;
	v29 =	vld.idx.msk [tilespmem:v29+s4+$0x0], $0xffff;
	[tilespmem:v19+s13+$0x0] =	vst.idx.msk $0xffff, v18  }
0xe3: {  	[tilespmem:v57+s13+$0x0] =	vst.idx.msk $0xffff, v21;
	v18 =	vor.u32 $0x1B, v14;
	v19 =	vor.u32 $0x7, v8;
	v61 =	vld.idx.msk [tilespmem:v30+s4+$0x0], $0xffff  }
0xe4: {  	v62 =	vor.u32 $0x8, v4;
	v30 =	vor.u32 $0x7, v6;
	[tilespmem:v24+s13+$0x0] =	vst.idx.msk $0xffff, v15;
	v15 =	vld.idx.msk [tilespmem:v25+s4+$0x0], $0xffff  }
0xe5: {  	v24 =	vor.u32 $0x16, v36;
	v25 =	vor.u32 $0x8, v3;
	[tilespmem:v28+s13+$0x0] =	vst.idx.msk $0xffff, v26;
	v23 =	vld.idx.msk [tilespmem:v58+s4+$0x0], $0xffff  }
0xe6: {  	v26 =	vor.u32 $0x17, v12;
	v28 =	vor.u32 $0x17, v10;
	[tilespmem:v59+s13+$0x0] =	vst.idx.msk $0xffff, v31;
	v17 =	vld.idx.msk [tilespmem:v17+s4+$0x0], $0xffff  }
0xe7: {  	[tilespmem:v27+s13+$0x0] =	vst.idx.msk $0xffff, v16;
	v16 =	vor.u32 $0x18, v13;
	v27 =	vor.u32 $0x8, v1;
	v31 =	vld.idx.msk [tilespmem:v60+s4+$0x0], $0xffff  }
0xe8: {  	v63 =	vor.u32 $0x8, v7;
	v18 =	vld.idx.msk [tilespmem:v18+s4+$0x0], $0xffff;
	[tilespmem:v19+s13+$0x0] =	vst.idx.msk $0xffff, v29;
	v19 =	vor.u32 $0x9, v2  }
0xe9: {  	v39 =	vor.u32 $0x9, v5;
	v29 =	vor.u32 $0x1B, v0;
	v22 =	vld.idx.msk [tilespmem:v62+s4+$0x0], $0xffff;
	[tilespmem:v30+s13+$0x0] =	vst.idx.msk $0xffff, v61  }
0xea: {  	v38 =	vor.u32 $0x1C, v14;
	v30 =	vor.u32 $0x8, v8;
	[tilespmem:v24+s13+$0x0] =	vst.idx.msk $0xffff, v20;
	v20 =	vld.idx.msk [tilespmem:v25+s4+$0x0], $0xffff  }
0xeb: {  	v24 =	vor.u32 $0x9, v4;
	v25 =	vor.u32 $0x8, v6;
	[tilespmem:v28+s13+$0x0] =	vst.idx.msk $0xffff, v15;
	v15 =	vld.idx.msk [tilespmem:v26+s4+$0x0], $0xffff  }
0xec: {  	v26 =	vor.u32 $0x17, v11;
	v28 =	vor.u32 $0x9, v3;
	[tilespmem:v27+s13+$0x0] =	vst.idx.msk $0xffff, v17;
	v16 =	vld.idx.msk [tilespmem:v16+s4+$0x0], $0xffff  }
0xed: {  	v17 =	vor.u32 $0x17, v36;
	v27 =	vor.u32 $0x18, v9;
	[tilespmem:v63+s13+$0x0] =	vst.idx.msk $0xffff, v31;
	v19 =	vld.idx.msk [tilespmem:v19+s4+$0x0], $0xffff  }
0xee: {  	[tilespmem:v29+s13+$0x0] =	vst.idx.msk $0xffff, v18;
	v18 =	vor.u32 $0x18, v12;
	v29 =	vor.u32 $0x9, v1;
	v31 =	vld.idx.msk [tilespmem:v39+s4+$0x0], $0xffff  }
0xef: {  	v40 =	vor.u32 $0xA, v2;
	v41 =	vor.u32 $0x9, v7;
	v21 =	vld.idx.msk [tilespmem:v38+s4+$0x0], $0xffff;
	[tilespmem:v30+s13+$0x0] =	vst.idx.msk $0xffff, v22  }
0xf0: {  	v42 =	vor.u32 $0xA, v5;
	v30 =	vor.u32 $0x1C, v0;
	v24 =	vld.idx.msk [tilespmem:v24+s4+$0x0], $0xffff;
	[tilespmem:v25+s13+$0x0] =	vst.idx.msk $0xffff, v20  }
0xf1: {  	v20 =	vor.u32 $0x1D, v14;
	v25 =	vor.u32 $0x9, v8;
	[tilespmem:v26+s13+$0x0] =	vst.idx.msk $0xffff, v23;
	v43 =	vld.idx.msk [tilespmem:v28+s4+$0x0], $0xffff  }
0xf2: {  	v26 =	vor.u32 $0x9, v6;
	v28 =	vor.u32 $0xA, v4;
	[tilespmem:v17+s13+$0x0] =	vst.idx.msk $0xffff, v15;
	v15 =	vld.idx.msk [tilespmem:v27+s4+$0x0], $0xffff  }
0xf3: {  	v17 =	vor.u32 $0x18, v10;
	v27 =	vor.u32 $0xA, v3;
	[tilespmem:v29+s13+$0x0] =	vst.idx.msk $0xffff, v19;
	v18 =	vld.idx.msk [tilespmem:v18+s4+$0x0], $0xffff  }
0xf4: {  	v19 =	vor.u32 $0x18, v11;
	v29 =	vor.u32 $0x19, v13;
	[tilespmem:v41+s13+$0x0] =	vst.idx.msk $0xffff, v31;
	v22 =	vld.idx.msk [tilespmem:v40+s4+$0x0], $0xffff  }
0xf5: {  	v44 =	vor.u32 $0x19, v9;
	[tilespmem:v30+s13+$0x0] =	vst.idx.msk $0xffff, v21;
	v30 =	vor.u32 $0xA, v1;
	v31 =	vld.idx.msk [tilespmem:v42+s4+$0x0], $0xffff  }
0xf6: {  	v45 =	vor.u32 $0xA, v7;
	v20 =	vld.idx.msk [tilespmem:v20+s4+$0x0], $0xffff;
	[tilespmem:v25+s13+$0x0] =	vst.idx.msk $0xffff, v24  }
0xf7: {  	v24 =	vor.u32 $0xB, v2;
	v25 =	vor.u32 $0x1D, v0;
	v28 =	vld.idx.msk [tilespmem:v28+s4+$0x0], $0xffff;
	[tilespmem:v26+s13+$0x0] =	vst.idx.msk $0xffff, v43  }
0xf8: {  	v46 =	vor.u32 $0x1E, v14;
	v47 =	vor.u32 $0xA, v8;
	[tilespmem:v17+s13+$0x0] =	vst.idx.msk $0xffff, v16;
	v16 =	vld.idx.msk [tilespmem:v27+s4+$0x0], $0xffff  }
0xf9: {  	v26 =	vor.u32 $0xB, v5;
	v17 =	vor.u32 $0xA, v6;
	[tilespmem:v19+s13+$0x0] =	vst.idx.msk $0xffff, v15;
	v15 =	vld.idx.msk [tilespmem:v29+s4+$0x0], $0xffff  }
0xfa: {  	v27 =	vor.u32 $0xB, v4;
	v19 =	vor.u32 $0x18, v36;
	[tilespmem:v30+s13+$0x0] =	vst.idx.msk $0xffff, v22;
	v21 =	vld.idx.msk [tilespmem:v44+s4+$0x0], $0xffff  }
0xfb: {  	v48 =	vor.u32 $0x19, v10;
	v29 =	vor.u32 $0xB, v3;
	[tilespmem:v45+s13+$0x0] =	vst.idx.msk $0xffff, v31;
	v45 =	vld [tilespmem:s0+$0xFFFFFFE0]  }
0xfc: {  	v30 =	vor.u32 $0x19, v12;
	v24 =	vld.idx.msk [tilespmem:v24+s4+$0x0], $0xffff;
	[tilespmem:v25+s13+$0x0] =	vst.idx.msk $0xffff, v20;
	v25 =	vor.u32 $0xB, v1  }
0xfd: {  	v31 =	vor.u32 $0x1E, v0;
	v20 =	vor.u32 $0x1A, v13;
	v23 =	vld.idx.msk [tilespmem:v46+s4+$0x0], $0xffff;
	[tilespmem:v47+s13+$0x0] =	vst.idx.msk $0xffff, v28  }
0xfe: {  	v49 =	vor.u32 $0xB, v7;
	v26 =	vld.idx.msk [tilespmem:v26+s4+$0x0], $0xffff;
	v28 =	vor.u32 $0xC, v2;
	[tilespmem:v17+s13+$0x0] =	vst.idx.msk $0xffff, v16  }
0xff: {  	v50 =	vor.u32 $0x19, v11;
	v14 =	vor.u32 $0x1F, v14;
	v27 =	vld.idx.msk [tilespmem:v27+s4+$0x0], $0xffff;
	[tilespmem:v19+s13+$0x0] =	vst.idx.msk $0xffff, v18  }
0x100: {  	v16 =	vor.u32 $0xC, v5;
	v17 =	vor.u32 $0xB, v8;
	v18 =	vld.idx.msk [tilespmem:v29+s4+$0x0], $0xffff;
	[tilespmem:v48+s13+$0x0] =	vst.idx.msk $0xffff, v15  }
0x101: {  	v19 =	vor.u32 $0xB, v6;
	v29 =	vor.u32 $0xC, v4;
	v15 =	vld.idx.msk [tilespmem:v30+s4+$0x0], $0xffff;
	[tilespmem:v25+s13+$0x0] =	vst.idx.msk $0xffff, v24  }
0x102: {  	v30 =	vor.u32 $0xC, v3;
	v20 =	vld.idx.msk [tilespmem:v20+s4+$0x0], $0xffff;
	v25 =	vor.u32 $0x19, v36;
	[tilespmem:v31+s13+$0x0] =	vst.idx.msk $0xffff, v23  }
0x103: {  	v24 =	vor.u32 $0x1A, v9;
	v28 =	vld.idx.msk [tilespmem:v28+s4+$0x0], $0xffff;
	[tilespmem:v49+s13+$0x0] =	vst.idx.msk $0xffff, v26;
	v26 =	vor.u32 $0xC, v1  }
0x104: {  	v51 =	vor.u32 $0x1A, v12;
	[tilespmem:v50+s13+$0x0] =	vst.idx.msk $0xffff, v21;
	v31 =	vor.u32 $0x1A, v10;
	v14 =	vld.idx.msk [tilespmem:v14+s4+$0x0], $0xffff  }
0x105: {  	v52 =	vor.u32 $0xC, v7;
	v16 =	vld.idx.msk [tilespmem:v16+s4+$0x0], $0xffff;
	[tilespmem:v17+s13+$0x0] =	vst.idx.msk $0xffff, v27;
	v17 =	vor.u32 $0xD, v2  }
0x106: {  	v27 =	vor.u32 $0x1B, v13;
	v29 =	vld.idx.msk [tilespmem:v29+s4+$0x0], $0xffff;
	[tilespmem:v19+s13+$0x0] =	vst.idx.msk $0xffff, v18;
	v18 =	vor.u32 $0xC, v8  }
0x107: {  	v54 =	vor.u32 $0xC, v6;
	v19 =	vor.u32 $0xD, v5;
	v53 =	vld.idx.msk [tilespmem:v30+s4+$0x0], $0xffff;
	[tilespmem:v25+s13+$0x0] =	vst.idx.msk $0xffff, v15  }
0x108: {  	v30 =	vor.u32 $0xD, v4;
	v15 =	vld.idx.msk [tilespmem:v24+s4+$0x0], $0xffff;
	v24 =	vor.u32 $0x1A, v11;
	[tilespmem:v26+s13+$0x0] =	vst.idx.msk $0xffff, v28  }
0x109: {  	v25 =	vor.u32 $0xD, v3;
	v23 =	vld.idx.msk [tilespmem:v51+s4+$0x0], $0xffff;
	v26 =	vor.u32 $0x1A, v36;
	[tilespmem:v31+s13+$0x0] =	vst.idx.msk $0xffff, v20  }
0x10a: {  	v28 =	vor.u32 $0x1B, v9;
	v17 =	vld.idx.msk [tilespmem:v17+s4+$0x0], $0xffff;
	[tilespmem:v52+s13+$0x0] =	vst.idx.msk $0xffff, v16;
	v16 =	vor.u32 $0xD, v1  }
0x10b: {  	v20 =	vor.u32 $0x1B, v12;
	v31 =	vor.u32 $0x1B, v10;
	v27 =	vld.idx.msk [tilespmem:v27+s4+$0x0], $0xffff;
	[tilespmem:v18+s13+$0x0] =	vst.idx.msk $0xffff, v29  }
0x10c: {  	v55 =	vor.u32 $0xD, v7;
	v19 =	vld.idx.msk [tilespmem:v19+s4+$0x0], $0xffff;
	v18 =	vor.u32 $0xE, v2;
	[tilespmem:v54+s13+$0x0] =	vst.idx.msk $0xffff, v53  }
0x10d: {  	v56 =	vor.u32 $0xD, v8;
	v29 =	vor.u32 $0x1C, v13;
	v30 =	vld.idx.msk [tilespmem:v30+s4+$0x0], $0xffff;
	[tilespmem:v24+s13+$0x0] =	vst.idx.msk $0xffff, v15  }
0x10e: {  	v57 =	vor.u32 $0xE, v5;
	v25 =	vld.idx.msk [tilespmem:v25+s4+$0x0], $0xffff;
	v15 =	vor.u32 $0xD, v6;
	[tilespmem:v26+s13+$0x0] =	vst.idx.msk $0xffff, v23  }
0x10f: {  	v58 =	vor.u32 $0x1B, v11;
	v24 =	vor.u32 $0xE, v4;
	v28 =	vld.idx.msk [tilespmem:v28+s4+$0x0], $0xffff;
	[tilespmem:v16+s13+$0x0] =	vst.idx.msk $0xffff, v17  }
0x110: {  	v26 =	vor.u32 $0xE, v3;
	v16 =	vld.idx.msk [tilespmem:v20+s4+$0x0], $0xffff;
	v17 =	vor.u32 $0x1B, v36;
	[tilespmem:v31+s13+$0x0] =	vst.idx.msk $0xffff, v27  }
0x111: {  	v20 =	vor.u32 $0x1C, v9;
	v18 =	vld.idx.msk [tilespmem:v18+s4+$0x0], $0xffff;
	[tilespmem:v55+s13+$0x0] =	vst.idx.msk $0xffff, v19;
	v19 =	vor.u32 $0xE, v1  }
0x112: {  	v27 =	vor.u32 $0x1C, v12;
	v31 =	vor.u32 $0x1C, v10;
	v29 =	vld.idx.msk [tilespmem:v29+s4+$0x0], $0xffff;
	[tilespmem:v56+s13+$0x0] =	vst.idx.msk $0xffff, v30  }
0x113: {  	v59 =	vor.u32 $0xF, v2;
	v60 =	vor.u32 $0xE, v7;
	v22 =	vld.idx.msk [tilespmem:v57+s4+$0x0], $0xffff;
	[tilespmem:v15+s13+$0x0] =	vst.idx.msk $0xffff, v25  }
0x114: {  	v30 =	vor.u32 $0x1D, v13;
	v24 =	vld.idx.msk [tilespmem:v24+s4+$0x0], $0xffff;
	v15 =	vor.u32 $0xE, v8;
	[tilespmem:v58+s13+$0x0] =	vst.idx.msk $0xffff, v28  }
0x115: {  	v61 =	vor.u32 $0xE, v6;
	v25 =	vor.u32 $0xF, v5;
	v26 =	vld.idx.msk [tilespmem:v26+s4+$0x0], $0xffff;
	[tilespmem:v17+s13+$0x0] =	vst.idx.msk $0xffff, v16  }
0x116: {  	v28 =	vor.u32 $0xF, v4;
	v20 =	vld.idx.msk [tilespmem:v20+s4+$0x0], $0xffff;
	v16 =	vor.u32 $0x1C, v11;
	[tilespmem:v19+s13+$0x0] =	vst.idx.msk $0xffff, v18  }
0x117: {  	v17 =	vor.u32 $0xF, v3;
	v18 =	vld.idx.msk [tilespmem:v27+s4+$0x0], $0xffff;
	v19 =	vor.u32 $0x1C, v36;
	[tilespmem:v31+s13+$0x0] =	vst.idx.msk $0xffff, v29  }
0x118: {  	v62 =	vor.u32 $0xF, v1;
	v27 =	vor.u32 $0x1D, v9;
	v21 =	vld.idx.msk [tilespmem:v59+s4+$0x0], $0xffff;
	[tilespmem:v60+s13+$0x0] =	vst.idx.msk $0xffff, v22  }
0x119: {  	v29 =	vor.u32 $0x1D, v12;
	v31 =	vor.u32 $0x1D, v10;
	v30 =	vld.idx.msk [tilespmem:v30+s4+$0x0], $0xffff;
	[tilespmem:v15+s13+$0x0] =	vst.idx.msk $0xffff, v24  }
0x11a: {  	v63 =	vor.u32 $0xF, v7;
	v25 =	vld.idx.msk [tilespmem:v25+s4+$0x0], $0xffff;
	v15 =	vor.u32 $0x10, v2;
	[tilespmem:v61+s13+$0x0] =	vst.idx.msk $0xffff, v26  }
0x11b: {  	v24 =	vor.u32 $0x1E, v13;
	v28 =	vld.idx.msk [tilespmem:v28+s4+$0x0], $0xffff;
	[tilespmem:v16+s13+$0x0] =	vst.idx.msk $0xffff, v20  }
0x11c: {  	v38 =	vor.u32 $0xF, v8;
	v26 =	vor.u32 $0x10, v5;
	v17 =	vld.idx.msk [tilespmem:v17+s4+$0x0], $0xffff;
	[tilespmem:v19+s13+$0x0] =	vst.idx.msk $0xffff, v18  }
0x11d: {  	v16 =	vor.u32 $0x10, v4;
	v20 =	vor.u32 $0xF, v6;
	v27 =	vld.idx.msk [tilespmem:v27+s4+$0x0], $0xffff;
	[tilespmem:v62+s13+$0x0] =	vst.idx.msk $0xffff, v21  }
0x11e: {  	v40 =	vor.u32 $0x1D, v36;
	v19 =	vor.u32 $0x10, v3;
	v39 =	vld.idx.msk [tilespmem:v29+s4+$0x0], $0xffff;
	[tilespmem:v31+s13+$0x0] =	vst.idx.msk $0xffff, v30  }
0x11f: {  	v30 =	vor.u32 $0x1E, v12;
	v15 =	vld.idx.msk [tilespmem:v15+s4+$0x0], $0xffff;
	[tilespmem:v63+s13+$0x0] =	vst.idx.msk $0xffff, v25;
	v25 =	vor.u32 $0x10, v1  }
0x120: {  	v41 =	vor.u32 $0x11, v2;
	v18 =	vor.u32 $0x1D, v11;
	v24 =	vld.idx.msk [tilespmem:v24+s4+$0x0], $0xffff  }
0x121: {  	v29 =	vor.u32 $0x1E, v9;
	v26 =	vld.idx.msk [tilespmem:v26+s4+$0x0], $0xffff;
	[tilespmem:v38+s13+$0x0] =	vst.idx.msk $0xffff, v28  }
0x122: {  	v31 =	vor.u32 $0x1E, v10;
	v16 =	vld.idx.msk [tilespmem:v16+s4+$0x0], $0xffff;
	[tilespmem:v20+s13+$0x0] =	vst.idx.msk $0xffff, v17  }
0x123: {  	v28 =	vor.u32 $0x10, v7;
	v19 =	vld.idx.msk [tilespmem:v19+s4+$0x0], $0xffff;
	[tilespmem:v40+s13+$0x0] =	vst.idx.msk $0xffff, v39  }
0x124: {  	v34 =	vor.u32 $0x1E, v36;
	v17 =	vor.u32 $0x11, v5;
	[tilespmem:v25+s13+$0x0] =	vst.idx.msk $0xffff, v15;
	v15 =	vld.idx.msk [tilespmem:v30+s4+$0x0], $0xffff  }
0x125: {  	v42 =	vor.u32 $0x11, v1;
	v13 =	vor.u32 $0x1F, v13;
	[tilespmem:v18+s13+$0x0] =	vst.idx.msk $0xffff, v27;
	v20 =	vld.idx.msk [tilespmem:v41+s4+$0x0], $0xffff  }
0x126: {  	v43 =	vor.u32 $0x10, v8;
	v12 =	vor.u32 $0x1F, v12;
	v18 =	vld.idx.msk [tilespmem:v29+s4+$0x0], $0xffff  }
0x127: {  	v44 =	vor.u32 $0x12, v2;
	v29 =	vld [tilespmem:s0+$0xFFFFFFD0];
	[tilespmem:v31+s13+$0x0] =	vst.idx.msk $0xffff, v24;
	v25 =	vor.u32 $0x10, v6  }
0x128: {  	v24 =	vor.u32 $0x11, v4;
	v30 =	vor.u32 $0x1E, v11;
	[tilespmem:v28+s13+$0x0] =	vst.idx.msk $0xffff, v26;
	v26 =	vld [tilespmem:s0+$0x0]  }
0x129: {  	v9 =	vor.u32 $0x1F, v9;
	v27 =	vor.u32 $0x11, v7;
	v17 =	vld.idx.msk [tilespmem:v17+s4+$0x0], $0xffff;
	[tilespmem:v34+s13+$0x0] =	vst.idx.msk $0xffff, v15  }
0x12a: {  	v13 =	vld.idx.msk [tilespmem:v13+s4+$0x0], $0xffff;
	v28 =	vor.u32 $0x11, v3;
	[tilespmem:v42+s13+$0x0] =	vst.idx.msk $0xffff, v20;
	v20 =	vor.u32 $0x1F, v0  }
0x12b: {  	v31 =	vor.u32 $0x12, v5;
	[tilespmem:v43+s13+$0x0] =	vst.idx.msk $0xffff, v16;
	v12 =	vld.idx.msk [tilespmem:v12+s4+$0x0], $0xffff  }
0x12c: {  	v46 =	vor.u32 $0x12, v1;
	[tilespmem:v25+s13+$0x0] =	vst.idx.msk $0xffff, v19;
	v16 =	vld.idx.msk [tilespmem:v44+s4+$0x0], $0xffff  }
0x12d: {  	v47 =	vor.u32 $0x1F, v10;
	v19 =	vld.idx.msk [tilespmem:v24+s4+$0x0], $0xffff;
	[tilespmem:v30+s13+$0x0] =	vst.idx.msk $0xffff, v18;
	v51 =	vshll.u32 v26, $0x5  }
0x12e: {  	v48 =	vor.u32 $0x13, v2;
	v24 =	vor.u32 $0x1F, v11;
	v11 =	vor.u32 $0x11, v8;
	v15 =	vld.idx.msk [tilespmem:v9+s4+$0x0], $0xffff;
	[tilespmem:v27+s13+$0x0] =	vst.idx.msk $0xffff, v17  }
0x12f: {  	s24 =	simm.s32 $0xB0;
	v10 =	vshll.u32 v29, $0x5;
	v29 =	vor.u32 $0x13, v1;
	v25 =	vor.u32 $0x11, v6;
	v17 =	vld.idx.msk [tilespmem:v28+s4+$0x0], $0xffff;
	[tilespmem:v20+s13+$0x0] =	vst.idx.msk $0xffff, v14  }
0x130: {  	v0 =	vshll.u32 v45, $0x5;
	v27 =	vor.u32 $0x12, v7;
	v18 =	vld.idx.msk [tilespmem:v31+s4+$0x0], $0xffff;
	v14 =	vmov s24;
	[tilespmem:$0x1FA40] =	vst v12  }
0x131: {  	s3 =	simm.s32 $0x80;
	v26 =	vor.u32 $0x12, v4;
	v9 =	vshll.u32 v35, $0x5;
	v14 =	vshll.u32 v14, $0x5;
	[tilespmem:v46+s13+$0x0] =	vst.idx.msk $0xffff, v16  }
0x132: {  	s26 =	simm.s32 $0x90;
	v49 =	vor.u32 $0x1, v51;
	v20 =	vmov s3;
	v28 =	vld.idx.msk [tilespmem:v51+s4+$0x0], $0xffff;
	[tilespmem:v47+s13+$0x0] =	vst.idx.msk $0xffff, v13;
	v34 =	vor.u32 v37, v14  }
0x133: {  	s8 =	simm.s32 $0xA0;
	v12 =	vor.u32 $0x12, v3;
	v13 =	vmov s26;
	v16 =	vshll.u32 v20, $0x5;
	[tilespmem:v11+s13+$0x0] =	vst.idx.msk $0xffff, v19;
	v14 =	vld.idx.msk [tilespmem:v48+s4+$0x0], $0xffff  }
0x134: {  	v20 =	vmov s8;
	v19 =	vld.idx.msk [tilespmem:v10+s4+$0x0], $0xffff;
	[tilespmem:v25+s13+$0x0] =	vst.idx.msk $0xffff, v17;
	v13 =	vshll.u32 v13, $0x5;
	v11 =	vor.u32 v37, v16  }
0x135: {  	v17 =	vor.u32 $0x14, v2;
	[tilespmem:v27+s13+$0x0] =	vst.idx.msk $0xffff, v18;
	v16 =	vld.idx.msk [tilespmem:v0+s4+$0x0], $0xffff;
	v20 =	vshll.u32 v20, $0x5;
	v13 =	vor.u32 v37, v13  }
0x136: {  	v50 =	vor.u32 $0x1, v10;
	v18 =	vld.idx.msk [tilespmem:v9+s4+$0x0], $0xffff;
	[tilespmem:v24+s13+$0x0] =	vst.idx.msk $0xffff, v15;
	v22 =	vor.u32 v37, v20  }
0x137: {  	v25 =	vor.u32 $0x1, v0;
	v15 =	vor.u32 $0x12, v8;
	v20 =	vld.idx.msk [tilespmem:v26+s4+$0x0], $0xffff;
	[tilespmem:v34+s13+$0x0] =	vst.idx.msk $0xffff, v28  }
0x138: {  	v24 =	vor.u32 $0x1, v9;
	v27 =	vor.u32 $0x12, v6;
	v12 =	vld.idx.msk [tilespmem:v12+s4+$0x0], $0xffff;
	[tilespmem:v29+s13+$0x0] =	vst.idx.msk $0xffff, v14  }
0x139: {  	v26 =	vor.u32 $0x13, v5;
	v21 =	vld.idx.msk [tilespmem:v49+s4+$0x0], $0xffff;
	[tilespmem:v11+s13+$0x0] =	vst.idx.msk $0xffff, v19;
	v19 =	vor.u32 $0x1, v34  }
0x13a: {  	v52 =	vor.u32 $0x14, v1;
	v14 =	vor.u32 $0x13, v4;
	v17 =	vld.idx.msk [tilespmem:v17+s4+$0x0], $0xffff;
	[tilespmem:v13+s13+$0x0] =	vst.idx.msk $0xffff, v16  }
0x13b: {  	v28 =	vor.u32 $0x1, v11;
	v31 =	vld.idx.msk [tilespmem:v50+s4+$0x0], $0xffff;
	v16 =	vor.u32 $0x2, v51;
	[tilespmem:v22+s13+$0x0] =	vst.idx.msk $0xffff, v18  }
0x13c: {  	v30 =	vor.u32 $0x1, v13;
	v18 =	vor.u32 $0x15, v2;
	[tilespmem:v15+s13+$0x0] =	vst.idx.msk $0xffff, v20;
	v25 =	vld.idx.msk [tilespmem:v25+s4+$0x0], $0xffff  }
0x13d: {  	v29 =	vor.u32 $0x2, v10;
	v20 =	vor.u32 $0x1, v22;
	v24 =	vld.idx.msk [tilespmem:v24+s4+$0x0], $0xffff;
	[tilespmem:v27+s13+$0x0] =	vst.idx.msk $0xffff, v12  }
0x13e: {  	v15 =	vor.u32 $0x2, v0;
	v26 =	vld.idx.msk [tilespmem:v26+s4+$0x0], $0xffff;
	v12 =	vor.u32 $0x13, v7;
	[tilespmem:v19+s13+$0x0] =	vst.idx.msk $0xffff, v21  }
0x13f: {  	v53 =	vor.u32 $0x13, v8;
	v27 =	vor.u32 $0x2, v9;
	v14 =	vld.idx.msk [tilespmem:v14+s4+$0x0], $0xffff;
	[tilespmem:v52+s13+$0x0] =	vst.idx.msk $0xffff, v17  }
0x140: {  	v19 =	vor.u32 $0x13, v3;
	v16 =	vld.idx.msk [tilespmem:v16+s4+$0x0], $0xffff;
	[tilespmem:v28+s13+$0x0] =	vst.idx.msk $0xffff, v31;
	v31 =	vor.u32 $0x2, v34  }
0x141: {  	v17 =	vor.u32 $0x14, v5;
	v28 =	vor.u32 $0x15, v1;
	v18 =	vld.idx.msk [tilespmem:v18+s4+$0x0], $0xffff;
	[tilespmem:v30+s13+$0x0] =	vst.idx.msk $0xffff, v25  }
0x142: {  	v54 =	vld.idx.msk [tilespmem:v29+s4+$0x0], $0xffff;
	v25 =	vor.u32 $0x3, v51;
	v29 =	vor.u32 $0x2, v11;
	[tilespmem:v20+s13+$0x0] =	vst.idx.msk $0xffff, v24  }
0x143: {  	v20 =	vor.u32 $0x16, v2;
	v30 =	vor.u32 $0x2, v13;
	v15 =	vld.idx.msk [tilespmem:v15+s4+$0x0], $0xffff;
	[tilespmem:v12+s13+$0x0] =	vst.idx.msk $0xffff, v26  }
0x144: {  	v24 =	vor.u32 $0x3, v10;
	v27 =	vld.idx.msk [tilespmem:v27+s4+$0x0], $0xffff;
	v12 =	vor.u32 $0x2, v22;
	[tilespmem:v53+s13+$0x0] =	vst.idx.msk $0xffff, v14  }
0x145: {  	v26 =	vor.u32 $0x3, v0;
	v14 =	vld.idx.msk [tilespmem:v19+s4+$0x0], $0xffff;
	v19 =	vor.u32 $0x13, v6;
	[tilespmem:v31+s13+$0x0] =	vst.idx.msk $0xffff, v16  }
0x146: {  	v55 =	vor.u32 $0x3, v9;
	v16 =	vld.idx.msk [tilespmem:v17+s4+$0x0], $0xffff;
	v17 =	vor.u32 $0x14, v7;
	[tilespmem:v28+s13+$0x0] =	vst.idx.msk $0xffff, v18  }
0x147: {  	v56 =	vor.u32 $0x3, v34;
	v31 =	vor.u32 $0x14, v4;
	v25 =	vld.idx.msk [tilespmem:v25+s4+$0x0], $0xffff;
	[tilespmem:v29+s13+$0x0] =	vst.idx.msk $0xffff, v54  }
0x148: {  	v18 =	vor.u32 $0x14, v3;
	v28 =	vor.u32 $0x16, v1;
	v20 =	vld.idx.msk [tilespmem:v20+s4+$0x0], $0xffff;
	[tilespmem:v30+s13+$0x0] =	vst.idx.msk $0xffff, v15  }
0x149: {  	v29 =	vor.u32 $0x3, v11;
	v24 =	vld.idx.msk [tilespmem:v24+s4+$0x0], $0xffff;
	v15 =	vor.u32 $0x4, v51;
	[tilespmem:v12+s13+$0x0] =	vst.idx.msk $0xffff, v27  }
0x14a: {  	v12 =	vor.u32 $0x17, v2;
	v27 =	vor.u32 $0x3, v13;
	v26 =	vld.idx.msk [tilespmem:v26+s4+$0x0], $0xffff;
	[tilespmem:v19+s13+$0x0] =	vst.idx.msk $0xffff, v14  }
0x14b: {  	v30 =	vor.u32 $0x4, v10;
	v21 =	vld.idx.msk [tilespmem:v55+s4+$0x0], $0xffff;
	v14 =	vor.u32 $0x3, v22;
	[tilespmem:v17+s13+$0x0] =	vst.idx.msk $0xffff, v16  }
0x14c: {  	v19 =	vor.u32 $0x4, v0;
	v16 =	vld.idx.msk [tilespmem:v31+s4+$0x0], $0xffff;
	[tilespmem:v56+s13+$0x0] =	vst.idx.msk $0xffff, v25  }
0x14d: {  	v17 =	vor.u32 $0x14, v8;
	v18 =	vld.idx.msk [tilespmem:v18+s4+$0x0], $0xffff;
	[tilespmem:v28+s13+$0x0] =	vst.idx.msk $0xffff, v20  }
0x14e: {  	v57 =	vor.u32 $0x14, v6;
	v31 =	vor.u32 $0x4, v9;
	v15 =	vld.idx.msk [tilespmem:v15+s4+$0x0], $0xffff;
	[tilespmem:v29+s13+$0x0] =	vst.idx.msk $0xffff, v24  }
0x14f: {  	v25 =	vor.u32 $0x15, v5;
	v24 =	vor.u32 $0x4, v34;
	v12 =	vld.idx.msk [tilespmem:v12+s4+$0x0], $0xffff;
	[tilespmem:v27+s13+$0x0] =	vst.idx.msk $0xffff, v26  }
0x150: {  	v58 =	vor.u32 $0x1F, v36;
	v20 =	vor.u32 $0x15, v4;
	v28 =	vld.idx.msk [tilespmem:v30+s4+$0x0], $0xffff;
	v27 =	vor.u32 $0x17, v1;
	[tilespmem:v14+s13+$0x0] =	vst.idx.msk $0xffff, v21  }
0x151: {  	v29 =	vor.u32 $0x4, v11;
	v26 =	vor.u32 $0x5, v51;
	v19 =	vld.idx.msk [tilespmem:v19+s4+$0x0], $0xffff;
	[tilespmem:$0x1FA50] =	vst v58  }
0x152: {  	v59 =	vor.u32 $0x4, v13;
	v14 =	vor.u32 $0x18, v2;
	[tilespmem:v17+s13+$0x0] =	vst.idx.msk $0xffff, v16  }
0x153: {  	v30 =	vor.u32 $0x5, v10;
	v60 =	vld.idx.msk [tilespmem:v31+s4+$0x0], $0xffff;
	v17 =	vor.u32 $0x4, v22;
	[tilespmem:v57+s13+$0x0] =	vst.idx.msk $0xffff, v18  }
0x154: {  	v31 =	vor.u32 $0x5, v0;
	v25 =	vld.idx.msk [tilespmem:v25+s4+$0x0], $0xffff;
	v18 =	vor.u32 $0x15, v7;
	[tilespmem:v24+s13+$0x0] =	vst.idx.msk $0xffff, v15  }
0x155: {  	v61 =	vor.u32 $0x15, v8;
	v62 =	vor.u32 $0x5, v9;
	v15 =	vld.idx.msk [tilespmem:v20+s4+$0x0], $0xffff;
	[tilespmem:v27+s13+$0x0] =	vst.idx.msk $0xffff, v12  }
0x156: {  	v16 =	vor.u32 $0x15, v3;
	v26 =	vld.idx.msk [tilespmem:v26+s4+$0x0], $0xffff;
	[tilespmem:v29+s13+$0x0] =	vst.idx.msk $0xffff, v28;
	v28 =	vor.u32 $0x5, v34  }
0x157: {  	v63 =	vor.u32 $0x18, v1;
	v24 =	vor.u32 $0x16, v5;
	v14 =	vld.idx.msk [tilespmem:v14+s4+$0x0], $0xffff;
	[tilespmem:v59+s13+$0x0] =	vst.idx.msk $0xffff, v19  }
0x158: {  	v42 =	vor.u32 $0x5, v11;
	v30 =	vld.idx.msk [tilespmem:v30+s4+$0x0], $0xffff;
	v19 =	vor.u32 $0x6, v51;
	[tilespmem:v17+s13+$0x0] =	vst.idx.msk $0xffff, v60  }
0x159: {  	v58 =	vor.u32 $0x5, v13;
	v31 =	vld.idx.msk [tilespmem:v31+s4+$0x0], $0xffff;
	v17 =	vor.u32 $0x19, v2;
	[tilespmem:v18+s13+$0x0] =	vst.idx.msk $0xffff, v25  }
0x15a: {  	v38 =	vor.u32 $0x6, v10;
	v25 =	vor.u32 $0x5, v22;
	v32 =	vld.idx.msk [tilespmem:v62+s4+$0x0], $0xffff;
	[tilespmem:v61+s13+$0x0] =	vst.idx.msk $0xffff, v15  }
0x15b: {  	v39 =	vor.u32 $0x6, v0;
	v20 =	vor.u32 $0x15, v6;
	v15 =	vld.idx.msk [tilespmem:v16+s4+$0x0], $0xffff;
	[tilespmem:v28+s13+$0x0] =	vst.idx.msk $0xffff, v26  }
0x15c: {  	v35 =	vor.u32 $0x16, v4;
	v27 =	vor.u32 $0x16, v7;
	v60 =	vld.idx.msk [tilespmem:v24+s4+$0x0], $0xffff;
	[tilespmem:v63+s13+$0x0] =	vst.idx.msk $0xffff, v14  }
0x15d: {  	v16 =	vor.u32 $0x6, v9;
	v19 =	vld.idx.msk [tilespmem:v19+s4+$0x0], $0xffff;
	[tilespmem:v42+s13+$0x0] =	vst.idx.msk $0xffff, v30;
	v14 =	vor.u32 $0x6, v34  }
0x15e: {  	v12 =	vor.u32 $0x16, v3;
	v30 =	vor.u32 $0x19, v1;
	v17 =	vld.idx.msk [tilespmem:v17+s4+$0x0], $0xffff;
	[tilespmem:v58+s13+$0x0] =	vst.idx.msk $0xffff, v31  }
0x15f: {  	v28 =	vor.u32 $0x7, v51;
	v61 =	vld.idx.msk [tilespmem:v38+s4+$0x0], $0xffff;
	v31 =	vor.u32 $0x6, v11;
	[tilespmem:v25+s13+$0x0] =	vst.idx.msk $0xffff, v32  }
0x160: {  	v59 =	vor.u32 $0x17, v5;
	v62 =	vor.u32 $0x6, v13;
	v37 =	vld.idx.msk [tilespmem:v39+s4+$0x0], $0xffff;
	[tilespmem:v20+s13+$0x0] =	vst.idx.msk $0xffff, v15  }
0x161: {  	v29 =	vor.u32 $0x16, v8;
	v25 =	vor.u32 $0x1A, v2;
	[tilespmem:v27+s13+$0x0] =	vst.idx.msk $0xffff, v60;
	v27 =	vld.idx.msk [tilespmem:v35+s4+$0x0], $0xffff  }
0x162: {  	v46 =	vor.u32 $0x7, v10;
	v15 =	vor.u32 $0x6, v22;
	v16 =	vld.idx.msk [tilespmem:v16+s4+$0x0], $0xffff;
	[tilespmem:v14+s13+$0x0] =	vst.idx.msk $0xffff, v19  }
0x163: {  	v43 =	vor.u32 $0x16, v6;
	v20 =	vor.u32 $0x7, v0;
	v12 =	vld.idx.msk [tilespmem:v12+s4+$0x0], $0xffff;
	[tilespmem:v30+s13+$0x0] =	vst.idx.msk $0xffff, v17  }
0x164: {  	v54 =	vor.u32 $0x7, v9;
	v14 =	vld.idx.msk [tilespmem:v28+s4+$0x0], $0xffff;
	[tilespmem:v31+s13+$0x0] =	vst.idx.msk $0xffff, v61;
	v17 =	vor.u32 $0x7, v34  }
0x165: {  	v18 =	vor.u32 $0x17, v4;
	v59 =	vld.idx.msk [tilespmem:v59+s4+$0x0], $0xffff;
	[tilespmem:v62+s13+$0x0] =	vst.idx.msk $0xffff, v37  }
0x166: {  	v63 =	vor.u32 $0x1A, v1;
	v19 =	vld.idx.msk [tilespmem:v25+s4+$0x0], $0xffff;
	[tilespmem:v29+s13+$0x0] =	vst.idx.msk $0xffff, v27  }
0x167: {  	v60 =	vor.u32 $0x7, v11;
	v46 =	vld.idx.msk [tilespmem:v46+s4+$0x0], $0xffff;
	v25 =	vor.u32 $0x8, v51;
	[tilespmem:v15+s13+$0x0] =	vst.idx.msk $0xffff, v16  }
0x168: {  	v20 =	vld.idx.msk [tilespmem:v20+s4+$0x0], $0xffff;
	v15 =	vor.u32 $0x1B, v2;
	v16 =	vor.u32 $0x7, v13;
	[tilespmem:v43+s13+$0x0] =	vst.idx.msk $0xffff, v12  }
0x169: {  	v56 =	vor.u32 $0x8, v10;
	v58 =	vor.u32 $0x7, v22;
	v54 =	vld.idx.msk [tilespmem:v54+s4+$0x0], $0xffff;
	[tilespmem:v17+s13+$0x0] =	vst.idx.msk $0xffff, v14;
	v17 =	vor.u32 $0x1C, v7  }
0x16a: {  	v48 =	vor.u32 $0x17, v7;
	v12 =	vor.u32 $0x8, v9;
	v14 =	vld.idx.msk [tilespmem:v18+s4+$0x0], $0xffff;
	[tilespmem:$0x1FCA0] =	vst v17  }
0x16b: {  	v23 =	vor.u32 $0x1A, v3;
	v57 =	vor.u32 $0x8, v0;
	[tilespmem:v63+s13+$0x0] =	vst.idx.msk $0xffff, v19  }
0x16c: {  	v36 =	vor.u32 $0x18, v8;
	v40 =	vor.u32 $0x19, v8;
	v26 =	vor.u32 $0x17, v8;
	v43 =	vld.idx.msk [tilespmem:v25+s4+$0x0], $0xffff;
	[tilespmem:v60+s13+$0x0] =	vst.idx.msk $0xffff, v46  }
0x16d: {  	v41 =	vor.u32 $0x19, v3;
	v47 =	vor.u32 $0x17, v3;
	v32 =	vor.u32 $0x8, v34;
	[tilespmem:v16+s13+$0x0] =	vst.idx.msk $0xffff, v20;
	v15 =	vld.idx.msk [tilespmem:v15+s4+$0x0], $0xffff  }
0x16e: {  	v45 =	vor.u32 $0x19, v4;
	v50 =	vor.u32 $0x18, v5;
	v60 =	vor.u32 $0x1B, v1;
	v33 =	vld.idx.msk [tilespmem:v56+s4+$0x0], $0xffff;
	[tilespmem:v58+s13+$0x0] =	vst.idx.msk $0xffff, v54  }
0x16f: {  	v61 =	vor.u32 $0x8, v11;
	[tilespmem:v48+s13+$0x0] =	vst.idx.msk $0xffff, v59;
	v56 =	vor.u32 $0x9, v51;
	v63 =	vld.idx.msk [tilespmem:v12+s4+$0x0], $0xffff;
	v12 =	vor.u32 $0x1D, v3  }
0x170: {  	v44 =	vor.u32 $0x19, v5;
	v49 =	vor.u32 $0x17, v6;
	v57 =	vld.idx.msk [tilespmem:v57+s4+$0x0], $0xffff;
	v54 =	vor.u32 $0x1C, v2;
	[tilespmem:$0x1FD00] =	vst v12  }
0x171: {  	v52 =	vor.u32 $0x18, v7;
	v53 =	vor.u32 $0x18, v3;
	v58 =	vor.u32 $0x8, v13;
	[tilespmem:v26+s13+$0x0] =	vst.idx.msk $0xffff, v14  }
0x172: {  	v55 =	vor.u32 $0x18, v4;
	v21 =	vor.u32 $0x1B, v4;
	v42 =	vor.u32 $0x19, v7;
	v47 =	vld.idx.msk [tilespmem:v47+s4+$0x0], $0xffff;
	[tilespmem:v32+s13+$0x0] =	vst.idx.msk $0xffff, v43  }
0x173: {  	v38 =	vor.u32 $0x1A, v7;
	v39 =	vor.u32 $0x1A, v5;
	v59 =	vor.u32 $0x8, v22;
	v32 =	vld.idx.msk [tilespmem:v50+s4+$0x0], $0xffff;
	[tilespmem:v60+s13+$0x0] =	vst.idx.msk $0xffff, v15  }
0x174: {  	v35 =	vor.u32 $0x1A, v4;
	v62 =	vor.u32 $0x9, v10;
	v56 =	vld.idx.msk [tilespmem:v56+s4+$0x0], $0xffff;
	[tilespmem:v61+s13+$0x0] =	vst.idx.msk $0xffff, v33;
	v15 =	vor.u32 $0x1E, v8  }
0x175: {  	v37 =	vor.u32 $0x1B, v5;
	v29 =	vor.u32 $0x1C, v5;
	v46 =	vor.u32 $0x1D, v5;
	v54 =	vld.idx.msk [tilespmem:v54+s4+$0x0], $0xffff;
	[tilespmem:$0x1FA60] =	vst v15  }
0x176: {  	v48 =	vor.u32 $0x9, v0;
	v60 =	vor.u32 $0x1E, v5;
	v5 =	vor.u32 $0x1F, v5;
	[tilespmem:v58+s13+$0x0] =	vst.idx.msk $0xffff, v57  }
0x177: {  	v28 =	vor.u32 $0x1B, v7;
	v18 =	vor.u32 $0x1C, v4;
	v16 =	vor.u32 $0x1D, v4;
	[tilespmem:$0x1FDE0] =	vst v5  }
0x178: {  	v12 =	vor.u32 $0x9, v9;
	v14 =	vor.u32 $0x1E, v4;
	v4 =	vor.u32 $0x1F, v4;
	[tilespmem:v59+s13+$0x0] =	vst.idx.msk $0xffff, v63  }
0x179: {  	v30 =	vor.u32 $0x1A, v8;
	v31 =	vor.u32 $0x1B, v3;
	v33 =	vor.u32 $0x9, v34;
	v57 =	vld.idx.msk [tilespmem:v62+s4+$0x0], $0xffff;
	[tilespmem:$0x1FA70] =	vst v4  }
0x17a: {  	v17 =	vor.u32 $0x1C, v3;
	v43 =	vor.u32 $0x1E, v3;
	v3 =	vor.u32 $0x1F, v3;
	[tilespmem:v49+s13+$0x0] =	vst.idx.msk $0xffff, v47  }
0x17b: {  	v19 =	vor.u32 $0x1D, v7;
	v50 =	vor.u32 $0x1E, v7;
	v61 =	vor.u32 $0x1C, v1;
	v48 =	vld.idx.msk [tilespmem:v48+s4+$0x0], $0xffff;
	[tilespmem:$0x1FA80] =	vst v3  }
0x17c: {  	v7 =	vor.u32 $0x1F, v7;
	v5 =	vor.u32 $0xA, v51;
	v4 =	vor.u32 $0x9, v11;
	[tilespmem:v52+s13+$0x0] =	vst.idx.msk $0xffff, v32  }
0x17d: {  	v27 =	vor.u32 $0x1B, v8;
	v20 =	vor.u32 $0x1C, v8;
	v62 =	vor.u32 $0x1D, v2;
	v3 =	vld.idx.msk [tilespmem:v12+s4+$0x0], $0xffff;
	[tilespmem:$0x1FA90] =	vst v7  }
0x17e: {  	v26 =	vor.u32 $0x1D, v8;
	v8 =	vor.u32 $0x1F, v8;
	v12 =	vor.u32 $0x9, v13;
	[tilespmem:v33+s13+$0x0] =	vst.idx.msk $0xffff, v56  }
0x17f: {  	v7 =	vld.idx.msk [tilespmem:v55+s4+$0x0], $0xffff;
	[tilespmem:$0x1FAA0] =	vst v8  }
0x180: {  	v24 =	vor.u32 $0x18, v6;
	v15 =	vor.u32 $0x1E, v6;
	v63 =	vor.u32 $0xA, v10;
	v55 =	vld.idx.msk [tilespmem:v53+s4+$0x0], $0xffff;
	[tilespmem:v61+s13+$0x0] =	vst.idx.msk $0xffff, v54  }
0x181: {  	v49 =	vor.u32 $0xA, v0;
	v32 =	vor.u32 $0x9, v22;
	v52 =	vor.u32 $0xA, v9;
	v54 =	vld.idx.msk [tilespmem:v5+s4+$0x0], $0xffff;
	[tilespmem:v4+s13+$0x0] =	vst.idx.msk $0xffff, v57  }
0x182: {  	v33 =	vor.u32 $0x1A, v6;
	v8 =	vor.u32 $0x1C, v6;
	v53 =	vor.u32 $0x19, v6;
	v61 =	vld.idx.msk [tilespmem:v62+s4+$0x0], $0xffff;
	[tilespmem:$0x1FAB0] =	vst v15  }
0x183: {  	v5 =	vor.u32 $0x1B, v6;
	v4 =	vor.u32 $0x1D, v6;
	v6 =	vor.u32 $0x1F, v6;
	[tilespmem:v12+s13+$0x0] =	vst.idx.msk $0xffff, v48  }
0x184: {  	v62 =	vor.u32 $0xA, v34;
	[tilespmem:$0x1FAC0] =	vst v6  }
0x185: {  	v12 =	vor.u32 $0xB, v51;
	v6 =	vld.idx.msk [tilespmem:v63+s4+$0x0], $0xffff;
	v63 =	vor.u32 $0x1D, v1  }
0x186: {  	v48 =	vor.u32 $0x1F, v2;
	[tilespmem:v32+s13+$0x0] =	vst.idx.msk $0xffff, v3;
	v32 =	vor.u32 $0x1E, v2;
	v2 =	vor.u32 $0xA, v11  }
0x187: {  	v3 =	vld.idx.msk [tilespmem:v49+s4+$0x0], $0xffff;
	[tilespmem:v36+s13+$0x0] =	vst.idx.msk $0xffff, v7;
	v49 =	vor.u32 $0xA, v13  }
0x188: {  	v36 =	vor.u32 $0xB, v10;
	v7 =	vld.idx.msk [tilespmem:v52+s4+$0x0], $0xffff;
	v52 =	vor.u32 $0xA, v22;
	[tilespmem:v24+s13+$0x0] =	vst.idx.msk $0xffff, v55  }
0x189: {  	v24 =	vld.idx.msk [tilespmem:v44+s4+$0x0], $0xffff;
	v55 =	vor.u32 $0xB, v0;
	[tilespmem:v62+s13+$0x0] =	vst.idx.msk $0xffff, v54  }
0x18a: {  	v45 =	vld.idx.msk [tilespmem:v45+s4+$0x0], $0xffff;
	[tilespmem:v63+s13+$0x0] =	vst.idx.msk $0xffff, v61  }
0x18b: {  	v12 =	vld.idx.msk [tilespmem:v12+s4+$0x0], $0xffff;
	[tilespmem:v2+s13+$0x0] =	vst.idx.msk $0xffff, v6  }
0x18c: {  	v58 =	vor.u32 $0xB, v9;
	[tilespmem:v49+s13+$0x0] =	vst.idx.msk $0xffff, v3;
	v32 =	vld.idx.msk [tilespmem:v32+s4+$0x0], $0xffff  }
0x18d: {  	v15 =	vor.u32 $0x12, v10;
	v3 =	vld.idx.msk [tilespmem:v36+s4+$0x0], $0xffff;
	[tilespmem:v52+s13+$0x0] =	vst.idx.msk $0xffff, v7  }
0x18e: {  	v55 =	vld.idx.msk [tilespmem:v55+s4+$0x0], $0xffff;
	[tilespmem:$0x1FAD0] =	vst v15;
	v15 =	vor.u32 $0x13, v10  }
0x18f: {  	[tilespmem:$0x1FAE0] =	vst v15  }
0x190: {  	v15 =	vor.u32 $0x14, v10;
	[tilespmem:v42+s13+$0x0] =	vst.idx.msk $0xffff, v24  }
0x191: {  	v24 =	vld.idx.msk [tilespmem:v58+s4+$0x0], $0xffff;
	[tilespmem:$0x1FAF0] =	vst v15;
	v15 =	vor.u32 $0x15, v10  }
0x192: {  	[tilespmem:$0x1FB00] =	vst v15;
	v15 =	vor.u32 $0x16, v10  }
0x193: {  	v63 =	vor.u32 $0xB, v34;
	[tilespmem:$0x1FB10] =	vst v15  }
0x194: {  	v15 =	vor.u32 $0x17, v10;
	[tilespmem:v40+s13+$0x0] =	vst.idx.msk $0xffff, v45  }
0x195: {  	v40 =	vld.idx.msk [tilespmem:v41+s4+$0x0], $0xffff;
	[tilespmem:$0x1FB20] =	vst v15;
	v15 =	vor.u32 $0x18, v10  }
0x196: {  	[tilespmem:$0x1FB30] =	vst v15;
	v15 =	vor.u32 $0x19, v10  }
0x197: {  	v49 =	vor.u32 $0x1E, v1;
	[tilespmem:$0x1FB40] =	vst v15  }
0x198: {  	v44 =	vor.u32 $0xB, v11;
	v36 =	vor.u32 $0xC, v51;
	v15 =	vor.u32 $0x1A, v10;
	[tilespmem:v63+s13+$0x0] =	vst.idx.msk $0xffff, v12  }
0x199: {  	v59 =	vor.u32 $0xB, v22;
	v57 =	vor.u32 $0xB, v13;
	v12 =	vld.idx.msk [tilespmem:v39+s4+$0x0], $0xffff;
	[tilespmem:$0x1FB50] =	vst v15;
	v15 =	vor.u32 $0x1B, v10  }
0x19a: {  	v47 =	vor.u32 $0xC, v0;
	v54 =	vor.u32 $0xC, v10;
	[tilespmem:$0x1FB60] =	vst v15;
	v15 =	vor.u32 $0x1C, v10  }
0x19b: {  	v56 =	vor.u32 $0xC, v9;
	v62 =	vor.u32 $0xE, v10;
	v61 =	vor.u32 $0xD, v10;
	[tilespmem:$0x1FB70] =	vst v15  }
0x19c: {  	v6 =	vor.u32 $0xF, v10;
	v2 =	vor.u32 $0x10, v10;
	v7 =	vor.u32 $0x11, v10;
	[tilespmem:v49+s13+$0x0] =	vst.idx.msk $0xffff, v32  }
0x19d: {  	v52 =	vor.u32 $0x1E, v10;
	v58 =	vor.u32 $0x1D, v10;
	v39 =	vor.u32 $0x1F, v10;
	v10 =	vld.idx.msk [tilespmem:v36+s4+$0x0], $0xffff;
	[tilespmem:v44+s13+$0x0] =	vst.idx.msk $0xffff, v3  }
0x19e: {  	[tilespmem:v57+s13+$0x0] =	vst.idx.msk $0xffff, v55;
	v3 =	vld.idx.msk [tilespmem:v48+s4+$0x0], $0xffff  }
0x19f: {  	[tilespmem:v59+s13+$0x0] =	vst.idx.msk $0xffff, v24;
	v41 =	vld.idx.msk [tilespmem:v54+s4+$0x0], $0xffff  }
0x1a0: {  	v15 =	vor.u32 $0x11, v0;
	[tilespmem:v53+s13+$0x0] =	vst.idx.msk $0xffff, v40;
	v24 =	vld.idx.msk [tilespmem:v47+s4+$0x0], $0xffff  }
0x1a1: {  	v25 =	vor.u32 $0xC, v34;
	v63 =	vld.idx.msk [tilespmem:v56+s4+$0x0], $0xffff;
	[tilespmem:$0x1FB80] =	vst v15  }
0x1a2: {  	v15 =	vor.u32 $0x12, v0;
	[tilespmem:v38+s13+$0x0] =	vst.idx.msk $0xffff, v12  }
0x1a3: {  	v12 =	vld.idx.msk [tilespmem:v35+s4+$0x0], $0xffff;
	[tilespmem:$0x1FB90] =	vst v15;
	v15 =	vor.u32 $0x13, v0  }
0x1a4: {  	[tilespmem:$0x1FBA0] =	vst v15;
	v15 =	vor.u32 $0x14, v0  }
0x1a5: {  	v32 =	vor.u32 $0x1F, v1;
	[tilespmem:$0x1FBB0] =	vst v15  }
0x1a6: {  	v57 =	vor.u32 $0xD, v51;
	v15 =	vor.u32 $0x15, v0;
	[tilespmem:v25+s13+$0x0] =	vst.idx.msk $0xffff, v10  }
0x1a7: {  	v10 =	vld.idx.msk [tilespmem:v23+s4+$0x0], $0xffff;
	[tilespmem:$0x1FBC0] =	vst v15;
	v15 =	vor.u32 $0x16, v0  }
0x1a8: {  	v36 =	vor.u32 $0xC, v11;
	[tilespmem:$0x1FBD0] =	vst v15;
	v15 =	vor.u32 $0x17, v0  }
0x1a9: {  	v42 =	vor.u32 $0xC, v13;
	[tilespmem:$0x1FBE0] =	vst v15  }
0x1aa: {  	v44 =	vor.u32 $0xC, v22;
	v15 =	vor.u32 $0x18, v0;
	[tilespmem:v32+s13+$0x0] =	vst.idx.msk $0xffff, v3  }
0x1ab: {  	v47 =	vor.u32 $0xD, v0;
	v3 =	vld.idx.msk [tilespmem:v57+s4+$0x0], $0xffff;
	[tilespmem:$0x1FBF0] =	vst v15;
	v15 =	vor.u32 $0x19, v0  }
0x1ac: {  	v48 =	vor.u32 $0xD, v9;
	[tilespmem:$0x1FC00] =	vst v15  }
0x1ad: {  	v32 =	vor.u32 $0xD, v34;
	[tilespmem:v36+s13+$0x0] =	vst.idx.msk $0xffff, v41  }
0x1ae: {  	v49 =	vor.u32 $0xE, v0;
	v53 =	vor.u32 $0xF, v0;
	v1 =	vor.u32 $0x10, v0;
	v23 =	vld.idx.msk [tilespmem:v37+s4+$0x0], $0xffff;
	[tilespmem:v42+s13+$0x0] =	vst.idx.msk $0xffff, v24  }
0x1af: {  	v55 =	vor.u32 $0x1B, v0;
	v56 =	vor.u32 $0x1A, v0;
	v54 =	vor.u32 $0x1C, v0;
	[tilespmem:v44+s13+$0x0] =	vst.idx.msk $0xffff, v63;
	v24 =	vld.idx.msk [tilespmem:v61+s4+$0x0], $0xffff  }
0x1b0: {  	v57 =	vor.u32 $0x1F, v0;
	v42 =	vor.u32 $0x1D, v0;
	v41 =	vor.u32 $0x1E, v0;
	[tilespmem:v30+s13+$0x0] =	vst.idx.msk $0xffff, v12;
	v0 =	vld.idx.msk [tilespmem:v47+s4+$0x0], $0xffff  }
0x1b1: {  	[tilespmem:v33+s13+$0x0] =	vst.idx.msk $0xffff, v10;
	v12 =	vld.idx.msk [tilespmem:v48+s4+$0x0], $0xffff  }
0x1b2: {  	v35 =	vor.u32 $0xE, v51;
	v10 =	vld.idx.msk [tilespmem:v21+s4+$0x0], $0xffff;
	[tilespmem:v32+s13+$0x0] =	vst.idx.msk $0xffff, v3;
	v3 =	vor.u32 $0x12, v9  }
0x1b3: {  	v31 =	vld.idx.msk [tilespmem:v31+s4+$0x0], $0xffff;
	[tilespmem:$0x1FC10] =	vst v3;
	v3 =	vor.u32 $0x13, v9  }
0x1b4: {  	[tilespmem:$0x1FC20] =	vst v3;
	v3 =	vor.u32 $0x14, v9  }
0x1b5: {  	v45 =	vor.u32 $0xD, v11;
	[tilespmem:$0x1FC30] =	vst v3  }
0x1b6: {  	v3 =	vor.u32 $0x15, v9;
	[tilespmem:v28+s13+$0x0] =	vst.idx.msk $0xffff, v23  }
0x1b7: {  	v47 =	vor.u32 $0xD, v13;
	v61 =	vld.idx.msk [tilespmem:v35+s4+$0x0], $0xffff;
	[tilespmem:$0x1FC40] =	vst v3;
	v3 =	vor.u32 $0x16, v9  }
0x1b8: {  	v30 =	vor.u32 $0xD, v22;
	[tilespmem:$0x1FC50] =	vst v3;
	v3 =	vor.u32 $0x17, v9  }
0x1b9: {  	[tilespmem:$0x1FC60] =	vst v3  }
0x1ba: {  	v48 =	vor.u32 $0xE, v9;
	v3 =	vor.u32 $0x18, v9;
	[tilespmem:v45+s13+$0x0] =	vst.idx.msk $0xffff, v24  }
0x1bb: {  	v28 =	vld.idx.msk [tilespmem:v29+s4+$0x0], $0xffff;
	[tilespmem:$0x1FC70] =	vst v3  }
0x1bc: {  	v59 =	vor.u32 $0x19, v9;
	v40 =	vor.u32 $0x1A, v9;
	v24 =	vor.u32 $0xE, v34;
	[tilespmem:v47+s13+$0x0] =	vst.idx.msk $0xffff, v0  }
0x1bd: {  	v15 =	vor.u32 $0x10, v9;
	v63 =	vor.u32 $0x11, v9;
	v37 =	vor.u32 $0x1B, v9;
	v0 =	vld.idx.msk [tilespmem:v62+s4+$0x0], $0xffff;
	[tilespmem:v30+s13+$0x0] =	vst.idx.msk $0xffff, v12  }
0x1be: {  	v36 =	vor.u32 $0x1C, v9;
	v33 =	vor.u32 $0x1D, v9;
	v21 =	vor.u32 $0xF, v9;
	[tilespmem:v27+s13+$0x0] =	vst.idx.msk $0xffff, v10;
	v12 =	vld.idx.msk [tilespmem:v49+s4+$0x0], $0xffff  }
0x1bf: {  	v32 =	vor.u32 $0x1E, v9;
	v3 =	vor.u32 $0x1F, v9;
	[tilespmem:v5+s13+$0x0] =	vst.idx.msk $0xffff, v31;
	v31 =	vor.u32 $0x11, v11;
	v9 =	vld.idx.msk [tilespmem:v48+s4+$0x0], $0xffff  }
0x1c0: {  	v5 =	vld.idx.msk [tilespmem:v18+s4+$0x0], $0xffff;
	[tilespmem:$0x1FC80] =	vst v31  }
0x1c1: {  	v35 =	vld.idx.msk [tilespmem:v17+s4+$0x0], $0xffff;
	v17 =	vor.u32 $0x14, v11;
	[tilespmem:v24+s13+$0x0] =	vst.idx.msk $0xffff, v61  }
0x1c2: {  	[tilespmem:$0x1FC90] =	vst v17;
	v17 =	vld [tilespmem:$0x1FCA0];
	_ =	sdelay $0x3  }
0x1c3: {  	v29 =	vor.u32 $0xF, v51;
	_ =	sdelay $0x2  }
0x1c4: {  	v25 =	vor.u32 $0xE, v11  }
0x1c5: {  	[tilespmem:v17+s13+$0x0] =	vst.idx.msk $0xffff, v28;
	v17 =	vor.u32 $0x15, v11  }
0x1c6: {  	v10 =	vor.u32 $0xE, v13;
	v28 =	vld.idx.msk [tilespmem:v29+s4+$0x0], $0xffff;
	[tilespmem:$0x1FCB0] =	vst v17;
	v17 =	vor.u32 $0x16, v11  }
0x1c7: {  	v27 =	vor.u32 $0xE, v22;
	[tilespmem:$0x1FCC0] =	vst v17;
	v17 =	vor.u32 $0x17, v11  }
0x1c8: {  	[tilespmem:$0x1FCD0] =	vst v17  }
0x1c9: {  	v17 =	vor.u32 $0x18, v11;
	[tilespmem:v25+s13+$0x0] =	vst.idx.msk $0xffff, v0  }
0x1ca: {  	v38 =	vor.u32 $0x1C, v11;
	v0 =	vld.idx.msk [tilespmem:v46+s4+$0x0], $0xffff;
	[tilespmem:$0x1FCE0] =	vst v17  }
0x1cb: {  	v45 =	vor.u32 $0x13, v11;
	v30 =	vor.u32 $0x10, v11;
	v17 =	vor.u32 $0xF, v34;
	[tilespmem:v10+s13+$0x0] =	vst.idx.msk $0xffff, v12  }
0x1cc: {  	v47 =	vor.u32 $0x1B, v11;
	v18 =	vor.u32 $0xF, v11;
	v31 =	vor.u32 $0x12, v11;
	v6 =	vld.idx.msk [tilespmem:v6+s4+$0x0], $0xffff;
	[tilespmem:v27+s13+$0x0] =	vst.idx.msk $0xffff, v9  }
0x1cd: {  	v48 =	vor.u32 $0x1A, v11;
	v61 =	vor.u32 $0x19, v11;
	v24 =	vor.u32 $0x1E, v11;
	[tilespmem:v20+s13+$0x0] =	vst.idx.msk $0xffff, v5;
	v9 =	vld.idx.msk [tilespmem:v53+s4+$0x0], $0xffff  }
0x1ce: {  	v25 =	vor.u32 $0x1D, v11;
	v5 =	vor.u32 $0x1F, v11;
	[tilespmem:v8+s13+$0x0] =	vst.idx.msk $0xffff, v35;
	v8 =	vor.u32 $0x11, v13;
	v11 =	vld.idx.msk [tilespmem:v21+s4+$0x0], $0xffff  }
0x1cf: {  	v21 =	vld.idx.msk [tilespmem:v16+s4+$0x0], $0xffff;
	[tilespmem:$0x1FCF0] =	vst v8  }
0x1d0: {  	[tilespmem:v17+s13+$0x0] =	vst.idx.msk $0xffff, v28  }
0x1d1: {  	v8 =	vld [tilespmem:$0x1FD00];
	_ =	sdelay $0x7  }
0x1d2: {  	v10 =	vor.u32 $0x10, v51;
	v17 =	vld.idx.msk [tilespmem:v8+s4+$0x0], $0xffff;
	v8 =	vor.u32 $0x13, v13  }
0x1d3: {  	[tilespmem:$0x1FD10] =	vst v8;
	v8 =	vor.u32 $0x14, v13  }
0x1d4: {  	[tilespmem:$0x1FD20] =	vst v8;
	v8 =	vor.u32 $0x15, v13  }
0x1d5: {  	[tilespmem:$0x1FD30] =	vst v8  }
0x1d6: {  	v12 =	vor.u32 $0xF, v13;
	v8 =	vor.u32 $0x16, v13;
	[tilespmem:v19+s13+$0x0] =	vst.idx.msk $0xffff, v0  }
0x1d7: {  	v20 =	vor.u32 $0xF, v22;
	v0 =	vld.idx.msk [tilespmem:v10+s4+$0x0], $0xffff;
	[tilespmem:$0x1FD40] =	vst v8;
	v8 =	vor.u32 $0x17, v13  }
0x1d8: {  	[tilespmem:$0x1FD50] =	vst v8;
	v8 =	vor.u32 $0x18, v13  }
0x1d9: {  	[tilespmem:$0x1FD60] =	vst v8  }
0x1da: {  	v23 =	vor.u32 $0x10, v13;
	[tilespmem:v18+s13+$0x0] =	vst.idx.msk $0xffff, v6  }
0x1db: {  	v62 =	vor.u32 $0x12, v13;
	v49 =	vor.u32 $0x1A, v13;
	v46 =	vor.u32 $0x1B, v13;
	v6 =	vld.idx.msk [tilespmem:v60+s4+$0x0], $0xffff;
	[tilespmem:v12+s13+$0x0] =	vst.idx.msk $0xffff, v9  }
0x1dc: {  	v35 =	vor.u32 $0x1C, v13;
	v27 =	vor.u32 $0x1D, v13;
	v53 =	vor.u32 $0x19, v13;
	[tilespmem:v20+s13+$0x0] =	vst.idx.msk $0xffff, v11;
	v12 =	vld.idx.msk [tilespmem:v2+s4+$0x0], $0xffff  }
0x1dd: {  	v16 =	vor.u32 $0x1E, v13;
	v8 =	vor.u32 $0x1F, v13;
	[tilespmem:v26+s13+$0x0] =	vst.idx.msk $0xffff, v21;
	v13 =	vld.idx.msk [tilespmem:v1+s4+$0x0], $0xffff;
	v1 =	vor.u32 $0x12, v22  }
0x1de: {  	v18 =	vor.u32 $0x10, v34;
	v10 =	vld.idx.msk [tilespmem:v15+s4+$0x0], $0xffff;
	[tilespmem:$0x1FD70] =	vst v1  }
0x1df: {  	[tilespmem:v4+s13+$0x0] =	vst.idx.msk $0xffff, v17;
	v4 =	vor.u32 $0x13, v22  }
0x1e0: {  	v1 =	vld.idx.msk [tilespmem:v14+s4+$0x0], $0xffff;
	[tilespmem:$0x1FD80] =	vst v4;
	v4 =	vor.u32 $0x14, v22  }
0x1e1: {  	[tilespmem:$0x1FD90] =	vst v4;
	v4 =	vor.u32 $0x15, v22  }
0x1e2: {  	[tilespmem:$0x1FDA0] =	vst v4  }
0x1e3: {  	v4 =	vor.u32 $0x16, v22;
	[tilespmem:v18+s13+$0x0] =	vst.idx.msk $0xffff, v0  }
0x1e4: {  	v0 =	vld.idx.msk [tilespmem:v43+s4+$0x0], $0xffff;
	[tilespmem:$0x1FDB0] =	vst v4;
	v4 =	vor.u32 $0x17, v22  }
0x1e5: {  	[tilespmem:$0x1FDC0] =	vst v4;
	v4 =	vor.u32 $0x18, v22  }
0x1e6: {  	[tilespmem:$0x1FDD0] =	vst v4  }
0x1e7: {  	[tilespmem:v50+s13+$0x0] =	vst.idx.msk $0xffff, v6  }
0x1e8: {  	s26 =	smul.u32 $0x19A, s23;
	[tilespmem:v30+s13+$0x0] =	vst.idx.msk $0xffff, v12  }
0x1e9: {  	v4 =	vld [tilespmem:$0x1FDE0]  }
0x1ea: {  	s25 =	sshrl.u32 s26, $0xA;
	v19 =	vor.u32 $0x11, v51  }
0x1eb: {  	s25 =	sand.u32 $0x3F, s25  }
0x1ec: {  	s29 =	sadd.s32 s25, s7  }
0x1ed: {  	s26 =	smulhi.u32 $0x15555556, s29  }
0x1ee: {  	s28 =	smul.u32 $0x5, s25;
	v44 =	vor.u32 $0x1B, v22;
	v29 =	vor.u32 $0x1E, v22  }
0x1ef: {  	s25 =	sshll.u32 s23, $0x1;
	s30 =	smul.u32 $0xC, s26;
	v9 =	vor.u32 $0x10, v22;
	v60 =	vor.u32 $0x19, v22;
	v2 =	vor.u32 $0x11, v22;
	v11 =	vld.idx.msk [tilespmem:v19+s4+$0x0], $0xffff  }
0x1f0: {  	s31 =	simm.s32 $0x2788;
	s28 =	ssub.s32 s25, s28;
	v50 =	vor.u32 $0x1A, v22;
	v30 =	vor.u32 $0x1C, v22;
	v19 =	vor.u32 $0x1D, v22;
	v7 =	vld.idx.msk [tilespmem:v7+s4+$0x0], $0xffff  }
0x1f1: {  	s28 =	sand.u32 $0xFF, s28;
	s29 =	ssub.s32 s29, s30;
	s30 =	simm.s32 $0x8;
	v6 =	vor.u32 $0x1F, v22;
	v12 =	vor.u32 $0x11, v34;
	[tilespmem:v23+s13+$0x0] =	vst.idx.msk $0xffff, v13;
	v13 =	vor.u32 $0x12, v51;
	v4 =	vld.idx.msk [tilespmem:v4+s4+$0x0], $0xffff  }
.LBB2_3:
0x1f2: {  	[tilespmem:$0x1F640] =	vst v53  }
0x1f3: {  	[tilespmem:$0x1F770] =	vst v55  }
0x1f4: {  	[tilespmem:$0x1F6C0] =	vst v60  }
0x1f5: {  	[tilespmem:$0x1F630] =	vst v61  }
0x1f6: {  	[tilespmem:$0x1F650] =	vst v59  }
0x1f7: {  	[tilespmem:$0x1F820] =	vst v54  }
0x1f8: {  	[tilespmem:$0x1F830] =	vst v44  }
0x1f9: {  	[tilespmem:$0x1F6D0] =	vst v48  }
0x1fa: {  	[tilespmem:$0x1F920] =	vst v33  }
0x1fb: {  	[tilespmem:$0x1F7A0] =	vst v47  }
0x1fc: {  	[tilespmem:$0x1F6E0] =	vst v56  }
0x1fd: {  	[tilespmem:$0x1F6F0] =	vst v40  }
0x1fe: {  	[tilespmem:$0x1F8F0] =	vst v42  }
0x1ff: {  	[tilespmem:$0x1F810] =	vst v46  }
0x200: {  	[tilespmem:$0x1F790] =	vst v37  }
0x201: {  	[tilespmem:$0x1F780] =	vst v50  }
0x202: {  	[tilespmem:$0x1F760] =	vst v49  }
0x203: {  	[tilespmem:$0x1F880] =	vst v58  }
0x204: {  	[tilespmem:$0x1F8E0] =	vst v35  }
0x205: {  	[tilespmem:$0x1F850] =	vst v36  }
0x206: {  	[tilespmem:$0x1F860] =	vst v38  }
0x207: {  	[tilespmem:$0x1F950] =	vst v52  }
0x208: {  	[tilespmem:$0x1F9E0] =	vst v32  }
0x209: {  	[tilespmem:$0x1F9C0] =	vst v41  }
0x20a: {  	[tilespmem:v9+s13+$0x0] =	vst.idx.msk $0xffff, v10;
	v10 =	vld [tilespmem:$0x1FA60];
	_ =	sdelay $0x7  }
0x20b: {  	[tilespmem:v10+s13+$0x0] =	vst.idx.msk $0xffff, v1;
	v1 =	vmov v16  }
0x20c: {  	[tilespmem:$0x1FA60] =	vst v1;
	v1 =	vld [tilespmem:$0x1FAB0];
	_ =	sdelay $0x7  }
0x20d: {  	[tilespmem:v1+s13+$0x0] =	vst.idx.msk $0xffff, v0;
	v1 =	vld [tilespmem:$0x1FA90];
	_ =	sdelay $0x5  }
0x20e: {  	v14 =	vld [tilespmem:s31+$0x0]  }
0x20f: {  	v9 =	vld [tilespmem:s31+$0xFFFFFFD0]  }
0x210: {  	[tilespmem:v1+s13+$0x0] =	vst.idx.msk $0xffff, v4;
	v4 =	vld [tilespmem:$0x1FC80];
	_ =	sdelay $0x3  }
0x211: {  	v1 =	vmov v5  }
0x212: {  	[tilespmem:$0x1FA90] =	vst v1;
	v1 =	vshll.u32 v14, $0x5;
	v14 =	vld [tilespmem:$0x1FA50];
	_ =	sdelay $0x2  }
0x213: {  	[tilespmem:v4+s13+$0x0] =	vst.idx.msk $0xffff, v7;
	v7 =	vld [tilespmem:$0x1FA40]  }
0x214: {  	v0 =	vmov v29  }
0x215: {  	[tilespmem:$0x1FAB0] =	vst v0;
	v0 =	vld [tilespmem:s31+$0xFFFFFFF0]  }
0x216: {  	v5 =	vshll.u32 v9, $0x5;
	v9 =	vld.idx.msk [tilespmem:v63+s4+$0x0], $0xffff  }
0x217: {  	v4 =	vld [tilespmem:$0x1FB80]  }
0x218: {  	[tilespmem:v14+s13+$0x0] =	vst.idx.msk $0xffff, v7;
	v14 =	vld [tilespmem:$0x1FAC0];
	v7 =	vmov v6  }
0x219: {  	[tilespmem:$0x1FAC0] =	vst v7;
	v7 =	vld [tilespmem:$0x1FAD0];
	_ =	sdelay $0x1  }
0x21a: {  	v20 =	vld [tilespmem:$0x1FA80]  }
0x21b: {  	[tilespmem:$0x1F9F0] =	vst v24;
	v10 =	vld [tilespmem:s31+$0xFFFFFFE0]  }
0x21c: {  	v24 =	vld [tilespmem:$0x1FFF0];
	[tilespmem:v12+s13+$0x0] =	vst.idx.msk $0xffff, v11  }
0x21d: {  	v11 =	vld.idx.msk [tilespmem:v13+s4+$0x0], $0xffff  }
0x21e: {  	v12 =	vld.idx.msk [tilespmem:v4+s4+$0x0], $0xffff;
	v4 =	vor.u32 $0x12, v34;
	_ =	sdelay $0x1  }
0x21f: {  	s24 =	sadd.s32 $0x40, s24;
	v6 =	vshll.u32 v10, $0x5;
	v10 =	vmov v57;
	v16 =	vld.idx.msk [tilespmem:v7+s4+$0x0], $0xffff  }
0x220: {  	v7 =	vshll.u32 v0, $0x5;
	v0 =	vld [tilespmem:$0x1FA70];
	[tilespmem:$0x1FA70] =	vst v10;
	v10 =	vmov s24  }
0x221: {  	v21 =	vld.idx.msk [tilespmem:v1+s4+$0x0], $0xffff;
	v10 =	vshll.u32 v10, $0x5  }
0x222: {  	[tilespmem:v4+s13+$0x0] =	vst.idx.msk $0xffff, v11;
	v4 =	vor.u32 v24, v10;
	v10 =	vld [tilespmem:$0x1FCF0]  }
0x223: {  	v20 =	vld.idx.msk [tilespmem:v20+s4+$0x0], $0xffff;
	_ =	sdelay $0x3  }
0x224: {  	[tilespmem:v2+s13+$0x0] =	vst.idx.msk $0xffff, v9  }
0x225: {  	s3 =	sadd.s32 $0xFFFFFFE0, s24;
	s8 =	sadd.s32 $0xFFFFFFF0, s24;
	[tilespmem:$0x1FA40] =	vst v20;
	v20 =	vmov v3  }
0x226: {  	[tilespmem:$0x1FA80] =	vst v20;
	v20 =	vmov s3;
	v11 =	vmov s8  }
0x227: {  	v9 =	vshll.u32 v11, $0x5;
	v0 =	vld.idx.msk [tilespmem:v0+s4+$0x0], $0xffff;
	[tilespmem:v10+s13+$0x0] =	vst.idx.msk $0xffff, v12;
	v12 =	vshll.u32 v20, $0x5  }
0x228: {  	v11 =	vor.u32 v24, v12;
	v12 =	vor.u32 v24, v9;
	v9 =	vld [tilespmem:$0x1FB90];
	_ =	sdelay $0x7  }
0x229: {  	[tilespmem:$0x1F900] =	vst v30;
	v13 =	vor.u32 $0x13, v51;
	v30 =	vld.idx.msk [tilespmem:v9+s4+$0x0], $0xffff  }
0x22a: {  	v9 =	vld [tilespmem:$0x1FAA0];
	_ =	sdelay $0x2  }
0x22b: {  	v20 =	vor.u32 $0x1, v1  }
0x22c: {  	s0 =	sadd.s32 $0xFFFFFFD0, s24;
	v2 =	vor.u32 $0x13, v34;
	v13 =	vld.idx.msk [tilespmem:v13+s4+$0x0], $0xffff  }
0x22d: {  	v3 =	vmov s0  }
0x22e: {  	v3 =	vshll.u32 v3, $0x5  }
0x22f: {  	[tilespmem:v4+s13+$0x0] =	vst.idx.msk $0xffff, v21;
	v10 =	vor.u32 v24, v3;
	v3 =	vld.idx.msk [tilespmem:v6+s4+$0x0], $0xffff  }
0x230: {  	[tilespmem:v9+s13+$0x0] =	vst.idx.msk $0xffff, v0;
	v0 =	vmov v8;
	v8 =	vld.idx.msk [tilespmem:v20+s4+$0x0], $0xffff  }
0x231: {  	[tilespmem:v2+s13+$0x0] =	vst.idx.msk $0xffff, v13;
	v2 =	vld [tilespmem:$0x1FAE0];
	_ =	sdelay $0x1  }
0x232: {  	v22 =	vld.idx.msk [tilespmem:v5+s4+$0x0], $0xffff;
	v17 =	vor.u32 $0x1, v6;
	_ =	sdelay $0x1  }
0x233: {  	[tilespmem:$0x1FAA0] =	vst v0;
	v0 =	vld [tilespmem:$0x1FC10]  }
0x234: {  	[tilespmem:v31+s13+$0x0] =	vst.idx.msk $0xffff, v16  }
0x235: {  	[tilespmem:v11+s13+$0x0] =	vst.idx.msk $0xffff, v3  }
0x236: {  	[tilespmem:v10+s13+$0x0] =	vst.idx.msk $0xffff, v22;
	v17 =	vld.idx.msk [tilespmem:v17+s4+$0x0], $0xffff  }
0x237: {  	[tilespmem:v62+s13+$0x0] =	vst.idx.msk $0xffff, v30;
	v30 =	vld.idx.msk [tilespmem:v2+s4+$0x0], $0xffff  }
0x238: {  	v2 =	vld [tilespmem:$0x1FD70]  }
0x239: {  	v23 =	vld.idx.msk [tilespmem:v7+s4+$0x0], $0xffff  }
0x23a: {  	v18 =	vor.u32 $0x1, v7  }
0x23b: {  	v0 =	vld.idx.msk [tilespmem:v0+s4+$0x0], $0xffff;
	_ =	sdelay $0x2  }
0x23c: {  	[tilespmem:v12+s13+$0x0] =	vst.idx.msk $0xffff, v23  }
0x23d: {  	v41 =	vld.idx.msk [tilespmem:v18+s4+$0x0], $0xffff  }
0x23e: {  	[tilespmem:v2+s13+$0x0] =	vst.idx.msk $0xffff, v0;
	v0 =	vld [tilespmem:$0x1FBA0];
	_ =	sdelay $0x1  }
0x23f: {  	v16 =	vor.u32 $0x14, v51  }
0x240: {  	v20 =	vor.u32 $0x1, v4;
	_ =	sdelay $0x3  }
0x241: {  	v16 =	vld.idx.msk [tilespmem:v16+s4+$0x0], $0xffff  }
0x242: {  	[tilespmem:v20+s13+$0x0] =	vst.idx.msk $0xffff, v8;
	v8 =	vld.idx.msk [tilespmem:v0+s4+$0x0], $0xffff  }
0x243: {  	v0 =	vld [tilespmem:$0x1FD10]  }
0x244: {  	[tilespmem:$0x1F9B0] =	vst v27;
	v27 =	vor.u32 $0x1, v11  }
0x245: {  	[tilespmem:$0x1F9D0] =	vst v19;
	v19 =	vor.u32 $0x2, v6;
	_ =	sdelay $0x3  }
0x246: {  	[tilespmem:v27+s13+$0x0] =	vst.idx.msk $0xffff, v17  }
0x247: {  	v33 =	vld.idx.msk [tilespmem:v19+s4+$0x0], $0xffff  }
0x248: {  	v14 =	vmov v14;
	[tilespmem:v0+s13+$0x0] =	vst.idx.msk $0xffff, v8;
	v0 =	vld [tilespmem:$0x1FC20]  }
0x249: {  	[tilespmem:$0x1FA50] =	vst v14;
	v14 =	vor.u32 $0x1, v5  }
0x24a: {  	v29 =	vor.u32 $0x1, v12;
	_ =	sdelay $0x3  }
0x24b: {  	v26 =	vor.u32 $0x1, v10;
	v14 =	vld.idx.msk [tilespmem:v14+s4+$0x0], $0xffff  }
0x24c: {  	v15 =	vor.u32 $0x2, v5;
	[tilespmem:v29+s13+$0x0] =	vst.idx.msk $0xffff, v41  }
0x24d: {  	v24 =	vld.idx.msk [tilespmem:v0+s4+$0x0], $0xffff  }
0x24e: {  	v0 =	vld [tilespmem:$0x1FAF0];
	_ =	sdelay $0x1  }
0x24f: {  	[tilespmem:v26+s13+$0x0] =	vst.idx.msk $0xffff, v14  }
0x250: {  	v28 =	vor.u32 $0x2, v10;
	v15 =	vld.idx.msk [tilespmem:v15+s4+$0x0], $0xffff;
	_ =	sdelay $0x2  }
0x251: {  	[tilespmem:$0x1F930] =	vst v25  }
0x252: {  	[tilespmem:v45+s13+$0x0] =	vst.idx.msk $0xffff, v30  }
0x253: {  	v25 =	vor.u32 $0x2, v7;
	v54 =	vld.idx.msk [tilespmem:v0+s4+$0x0], $0xffff;
	[tilespmem:v28+s13+$0x0] =	vst.idx.msk $0xffff, v15;
	v15 =	vor.u32 $0x9, v11  }
0x254: {  	[tilespmem:$0x1F5A0] =	vst v15;
	v15 =	vor.u32 $0x9, v12  }
0x255: {  	[tilespmem:$0x1F5B0] =	vst v15;
	v15 =	vor.u32 $0xA, v10  }
0x256: {  	[tilespmem:$0x1F5C0] =	vst v15;
	v15 =	vld [tilespmem:$0x1FD80];
	_ =	sdelay $0x1  }
0x257: {  	v49 =	vor.u32 $0x2, v12;
	v25 =	vld.idx.msk [tilespmem:v25+s4+$0x0], $0xffff  }
0x258: {  	v56 =	vor.u32 $0x3, v7;
	_ =	sdelay $0x3  }
0x259: {  	[tilespmem:v49+s13+$0x0] =	vst.idx.msk $0xffff, v25  }
0x25a: {  	v56 =	vld.idx.msk [tilespmem:v56+s4+$0x0], $0xffff;
	[tilespmem:v15+s13+$0x0] =	vst.idx.msk $0xffff, v24;
	v15 =	vor.u32 $0xB, v5  }
0x25b: {  	[tilespmem:$0x1F5D0] =	vst v15;
	v15 =	vor.u32 $0xA, v11  }
0x25c: {  	[tilespmem:$0x1F5E0] =	vst v15;
	v15 =	vor.u32 $0xA, v12  }
0x25d: {  	[tilespmem:$0x1F600] =	vst v15;
	v15 =	vld [tilespmem:$0x1FC90];
	_ =	sdelay $0x1  }
0x25e: {  	[tilespmem:$0x1FA10] =	vst v39;
	v39 =	vor.u32 $0x3, v5;
	_ =	sdelay $0x3  }
0x25f: {  	v0 =	vor.u32 $0x9, v10  }
0x260: {  	[tilespmem:$0x1F590] =	vst v0;
	v0 =	vld.idx.msk [tilespmem:v39+s4+$0x0], $0xffff  }
0x261: {  	[tilespmem:v15+s13+$0x0] =	vst.idx.msk $0xffff, v54;
	v15 =	vld [tilespmem:$0x1FBB0];
	_ =	sdelay $0x1  }
0x262: {  	v40 =	vor.u32 $0x2, v11;
	_ =	sdelay $0x4  }
0x263: {  	[tilespmem:v40+s13+$0x0] =	vst.idx.msk $0xffff, v33  }
0x264: {  	v24 =	vld.idx.msk [tilespmem:v15+s4+$0x0], $0xffff;
	v15 =	vor.u32 $0xB, v10  }
0x265: {  	[tilespmem:$0x1F660] =	vst v15;
	v15 =	vor.u32 $0xB, v6  }
0x266: {  	[tilespmem:$0x1F5F0] =	vst v15;
	v15 =	vor.u32 $0xB, v7  }
0x267: {  	[tilespmem:$0x1F620] =	vst v15;
	v15 =	vld [tilespmem:$0x1FC30];
	_ =	sdelay $0x1  }
0x268: {  	v3 =	vor.u32 $0x2, v1  }
0x269: {  	v21 =	vor.u32 $0x14, v34;
	_ =	sdelay $0x3  }
0x26a: {  	v3 =	vld.idx.msk [tilespmem:v3+s4+$0x0], $0xffff  }
0x26b: {  	[tilespmem:v21+s13+$0x0] =	vst.idx.msk $0xffff, v16;
	v54 =	vld.idx.msk [tilespmem:v15+s4+$0x0], $0xffff;
	v15 =	vor.u32 $0xC, v5  }
0x26c: {  	[tilespmem:$0x1F670] =	vst v15;
	v15 =	vor.u32 $0xB, v11  }
0x26d: {  	[tilespmem:$0x1F680] =	vst v15;
	v15 =	vor.u32 $0xB, v12  }
0x26e: {  	v31 =	vor.u32 $0x15, v51;
	[tilespmem:$0x1F6A0] =	vst v15;
	v15 =	vor.u32 $0xC, v10  }
0x26f: {  	[tilespmem:$0x1F700] =	vst v15;
	v15 =	vor.u32 $0xC, v11  }
0x270: {  	[tilespmem:$0x1F720] =	vst v15;
	v15 =	vor.u32 $0xC, v12  }
0x271: {  	v50 =	vor.u32 $0x3, v6;
	[tilespmem:$0x1F740] =	vst v15;
	v15 =	vor.u32 $0xD, v5  }
0x272: {  	[tilespmem:$0x1F710] =	vst v15;
	v15 =	vor.u32 $0xD, v6  }
0x273: {  	v16 =	vld.idx.msk [tilespmem:v31+s4+$0x0], $0xffff;
	v14 =	vor.u32 $0x2, v4;
	[tilespmem:$0x1F730] =	vst v15;
	v15 =	vor.u32 $0xD, v7  }
0x274: {  	v60 =	vor.u32 $0x3, v1;
	v62 =	vor.u32 $0x15, v34;
	[tilespmem:$0x1F750] =	vst v15;
	v15 =	vld [tilespmem:$0x1FD20]  }
0x275: {  	v38 =	vor.u32 $0x3, v10  }
0x276: {  	v59 =	vor.u32 $0x4, v5;
	v37 =	vor.u32 $0x3, v11;
	v50 =	vld.idx.msk [tilespmem:v50+s4+$0x0], $0xffff  }
0x277: {  	v61 =	vor.u32 $0x4, v6  }
0x278: {  	[tilespmem:v14+s13+$0x0] =	vst.idx.msk $0xffff, v3  }
0x279: {  	v60 =	vld.idx.msk [tilespmem:v60+s4+$0x0], $0xffff;
	[tilespmem:v62+s13+$0x0] =	vst.idx.msk $0xffff, v16;
	v29 =	vor.u32 $0x16, v51  }
0x27a: {  	[tilespmem:v38+s13+$0x0] =	vst.idx.msk $0xffff, v0  }
0x27b: {  	v49 =	vld.idx.msk [tilespmem:v59+s4+$0x0], $0xffff;
	[tilespmem:v37+s13+$0x0] =	vst.idx.msk $0xffff, v50  }
0x27c: {  	v59 =	vld.idx.msk [tilespmem:v61+s4+$0x0], $0xffff;
	[tilespmem:v15+s13+$0x0] =	vst.idx.msk $0xffff, v24;
	v15 =	vor.u32 $0xD, v10  }
0x27d: {  	v62 =	vor.u32 $0x3, v4;
	[tilespmem:$0x1F7B0] =	vst v15;
	v15 =	vor.u32 $0xD, v11  }
0x27e: {  	v63 =	vor.u32 $0x16, v34;
	v53 =	vld.idx.msk [tilespmem:v29+s4+$0x0], $0xffff;
	v33 =	vor.u32 $0x4, v1;
	[tilespmem:$0x1F7D0] =	vst v15;
	v15 =	vor.u32 $0xD, v12  }
0x27f: {  	[tilespmem:$0x1F7F0] =	vst v15;
	v15 =	vld [tilespmem:$0x1FB00];
	_ =	sdelay $0x1  }
0x280: {  	v39 =	vor.u32 $0x17, v51  }
0x281: {  	[tilespmem:v62+s13+$0x0] =	vst.idx.msk $0xffff, v60  }
0x282: {  	v33 =	vld.idx.msk [tilespmem:v33+s4+$0x0], $0xffff;
	[tilespmem:v63+s13+$0x0] =	vst.idx.msk $0xffff, v53;
	v0 =	vor.u32 $0xC, v6  }
0x283: {  	[tilespmem:$0x1F690] =	vst v0;
	v0 =	vor.u32 $0xC, v7  }
0x284: {  	[tilespmem:$0x1F6B0] =	vst v0;
	v0 =	vor.u32 $0x4, v4  }
0x285: {  	v36 =	vor.u32 $0x3, v12;
	v62 =	vor.u32 $0x5, v1;
	v38 =	vld.idx.msk [tilespmem:v39+s4+$0x0], $0xffff  }
0x286: {  	v48 =	vor.u32 $0x4, v7;
	v63 =	vor.u32 $0x17, v34;
	v24 =	vld.idx.msk [tilespmem:v15+s4+$0x0], $0xffff  }
0x287: {  	v13 =	vor.u32 $0x4, v10;
	v15 =	vld [tilespmem:$0x1FD90];
	_ =	sdelay $0x1  }
0x288: {  	[tilespmem:v0+s13+$0x0] =	vst.idx.msk $0xffff, v33  }
0x289: {  	v33 =	vld.idx.msk [tilespmem:v62+s4+$0x0], $0xffff;
	[tilespmem:v36+s13+$0x0] =	vst.idx.msk $0xffff, v56  }
0x28a: {  	v9 =	vor.u32 $0x4, v12;
	[tilespmem:v63+s13+$0x0] =	vst.idx.msk $0xffff, v38;
	v48 =	vld.idx.msk [tilespmem:v48+s4+$0x0], $0xffff  }
0x28b: {  	v0 =	vld [tilespmem:$0x1FBC0];
	[tilespmem:v13+s13+$0x0] =	vst.idx.msk $0xffff, v49;
	v13 =	vor.u32 $0xF, v5  }
0x28c: {  	[tilespmem:$0x1F890] =	vst v13;
	v13 =	vor.u32 $0xF, v6  }
0x28d: {  	[tilespmem:$0x1F8B0] =	vst v13  }
0x28e: {  	v22 =	vor.u32 $0x4, v11;
	[tilespmem:v15+s13+$0x0] =	vst.idx.msk $0xffff, v54  }
0x28f: {  	v60 =	vor.u32 $0x18, v51;
	v13 =	vor.u32 $0x5, v4;
	[tilespmem:v9+s13+$0x0] =	vst.idx.msk $0xffff, v48;
	v9 =	vor.u32 $0x10, v5  }
0x290: {  	[tilespmem:$0x1F960] =	vst v9;
	v9 =	vor.u32 $0x10, v6  }
0x291: {  	[tilespmem:$0x1F980] =	vst v9;
	v9 =	vor.u32 $0xF, v12  }
0x292: {  	[tilespmem:$0x1F990] =	vst v9;
	v9 =	vld [tilespmem:$0x1FCB0]  }
0x293: {  	v0 =	vld.idx.msk [tilespmem:v0+s4+$0x0], $0xffff;
	[tilespmem:v22+s13+$0x0] =	vst.idx.msk $0xffff, v59  }
0x294: {  	v36 =	vld.idx.msk [tilespmem:v60+s4+$0x0], $0xffff;
	[tilespmem:v13+s13+$0x0] =	vst.idx.msk $0xffff, v33;
	v15 =	vor.u32 $0xE, v5  }
0x295: {  	v23 =	vor.u32 $0x5, v5;
	[tilespmem:$0x1F7C0] =	vst v15;
	v15 =	vor.u32 $0xE, v6  }
0x296: {  	[tilespmem:$0x1F7E0] =	vst v15;
	v15 =	vor.u32 $0xE, v7  }
0x297: {  	[tilespmem:$0x1F800] =	vst v15;
	v15 =	vor.u32 $0xE, v10  }
0x298: {  	[tilespmem:$0x1F870] =	vst v15;
	v15 =	vor.u32 $0xE, v11  }
0x299: {  	[tilespmem:$0x1F8A0] =	vst v15  }
0x29a: {  	v23 =	vld.idx.msk [tilespmem:v23+s4+$0x0], $0xffff;
	[tilespmem:v9+s13+$0x0] =	vst.idx.msk $0xffff, v24;
	v9 =	vor.u32 $0x10, v10  }
0x29b: {  	[tilespmem:$0x1FA00] =	vst v9;
	v9 =	vor.u32 $0x10, v11  }
0x29c: {  	[tilespmem:$0x1FA30] =	vst v9;
	v9 =	vor.u32 $0x10, v7  }
0x29d: {  	v15 =	vor.u32 $0xE, v12;
	[tilespmem:$0x1F9A0] =	vst v9;
	v9 =	vld [tilespmem:$0x1FD30]  }
0x29e: {  	[tilespmem:$0x1F8C0] =	vst v15;
	v15 =	vor.u32 $0xF, v7  }
0x29f: {  	v46 =	vor.u32 $0x5, v6;
	[tilespmem:$0x1F8D0] =	vst v15;
	v15 =	vor.u32 $0xF, v10  }
0x2a0: {  	[tilespmem:$0x1F940] =	vst v15;
	v15 =	vor.u32 $0xF, v11  }
0x2a1: {  	[tilespmem:$0x1F970] =	vst v15;
	v15 =	vor.u32 $0x11, v10  }
0x2a2: {  	[tilespmem:$0x1FC80] =	vst v15;
	v15 =	vor.u32 $0x11, v11  }
0x2a3: {  	[tilespmem:$0x1FCF0] =	vst v15;
	v15 =	vor.u32 $0x11, v7  }
0x2a4: {  	v63 =	vld.idx.msk [tilespmem:v46+s4+$0x0], $0xffff;
	[tilespmem:$0x1F610] =	vst v15  }
0x2a5: {  	v15 =	vor.u32 $0x12, v6;
	[tilespmem:v9+s13+$0x0] =	vst.idx.msk $0xffff, v0;
	v0 =	vld [tilespmem:$0x1FC40]  }
0x2a6: {  	[tilespmem:$0x1FB90] =	vst v15;
	v15 =	vor.u32 $0x12, v10  }
0x2a7: {  	v52 =	vor.u32 $0x5, v7;
	v13 =	vld [tilespmem:$0x1FB10];
	[tilespmem:$0x1F910] =	vst v15;
	v15 =	vor.u32 $0x12, v7  }
0x2a8: {  	[tilespmem:$0x1FC10] =	vst v15;
	v15 =	vor.u32 $0x13, v5  }
0x2a9: {  	[tilespmem:$0x1FAE0] =	vst v15;
	v15 =	vor.u32 $0x12, v12  }
0x2aa: {  	v2 =	vor.u32 $0x5, v10;
	[tilespmem:$0x1FD70] =	vst v15;
	v15 =	vld [tilespmem:$0x1FDA0]  }
0x2ab: {  	v18 =	vor.u32 $0x5, v11  }
0x2ac: {  	v32 =	vor.u32 $0x5, v12;
	v48 =	vld.idx.msk [tilespmem:v52+s4+$0x0], $0xffff  }
0x2ad: {  	v47 =	vor.u32 $0x6, v7;
	v0 =	vld.idx.msk [tilespmem:v0+s4+$0x0], $0xffff;
	_ =	sdelay $0x1  }
0x2ae: {  	v13 =	vld.idx.msk [tilespmem:v13+s4+$0x0], $0xffff;
	[tilespmem:v2+s13+$0x0] =	vst.idx.msk $0xffff, v23  }
0x2af: {  	[tilespmem:v18+s13+$0x0] =	vst.idx.msk $0xffff, v63  }
0x2b0: {  	[tilespmem:v32+s13+$0x0] =	vst.idx.msk $0xffff, v48  }
0x2b1: {  	v47 =	vld.idx.msk [tilespmem:v47+s4+$0x0], $0xffff;
	[tilespmem:v15+s13+$0x0] =	vst.idx.msk $0xffff, v0;
	v0 =	vor.u32 $0x13, v10  }
0x2b2: {  	[tilespmem:$0x1F840] =	vst v0;
	v0 =	vor.u32 $0x13, v6  }
0x2b3: {  	[tilespmem:$0x1FBA0] =	vst v0;
	v0 =	vor.u32 $0x13, v7  }
0x2b4: {  	v15 =	vor.u32 $0x14, v10;
	[tilespmem:$0x1FC20] =	vst v0;
	v0 =	vld [tilespmem:$0x1FCC0]  }
0x2b5: {  	[tilespmem:$0x1FC90] =	vst v15;
	v15 =	vor.u32 $0x14, v6  }
0x2b6: {  	v58 =	vor.u32 $0x6, v5;
	[tilespmem:$0x1FBB0] =	vst v15;
	v15 =	vor.u32 $0x14, v7  }
0x2b7: {  	[tilespmem:$0x1FC30] =	vst v15;
	v15 =	vor.u32 $0x14, v11  }
0x2b8: {  	[tilespmem:$0x1FD20] =	vst v15;
	v15 =	vor.u32 $0x14, v12  }
0x2b9: {  	[tilespmem:$0x1FD90] =	vst v15;
	v15 =	vor.u32 $0x15, v5  }
0x2ba: {  	[tilespmem:$0x1FB00] =	vst v15;
	v15 =	vor.u32 $0x15, v6  }
0x2bb: {  	v55 =	vld.idx.msk [tilespmem:v58+s4+$0x0], $0xffff;
	[tilespmem:$0x1FBC0] =	vst v15  }
0x2bc: {  	v15 =	vor.u32 $0x15, v7;
	[tilespmem:v0+s13+$0x0] =	vst.idx.msk $0xffff, v13;
	v0 =	vld [tilespmem:$0x1FBD0]  }
0x2bd: {  	v57 =	vor.u32 $0x6, v6;
	[tilespmem:$0x1FC40] =	vst v15;
	v15 =	vor.u32 $0x15, v10  }
0x2be: {  	[tilespmem:$0x1FCB0] =	vst v15;
	v15 =	vor.u32 $0x15, v11  }
0x2bf: {  	[tilespmem:$0x1FD30] =	vst v15;
	v15 =	vor.u32 $0x15, v12  }
0x2c0: {  	v13 =	vor.u32 $0x14, v5;
	[tilespmem:$0x1FDA0] =	vst v15  }
0x2c1: {  	v15 =	vld [tilespmem:$0x1FD40];
	[tilespmem:$0x1FAF0] =	vst v13;
	v13 =	vor.u32 $0x13, v11  }
0x2c2: {  	v26 =	vor.u32 $0x6, v11;
	v58 =	vld.idx.msk [tilespmem:v57+s4+$0x0], $0xffff;
	[tilespmem:$0x1FD10] =	vst v13;
	v13 =	vor.u32 $0x13, v12  }
0x2c3: {  	v20 =	vor.u32 $0x7, v6;
	[tilespmem:$0x1FD80] =	vst v13;
	v13 =	vld [tilespmem:$0x1FC50]  }
0x2c4: {  	v0 =	vld.idx.msk [tilespmem:v0+s4+$0x0], $0xffff;
	_ =	sdelay $0x2  }
0x2c5: {  	[tilespmem:v26+s13+$0x0] =	vst.idx.msk $0xffff, v58  }
0x2c6: {  	v17 =	vor.u32 $0x6, v12;
	v20 =	vld.idx.msk [tilespmem:v20+s4+$0x0], $0xffff  }
0x2c7: {  	[tilespmem:v15+s13+$0x0] =	vst.idx.msk $0xffff, v0;
	v15 =	vld [tilespmem:$0x1FDB0];
	_ =	sdelay $0x1  }
0x2c8: {  	v19 =	vor.u32 $0x7, v7  }
0x2c9: {  	v13 =	vld.idx.msk [tilespmem:v13+s4+$0x0], $0xffff  }
0x2ca: {  	[tilespmem:v17+s13+$0x0] =	vst.idx.msk $0xffff, v47;
	v0 =	vor.u32 $0x16, v5  }
0x2cb: {  	[tilespmem:$0x1FB10] =	vst v0;
	v0 =	vor.u32 $0x16, v6  }
0x2cc: {  	[tilespmem:$0x1FBD0] =	vst v0;
	v0 =	vor.u32 $0x16, v7  }
0x2cd: {  	v19 =	vld.idx.msk [tilespmem:v19+s4+$0x0], $0xffff;
	[tilespmem:$0x1FC50] =	vst v0  }
0x2ce: {  	v0 =	vld [tilespmem:$0x1FB20];
	[tilespmem:v15+s13+$0x0] =	vst.idx.msk $0xffff, v13;
	v13 =	vor.u32 $0x16, v10  }
0x2cf: {  	v35 =	vor.u32 $0x6, v10;
	v61 =	vor.u32 $0x6, v1;
	v15 =	vor.u32 $0x17, v5;
	[tilespmem:$0x1FCC0] =	vst v13  }
0x2d0: {  	v21 =	vor.u32 $0x7, v5;
	v13 =	vor.u32 $0x16, v11;
	[tilespmem:$0x1FB20] =	vst v15  }
0x2d1: {  	[tilespmem:$0x1FD40] =	vst v13;
	v13 =	vor.u32 $0x16, v12  }
0x2d2: {  	v15 =	vor.u32 $0x17, v6;
	[tilespmem:$0x1FDB0] =	vst v13;
	v13 =	vld [tilespmem:$0x1FBE0]  }
0x2d3: {  	v62 =	vor.u32 $0x18, v34;
	[tilespmem:$0x1FBE0] =	vst v15;
	v15 =	vld [tilespmem:$0x1FCD0]  }
0x2d4: {  	v53 =	vor.u32 $0x19, v51;
	v22 =	vld.idx.msk [tilespmem:v61+s4+$0x0], $0xffff;
	v54 =	vor.u32 $0x6, v4;
	[tilespmem:v35+s13+$0x0] =	vst.idx.msk $0xffff, v55  }
0x2d5: {  	v27 =	vor.u32 $0x7, v10;
	v18 =	vor.u32 $0x7, v1;
	v21 =	vld.idx.msk [tilespmem:v21+s4+$0x0], $0xffff  }
0x2d6: {  	v45 =	vor.u32 $0x8, v5;
	v0 =	vld.idx.msk [tilespmem:v0+s4+$0x0], $0xffff;
	_ =	sdelay $0x1  }
0x2d7: {  	[tilespmem:v62+s13+$0x0] =	vst.idx.msk $0xffff, v36  }
0x2d8: {  	v36 =	vld.idx.msk [tilespmem:v53+s4+$0x0], $0xffff;
	[tilespmem:v54+s13+$0x0] =	vst.idx.msk $0xffff, v22  }
0x2d9: {  	v49 =	vor.u32 $0x17, v10;
	v18 =	vld.idx.msk [tilespmem:v18+s4+$0x0], $0xffff;
	[tilespmem:v27+s13+$0x0] =	vst.idx.msk $0xffff, v21  }
0x2da: {  	v56 =	vor.u32 $0x19, v34;
	v27 =	vld.idx.msk [tilespmem:v45+s4+$0x0], $0xffff;
	[tilespmem:v15+s13+$0x0] =	vst.idx.msk $0xffff, v0;
	v0 =	vmov v49  }
0x2db: {  	v39 =	vor.u32 $0x7, v4;
	v59 =	vor.u32 $0x1A, v51;
	[tilespmem:$0x1FCD0] =	vst v0;
	v0 =	vld [tilespmem:$0x1FD50]  }
0x2dc: {  	v42 =	vor.u32 $0x7, v11;
	v26 =	vor.u32 $0x8, v1  }
0x2dd: {  	v43 =	vor.u32 $0x8, v6  }
0x2de: {  	v13 =	vld.idx.msk [tilespmem:v13+s4+$0x0], $0xffff  }
0x2df: {  	[tilespmem:v56+s13+$0x0] =	vst.idx.msk $0xffff, v36  }
0x2e0: {  	v23 =	vld.idx.msk [tilespmem:v59+s4+$0x0], $0xffff;
	[tilespmem:v39+s13+$0x0] =	vst.idx.msk $0xffff, v18  }
0x2e1: {  	v48 =	vor.u32 $0x1A, v34;
	v22 =	vld.idx.msk [tilespmem:v26+s4+$0x0], $0xffff;
	[tilespmem:v42+s13+$0x0] =	vst.idx.msk $0xffff, v20  }
0x2e2: {  	v17 =	vor.u32 $0x1B, v51;
	v42 =	vld.idx.msk [tilespmem:v43+s4+$0x0], $0xffff  }
0x2e3: {  	v26 =	vor.u32 $0x8, v4;
	[tilespmem:v0+s13+$0x0] =	vst.idx.msk $0xffff, v13;
	v0 =	vld [tilespmem:$0x1FC60]  }
0x2e4: {  	v31 =	vor.u32 $0x7, v12  }
0x2e5: {  	v44 =	vor.u32 $0x8, v7  }
0x2e6: {  	[tilespmem:v48+s13+$0x0] =	vst.idx.msk $0xffff, v23  }
0x2e7: {  	v17 =	vld.idx.msk [tilespmem:v17+s4+$0x0], $0xffff  }
0x2e8: {  	[tilespmem:v26+s13+$0x0] =	vst.idx.msk $0xffff, v22;
	v26 =	vld [tilespmem:$0x1FDC0]  }
0x2e9: {  	[tilespmem:v31+s13+$0x0] =	vst.idx.msk $0xffff, v19  }
0x2ea: {  	v14 =	vor.u32 $0x8, v12;
	v18 =	vor.u32 $0x17, v7;
	v44 =	vld.idx.msk [tilespmem:v44+s4+$0x0], $0xffff  }
0x2eb: {  	v28 =	vor.u32 $0x9, v7;
	v13 =	vmov v18;
	v0 =	vld.idx.msk [tilespmem:v0+s4+$0x0], $0xffff  }
0x2ec: {  	v50 =	vor.u32 $0x17, v11;
	[tilespmem:$0x1FC60] =	vst v13;
	v13 =	vld [tilespmem:$0x1FB30]  }
0x2ed: {  	v15 =	vmov v50  }
0x2ee: {  	[tilespmem:$0x1FD50] =	vst v15  }
0x2ef: {  	v20 =	vor.u32 $0x17, v12;
	[tilespmem:v14+s13+$0x0] =	vst.idx.msk $0xffff, v44  }
0x2f0: {  	v15 =	vld.idx.msk [tilespmem:v28+s4+$0x0], $0xffff;
	[tilespmem:v26+s13+$0x0] =	vst.idx.msk $0xffff, v0;
	v0 =	vmov v20  }
0x2f1: {  	[tilespmem:$0x1FDC0] =	vst v0;
	v0 =	vld [tilespmem:$0x1FCE0]  }
0x2f2: {  	v30 =	vor.u32 $0x8, v10  }
0x2f3: {  	v3 =	vor.u32 $0x9, v5  }
0x2f4: {  	v18 =	vld.idx.msk [tilespmem:v13+s4+$0x0], $0xffff;
	_ =	sdelay $0x2  }
0x2f5: {  	[tilespmem:v30+s13+$0x0] =	vst.idx.msk $0xffff, v27  }
0x2f6: {  	v3 =	vld.idx.msk [tilespmem:v3+s4+$0x0], $0xffff  }
0x2f7: {  	[tilespmem:v0+s13+$0x0] =	vst.idx.msk $0xffff, v18;
	v0 =	vld [tilespmem:$0x1FBF0];
	_ =	sdelay $0x1  }
0x2f8: {  	v41 =	vor.u32 $0x8, v11;
	_ =	sdelay $0x4  }
0x2f9: {  	v60 =	vor.u32 $0x18, v6;
	[tilespmem:v41+s13+$0x0] =	vst.idx.msk $0xffff, v42  }
0x2fa: {  	v20 =	vld.idx.msk [tilespmem:v0+s4+$0x0], $0xffff;
	v0 =	vmov v60  }
0x2fb: {  	[tilespmem:$0x1FBF0] =	vst v0;
	v0 =	vld [tilespmem:$0x1FC70];
	_ =	sdelay $0x6  }
0x2fc: {  	v24 =	vor.u32 $0x18, v7  }
0x2fd: {  	v57 =	vld.idx.msk [tilespmem:v0+s4+$0x0], $0xffff;
	v0 =	vmov v24  }
0x2fe: {  	[tilespmem:$0x1FC70] =	vst v0;
	v0 =	vld [tilespmem:$0x1F590];
	_ =	sdelay $0x4  }
0x2ff: {  	v61 =	vor.u32 $0x9, v1;
	v35 =	vor.u32 $0x1B, v34  }
0x300: {  	v8 =	vor.u32 $0x9, v6;
	_ =	sdelay $0x1  }
0x301: {  	[tilespmem:v0+s13+$0x0] =	vst.idx.msk $0xffff, v3;
	v0 =	vld [tilespmem:$0x1F5A0]  }
0x302: {  	v3 =	vld [tilespmem:$0x1FD60]  }
0x303: {  	v61 =	vld.idx.msk [tilespmem:v61+s4+$0x0], $0xffff;
	[tilespmem:v35+s13+$0x0] =	vst.idx.msk $0xffff, v17;
	v17 =	vor.u32 $0x9, v4;
	v19 =	vor.u32 $0x1C, v51  }
0x304: {  	v8 =	vld.idx.msk [tilespmem:v8+s4+$0x0], $0xffff  }
0x305: {  	v16 =	vor.u32 $0xA, v6;
	_ =	sdelay $0x2  }
0x306: {  	v19 =	vld.idx.msk [tilespmem:v19+s4+$0x0], $0xffff;
	[tilespmem:v17+s13+$0x0] =	vst.idx.msk $0xffff, v61  }
0x307: {  	v53 =	vor.u32 $0x18, v11;
	[tilespmem:v0+s13+$0x0] =	vst.idx.msk $0xffff, v8  }
0x308: {  	v61 =	vld.idx.msk [tilespmem:v16+s4+$0x0], $0xffff;
	[tilespmem:v3+s13+$0x0] =	vst.idx.msk $0xffff, v20;
	v3 =	vmov v53  }
0x309: {  	[tilespmem:$0x1FD60] =	vst v3;
	v3 =	vld [tilespmem:$0x1FB40]  }
0x30a: {  	v27 =	vor.u32 $0xA, v1  }
0x30b: {  	v29 =	vor.u32 $0xA, v7;
	v40 =	vor.u32 $0xA, v5  }
0x30c: {  	v25 =	vor.u32 $0x18, v12;
	v37 =	vor.u32 $0x1A, v7;
	v38 =	vor.u32 $0x1A, v10  }
0x30d: {  	v46 =	vor.u32 $0x1C, v5;
	v33 =	vor.u32 $0x19, v11;
	v2 =	vor.u32 $0x12, v5  }
0x30e: {  	v62 =	vor.u32 $0x18, v5;
	v52 =	vor.u32 $0x19, v6;
	[tilespmem:$0x1FAD0] =	vst v2;
	v9 =	vor.u32 $0x11, v5  }
0x30f: {  	v54 =	vor.u32 $0x19, v10;
	v2 =	vor.u32 $0x11, v12;
	[tilespmem:$0x1FA20] =	vst v9;
	v9 =	vor.u32 $0x11, v6;
	v58 =	vld.idx.msk [tilespmem:v27+s4+$0x0], $0xffff  }
0x310: {  	v63 =	vor.u32 $0x12, v11;
	[tilespmem:$0x1FB80] =	vst v9;
	v9 =	vor.u32 $0x10, v12;
	v32 =	vor.u32 $0x1E, v5;
	v0 =	vld [tilespmem:$0x1F5B0]  }
0x311: {  	v39 =	vor.u32 $0x1A, v5;
	v55 =	vor.u32 $0x19, v5;
	v13 =	vmovc v62;
	v62 =	vor.u32 $0x1C, v34;
	v53 =	vld.idx.msk [tilespmem:v3+s4+$0x0], $0xffff  }
0x312: {  	v31 =	vor.u32 $0x18, v10;
	v14 =	vor.u32 $0x1D, v51;
	v24 =	vor.u32 $0xA, v4;
	v3 =	vld [tilespmem:$0x1FDD0]  }
0x313: {  	v49 =	vor.u32 $0x1B, v5;
	v41 =	vor.u32 $0x1D, v5;
	v20 =	vor.u32 $0x1F, v5;
	v5 =	vld [tilespmem:$0x1FC00]  }
0x314: {  	v56 =	vor.u32 $0x19, v7;
	v36 =	vor.u32 $0x1B, v6;
	v59 =	vor.u32 $0xB, v1;
	v17 =	vmovc v31;
	[tilespmem:$0x1FB30] =	vst v13  }
0x315: {  	v47 =	vor.u32 $0x1A, v11;
	v48 =	vor.u32 $0x1A, v6;
	v23 =	vor.u32 $0x1B, v7;
	[tilespmem:$0x1FCE0] =	vst v17  }
0x316: {  	v22 =	vor.u32 $0x1B, v10;
	v35 =	vor.u32 $0x1C, v10;
	v21 =	vor.u32 $0x1E, v6;
	[tilespmem:v62+s13+$0x0] =	vst.idx.msk $0xffff, v19  }
0x317: {  	v44 =	vor.u32 $0x1B, v11;
	v30 =	vor.u32 $0x1C, v11;
	v19 =	vor.u32 $0x1D, v11;
	v14 =	vld.idx.msk [tilespmem:v14+s4+$0x0], $0xffff;
	[tilespmem:v24+s13+$0x0] =	vst.idx.msk $0xffff, v58  }
0x318: {  	v60 =	vor.u32 $0x1D, v34;
	v8 =	vor.u32 $0x1F, v11;
	v16 =	vor.u32 $0x1E, v11;
	v11 =	vmovc v25;
	[tilespmem:v0+s13+$0x0] =	vst.idx.msk $0xffff, v15  }
0x319: {  	v45 =	vor.u32 $0x1C, v6;
	v31 =	vor.u32 $0x1D, v6;
	v15 =	vor.u32 $0x1E, v51;
	[tilespmem:$0x1FDD0] =	vst v11  }
0x31a: {  	v50 =	vor.u32 $0x19, v12;
	v43 =	vor.u32 $0x1C, v7;
	v42 =	vor.u32 $0x1B, v12;
	v62 =	vld.idx.msk [tilespmem:v29+s4+$0x0], $0xffff;
	[tilespmem:v3+s13+$0x0] =	vst.idx.msk $0xffff, v57;
	v3 =	vmovc v55  }
0x31b: {  	v27 =	vor.u32 $0x1D, v7;
	v18 =	vor.u32 $0x1E, v7;
	[tilespmem:$0x1FB40] =	vst v3;
	v3 =	vor.u32 $0x1F, v7;
	v7 =	vld.idx.msk [tilespmem:v5+s4+$0x0], $0xffff;
	v5 =	vmovc v52  }
0x31c: {  	v28 =	vor.u32 $0x1D, v10;
	v13 =	vor.u32 $0x1A, v12;
	v26 =	vor.u32 $0x1C, v12;
	v11 =	vld [tilespmem:$0x1F5C0];
	[tilespmem:$0x1FC00] =	vst v5  }
0x31d: {  	v17 =	vor.u32 $0x1E, v10;
	v0 =	vor.u32 $0x1D, v12;
	v5 =	vor.u32 $0x1F, v10;
	v10 =	vld.idx.msk [tilespmem:v59+s4+$0x0], $0xffff;
	[tilespmem:v60+s13+$0x0] =	vst.idx.msk $0xffff, v14  }
0x31e: {  	v29 =	vor.u32 $0x1E, v12;
	v57 =	vor.u32 $0x1F, v6;
	v6 =	vor.u32 $0x1F, v12;
	v12 =	vld.idx.msk [tilespmem:v15+s4+$0x0], $0xffff  }
0x31f: {  	v15 =	vld [tilespmem:$0x1F5E0]  }
0x320: {  	v58 =	vld [tilespmem:$0x1F600]  }
0x321: {  	v40 =	vld.idx.msk [tilespmem:v40+s4+$0x0], $0xffff  }
0x322: {  	v25 =	vld [tilespmem:$0x1F5F0]  }
0x323: {  	v60 =	vld [tilespmem:$0x1F640];
	_ =	sdelay $0x2  }
0x324: {  	[tilespmem:v11+s13+$0x0] =	vst.idx.msk $0xffff, v40;
	v14 =	vld [tilespmem:$0x1F5D0]  }
0x325: {  	v40 =	vor.u32 $0x1F, v51;
	v51 =	vmov v1;
	[tilespmem:v15+s13+$0x0] =	vst.idx.msk $0xffff, v61;
	v15 =	vor.u32 $0xC, v1;
	v1 =	vld [tilespmem:$0x1F620]  }
0x326: {  	v11 =	vor.u32 $0xB, v4  }
0x327: {  	[tilespmem:v58+s13+$0x0] =	vst.idx.msk $0xffff, v62;
	v58 =	vld [tilespmem:$0x1F6A0]  }
0x328: {  	v25 =	vld.idx.msk [tilespmem:v25+s4+$0x0], $0xffff  }
0x329: {  	[tilespmem:v60+s13+$0x0] =	vst.idx.msk $0xffff, v7;
	v7 =	vld [tilespmem:$0x1F650]  }
0x32a: {  	v24 =	vor.u32 $0x1E, v34;
	v59 =	vld [tilespmem:$0x1F630]  }
0x32b: {  	[tilespmem:v11+s13+$0x0] =	vst.idx.msk $0xffff, v10;
	v10 =	vld [tilespmem:$0x1FB50]  }
0x32c: {  	v14 =	vld.idx.msk [tilespmem:v14+s4+$0x0], $0xffff  }
0x32d: {  	v11 =	vmov v39;
	v1 =	vld.idx.msk [tilespmem:v1+s4+$0x0], $0xffff  }
0x32e: {  	[tilespmem:$0x1FB50] =	vst v11;
	v11 =	vld.idx.msk [tilespmem:v15+s4+$0x0], $0xffff  }
0x32f: {  	[tilespmem:v24+s13+$0x0] =	vst.idx.msk $0xffff, v12;
	v12 =	vld [tilespmem:$0x1F660]  }
0x330: {  	v24 =	vld [tilespmem:$0x1F680]  }
0x331: {  	v7 =	vld.idx.msk [tilespmem:v7+s4+$0x0], $0xffff  }
0x332: {  	[tilespmem:v58+s13+$0x0] =	vst.idx.msk $0xffff, v1;
	v1 =	vld [tilespmem:$0x1F6B0]  }
0x333: {  	v60 =	vld [tilespmem:$0x1F6C0];
	_ =	sdelay $0x2  }
0x334: {  	v15 =	vld [tilespmem:$0x1F670]  }
0x335: {  	[tilespmem:v59+s13+$0x0] =	vst.idx.msk $0xffff, v53  }
0x336: {  	v10 =	vld.idx.msk [tilespmem:v10+s4+$0x0], $0xffff;
	[tilespmem:v12+s13+$0x0] =	vst.idx.msk $0xffff, v14;
	v12 =	vor.u32 $0xC, v4  }
0x337: {  	v14 =	vld.idx.msk [tilespmem:v40+s4+$0x0], $0xffff  }
0x338: {  	[tilespmem:v24+s13+$0x0] =	vst.idx.msk $0xffff, v25;
	v24 =	vor.u32 $0xD, v51;
	v1 =	vld.idx.msk [tilespmem:v1+s4+$0x0], $0xffff  }
0x339: {  	v25 =	vor.u32 $0x1F, v34;
	[tilespmem:v60+s13+$0x0] =	vst.idx.msk $0xffff, v7;
	v7 =	vld [tilespmem:$0x1F6D0]  }
0x33a: {  	v34 =	vmov v4;
	v4 =	vld [tilespmem:$0x1F690]  }
0x33b: {  	[tilespmem:v12+s13+$0x0] =	vst.idx.msk $0xffff, v11;
	v12 =	vld [tilespmem:$0x1F700]  }
0x33c: {  	v15 =	vld.idx.msk [tilespmem:v15+s4+$0x0], $0xffff  }
0x33d: {  	v11 =	vld.idx.msk [tilespmem:v24+s4+$0x0], $0xffff  }
0x33e: {  	[tilespmem:v25+s13+$0x0] =	vst.idx.msk $0xffff, v14;
	v14 =	vld [tilespmem:$0x1FB60];
	_ =	sdelay $0x2  }
0x33f: {  	[tilespmem:v7+s13+$0x0] =	vst.idx.msk $0xffff, v10;
	v7 =	vld [tilespmem:$0x1F6E0]  }
0x340: {  	v10 =	vld [tilespmem:$0x1F6F0]  }
0x341: {  	v24 =	vld [tilespmem:$0x1F720];
	[tilespmem:v12+s13+$0x0] =	vst.idx.msk $0xffff, v15;
	v12 =	vor.u32 $0xD, v34  }
0x342: {  	v25 =	vld [tilespmem:$0x1F740]  }
0x343: {  	v4 =	vld.idx.msk [tilespmem:v4+s4+$0x0], $0xffff  }
0x344: {  	v15 =	vmov v49;
	v14 =	vld.idx.msk [tilespmem:v14+s4+$0x0], $0xffff  }
0x345: {  	[tilespmem:$0x1FB60] =	vst v15;
	v15 =	vld [tilespmem:$0x1F710]  }
0x346: {  	[tilespmem:v12+s13+$0x0] =	vst.idx.msk $0xffff, v11;
	v11 =	vld [tilespmem:$0x1F7A0]  }
0x347: {  	v7 =	vld.idx.msk [tilespmem:v7+s4+$0x0], $0xffff  }
0x348: {  	v10 =	vld.idx.msk [tilespmem:v10+s4+$0x0], $0xffff  }
0x349: {  	[tilespmem:v24+s13+$0x0] =	vst.idx.msk $0xffff, v4;
	v24 =	vld [tilespmem:$0x1F730]  }
0x34a: {  	[tilespmem:v25+s13+$0x0] =	vst.idx.msk $0xffff, v1;
	v25 =	vld [tilespmem:$0x1F760];
	_ =	sdelay $0x3  }
0x34b: {  	v15 =	vld.idx.msk [tilespmem:v15+s4+$0x0], $0xffff  }
0x34c: {  	[tilespmem:v11+s13+$0x0] =	vst.idx.msk $0xffff, v14;
	v11 =	vld [tilespmem:$0x1F7B0]  }
0x34d: {  	v1 =	vld [tilespmem:$0x1F750]  }
0x34e: {  	v24 =	vld.idx.msk [tilespmem:v24+s4+$0x0], $0xffff  }
0x34f: {  	v4 =	vor.u32 $0xE, v51;
	[tilespmem:v25+s13+$0x0] =	vst.idx.msk $0xffff, v7;
	v25 =	vld [tilespmem:$0x1F780];
	_ =	sdelay $0x3  }
0x350: {  	v12 =	vld [tilespmem:$0x1FB70]  }
0x351: {  	v60 =	vmovc v50;
	v50 =	vmov v13;
	v13 =	vmov v46;
	v4 =	vld.idx.msk [tilespmem:v4+s4+$0x0], $0xffff;
	[tilespmem:v11+s13+$0x0] =	vst.idx.msk $0xffff, v15;
	v11 =	vor.u32 $0xE, v34  }
0x352: {  	[tilespmem:$0x1FB70] =	vst v13;
	v13 =	vld [tilespmem:$0x1F7C0]  }
0x353: {  	v1 =	vld.idx.msk [tilespmem:v1+s4+$0x0], $0xffff  }
0x354: {  	[tilespmem:v25+s13+$0x0] =	vst.idx.msk $0xffff, v10;
	v10 =	vld [tilespmem:$0x1F790]  }
0x355: {  	v55 =	vmov v36;
	v36 =	vld [tilespmem:$0x1F7F0]  }
0x356: {  	[tilespmem:v11+s13+$0x0] =	vst.idx.msk $0xffff, v4;
	v11 =	vld [tilespmem:$0x1F860]  }
0x357: {  	v14 =	vld [tilespmem:$0x1F7D0]  }
0x358: {  	v7 =	vld [tilespmem:$0x1F770]  }
0x359: {  	v12 =	vld.idx.msk [tilespmem:v12+s4+$0x0], $0xffff  }
0x35a: {  	v39 =	vld [tilespmem:$0x1F830]  }
0x35b: {  	v13 =	vld.idx.msk [tilespmem:v13+s4+$0x0], $0xffff  }
0x35c: {  	v10 =	vld.idx.msk [tilespmem:v10+s4+$0x0], $0xffff  }
0x35d: {  	[tilespmem:v36+s13+$0x0] =	vst.idx.msk $0xffff, v1;
	v1 =	vld [tilespmem:$0x1F800]  }
0x35e: {  	[tilespmem:v11+s13+$0x0] =	vst.idx.msk $0xffff, v12;
	v11 =	vld [tilespmem:$0x1F870];
	_ =	sdelay $0x2  }
0x35f: {  	v7 =	vld.idx.msk [tilespmem:v7+s4+$0x0], $0xffff;
	[tilespmem:v14+s13+$0x0] =	vst.idx.msk $0xffff, v24;
	v14 =	vor.u32 $0xF, v51;
	_ =	sdelay $0x2  }
0x360: {  	v12 =	vld [tilespmem:$0x1F880]  }
0x361: {  	v1 =	vld.idx.msk [tilespmem:v1+s4+$0x0], $0xffff;
	[tilespmem:v39+s13+$0x0] =	vst.idx.msk $0xffff, v10  }
0x362: {  	v10 =	vld.idx.msk [tilespmem:v14+s4+$0x0], $0xffff;
	[tilespmem:v11+s13+$0x0] =	vst.idx.msk $0xffff, v13;
	v11 =	vor.u32 $0xF, v34;
	_ =	sdelay $0x3  }
0x363: {  	v13 =	vld [tilespmem:$0x1F890]  }
0x364: {  	[tilespmem:v11+s13+$0x0] =	vst.idx.msk $0xffff, v10;
	v10 =	vld [tilespmem:$0x1F930];
	_ =	sdelay $0x2  }
0x365: {  	v12 =	vld.idx.msk [tilespmem:v12+s4+$0x0], $0xffff;
	_ =	sdelay $0x1  }
0x366: {  	v15 =	vld [tilespmem:$0x1F7E0]  }
0x367: {  	v59 =	vmov v56;
	v56 =	vmov v48;
	v48 =	vmov v38;
	v38 =	vld [tilespmem:$0x1F810]  }
0x368: {  	v13 =	vld.idx.msk [tilespmem:v13+s4+$0x0], $0xffff  }
0x369: {  	[tilespmem:v10+s13+$0x0] =	vst.idx.msk $0xffff, v12;
	v10 =	vld [tilespmem:$0x1F940];
	_ =	sdelay $0x4  }
0x36a: {  	v15 =	vld.idx.msk [tilespmem:v15+s4+$0x0], $0xffff  }
0x36b: {  	[tilespmem:v38+s13+$0x0] =	vst.idx.msk $0xffff, v7;
	v7 =	vld [tilespmem:$0x1F820]  }
0x36c: {  	v14 =	vld [tilespmem:$0x1F8A0]  }
0x36d: {  	[tilespmem:v10+s13+$0x0] =	vst.idx.msk $0xffff, v13;
	v10 =	vld [tilespmem:$0x1F950];
	_ =	sdelay $0x4  }
0x36e: {  	v36 =	vmov v43;
	v43 =	vld [tilespmem:$0x1F8E0]  }
0x36f: {  	v7 =	vld.idx.msk [tilespmem:v7+s4+$0x0], $0xffff  }
0x370: {  	[tilespmem:v14+s13+$0x0] =	vst.idx.msk $0xffff, v15;
	v15 =	vld [tilespmem:$0x1F8B0]  }
0x371: {  	v13 =	vld.idx.msk [tilespmem:v10+s4+$0x0], $0xffff  }
0x372: {  	v14 =	vor.u32 $0x10, v51;
	v10 =	vld [tilespmem:$0x1F960];
	_ =	sdelay $0x2  }
0x373: {  	v46 =	vmov v44;
	v44 =	vmov v42;
	v42 =	vld [tilespmem:$0x1F8C0]  }
0x374: {  	v4 =	vld [tilespmem:$0x1F850]  }
0x375: {  	v11 =	vld.idx.msk [tilespmem:v14+s4+$0x0], $0xffff  }
0x376: {  	v15 =	vld.idx.msk [tilespmem:v15+s4+$0x0], $0xffff  }
0x377: {  	[tilespmem:v43+s13+$0x0] =	vst.idx.msk $0xffff, v7;
	v7 =	vld [tilespmem:$0x1F8F0]  }
0x378: {  	v14 =	vld.idx.msk [tilespmem:v10+s4+$0x0], $0xffff  }
0x379: {  	v10 =	vld [tilespmem:$0x1F970];
	_ =	sdelay $0x3  }
0x37a: {  	v52 =	vld [tilespmem:$0x1F900]  }
0x37b: {  	v4 =	vld.idx.msk [tilespmem:v4+s4+$0x0], $0xffff  }
0x37c: {  	[tilespmem:v42+s13+$0x0] =	vst.idx.msk $0xffff, v1;
	v1 =	vld [tilespmem:$0x1F8D0]  }
0x37d: {  	v7 =	vld.idx.msk [tilespmem:v7+s4+$0x0], $0xffff  }
0x37e: {  	[tilespmem:v10+s13+$0x0] =	vst.idx.msk $0xffff, v15;
	v10 =	vld [tilespmem:$0x1F980];
	_ =	sdelay $0x5  }
0x37f: {  	v1 =	vld.idx.msk [tilespmem:v1+s4+$0x0], $0xffff  }
0x380: {  	[tilespmem:v52+s13+$0x0] =	vst.idx.msk $0xffff, v4;
	v4 =	vld [tilespmem:$0x1F920]  }
0x381: {  	v49 =	vmov v47;
	v47 =	vmov v22;
	v22 =	vld.idx.msk [tilespmem:v10+s4+$0x0], $0xffff  }
0x382: {  	v10 =	vld [tilespmem:$0x1F990];
	_ =	sdelay $0x6  }
0x383: {  	v4 =	vld.idx.msk [tilespmem:v4+s4+$0x0], $0xffff  }
0x384: {  	[tilespmem:v10+s13+$0x0] =	vst.idx.msk $0xffff, v1;
	v1 =	vld [tilespmem:$0x1F9A0];
	_ =	sdelay $0x7  }
0x385: {  	v10 =	vld.idx.msk [tilespmem:v1+s4+$0x0], $0xffff  }
0x386: {  	v1 =	vld [tilespmem:$0x1F9B0];
	_ =	sdelay $0x7  }
0x387: {  	[tilespmem:v1+s13+$0x0] =	vst.idx.msk $0xffff, v7;
	v7 =	vld [tilespmem:$0x1F9D0];
	_ =	sdelay $0x7  }
0x388: {  	[tilespmem:v7+s13+$0x0] =	vst.idx.msk $0xffff, v4;
	v4 =	vld [tilespmem:$0x1F9F0];
	_ =	sdelay $0x7  }
0x389: {  	[tilespmem:v4+s13+$0x0] =	vst.idx.msk $0xffff, v13;
	v4 =	vld [tilespmem:$0x1FA00];
	_ =	sdelay $0x3  }
0x38a: {  	v53 =	vmovc v33;
	v33 =	vmov v27;
	v27 =	vmov v19;
	v19 =	vmov v0;
	v0 =	vld [tilespmem:$0x1F9E0]  }
0x38b: {  	v1 =	vld [tilespmem:$0x1F9C0]  }
0x38c: {  	v12 =	vor.u32 $0x10, v34;
	v7 =	vld [tilespmem:$0x1FA20]  }
0x38d: {  	v15 =	vor.u32 $0x11, v51;
	v13 =	vld [tilespmem:$0x1FA30]  }
0x38e: {  	[tilespmem:v4+s13+$0x0] =	vst.idx.msk $0xffff, v14;
	v4 =	vld [tilespmem:$0x1FA10]  }
0x38f: {  	v62 =	vmov v63;
	v63 =	vld [tilespmem:$0x1F610]  }
0x390: {  	s30 =	sadd.s32 $0x4, s30;
	v61 =	vmov v54;
	v54 =	vmov v45;
	v45 =	vld [tilespmem:$0x1F840]  }
0x391: {  	p1 =	slt.u32 s30, $0x10;
	v42 =	vmov v31;
	v31 =	vld [tilespmem:$0x1F910];
	[tilespmem:v12+s13+$0x0] =	vst.idx.msk $0xffff, v11  }
.Ltmp0:
0x392: {  	v11 =	vld.idx.msk [tilespmem:v15+s4+$0x0], $0xffff;
	(pc) =	sbr.rel @p1 .LBB2_3-.Ltmp0, $4  }
0x393: {  	v1 =	vld.idx.msk [tilespmem:v1+s4+$0x0], $0xffff  }
0x394: {  	v40 =	vmovc v37;
	v37 =	vmovc v23;
	v58 =	vmov v41;
	v41 =	vmov v21;
	v25 =	vmov v28;
	v0 =	vld.idx.msk [tilespmem:v0+s4+$0x0], $0xffff  }
0x395: {  	v24 =	vmovc v17;
	v38 =	vmovc v35;
	v35 =	vmov v30;
	v30 =	vmov v26;
	v39 =	vmov v20;
	v7 =	vld.idx.msk [tilespmem:v7+s4+$0x0], $0xffff  }
0x396: {  	s31 =	sadd.s32 $0x40, s31;
	v52 =	vmovc v32;
	v32 =	vmov v18;
	v12 =	vor.u32 $0x11, v34;
	[tilespmem:v13+s13+$0x0] =	vst.idx.msk $0xffff, v22;
	v13 =	vor.u32 $0x12, v51;
	v4 =	vld.idx.msk [tilespmem:v4+s4+$0x0], $0xffff  }
0x397: {  	_ =	sdelay $0x3  }
0x398: {  	[tilespmem:v9+s13+$0x0] =	vst.idx.msk $0xffff, v10  }
0x399: {  	v9 =	vld [tilespmem:$0x1FB80];
	[tilespmem:v12+s13+$0x0] =	vst.idx.msk $0xffff, v11  }
0x39a: {  	v11 =	vld [tilespmem:$0x1FC80];
	_ =	sdelay $0x7  }
0x39b: {  	[tilespmem:v11+s13+$0x0] =	vst.idx.msk $0xffff, v7  }
0x39c: {  	v12 =	vld [tilespmem:$0x1FAD0];
	_ =	sdelay $0x4  }
0x39d: {  	v10 =	vld.idx.msk [tilespmem:v63+s4+$0x0], $0xffff  }
0x39e: {  	v9 =	vld.idx.msk [tilespmem:v9+s4+$0x0], $0xffff  }
0x39f: {  	v7 =	vld.idx.msk [tilespmem:v13+s4+$0x0], $0xffff  }
0x3a0: {  	v12 =	vld.idx.msk [tilespmem:v12+s4+$0x0], $0xffff  }
0x3a1: {  	v14 =	vld [tilespmem:$0x1FCF0];
	_ =	sdelay $0x6  }
0x3a2: {  	[tilespmem:v2+s13+$0x0] =	vst.idx.msk $0xffff, v10  }
0x3a3: {  	[tilespmem:v14+s13+$0x0] =	vst.idx.msk $0xffff, v9  }
0x3a4: {  	v2 =	vld [tilespmem:$0x1FB90];
	_ =	sdelay $0x5  }
0x3a5: {  	v11 =	vor.u32 $0x12, v34;
	_ =	sdelay $0x1  }
0x3a6: {  	v2 =	vld.idx.msk [tilespmem:v2+s4+$0x0], $0xffff  }
0x3a7: {  	v9 =	vld [tilespmem:$0x1FC10];
	_ =	sdelay $0x1  }
0x3a8: {  	[tilespmem:v11+s13+$0x0] =	vst.idx.msk $0xffff, v7  }
0x3a9: {  	[tilespmem:v31+s13+$0x0] =	vst.idx.msk $0xffff, v12  }
0x3aa: {  	v11 =	vld [tilespmem:$0x1FAE0];
	[tilespmem:v62+s13+$0x0] =	vst.idx.msk $0xffff, v2  }
0x3ab: {  	v2 =	vld [tilespmem:$0x1FD70];
	_ =	sdelay $0x1  }
0x3ac: {  	v13 =	vor.u32 $0x13, v51  }
0x3ad: {  	v9 =	vld.idx.msk [tilespmem:v9+s4+$0x0], $0xffff;
	_ =	sdelay $0x3  }
0x3ae: {  	v10 =	vor.u32 $0x13, v34;
	v7 =	vld.idx.msk [tilespmem:v13+s4+$0x0], $0xffff  }
0x3af: {  	v11 =	vld.idx.msk [tilespmem:v11+s4+$0x0], $0xffff;
	[tilespmem:v2+s13+$0x0] =	vst.idx.msk $0xffff, v9  }
0x3b0: {  	v2 =	vld [tilespmem:$0x1FBA0];
	_ =	sdelay $0x2  }
0x3b1: {  	v9 =	vld [tilespmem:$0x1FC20];
	[tilespmem:v10+s13+$0x0] =	vst.idx.msk $0xffff, v7  }
0x3b2: {  	[tilespmem:v45+s13+$0x0] =	vst.idx.msk $0xffff, v11  }
0x3b3: {  	v13 =	vld [tilespmem:$0x1FD10];
	_ =	sdelay $0x2  }
0x3b4: {  	v2 =	vld.idx.msk [tilespmem:v2+s4+$0x0], $0xffff;
	_ =	sdelay $0x4  }
0x3b5: {  	v11 =	vld [tilespmem:$0x1FAF0];
	[tilespmem:v13+s13+$0x0] =	vst.idx.msk $0xffff, v2  }
0x3b6: {  	v12 =	vor.u32 $0x14, v51;
	v2 =	vld [tilespmem:$0x1FD80];
	_ =	sdelay $0x2  }
0x3b7: {  	v9 =	vld.idx.msk [tilespmem:v9+s4+$0x0], $0xffff;
	_ =	sdelay $0x1  }
0x3b8: {  	v10 =	vor.u32 $0x14, v34;
	v7 =	vld.idx.msk [tilespmem:v12+s4+$0x0], $0xffff;
	_ =	sdelay $0x2  }
0x3b9: {  	[tilespmem:v2+s13+$0x0] =	vst.idx.msk $0xffff, v9  }
0x3ba: {  	v2 =	vld [tilespmem:$0x1FBB0]  }
0x3bb: {  	v9 =	vld [tilespmem:$0x1FC30];
	[tilespmem:v10+s13+$0x0] =	vst.idx.msk $0xffff, v7  }
0x3bc: {  	v7 =	vld [tilespmem:$0x1FC90];
	_ =	sdelay $0x2  }
0x3bd: {  	v11 =	vld.idx.msk [tilespmem:v11+s4+$0x0], $0xffff;
	_ =	sdelay $0x4  }
0x3be: {  	[tilespmem:v7+s13+$0x0] =	vst.idx.msk $0xffff, v11  }
0x3bf: {  	v13 =	vld [tilespmem:$0x1FD20];
	_ =	sdelay $0x2  }
0x3c0: {  	v2 =	vld.idx.msk [tilespmem:v2+s4+$0x0], $0xffff;
	_ =	sdelay $0x4  }
0x3c1: {  	v11 =	vld [tilespmem:$0x1FB00];
	[tilespmem:v13+s13+$0x0] =	vst.idx.msk $0xffff, v2  }
0x3c2: {  	v12 =	vor.u32 $0x15, v51;
	v2 =	vld [tilespmem:$0x1FD90];
	_ =	sdelay $0x2  }
0x3c3: {  	v9 =	vld.idx.msk [tilespmem:v9+s4+$0x0], $0xffff;
	_ =	sdelay $0x1  }
0x3c4: {  	v10 =	vor.u32 $0x15, v34;
	v7 =	vld.idx.msk [tilespmem:v12+s4+$0x0], $0xffff;
	_ =	sdelay $0x2  }
0x3c5: {  	[tilespmem:v2+s13+$0x0] =	vst.idx.msk $0xffff, v9  }
0x3c6: {  	v2 =	vld [tilespmem:$0x1FBC0]  }
0x3c7: {  	v9 =	vld [tilespmem:$0x1FC40];
	[tilespmem:v10+s13+$0x0] =	vst.idx.msk $0xffff, v7  }
0x3c8: {  	v7 =	vld [tilespmem:$0x1FCB0];
	_ =	sdelay $0x2  }
0x3c9: {  	v11 =	vld.idx.msk [tilespmem:v11+s4+$0x0], $0xffff;
	_ =	sdelay $0x4  }
0x3ca: {  	[tilespmem:v7+s13+$0x0] =	vst.idx.msk $0xffff, v11  }
0x3cb: {  	v13 =	vld [tilespmem:$0x1FD30];
	_ =	sdelay $0x2  }
0x3cc: {  	v2 =	vld.idx.msk [tilespmem:v2+s4+$0x0], $0xffff;
	_ =	sdelay $0x4  }
0x3cd: {  	v11 =	vld [tilespmem:$0x1FB10];
	[tilespmem:v13+s13+$0x0] =	vst.idx.msk $0xffff, v2  }
0x3ce: {  	v12 =	vor.u32 $0x16, v51;
	v2 =	vld [tilespmem:$0x1FDA0];
	_ =	sdelay $0x2  }
0x3cf: {  	v9 =	vld.idx.msk [tilespmem:v9+s4+$0x0], $0xffff;
	_ =	sdelay $0x1  }
0x3d0: {  	v10 =	vor.u32 $0x16, v34;
	v7 =	vld.idx.msk [tilespmem:v12+s4+$0x0], $0xffff;
	_ =	sdelay $0x2  }
0x3d1: {  	[tilespmem:v2+s13+$0x0] =	vst.idx.msk $0xffff, v9  }
0x3d2: {  	v2 =	vld [tilespmem:$0x1FBD0]  }
0x3d3: {  	v9 =	vld [tilespmem:$0x1FC50];
	[tilespmem:v10+s13+$0x0] =	vst.idx.msk $0xffff, v7  }
0x3d4: {  	v7 =	vld [tilespmem:$0x1FCC0];
	_ =	sdelay $0x2  }
0x3d5: {  	v11 =	vld.idx.msk [tilespmem:v11+s4+$0x0], $0xffff;
	_ =	sdelay $0x4  }
0x3d6: {  	[tilespmem:v7+s13+$0x0] =	vst.idx.msk $0xffff, v11  }
0x3d7: {  	v13 =	vld [tilespmem:$0x1FD40];
	_ =	sdelay $0x2  }
0x3d8: {  	v2 =	vld.idx.msk [tilespmem:v2+s4+$0x0], $0xffff;
	_ =	sdelay $0x4  }
0x3d9: {  	v11 =	vld [tilespmem:$0x1FB20];
	[tilespmem:v13+s13+$0x0] =	vst.idx.msk $0xffff, v2  }
0x3da: {  	v12 =	vor.u32 $0x17, v51;
	v2 =	vld [tilespmem:$0x1FDB0];
	_ =	sdelay $0x2  }
0x3db: {  	v9 =	vld.idx.msk [tilespmem:v9+s4+$0x0], $0xffff;
	_ =	sdelay $0x1  }
0x3dc: {  	v10 =	vor.u32 $0x17, v34;
	v7 =	vld.idx.msk [tilespmem:v12+s4+$0x0], $0xffff;
	_ =	sdelay $0x2  }
0x3dd: {  	[tilespmem:v2+s13+$0x0] =	vst.idx.msk $0xffff, v9  }
0x3de: {  	v2 =	vld [tilespmem:$0x1FBE0]  }
0x3df: {  	v9 =	vld [tilespmem:$0x1FC60];
	[tilespmem:v10+s13+$0x0] =	vst.idx.msk $0xffff, v7  }
0x3e0: {  	v7 =	vld [tilespmem:$0x1FCD0];
	_ =	sdelay $0x2  }
0x3e1: {  	v11 =	vld.idx.msk [tilespmem:v11+s4+$0x0], $0xffff;
	_ =	sdelay $0x4  }
0x3e2: {  	[tilespmem:v7+s13+$0x0] =	vst.idx.msk $0xffff, v11  }
0x3e3: {  	v13 =	vld [tilespmem:$0x1FD50];
	_ =	sdelay $0x2  }
0x3e4: {  	v2 =	vld.idx.msk [tilespmem:v2+s4+$0x0], $0xffff;
	_ =	sdelay $0x4  }
0x3e5: {  	v11 =	vld [tilespmem:$0x1FB30];
	[tilespmem:v13+s13+$0x0] =	vst.idx.msk $0xffff, v2  }
0x3e6: {  	v12 =	vor.u32 $0x18, v51;
	v2 =	vld [tilespmem:$0x1FDC0];
	_ =	sdelay $0x2  }
0x3e7: {  	v9 =	vld.idx.msk [tilespmem:v9+s4+$0x0], $0xffff;
	_ =	sdelay $0x1  }
0x3e8: {  	v10 =	vor.u32 $0x18, v34;
	v7 =	vld.idx.msk [tilespmem:v12+s4+$0x0], $0xffff  }
0x3e9: {  	v12 =	vor.u32 $0x19, v51;
	_ =	sdelay $0x1  }
0x3ea: {  	[tilespmem:v2+s13+$0x0] =	vst.idx.msk $0xffff, v9  }
0x3eb: {  	v2 =	vld [tilespmem:$0x1FBF0]  }
0x3ec: {  	v9 =	vld [tilespmem:$0x1FC70];
	[tilespmem:v10+s13+$0x0] =	vst.idx.msk $0xffff, v7  }
0x3ed: {  	v7 =	vld.idx.msk [tilespmem:v12+s4+$0x0], $0xffff  }
0x3ee: {  	v12 =	vld [tilespmem:$0x1FCE0];
	_ =	sdelay $0x2  }
0x3ef: {  	v11 =	vld.idx.msk [tilespmem:v11+s4+$0x0], $0xffff;
	_ =	sdelay $0x4  }
0x3f0: {  	[tilespmem:v12+s13+$0x0] =	vst.idx.msk $0xffff, v11  }
0x3f1: {  	v13 =	vld [tilespmem:$0x1FD60];
	_ =	sdelay $0x2  }
0x3f2: {  	v2 =	vld.idx.msk [tilespmem:v2+s4+$0x0], $0xffff;
	_ =	sdelay $0x2  }
0x3f3: {  	v12 =	vld [tilespmem:$0x1FB40];
	_ =	sdelay $0x1  }
0x3f4: {  	[tilespmem:v13+s13+$0x0] =	vst.idx.msk $0xffff, v2  }
0x3f5: {  	v2 =	vld [tilespmem:$0x1FDD0];
	_ =	sdelay $0x2  }
0x3f6: {  	v9 =	vld.idx.msk [tilespmem:v9+s4+$0x0], $0xffff  }
0x3f7: {  	v10 =	vor.u32 $0x19, v34  }
0x3f8: {  	v12 =	vld.idx.msk [tilespmem:v12+s4+$0x0], $0xffff;
	_ =	sdelay $0x2  }
0x3f9: {  	[tilespmem:v2+s13+$0x0] =	vst.idx.msk $0xffff, v9  }
0x3fa: {  	v2 =	vld [tilespmem:$0x1FC00];
	[tilespmem:v10+s13+$0x0] =	vst.idx.msk $0xffff, v7  }
0x3fb: {  	[tilespmem:v61+s13+$0x0] =	vst.idx.msk $0xffff, v12  }
0x3fc: {  	v12 =	vld [tilespmem:$0x1FB50]  }
0x3fd: {  	v11 =	vor.u32 $0x1A, v51;
	_ =	sdelay $0x3  }
0x3fe: {  	v9 =	vld.idx.msk [tilespmem:v59+s4+$0x0], $0xffff  }
0x3ff: {  	v10 =	vor.u32 $0x1A, v34;
	v7 =	vld.idx.msk [tilespmem:v11+s4+$0x0], $0xffff  }
0x400: {  	v2 =	vld.idx.msk [tilespmem:v2+s4+$0x0], $0xffff  }
0x401: {  	v12 =	vld.idx.msk [tilespmem:v12+s4+$0x0], $0xffff;
	_ =	sdelay $0x1  }
0x402: {  	[tilespmem:v60+s13+$0x0] =	vst.idx.msk $0xffff, v9  }
0x403: {  	[tilespmem:v10+s13+$0x0] =	vst.idx.msk $0xffff, v7  }
0x404: {  	[tilespmem:v53+s13+$0x0] =	vst.idx.msk $0xffff, v2  }
0x405: {  	[tilespmem:v48+s13+$0x0] =	vst.idx.msk $0xffff, v12  }
0x406: {  	v12 =	vld [tilespmem:$0x1FB60]  }
0x407: {  	v11 =	vor.u32 $0x1B, v51;
	_ =	sdelay $0x3  }
0x408: {  	v9 =	vld.idx.msk [tilespmem:v40+s4+$0x0], $0xffff  }
0x409: {  	v10 =	vor.u32 $0x1B, v34;
	v7 =	vld.idx.msk [tilespmem:v11+s4+$0x0], $0xffff  }
0x40a: {  	v2 =	vld.idx.msk [tilespmem:v56+s4+$0x0], $0xffff  }
0x40b: {  	v12 =	vld.idx.msk [tilespmem:v12+s4+$0x0], $0xffff;
	_ =	sdelay $0x1  }
0x40c: {  	[tilespmem:v50+s13+$0x0] =	vst.idx.msk $0xffff, v9  }
0x40d: {  	[tilespmem:v10+s13+$0x0] =	vst.idx.msk $0xffff, v7  }
0x40e: {  	[tilespmem:v49+s13+$0x0] =	vst.idx.msk $0xffff, v2  }
0x40f: {  	v2 =	vld.idx.msk [tilespmem:v55+s4+$0x0], $0xffff;
	[tilespmem:v47+s13+$0x0] =	vst.idx.msk $0xffff, v12  }
0x410: {  	v11 =	vor.u32 $0x1C, v51;
	v12 =	vld [tilespmem:$0x1FB70]  }
0x411: {  	v9 =	vld.idx.msk [tilespmem:v37+s4+$0x0], $0xffff;
	_ =	sdelay $0x3  }
0x412: {  	v10 =	vor.u32 $0x1C, v34;
	v7 =	vld.idx.msk [tilespmem:v11+s4+$0x0], $0xffff;
	[tilespmem:v46+s13+$0x0] =	vst.idx.msk $0xffff, v2  }
0x413: {  	[tilespmem:v44+s13+$0x0] =	vst.idx.msk $0xffff, v9;
	v2 =	vld.idx.msk [tilespmem:v54+s4+$0x0], $0xffff  }
0x414: {  	v9 =	vld.idx.msk [tilespmem:v36+s4+$0x0], $0xffff  }
0x415: {  	v12 =	vld.idx.msk [tilespmem:v12+s4+$0x0], $0xffff;
	_ =	sdelay $0x1  }
0x416: {  	v11 =	vor.u32 $0x1D, v51;
	[tilespmem:v10+s13+$0x0] =	vst.idx.msk $0xffff, v7  }
0x417: {  	[tilespmem:v35+s13+$0x0] =	vst.idx.msk $0xffff, v2  }
0x418: {  	[tilespmem:v30+s13+$0x0] =	vst.idx.msk $0xffff, v9  }
0x419: {  	[tilespmem:v38+s13+$0x0] =	vst.idx.msk $0xffff, v12  }
0x41a: {  	v9 =	vld [tilespmem:$0x1FA60]  }
0x41b: {  	v10 =	vor.u32 $0x1D, v34;
	v7 =	vld.idx.msk [tilespmem:v11+s4+$0x0], $0xffff  }
0x41c: {  	v12 =	vld.idx.msk [tilespmem:v58+s4+$0x0], $0xffff;
	_ =	sdelay $0x3  }
0x41d: {  	[tilespmem:v10+s13+$0x0] =	vst.idx.msk $0xffff, v7  }
0x41e: {  	[tilespmem:v25+s13+$0x0] =	vst.idx.msk $0xffff, v12  }
0x41f: {  	[tilespmem:v9+s13+$0x0] =	vst.idx.msk $0xffff, v1  }
0x420: {  	v10 =	vld [tilespmem:$0x1FAB0]  }
0x421: {  	v2 =	vld.idx.msk [tilespmem:v42+s4+$0x0], $0xffff  }
0x422: {  	v1 =	vld.idx.msk [tilespmem:v33+s4+$0x0], $0xffff;
	_ =	sdelay $0x3  }
0x423: {  	[tilespmem:v27+s13+$0x0] =	vst.idx.msk $0xffff, v2  }
0x424: {  	[tilespmem:v19+s13+$0x0] =	vst.idx.msk $0xffff, v1  }
0x425: {  	v11 =	vor.u32 $0x1E, v51;
	[tilespmem:v10+s13+$0x0] =	vst.idx.msk $0xffff, v0  }
0x426: {  	v1 =	vld [tilespmem:$0x1FA90];
	_ =	sdelay $0x3  }
0x427: {  	v7 =	vld.idx.msk [tilespmem:v11+s4+$0x0], $0xffff;
	v9 =	vor.u32 $0x1E, v34  }
0x428: {  	v10 =	vld.idx.msk [tilespmem:v52+s4+$0x0], $0xffff;
	_ =	sdelay $0x2  }
0x429: {  	[tilespmem:v1+s13+$0x0] =	vst.idx.msk $0xffff, v4  }
0x42a: {  	v4 =	vld [tilespmem:$0x1FA70];
	[tilespmem:v9+s13+$0x0] =	vst.idx.msk $0xffff, v7  }
0x42b: {  	[tilespmem:v24+s13+$0x0] =	vst.idx.msk $0xffff, v10  }
0x42c: {  	v10 =	vld [tilespmem:$0x1FA50];
	_ =	sdelay $0x2  }
0x42d: {  	v9 =	vld [tilespmem:$0x1FA40]  }
0x42e: {  	v2 =	vld.idx.msk [tilespmem:v41+s4+$0x0], $0xffff  }
0x42f: {  	v1 =	vld.idx.msk [tilespmem:v32+s4+$0x0], $0xffff;
	_ =	sdelay $0x1  }
0x430: {  	v0 =	vor.u32 $0x1F, v51  }
0x431: {  	[tilespmem:v10+s13+$0x0] =	vst.idx.msk $0xffff, v9  }
0x432: {  	v10 =	vld [tilespmem:$0x1FA80];
	[tilespmem:v16+s13+$0x0] =	vst.idx.msk $0xffff, v2  }
0x433: {  	[tilespmem:v29+s13+$0x0] =	vst.idx.msk $0xffff, v1  }
0x434: {  	v2 =	vld [tilespmem:$0x1FAA0]  }
0x435: {  	v7 =	vor.u32 $0x1F, v34;
	v0 =	vld.idx.msk [tilespmem:v0+s4+$0x0], $0xffff  }
0x436: {  	v9 =	vld.idx.msk [tilespmem:v39+s4+$0x0], $0xffff  }
0x437: {  	v4 =	vld.idx.msk [tilespmem:v4+s4+$0x0], $0xffff;
	_ =	sdelay $0x2  }
0x438: {  	[tilespmem:v7+s13+$0x0] =	vst.idx.msk $0xffff, v0  }
0x439: {  	[tilespmem:v5+s13+$0x0] =	vst.idx.msk $0xffff, v9  }
0x43a: {  	[tilespmem:v2+s13+$0x0] =	vst.idx.msk $0xffff, v4  }
0x43b: {  	v0 =	vld [tilespmem:$0x1FAC0]  }
0x43c: {  	v1 =	vld.idx.msk [tilespmem:v57+s4+$0x0], $0xffff  }
0x43d: {  	v2 =	vld.idx.msk [tilespmem:v3+s4+$0x0], $0xffff  }
0x43e: {  	v10 =	vld.idx.msk [tilespmem:v10+s4+$0x0], $0xffff;
	_ =	sdelay $0x2  }
0x43f: {  	[tilespmem:v8+s13+$0x0] =	vst.idx.msk $0xffff, v1  }
0x440: {  	[tilespmem:v6+s13+$0x0] =	vst.idx.msk $0xffff, v2  }
0x441: {  	[tilespmem:v0+s13+$0x0] =	vst.idx.msk $0xffff, v10  }
0x442: {  	v0 =	vld [tilespmem:$0x27D8];
	_ =	sdelay $0x4  }
0x443: {  	v0 =	vshll.u32 v0, $0x5;
	_ =	sdelay $0x1  }
0x444: {  	v3 =	vld [tilespmem:$0x1FDF0];
	_ =	sdelay $0x2  }
0x445: {  	v1 =	vld.idx.msk [tilespmem:v0+s4+$0x0], $0xffff;
	_ =	sdelay $0x2  }
0x446: {  	v2 =	vor.u32 $0x1, v0;
	_ =	sdelay $0x1  }
0x447: {  	[tilespmem:v3+s13+$0x0] =	vst.idx.msk $0xffff, v1;
	v3 =	vld [tilespmem:$0x1FE00];
	_ =	sdelay $0x2  }
0x448: {  	v1 =	vld.idx.msk [tilespmem:v2+s4+$0x0], $0xffff;
	_ =	sdelay $0x2  }
0x449: {  	v2 =	vor.u32 $0x2, v0;
	_ =	sdelay $0x1  }
0x44a: {  	[tilespmem:v3+s13+$0x0] =	vst.idx.msk $0xffff, v1;
	v3 =	vld [tilespmem:$0x1FE10];
	_ =	sdelay $0x2  }
0x44b: {  	v1 =	vld.idx.msk [tilespmem:v2+s4+$0x0], $0xffff;
	_ =	sdelay $0x2  }
0x44c: {  	v2 =	vor.u32 $0x3, v0;
	_ =	sdelay $0x1  }
0x44d: {  	[tilespmem:v3+s13+$0x0] =	vst.idx.msk $0xffff, v1;
	v3 =	vld [tilespmem:$0x1FE20];
	_ =	sdelay $0x2  }
0x44e: {  	v1 =	vld.idx.msk [tilespmem:v2+s4+$0x0], $0xffff;
	_ =	sdelay $0x2  }
0x44f: {  	v2 =	vor.u32 $0x4, v0;
	_ =	sdelay $0x1  }
0x450: {  	[tilespmem:v3+s13+$0x0] =	vst.idx.msk $0xffff, v1;
	v3 =	vld [tilespmem:$0x1FE30];
	_ =	sdelay $0x2  }
0x451: {  	v1 =	vld.idx.msk [tilespmem:v2+s4+$0x0], $0xffff;
	_ =	sdelay $0x2  }
0x452: {  	v2 =	vor.u32 $0x5, v0;
	_ =	sdelay $0x1  }
0x453: {  	[tilespmem:v3+s13+$0x0] =	vst.idx.msk $0xffff, v1;
	v3 =	vld [tilespmem:$0x1FE40];
	_ =	sdelay $0x2  }
0x454: {  	v1 =	vld.idx.msk [tilespmem:v2+s4+$0x0], $0xffff;
	_ =	sdelay $0x2  }
0x455: {  	v2 =	vor.u32 $0x6, v0;
	_ =	sdelay $0x1  }
0x456: {  	[tilespmem:v3+s13+$0x0] =	vst.idx.msk $0xffff, v1;
	v3 =	vld [tilespmem:$0x1FE50];
	_ =	sdelay $0x2  }
0x457: {  	v1 =	vld.idx.msk [tilespmem:v2+s4+$0x0], $0xffff;
	_ =	sdelay $0x2  }
0x458: {  	v2 =	vor.u32 $0x7, v0;
	_ =	sdelay $0x1  }
0x459: {  	[tilespmem:v3+s13+$0x0] =	vst.idx.msk $0xffff, v1;
	v3 =	vld [tilespmem:$0x1FE60];
	_ =	sdelay $0x2  }
0x45a: {  	v1 =	vld.idx.msk [tilespmem:v2+s4+$0x0], $0xffff;
	_ =	sdelay $0x2  }
0x45b: {  	v2 =	vor.u32 $0x8, v0;
	_ =	sdelay $0x1  }
0x45c: {  	[tilespmem:v3+s13+$0x0] =	vst.idx.msk $0xffff, v1;
	v3 =	vld [tilespmem:$0x1FE70];
	_ =	sdelay $0x2  }
0x45d: {  	v1 =	vld.idx.msk [tilespmem:v2+s4+$0x0], $0xffff;
	_ =	sdelay $0x2  }
0x45e: {  	v2 =	vor.u32 $0x9, v0;
	_ =	sdelay $0x1  }
0x45f: {  	[tilespmem:v3+s13+$0x0] =	vst.idx.msk $0xffff, v1;
	v3 =	vld [tilespmem:$0x1FE80];
	_ =	sdelay $0x2  }
0x460: {  	v1 =	vld.idx.msk [tilespmem:v2+s4+$0x0], $0xffff;
	_ =	sdelay $0x2  }
0x461: {  	v2 =	vor.u32 $0xA, v0;
	_ =	sdelay $0x1  }
0x462: {  	[tilespmem:v3+s13+$0x0] =	vst.idx.msk $0xffff, v1;
	v3 =	vld [tilespmem:$0x1FE90];
	_ =	sdelay $0x2  }
0x463: {  	v1 =	vld.idx.msk [tilespmem:v2+s4+$0x0], $0xffff;
	_ =	sdelay $0x2  }
0x464: {  	v2 =	vor.u32 $0xB, v0;
	_ =	sdelay $0x1  }
0x465: {  	[tilespmem:v3+s13+$0x0] =	vst.idx.msk $0xffff, v1;
	v3 =	vld [tilespmem:$0x1FEA0];
	_ =	sdelay $0x2  }
0x466: {  	v1 =	vld.idx.msk [tilespmem:v2+s4+$0x0], $0xffff;
	_ =	sdelay $0x2  }
0x467: {  	v2 =	vor.u32 $0xC, v0;
	_ =	sdelay $0x1  }
0x468: {  	[tilespmem:v3+s13+$0x0] =	vst.idx.msk $0xffff, v1;
	v3 =	vld [tilespmem:$0x1FEB0];
	_ =	sdelay $0x2  }
0x469: {  	v1 =	vld.idx.msk [tilespmem:v2+s4+$0x0], $0xffff;
	_ =	sdelay $0x2  }
0x46a: {  	v2 =	vor.u32 $0xD, v0;
	_ =	sdelay $0x1  }
0x46b: {  	[tilespmem:v3+s13+$0x0] =	vst.idx.msk $0xffff, v1;
	v3 =	vld [tilespmem:$0x1FEC0];
	_ =	sdelay $0x2  }
0x46c: {  	v1 =	vld.idx.msk [tilespmem:v2+s4+$0x0], $0xffff;
	_ =	sdelay $0x2  }
0x46d: {  	v2 =	vor.u32 $0xE, v0;
	_ =	sdelay $0x1  }
0x46e: {  	[tilespmem:v3+s13+$0x0] =	vst.idx.msk $0xffff, v1;
	v3 =	vld [tilespmem:$0x1FED0];
	_ =	sdelay $0x2  }
0x46f: {  	v1 =	vld.idx.msk [tilespmem:v2+s4+$0x0], $0xffff;
	_ =	sdelay $0x2  }
0x470: {  	v2 =	vor.u32 $0xF, v0;
	_ =	sdelay $0x1  }
0x471: {  	[tilespmem:v3+s13+$0x0] =	vst.idx.msk $0xffff, v1;
	v3 =	vld [tilespmem:$0x1FEE0];
	_ =	sdelay $0x2  }
0x472: {  	v1 =	vld.idx.msk [tilespmem:v2+s4+$0x0], $0xffff;
	_ =	sdelay $0x2  }
0x473: {  	v2 =	vor.u32 $0x10, v0;
	_ =	sdelay $0x1  }
0x474: {  	[tilespmem:v3+s13+$0x0] =	vst.idx.msk $0xffff, v1;
	v3 =	vld [tilespmem:$0x1FEF0];
	_ =	sdelay $0x2  }
0x475: {  	v1 =	vld.idx.msk [tilespmem:v2+s4+$0x0], $0xffff;
	_ =	sdelay $0x2  }
0x476: {  	v2 =	vor.u32 $0x11, v0;
	_ =	sdelay $0x1  }
0x477: {  	[tilespmem:v3+s13+$0x0] =	vst.idx.msk $0xffff, v1;
	v3 =	vld [tilespmem:$0x1FF00];
	_ =	sdelay $0x2  }
0x478: {  	v1 =	vld.idx.msk [tilespmem:v2+s4+$0x0], $0xffff;
	_ =	sdelay $0x2  }
0x479: {  	v2 =	vor.u32 $0x12, v0;
	_ =	sdelay $0x1  }
0x47a: {  	[tilespmem:v3+s13+$0x0] =	vst.idx.msk $0xffff, v1;
	v3 =	vld [tilespmem:$0x1FF10];
	_ =	sdelay $0x2  }
0x47b: {  	v1 =	vld.idx.msk [tilespmem:v2+s4+$0x0], $0xffff;
	_ =	sdelay $0x2  }
0x47c: {  	v2 =	vor.u32 $0x13, v0;
	_ =	sdelay $0x1  }
0x47d: {  	[tilespmem:v3+s13+$0x0] =	vst.idx.msk $0xffff, v1;
	v3 =	vld [tilespmem:$0x1FF20];
	_ =	sdelay $0x2  }
0x47e: {  	v1 =	vld.idx.msk [tilespmem:v2+s4+$0x0], $0xffff;
	_ =	sdelay $0x2  }
0x47f: {  	v2 =	vor.u32 $0x14, v0;
	_ =	sdelay $0x1  }
0x480: {  	[tilespmem:v3+s13+$0x0] =	vst.idx.msk $0xffff, v1;
	v3 =	vld [tilespmem:$0x1FF30];
	_ =	sdelay $0x2  }
0x481: {  	v1 =	vld.idx.msk [tilespmem:v2+s4+$0x0], $0xffff;
	_ =	sdelay $0x2  }
0x482: {  	v2 =	vor.u32 $0x15, v0;
	_ =	sdelay $0x1  }
0x483: {  	[tilespmem:v3+s13+$0x0] =	vst.idx.msk $0xffff, v1;
	v3 =	vld [tilespmem:$0x1FF40];
	_ =	sdelay $0x2  }
0x484: {  	v1 =	vld.idx.msk [tilespmem:v2+s4+$0x0], $0xffff;
	_ =	sdelay $0x2  }
0x485: {  	v2 =	vor.u32 $0x16, v0;
	_ =	sdelay $0x1  }
0x486: {  	[tilespmem:v3+s13+$0x0] =	vst.idx.msk $0xffff, v1;
	v3 =	vld [tilespmem:$0x1FF50];
	_ =	sdelay $0x2  }
0x487: {  	v1 =	vld.idx.msk [tilespmem:v2+s4+$0x0], $0xffff;
	_ =	sdelay $0x2  }
0x488: {  	v2 =	vor.u32 $0x17, v0;
	_ =	sdelay $0x1  }
0x489: {  	[tilespmem:v3+s13+$0x0] =	vst.idx.msk $0xffff, v1;
	v3 =	vld [tilespmem:$0x1FF60];
	_ =	sdelay $0x2  }
0x48a: {  	v1 =	vld.idx.msk [tilespmem:v2+s4+$0x0], $0xffff;
	_ =	sdelay $0x2  }
0x48b: {  	v2 =	vor.u32 $0x18, v0;
	_ =	sdelay $0x1  }
0x48c: {  	[tilespmem:v3+s13+$0x0] =	vst.idx.msk $0xffff, v1;
	v3 =	vld [tilespmem:$0x1FF70];
	_ =	sdelay $0x2  }
0x48d: {  	v1 =	vld.idx.msk [tilespmem:v2+s4+$0x0], $0xffff;
	_ =	sdelay $0x2  }
0x48e: {  	v2 =	vor.u32 $0x19, v0;
	_ =	sdelay $0x1  }
0x48f: {  	[tilespmem:v3+s13+$0x0] =	vst.idx.msk $0xffff, v1;
	v3 =	vld [tilespmem:$0x1FF80];
	_ =	sdelay $0x2  }
0x490: {  	v1 =	vld.idx.msk [tilespmem:v2+s4+$0x0], $0xffff;
	_ =	sdelay $0x2  }
0x491: {  	v2 =	vor.u32 $0x1A, v0;
	_ =	sdelay $0x1  }
0x492: {  	[tilespmem:v3+s13+$0x0] =	vst.idx.msk $0xffff, v1;
	v3 =	vld [tilespmem:$0x1FF90];
	_ =	sdelay $0x2  }
0x493: {  	v1 =	vld.idx.msk [tilespmem:v2+s4+$0x0], $0xffff;
	_ =	sdelay $0x2  }
0x494: {  	v2 =	vor.u32 $0x1B, v0;
	_ =	sdelay $0x1  }
0x495: {  	[tilespmem:v3+s13+$0x0] =	vst.idx.msk $0xffff, v1;
	v3 =	vld [tilespmem:$0x1FFA0];
	_ =	sdelay $0x2  }
0x496: {  	v1 =	vld.idx.msk [tilespmem:v2+s4+$0x0], $0xffff;
	_ =	sdelay $0x2  }
0x497: {  	v2 =	vor.u32 $0x1C, v0;
	_ =	sdelay $0x1  }
0x498: {  	[tilespmem:v3+s13+$0x0] =	vst.idx.msk $0xffff, v1;
	v3 =	vld [tilespmem:$0x1FFB0];
	_ =	sdelay $0x2  }
0x499: {  	v1 =	vld.idx.msk [tilespmem:v2+s4+$0x0], $0xffff;
	_ =	sdelay $0x2  }
0x49a: {  	v2 =	vor.u32 $0x1D, v0;
	_ =	sdelay $0x1  }
0x49b: {  	[tilespmem:v3+s13+$0x0] =	vst.idx.msk $0xffff, v1;
	v3 =	vld [tilespmem:$0x1FFC0];
	_ =	sdelay $0x2  }
0x49c: {  	v1 =	vld.idx.msk [tilespmem:v2+s4+$0x0], $0xffff  }
0x49d: {  	v2 =	vor.u32 $0x1E, v0;
	_ =	sdelay $0x3  }
0x49e: {  	[tilespmem:v3+s13+$0x0] =	vst.idx.msk $0xffff, v1  }
0x49f: {  	v1 =	vld.idx.msk [tilespmem:v2+s4+$0x0], $0xffff  }
0x4a0: {  	v2 =	vld [tilespmem:$0x1FFD0];
	_ =	sdelay $0x5  }
0x4a1: {  	v0 =	vor.u32 $0x1F, v0;
	_ =	sdelay $0x1  }
0x4a2: {  	[tilespmem:v2+s13+$0x0] =	vst.idx.msk $0xffff, v1;
	v1 =	vld [tilespmem:$0x1FFE0];
	_ =	sdelay $0x2  }
0x4a3: {  	v0 =	vld.idx.msk [tilespmem:v0+s4+$0x0], $0xffff;
	_ =	sdelay $0x1  }
0x4a4: {  	s0 =	smul.u32 $0x1D4C00, s26  }
0x4a5: {  	s3 =	smul.u32 $0x27100, s29  }
0x4a6: {  	s8 =	smul.u32 $0x7D00, s28  }
0x4a7: {  	s0 =	sadd.s32 s3, s0;
	[tilespmem:v1+s13+$0x0] =	vst.idx.msk $0xffff, v0  }
0x4a8: {  	s0 =	sadd.s32 s8, s0;
	_ =	swait.ge [sflag:s14], $0x5300  }
0x4a9: {  	s0 =	sshrl.u32 s0, $0x3;
	[sflag:s14] =	ssyncset.done $0x0  }
0x4aa: {  	s0 =	sadd.s32 s2, s0;
	[sflag:s14] =	ssyncadd.s32 $0xFFFFAD00  }
0x4ab: {  	[hbm4b:s0+s4] =	stream.linear.scatter [tilespmem:s12], [sflag:$0x1], $0x5300, $0x38;
	[tilespmem:$0x125D0] =	vst v63  }
0x4ac: {  	s0 =	sadd.s32 $0xA60, s0  }
0x4ad: {  	[hbm4b:s0+s4] =	stream.linear.scatter [tilespmem:s13], [sflag:$0x3], $0x2A00, $0x38;
	[tilespmem:$0x125D0] =	vst v63  }
0x4ae: {  	s0 =	simm.s32 @!p0 $0x2  }
0x4af: {  	s24 =	sor.u32 $0x1, s25;
	_ =	swait.ge @!p0 [sflag:s0], $0x5300  }
0x4b0: {  	s31 =	smul.u32 $0x3E8, s24;
	[sflag:s0] =	ssyncset.done @!p0 $0x0  }
0x4b1: {  	[sflag:s0] =	ssyncadd.s32 @!p0 $0xFFFFAD00;
	s0 =	simm.s32 @!p0 $0x4  }
0x4b2: {  	s3 =	sadd.s32 s5, s31;
	_ =	swait.ge @!p0 [sflag:s0], $0x2A00  }
0x4b3: {  	s3 =	sshrl.u32 s3, $0x3;
	[sflag:s0] =	ssyncset.done @!p0 $0x0  }
0x4b4: {  	s3 =	sadd.s32 s6, s3;
	[sflag:s0] =	ssyncadd.s32 @!p0 $0xFFFFD600  }
0x4b5: {  	[tilespmem:s15], [sflag:$0x6] =	stream.linear.gather [hbm4b:s3+s4], $0x3E8, $0x38;
	[tilespmem:$0x125D0] =	vst v63  }
0x4b6: {  	_ =	swait.ge [sflag:s9], $0x3E8  }
0x4b7: {  	[sflag:s9] =	ssyncset.done $0x0  }
0x4b8: {  	s8 =	simm.s32 $0x2AB0;
	[sflag:s9] =	ssyncadd.s32 $0xFFFFFC18  }
0x4b9: {  	[tilespmem:s16], [sflag:$0x5] =	stream.indirect.gather [hbm4b:s1+s11], $0x20, s15, s11, $0xb8;
	[tilespmem:$0x125D0] =	vst v63  }
0x4ba: {  	v0 =	vld [tilespmem:s8+$0x0];
	_ =	sdelay $0x2  }
0x4bb: {  	v1 =	vld [tilespmem:s8+$0xFFFFFFD0]  }
0x4bc: {  	v38 =	vld [tilespmem:$0x1FFF0]  }
0x4bd: {  	v2 =	vld [tilespmem:s8+$0xFFFFFFE0];
	v14 =	vshll.u32 v0, $0x5;
	_ =	sdelay $0x1  }
0x4be: {  	s25 =	simm.s32 $0x30  }
0x4bf: {  	v3 =	vld [tilespmem:s8+$0xFFFFFFF0];
	v13 =	vshll.u32 v1, $0x5;
	v0 =	vmov s25  }
0x4c0: {  	v0 =	vshll.u32 v0, $0x5  }
0x4c1: {  	s26 =	simm.s32 $0x0;
	v9 =	vshll.u32 v2, $0x5;
	v0 =	vor.u32 v38, v0;
	v1 =	vld.idx.msk [tilespmem:v14+s4+$0x0], $0xffff  }
0x4c2: {  	v2 =	vmov s26;
	v4 =	vor.u32 $0x1, v14  }
0x4c3: {  	s31 =	simm.s32 $0x10;
	v2 =	vshll.u32 v2, $0x5  }
0x4c4: {  	v12 =	vshll.u32 v3, $0x5;
	v3 =	vmov s31;
	v10 =	vor.u32 v38, v2;
	v5 =	vld.idx.msk [tilespmem:v13+s4+$0x0], $0xffff  }
0x4c5: {  	v3 =	vshll.u32 v3, $0x5;
	v2 =	vor.u32 $0x1, v13  }
0x4c6: {  	s3 =	simm.s32 $0x20;
	v11 =	vor.u32 v38, v3;
	v6 =	vld.idx.msk [tilespmem:v9+s4+$0x0], $0xffff;
	[tilespmem:v0+s17+$0x0] =	vst.idx.msk $0xffff, v1  }
0x4c7: {  	v3 =	vmov s3;
	v7 =	vor.u32 $0x1, v0;
	v1 =	vor.u32 $0x1, v9;
	v4 =	vld.idx.msk [tilespmem:v4+s4+$0x0], $0xffff  }
0x4c8: {  	v8 =	vor.u32 $0x2, v14;
	v3 =	vshll.u32 v3, $0x5  }
0x4c9: {  	v36 =	vor.u32 v38, v3;
	v15 =	vld.idx.msk [tilespmem:v12+s4+$0x0], $0xffff;
	[tilespmem:v10+s17+$0x0] =	vst.idx.msk $0xffff, v5  }
0x4ca: {  	v3 =	vor.u32 $0x1, v12;
	v5 =	vor.u32 $0x1, v10;
	v2 =	vld.idx.msk [tilespmem:v2+s4+$0x0], $0xffff  }
0x4cb: {  	v16 =	vor.u32 $0x2, v13;
	[tilespmem:v11+s17+$0x0] =	vst.idx.msk $0xffff, v6  }
0x4cc: {  	v6 =	vor.u32 $0x1, v11;
	v1 =	vld.idx.msk [tilespmem:v1+s4+$0x0], $0xffff;
	[tilespmem:v7+s17+$0x0] =	vst.idx.msk $0xffff, v4  }
0x4cd: {  	v4 =	vor.u32 $0x2, v9;
	v7 =	vld.idx.msk [tilespmem:v8+s4+$0x0], $0xffff;
	v8 =	vor.u32 $0x2, v0  }
0x4ce: {  	[tilespmem:v36+s17+$0x0] =	vst.idx.msk $0xffff, v15;
	v15 =	vor.u32 $0x3, v14  }
0x4cf: {  	v17 =	vor.u32 $0x1, v36;
	v3 =	vld.idx.msk [tilespmem:v3+s4+$0x0], $0xffff;
	[tilespmem:v5+s17+$0x0] =	vst.idx.msk $0xffff, v2  }
0x4d0: {  	v2 =	vor.u32 $0x2, v12;
	v5 =	vor.u32 $0x2, v10;
	v16 =	vld.idx.msk [tilespmem:v16+s4+$0x0], $0xffff  }
0x4d1: {  	v18 =	vor.u32 $0x3, v13;
	[tilespmem:v6+s17+$0x0] =	vst.idx.msk $0xffff, v1  }
0x4d2: {  	v1 =	vor.u32 $0x2, v11;
	v4 =	vld.idx.msk [tilespmem:v4+s4+$0x0], $0xffff;
	[tilespmem:v8+s17+$0x0] =	vst.idx.msk $0xffff, v7  }
0x4d3: {  	v6 =	vor.u32 $0x3, v9;
	v8 =	vor.u32 $0x3, v0;
	v7 =	vld.idx.msk [tilespmem:v15+s4+$0x0], $0xffff  }
0x4d4: {  	[tilespmem:v17+s17+$0x0] =	vst.idx.msk $0xffff, v3;
	v3 =	vor.u32 $0x4, v14  }
0x4d5: {  	v2 =	vld.idx.msk [tilespmem:v2+s4+$0x0], $0xffff;
	[tilespmem:v5+s17+$0x0] =	vst.idx.msk $0xffff, v16;
	v15 =	vor.u32 $0x2, v36  }
0x4d6: {  	v5 =	vor.u32 $0x3, v10;
	v16 =	vor.u32 $0x3, v12;
	v17 =	vld.idx.msk [tilespmem:v18+s4+$0x0], $0xffff  }
0x4d7: {  	v18 =	vor.u32 $0x4, v13;
	[tilespmem:v1+s17+$0x0] =	vst.idx.msk $0xffff, v4  }
0x4d8: {  	v1 =	vor.u32 $0x3, v11;
	v4 =	vld.idx.msk [tilespmem:v6+s4+$0x0], $0xffff;
	[tilespmem:v8+s17+$0x0] =	vst.idx.msk $0xffff, v7  }
0x4d9: {  	v6 =	vor.u32 $0x4, v9;
	v7 =	vor.u32 $0x4, v0;
	v3 =	vld.idx.msk [tilespmem:v3+s4+$0x0], $0xffff  }
0x4da: {  	[tilespmem:v15+s17+$0x0] =	vst.idx.msk $0xffff, v2;
	v2 =	vor.u32 $0x5, v14  }
0x4db: {  	v8 =	vor.u32 $0x3, v36;
	[tilespmem:v5+s17+$0x0] =	vst.idx.msk $0xffff, v17;
	v15 =	vld.idx.msk [tilespmem:v16+s4+$0x0], $0xffff  }
0x4dc: {  	v5 =	vor.u32 $0x4, v12;
	v16 =	vor.u32 $0x4, v10;
	v17 =	vld.idx.msk [tilespmem:v18+s4+$0x0], $0xffff  }
0x4dd: {  	v18 =	vor.u32 $0x5, v13;
	[tilespmem:v1+s17+$0x0] =	vst.idx.msk $0xffff, v4  }
0x4de: {  	v1 =	vor.u32 $0x4, v11;
	v4 =	vld.idx.msk [tilespmem:v6+s4+$0x0], $0xffff;
	[tilespmem:v7+s17+$0x0] =	vst.idx.msk $0xffff, v3  }
0x4df: {  	v6 =	vor.u32 $0x5, v0;
	v3 =	vor.u32 $0x5, v9;
	v2 =	vld.idx.msk [tilespmem:v2+s4+$0x0], $0xffff  }
0x4e0: {  	[tilespmem:v8+s17+$0x0] =	vst.idx.msk $0xffff, v15;
	v7 =	vor.u32 $0x6, v14  }
0x4e1: {  	v8 =	vor.u32 $0x4, v36;
	[tilespmem:v16+s17+$0x0] =	vst.idx.msk $0xffff, v17;
	v5 =	vld.idx.msk [tilespmem:v5+s4+$0x0], $0xffff  }
0x4e2: {  	v15 =	vor.u32 $0x5, v12;
	v16 =	vor.u32 $0x5, v10;
	v17 =	vld.idx.msk [tilespmem:v18+s4+$0x0], $0xffff  }
0x4e3: {  	v18 =	vor.u32 $0x6, v13;
	[tilespmem:v1+s17+$0x0] =	vst.idx.msk $0xffff, v4  }
0x4e4: {  	v1 =	vor.u32 $0x5, v11;
	v3 =	vld.idx.msk [tilespmem:v3+s4+$0x0], $0xffff;
	[tilespmem:v6+s17+$0x0] =	vst.idx.msk $0xffff, v2  }
0x4e5: {  	v2 =	vor.u32 $0x6, v9;
	v6 =	vor.u32 $0x6, v0;
	v4 =	vld.idx.msk [tilespmem:v7+s4+$0x0], $0xffff  }
0x4e6: {  	[tilespmem:v8+s17+$0x0] =	vst.idx.msk $0xffff, v5;
	v5 =	vor.u32 $0x7, v14  }
0x4e7: {  	[tilespmem:v16+s17+$0x0] =	vst.idx.msk $0xffff, v17;
	v7 =	vor.u32 $0x5, v36;
	v8 =	vld.idx.msk [tilespmem:v15+s4+$0x0], $0xffff  }
0x4e8: {  	v16 =	vor.u32 $0x6, v10;
	v15 =	vor.u32 $0x6, v12;
	v17 =	vld.idx.msk [tilespmem:v18+s4+$0x0], $0xffff  }
0x4e9: {  	v18 =	vor.u32 $0x7, v13;
	[tilespmem:v1+s17+$0x0] =	vst.idx.msk $0xffff, v3  }
0x4ea: {  	v1 =	vor.u32 $0x6, v11;
	v2 =	vld.idx.msk [tilespmem:v2+s4+$0x0], $0xffff;
	[tilespmem:v6+s17+$0x0] =	vst.idx.msk $0xffff, v4  }
0x4eb: {  	v3 =	vor.u32 $0x7, v9;
	v4 =	vld.idx.msk [tilespmem:v5+s4+$0x0], $0xffff;
	v5 =	vor.u32 $0x7, v0  }
0x4ec: {  	[tilespmem:v7+s17+$0x0] =	vst.idx.msk $0xffff, v8;
	v6 =	vor.u32 $0x8, v14  }
0x4ed: {  	v7 =	vor.u32 $0x6, v36;
	[tilespmem:v16+s17+$0x0] =	vst.idx.msk $0xffff, v17;
	v8 =	vld.idx.msk [tilespmem:v15+s4+$0x0], $0xffff  }
0x4ee: {  	v16 =	vor.u32 $0x7, v12;
	v15 =	vor.u32 $0x7, v10;
	v17 =	vld.idx.msk [tilespmem:v18+s4+$0x0], $0xffff  }
0x4ef: {  	v18 =	vor.u32 $0x8, v13;
	[tilespmem:v1+s17+$0x0] =	vst.idx.msk $0xffff, v2  }
0x4f0: {  	v1 =	vor.u32 $0x7, v11;
	v2 =	vld.idx.msk [tilespmem:v3+s4+$0x0], $0xffff;
	[tilespmem:v5+s17+$0x0] =	vst.idx.msk $0xffff, v4  }
0x4f1: {  	v3 =	vor.u32 $0x8, v9;
	v5 =	vor.u32 $0x8, v0;
	v4 =	vld.idx.msk [tilespmem:v6+s4+$0x0], $0xffff  }
0x4f2: {  	[tilespmem:v7+s17+$0x0] =	vst.idx.msk $0xffff, v8;
	v6 =	vor.u32 $0x9, v14  }
0x4f3: {  	v7 =	vor.u32 $0x7, v36;
	[tilespmem:v15+s17+$0x0] =	vst.idx.msk $0xffff, v17;
	v8 =	vld.idx.msk [tilespmem:v16+s4+$0x0], $0xffff  }
0x4f4: {  	v15 =	vor.u32 $0x8, v10;
	v16 =	vor.u32 $0x8, v12;
	v17 =	vld.idx.msk [tilespmem:v18+s4+$0x0], $0xffff  }
0x4f5: {  	v18 =	vor.u32 $0x9, v13;
	[tilespmem:v1+s17+$0x0] =	vst.idx.msk $0xffff, v2  }
0x4f6: {  	v1 =	vor.u32 $0x8, v11;
	v2 =	vld.idx.msk [tilespmem:v3+s4+$0x0], $0xffff;
	[tilespmem:v5+s17+$0x0] =	vst.idx.msk $0xffff, v4  }
0x4f7: {  	v3 =	vor.u32 $0x9, v9;
	v5 =	vor.u32 $0x9, v0;
	v4 =	vld.idx.msk [tilespmem:v6+s4+$0x0], $0xffff  }
0x4f8: {  	[tilespmem:v7+s17+$0x0] =	vst.idx.msk $0xffff, v8;
	v6 =	vor.u32 $0xA, v14  }
0x4f9: {  	v7 =	vor.u32 $0x8, v36;
	[tilespmem:v15+s17+$0x0] =	vst.idx.msk $0xffff, v17;
	v8 =	vld.idx.msk [tilespmem:v16+s4+$0x0], $0xffff  }
0x4fa: {  	v15 =	vor.u32 $0x9, v10;
	v16 =	vor.u32 $0x9, v12;
	v17 =	vld.idx.msk [tilespmem:v18+s4+$0x0], $0xffff  }
0x4fb: {  	v18 =	vor.u32 $0xA, v13;
	[tilespmem:v1+s17+$0x0] =	vst.idx.msk $0xffff, v2  }
0x4fc: {  	v1 =	vor.u32 $0x9, v11;
	v2 =	vld.idx.msk [tilespmem:v3+s4+$0x0], $0xffff;
	[tilespmem:v5+s17+$0x0] =	vst.idx.msk $0xffff, v4  }
0x4fd: {  	v3 =	vor.u32 $0xA, v9;
	v5 =	vor.u32 $0xA, v0;
	v4 =	vld.idx.msk [tilespmem:v6+s4+$0x0], $0xffff  }
0x4fe: {  	[tilespmem:v7+s17+$0x0] =	vst.idx.msk $0xffff, v8;
	v6 =	vor.u32 $0xB, v14  }
0x4ff: {  	v7 =	vor.u32 $0x9, v36;
	[tilespmem:v15+s17+$0x0] =	vst.idx.msk $0xffff, v17;
	v8 =	vld.idx.msk [tilespmem:v16+s4+$0x0], $0xffff  }
0x500: {  	v15 =	vor.u32 $0xA, v10;
	v16 =	vor.u32 $0xA, v12;
	v17 =	vld.idx.msk [tilespmem:v18+s4+$0x0], $0xffff  }
0x501: {  	v18 =	vor.u32 $0xB, v13;
	[tilespmem:v1+s17+$0x0] =	vst.idx.msk $0xffff, v2  }
0x502: {  	v1 =	vor.u32 $0xA, v11;
	v2 =	vld.idx.msk [tilespmem:v3+s4+$0x0], $0xffff;
	[tilespmem:v5+s17+$0x0] =	vst.idx.msk $0xffff, v4  }
0x503: {  	v3 =	vor.u32 $0xB, v9;
	v5 =	vor.u32 $0xB, v0;
	v4 =	vld.idx.msk [tilespmem:v6+s4+$0x0], $0xffff  }
0x504: {  	[tilespmem:v7+s17+$0x0] =	vst.idx.msk $0xffff, v8;
	v6 =	vor.u32 $0xC, v14  }
0x505: {  	v7 =	vor.u32 $0xA, v36;
	[tilespmem:v15+s17+$0x0] =	vst.idx.msk $0xffff, v17;
	v8 =	vld.idx.msk [tilespmem:v16+s4+$0x0], $0xffff  }
0x506: {  	v15 =	vor.u32 $0xB, v10;
	v16 =	vor.u32 $0xB, v12;
	v17 =	vld.idx.msk [tilespmem:v18+s4+$0x0], $0xffff  }
0x507: {  	v18 =	vor.u32 $0xC, v13;
	[tilespmem:v1+s17+$0x0] =	vst.idx.msk $0xffff, v2  }
0x508: {  	v1 =	vor.u32 $0xB, v11;
	v2 =	vld.idx.msk [tilespmem:v3+s4+$0x0], $0xffff;
	[tilespmem:v5+s17+$0x0] =	vst.idx.msk $0xffff, v4  }
0x509: {  	v3 =	vor.u32 $0xC, v9;
	v5 =	vor.u32 $0xC, v0;
	v4 =	vld.idx.msk [tilespmem:v6+s4+$0x0], $0xffff  }
0x50a: {  	[tilespmem:v7+s17+$0x0] =	vst.idx.msk $0xffff, v8;
	v6 =	vor.u32 $0xD, v14  }
0x50b: {  	v7 =	vor.u32 $0xB, v36;
	[tilespmem:v15+s17+$0x0] =	vst.idx.msk $0xffff, v17;
	v8 =	vld.idx.msk [tilespmem:v16+s4+$0x0], $0xffff  }
0x50c: {  	v15 =	vor.u32 $0xC, v12;
	v16 =	vor.u32 $0xC, v10;
	v17 =	vld.idx.msk [tilespmem:v18+s4+$0x0], $0xffff  }
0x50d: {  	v18 =	vor.u32 $0xD, v13;
	[tilespmem:v1+s17+$0x0] =	vst.idx.msk $0xffff, v2  }
0x50e: {  	v1 =	vor.u32 $0xC, v11;
	v2 =	vld.idx.msk [tilespmem:v3+s4+$0x0], $0xffff;
	[tilespmem:v5+s17+$0x0] =	vst.idx.msk $0xffff, v4  }
0x50f: {  	v3 =	vor.u32 $0xD, v9;
	v5 =	vor.u32 $0xD, v0;
	v4 =	vld.idx.msk [tilespmem:v6+s4+$0x0], $0xffff  }
0x510: {  	[tilespmem:v7+s17+$0x0] =	vst.idx.msk $0xffff, v8;
	v6 =	vor.u32 $0xE, v14  }
0x511: {  	v7 =	vor.u32 $0xC, v36;
	[tilespmem:v16+s17+$0x0] =	vst.idx.msk $0xffff, v17;
	v8 =	vld.idx.msk [tilespmem:v15+s4+$0x0], $0xffff  }
0x512: {  	v16 =	vor.u32 $0xD, v10;
	v15 =	vor.u32 $0xD, v12;
	v17 =	vld.idx.msk [tilespmem:v18+s4+$0x0], $0xffff  }
0x513: {  	v18 =	vor.u32 $0xE, v13;
	[tilespmem:v1+s17+$0x0] =	vst.idx.msk $0xffff, v2  }
0x514: {  	v1 =	vor.u32 $0xD, v11;
	v2 =	vld.idx.msk [tilespmem:v3+s4+$0x0], $0xffff;
	[tilespmem:v5+s17+$0x0] =	vst.idx.msk $0xffff, v4  }
0x515: {  	v3 =	vor.u32 $0xE, v9;
	v5 =	vor.u32 $0xE, v0;
	v4 =	vld.idx.msk [tilespmem:v6+s4+$0x0], $0xffff  }
0x516: {  	[tilespmem:v7+s17+$0x0] =	vst.idx.msk $0xffff, v8;
	v6 =	vor.u32 $0xF, v14  }
0x517: {  	v7 =	vor.u32 $0xD, v36;
	[tilespmem:v16+s17+$0x0] =	vst.idx.msk $0xffff, v17;
	v8 =	vld.idx.msk [tilespmem:v15+s4+$0x0], $0xffff  }
0x518: {  	v16 =	vor.u32 $0xE, v10;
	v15 =	vor.u32 $0xE, v12;
	v17 =	vld.idx.msk [tilespmem:v18+s4+$0x0], $0xffff  }
0x519: {  	v18 =	vor.u32 $0xF, v13;
	[tilespmem:v1+s17+$0x0] =	vst.idx.msk $0xffff, v2  }
0x51a: {  	v1 =	vor.u32 $0xE, v11;
	v2 =	vld.idx.msk [tilespmem:v3+s4+$0x0], $0xffff;
	[tilespmem:v5+s17+$0x0] =	vst.idx.msk $0xffff, v4  }
0x51b: {  	v3 =	vor.u32 $0xF, v9;
	v5 =	vor.u32 $0xF, v0;
	v4 =	vld.idx.msk [tilespmem:v6+s4+$0x0], $0xffff  }
0x51c: {  	[tilespmem:v7+s17+$0x0] =	vst.idx.msk $0xffff, v8;
	v6 =	vor.u32 $0x10, v14  }
0x51d: {  	v7 =	vor.u32 $0xE, v36;
	[tilespmem:v16+s17+$0x0] =	vst.idx.msk $0xffff, v17;
	v8 =	vld.idx.msk [tilespmem:v15+s4+$0x0], $0xffff  }
0x51e: {  	v16 =	vor.u32 $0xF, v10;
	v15 =	vor.u32 $0xF, v12;
	v17 =	vld.idx.msk [tilespmem:v18+s4+$0x0], $0xffff  }
0x51f: {  	v18 =	vor.u32 $0x10, v13;
	[tilespmem:v1+s17+$0x0] =	vst.idx.msk $0xffff, v2  }
0x520: {  	v1 =	vor.u32 $0xF, v11;
	v2 =	vld.idx.msk [tilespmem:v3+s4+$0x0], $0xffff;
	[tilespmem:v5+s17+$0x0] =	vst.idx.msk $0xffff, v4  }
0x521: {  	s8 =	simm.s32 $0x2AF0;
	v3 =	vor.u32 $0x10, v9;
	v5 =	vor.u32 $0x10, v0;
	v4 =	vld.idx.msk [tilespmem:v6+s4+$0x0], $0xffff  }
0x522: {  	v19 =	vld [tilespmem:s8+$0xFFFFFFD0];
	[tilespmem:v7+s17+$0x0] =	vst.idx.msk $0xffff, v8;
	v6 =	vor.u32 $0x11, v14  }
0x523: {  	v7 =	vor.u32 $0xF, v36;
	[tilespmem:v16+s17+$0x0] =	vst.idx.msk $0xffff, v17;
	v8 =	vld.idx.msk [tilespmem:v15+s4+$0x0], $0xffff  }
0x524: {  	v16 =	vor.u32 $0x10, v12;
	v15 =	vor.u32 $0x10, v10;
	v17 =	vld.idx.msk [tilespmem:v18+s4+$0x0], $0xffff  }
0x525: {  	v22 =	vld [tilespmem:s8+$0xFFFFFFF0];
	v18 =	vor.u32 $0x11, v13;
	[tilespmem:v1+s17+$0x0] =	vst.idx.msk $0xffff, v2  }
0x526: {  	v1 =	vld.idx.msk [tilespmem:v3+s4+$0x0], $0xffff;
	[tilespmem:v5+s17+$0x0] =	vst.idx.msk $0xffff, v4;
	v5 =	vor.u32 $0x10, v11  }
0x527: {  	v3 =	vor.u32 $0x11, v0;
	v2 =	vld.idx.msk [tilespmem:v6+s4+$0x0], $0xffff  }
0x528: {  	[tilespmem:v7+s17+$0x0] =	vst.idx.msk $0xffff, v8;
	v4 =	vld [tilespmem:s8+$0x0];
	v7 =	vor.u32 $0x12, v14  }
0x529: {  	[tilespmem:v15+s17+$0x0] =	vst.idx.msk $0xffff, v17;
	v8 =	vor.u32 $0x11, v9;
	v15 =	vor.u32 $0x10, v36;
	v6 =	vld.idx.msk [tilespmem:v16+s4+$0x0], $0xffff  }
0x52a: {  	v17 =	vor.u32 $0x11, v10;
	v16 =	vld.idx.msk [tilespmem:v18+s4+$0x0], $0xffff;
	v18 =	vor.u32 $0x11, v12  }
0x52b: {  	v20 =	vor.u32 $0x12, v13;
	[tilespmem:v5+s17+$0x0] =	vst.idx.msk $0xffff, v1  }
0x52c: {  	v21 =	vld [tilespmem:s8+$0xFFFFFFE0];
	v5 =	vshll.u32 v19, $0x5;
	[tilespmem:v3+s17+$0x0] =	vst.idx.msk $0xffff, v2  }
0x52d: {  	v2 =	vshll.u32 v4, $0x5;
	v1 =	vld.idx.msk [tilespmem:v7+s4+$0x0], $0xffff;
	v7 =	vor.u32 $0x12, v0  }
0x52e: {  	[tilespmem:v15+s17+$0x0] =	vst.idx.msk $0xffff, v6;
	v6 =	vld.idx.msk [tilespmem:v8+s4+$0x0], $0xffff;
	v8 =	vor.u32 $0x13, v14  }
0x52f: {  	s25 =	simm.s32 $0x70;
	[tilespmem:v17+s17+$0x0] =	vst.idx.msk $0xffff, v16;
	v16 =	vor.u32 $0x11, v11;
	v3 =	vshll.u32 v22, $0x5;
	v15 =	vld.idx.msk [tilespmem:v18+s4+$0x0], $0xffff  }
0x530: {  	s26 =	simm.s32 $0x40;
	v19 =	vor.u32 $0x12, v9;
	v17 =	vor.u32 $0x11, v36;
	v18 =	vld.idx.msk [tilespmem:v20+s4+$0x0], $0xffff;
	v20 =	vmov s25  }
0x531: {  	v23 =	vmov s26;
	v4 =	vshll.u32 v21, $0x5;
	v20 =	vshll.u32 v20, $0x5;
	v24 =	vld.idx.msk [tilespmem:v5+s4+$0x0], $0xffff  }
0x532: {  	s31 =	simm.s32 $0x50;
	v23 =	vshll.u32 v23, $0x5;
	v22 =	vor.u32 $0x12, v12;
	v41 =	vor.u32 v38, v20;
	v21 =	vld.idx.msk [tilespmem:v2+s4+$0x0], $0xffff;
	[tilespmem:v7+s17+$0x0] =	vst.idx.msk $0xffff, v1  }
0x533: {  	v26 =	vor.u32 $0x13, v0;
	v25 =	vor.u32 $0x1, v2;
	v7 =	vmov s31;
	v20 =	vld.idx.msk [tilespmem:v8+s4+$0x0], $0xffff  }
0x534: {  	v28 =	vor.u32 $0x14, v14;
	s8 =	simm.s32 $0x60;
	[tilespmem:v16+s17+$0x0] =	vst.idx.msk $0xffff, v6;
	v16 =	vld.idx.msk [tilespmem:v3+s4+$0x0], $0xffff;
	v27 =	vshll.u32 v7, $0x5;
	v7 =	vor.u32 v38, v23  }
0x535: {  	v29 =	vor.u32 $0x1, v5;
	[tilespmem:v17+s17+$0x0] =	vst.idx.msk $0xffff, v15;
	v15 =	vld.idx.msk [tilespmem:v19+s4+$0x0], $0xffff;
	v17 =	vor.u32 $0x12, v10;
	v8 =	vmov s8  }
0x536: {  	v23 =	vld.idx.msk [tilespmem:v4+s4+$0x0], $0xffff;
	v6 =	vshll.u32 v8, $0x5;
	v8 =	vor.u32 v38, v27  }
0x537: {  	v27 =	vor.u32 $0x1, v4;
	v6 =	vor.u32 v38, v6;
	[tilespmem:v41+s17+$0x0] =	vst.idx.msk $0xffff, v21;
	v21 =	vld.idx.msk [tilespmem:v22+s4+$0x0], $0xffff  }
0x538: {  	v30 =	vor.u32 $0x12, v11;
	v19 =	vor.u32 $0x1, v3;
	v25 =	vld.idx.msk [tilespmem:v25+s4+$0x0], $0xffff;
	[tilespmem:v26+s17+$0x0] =	vst.idx.msk $0xffff, v20  }
0x539: {  	v22 =	vor.u32 $0x13, v13;
	[tilespmem:v7+s17+$0x0] =	vst.idx.msk $0xffff, v24;
	v24 =	vor.u32 $0x1, v41;
	v26 =	vld.idx.msk [tilespmem:v28+s4+$0x0], $0xffff  }
0x53a: {  	[tilespmem:v17+s17+$0x0] =	vst.idx.msk $0xffff, v18;
	v20 =	vor.u32 $0x13, v9;
	v28 =	vld.idx.msk [tilespmem:v29+s4+$0x0], $0xffff;
	v29 =	vor.u32 $0x14, v0  }
0x53b: {  	v31 =	vor.u32 $0x1, v7;
	[tilespmem:v8+s17+$0x0] =	vst.idx.msk $0xffff, v23;
	v23 =	vor.u32 $0x2, v2  }
0x53c: {  	v17 =	vor.u32 $0x1, v8;
	v27 =	vld.idx.msk [tilespmem:v27+s4+$0x0], $0xffff;
	[tilespmem:v6+s17+$0x0] =	vst.idx.msk $0xffff, v16;
	v16 =	vor.u32 $0x15, v14  }
0x53d: {  	v56 =	vor.u32 $0x2, v5;
	v57 =	vor.u32 $0x1, v6;
	[tilespmem:v30+s17+$0x0] =	vst.idx.msk $0xffff, v15;
	v18 =	vld.idx.msk [tilespmem:v19+s4+$0x0], $0xffff  }
0x53e: {  	v19 =	vor.u32 $0x2, v4;
	v15 =	vld.idx.msk [tilespmem:v22+s4+$0x0], $0xffff;
	v22 =	vor.u32 $0x12, v36;
	[tilespmem:v24+s17+$0x0] =	vst.idx.msk $0xffff, v25  }
0x53f: {  	v30 =	vor.u32 $0x2, v3;
	v20 =	vld.idx.msk [tilespmem:v20+s4+$0x0], $0xffff;
	v24 =	vor.u32 $0x13, v10;
	[tilespmem:v29+s17+$0x0] =	vst.idx.msk $0xffff, v26  }
0x540: {  	v25 =	vor.u32 $0x13, v12;
	v23 =	vld.idx.msk [tilespmem:v23+s4+$0x0], $0xffff;
	[tilespmem:v31+s17+$0x0] =	vst.idx.msk $0xffff, v28;
	v28 =	vor.u32 $0x2, v41  }
0x541: {  	v26 =	vor.u32 $0x14, v13;
	v16 =	vld.idx.msk [tilespmem:v16+s4+$0x0], $0xffff;
	[tilespmem:v17+s17+$0x0] =	vst.idx.msk $0xffff, v27;
	v27 =	vor.u32 $0x15, v0  }
0x542: {  	v31 =	vor.u32 $0x2, v7;
	v29 =	vld.idx.msk [tilespmem:v56+s4+$0x0], $0xffff;
	v17 =	vor.u32 $0x3, v2;
	[tilespmem:v57+s17+$0x0] =	vst.idx.msk $0xffff, v18  }
0x543: {  	v59 =	vor.u32 $0x2, v8;
	v19 =	vld.idx.msk [tilespmem:v19+s4+$0x0], $0xffff;
	v18 =	vor.u32 $0x16, v14;
	[tilespmem:v22+s17+$0x0] =	vst.idx.msk $0xffff, v21  }
0x544: {  	v58 =	vor.u32 $0x3, v5;
	v22 =	vor.u32 $0x2, v6;
	v21 =	vld.idx.msk [tilespmem:v30+s4+$0x0], $0xffff;
	[tilespmem:v24+s17+$0x0] =	vst.idx.msk $0xffff, v15  }
0x545: {  	v30 =	vor.u32 $0x3, v4;
	v15 =	vld.idx.msk [tilespmem:v25+s4+$0x0], $0xffff;
	v24 =	vor.u32 $0x13, v11;
	[tilespmem:v28+s17+$0x0] =	vst.idx.msk $0xffff, v23  }
0x546: {  	v25 =	vor.u32 $0x3, v3;
	v23 =	vld.idx.msk [tilespmem:v26+s4+$0x0], $0xffff;
	v26 =	vor.u32 $0x13, v36;
	[tilespmem:v27+s17+$0x0] =	vst.idx.msk $0xffff, v16  }
0x547: {  	v28 =	vor.u32 $0x14, v9;
	v17 =	vld.idx.msk [tilespmem:v17+s4+$0x0], $0xffff;
	[tilespmem:v31+s17+$0x0] =	vst.idx.msk $0xffff, v29;
	v27 =	vor.u32 $0x3, v41  }
0x548: {  	v16 =	vor.u32 $0x14, v12;
	v31 =	vor.u32 $0x16, v0;
	v18 =	vld.idx.msk [tilespmem:v18+s4+$0x0], $0xffff;
	[tilespmem:v59+s17+$0x0] =	vst.idx.msk $0xffff, v19  }
0x549: {  	v60 =	vor.u32 $0x3, v7;
	v29 =	vld.idx.msk [tilespmem:v58+s4+$0x0], $0xffff;
	v19 =	vor.u32 $0x4, v2;
	[tilespmem:v22+s17+$0x0] =	vst.idx.msk $0xffff, v21  }
0x54a: {  	v30 =	vld.idx.msk [tilespmem:v30+s4+$0x0], $0xffff;
	v21 =	vor.u32 $0x17, v14;
	v22 =	vor.u32 $0x3, v8;
	[tilespmem:v24+s17+$0x0] =	vst.idx.msk $0xffff, v20  }
0x54b: {  	v61 =	vor.u32 $0x4, v5;
	v20 =	vld.idx.msk [tilespmem:v25+s4+$0x0], $0xffff;
	v24 =	vor.u32 $0x3, v6;
	[tilespmem:v26+s17+$0x0] =	vst.idx.msk $0xffff, v15  }
0x54c: {  	v25 =	vor.u32 $0x4, v4;
	v15 =	vld.idx.msk [tilespmem:v28+s4+$0x0], $0xffff;
	v26 =	vor.u32 $0x14, v10;
	[tilespmem:v27+s17+$0x0] =	vst.idx.msk $0xffff, v17  }
0x54d: {  	v28 =	vor.u32 $0x4, v3;
	v16 =	vld.idx.msk [tilespmem:v16+s4+$0x0], $0xffff;
	v17 =	vor.u32 $0x14, v11;
	[tilespmem:v31+s17+$0x0] =	vst.idx.msk $0xffff, v18  }
0x54e: {  	v27 =	vor.u32 $0x15, v13;
	v19 =	vld.idx.msk [tilespmem:v19+s4+$0x0], $0xffff;
	[tilespmem:v60+s17+$0x0] =	vst.idx.msk $0xffff, v29  }
0x54f: {  	v18 =	vor.u32 $0x15, v9;
	v21 =	vld.idx.msk [tilespmem:v21+s4+$0x0], $0xffff;
	[tilespmem:v22+s17+$0x0] =	vst.idx.msk $0xffff, v30  }
0x550: {  	v31 =	vld.idx.msk [tilespmem:v61+s4+$0x0], $0xffff;
	[tilespmem:v24+s17+$0x0] =	vst.idx.msk $0xffff, v20  }
0x551: {  	v29 =	vor.u32 $0x4, v41;
	v25 =	vld.idx.msk [tilespmem:v25+s4+$0x0], $0xffff;
	[tilespmem:v26+s17+$0x0] =	vst.idx.msk $0xffff, v23  }
0x552: {  	v22 =	vor.u32 $0x5, v2;
	v30 =	vor.u32 $0x17, v0;
	v23 =	vld.idx.msk [tilespmem:v28+s4+$0x0], $0xffff;
	[tilespmem:v17+s17+$0x0] =	vst.idx.msk $0xffff, v15  }
0x553: {  	v62 =	vor.u32 $0x4, v7;
	v20 =	vor.u32 $0x18, v14;
	v15 =	vld.idx.msk [tilespmem:v27+s4+$0x0], $0xffff  }
0x554: {  	v63 =	vor.u32 $0x5, v5;
	s25 =	simm.s32 $0x2B30;
	v24 =	vor.u32 $0x4, v8;
	v18 =	vld.idx.msk [tilespmem:v18+s4+$0x0], $0xffff  }
0x555: {  	v26 =	vor.u32 $0x4, v6;
	v28 =	vor.u32 $0x5, v4;
	v56 =	vld [tilespmem:s25+$0xFFFFFFE0]  }
0x556: {  	v17 =	vor.u32 $0x14, v36;
	v27 =	vor.u32 $0x5, v3;
	[tilespmem:v29+s17+$0x0] =	vst.idx.msk $0xffff, v19;
	v59 =	vld [tilespmem:s25+$0xFFFFFFF0]  }
0x557: {  	v19 =	vor.u32 $0x15, v12;
	v29 =	vor.u32 $0x15, v10;
	v22 =	vld.idx.msk [tilespmem:v22+s4+$0x0], $0xffff;
	[tilespmem:v30+s17+$0x0] =	vst.idx.msk $0xffff, v21  }
0x558: {  	v21 =	vor.u32 $0x16, v13;
	[tilespmem:v62+s17+$0x0] =	vst.idx.msk $0xffff, v31;
	v30 =	vor.u32 $0x5, v41;
	v20 =	vld.idx.msk [tilespmem:v20+s4+$0x0], $0xffff  }
0x559: {  	v31 =	vld.idx.msk [tilespmem:v63+s4+$0x0], $0xffff;
	[tilespmem:v24+s17+$0x0] =	vst.idx.msk $0xffff, v25;
	v24 =	vor.u32 $0x6, v2;
	v25 =	vor.u32 $0x18, v0  }
0x55a: {  	v37 =	vor.u32 $0x5, v7;
	v28 =	vld.idx.msk [tilespmem:v28+s4+$0x0], $0xffff;
	[tilespmem:v26+s17+$0x0] =	vst.idx.msk $0xffff, v23;
	v23 =	vor.u32 $0x19, v14  }
0x55b: {  	v39 =	vor.u32 $0x6, v5;
	v26 =	vor.u32 $0x5, v8;
	[tilespmem:v17+s17+$0x0] =	vst.idx.msk $0xffff, v16;
	v16 =	vld.idx.msk [tilespmem:v27+s4+$0x0], $0xffff  }
0x55c: {  	v17 =	vor.u32 $0x5, v6;
	v27 =	vor.u32 $0x6, v4;
	[tilespmem:v29+s17+$0x0] =	vst.idx.msk $0xffff, v15;
	v15 =	vld.idx.msk [tilespmem:v19+s4+$0x0], $0xffff  }
0x55d: {  	v19 =	vor.u32 $0x15, v11;
	v29 =	vor.u32 $0x6, v3;
	[tilespmem:v30+s17+$0x0] =	vst.idx.msk $0xffff, v22;
	v21 =	vld.idx.msk [tilespmem:v21+s4+$0x0], $0xffff  }
0x55e: {  	v22 =	vor.u32 $0x15, v36;
	v30 =	vor.u32 $0x16, v9;
	v24 =	vld.idx.msk [tilespmem:v24+s4+$0x0], $0xffff;
	[tilespmem:v25+s17+$0x0] =	vst.idx.msk $0xffff, v20  }
0x55f: {  	v20 =	vor.u32 $0x16, v12;
	[tilespmem:v37+s17+$0x0] =	vst.idx.msk $0xffff, v31;
	v25 =	vor.u32 $0x6, v41;
	v23 =	vld.idx.msk [tilespmem:v23+s4+$0x0], $0xffff  }
0x560: {  	v40 =	vor.u32 $0x6, v7;
	v31 =	vld.idx.msk [tilespmem:v39+s4+$0x0], $0xffff;
	[tilespmem:v26+s17+$0x0] =	vst.idx.msk $0xffff, v28;
	v26 =	vor.u32 $0x7, v2  }
0x561: {  	v42 =	vor.u32 $0x7, v5;
	v28 =	vor.u32 $0x19, v0;
	v27 =	vld.idx.msk [tilespmem:v27+s4+$0x0], $0xffff;
	[tilespmem:v17+s17+$0x0] =	vst.idx.msk $0xffff, v16  }
0x562: {  	v16 =	vor.u32 $0x1A, v14;
	v17 =	vor.u32 $0x6, v8;
	[tilespmem:v19+s17+$0x0] =	vst.idx.msk $0xffff, v18;
	v18 =	vld.idx.msk [tilespmem:v29+s4+$0x0], $0xffff  }
0x563: {  	v19 =	vor.u32 $0x6, v6;
	v29 =	vor.u32 $0x7, v4;
	[tilespmem:v22+s17+$0x0] =	vst.idx.msk $0xffff, v15;
	v15 =	vld.idx.msk [tilespmem:v30+s4+$0x0], $0xffff  }
0x564: {  	v22 =	vor.u32 $0x16, v10;
	v30 =	vor.u32 $0x7, v3;
	[tilespmem:v25+s17+$0x0] =	vst.idx.msk $0xffff, v24;
	v20 =	vld.idx.msk [tilespmem:v20+s4+$0x0], $0xffff  }
0x565: {  	v24 =	vor.u32 $0x16, v11;
	v25 =	vor.u32 $0x17, v13;
	v26 =	vld.idx.msk [tilespmem:v26+s4+$0x0], $0xffff;
	[tilespmem:v40+s17+$0x0] =	vst.idx.msk $0xffff, v31  }
0x566: {  	[tilespmem:v28+s17+$0x0] =	vst.idx.msk $0xffff, v23;
	v23 =	vor.u32 $0x17, v9;
	v28 =	vor.u32 $0x7, v41;
	v31 =	vld.idx.msk [tilespmem:v42+s4+$0x0], $0xffff  }
0x567: {  	v43 =	vor.u32 $0x7, v7;
	v16 =	vld.idx.msk [tilespmem:v16+s4+$0x0], $0xffff;
	[tilespmem:v17+s17+$0x0] =	vst.idx.msk $0xffff, v27;
	v17 =	vor.u32 $0x8, v2  }
0x568: {  	v44 =	vor.u32 $0x8, v5;
	v27 =	vor.u32 $0x1A, v0;
	v29 =	vld.idx.msk [tilespmem:v29+s4+$0x0], $0xffff;
	[tilespmem:v19+s17+$0x0] =	vst.idx.msk $0xffff, v18  }
0x569: {  	v18 =	vor.u32 $0x1B, v14;
	v19 =	vor.u32 $0x7, v8;
	[tilespmem:v22+s17+$0x0] =	vst.idx.msk $0xffff, v21;
	v21 =	vld.idx.msk [tilespmem:v30+s4+$0x0], $0xffff  }
0x56a: {  	v22 =	vor.u32 $0x8, v4;
	v30 =	vor.u32 $0x7, v6;
	[tilespmem:v24+s17+$0x0] =	vst.idx.msk $0xffff, v15;
	v15 =	vld.idx.msk [tilespmem:v25+s4+$0x0], $0xffff  }
0x56b: {  	v24 =	vor.u32 $0x16, v36;
	v25 =	vor.u32 $0x8, v3;
	[tilespmem:v28+s17+$0x0] =	vst.idx.msk $0xffff, v26;
	v23 =	vld.idx.msk [tilespmem:v23+s4+$0x0], $0xffff  }
0x56c: {  	v26 =	vor.u32 $0x17, v12;
	v28 =	vor.u32 $0x17, v10;
	[tilespmem:v43+s17+$0x0] =	vst.idx.msk $0xffff, v31;
	v17 =	vld.idx.msk [tilespmem:v17+s4+$0x0], $0xffff  }
0x56d: {  	[tilespmem:v27+s17+$0x0] =	vst.idx.msk $0xffff, v16;
	v16 =	vor.u32 $0x18, v13;
	v27 =	vor.u32 $0x8, v41;
	v31 =	vld.idx.msk [tilespmem:v44+s4+$0x0], $0xffff  }
0x56e: {  	v45 =	vor.u32 $0x8, v7;
	v18 =	vld.idx.msk [tilespmem:v18+s4+$0x0], $0xffff;
	[tilespmem:v19+s17+$0x0] =	vst.idx.msk $0xffff, v29;
	v19 =	vor.u32 $0x9, v2  }
0x56f: {  	v46 =	vor.u32 $0x9, v5;
	v29 =	vor.u32 $0x1B, v0;
	v22 =	vld.idx.msk [tilespmem:v22+s4+$0x0], $0xffff;
	[tilespmem:v30+s17+$0x0] =	vst.idx.msk $0xffff, v21  }
0x570: {  	v21 =	vor.u32 $0x1C, v14;
	v30 =	vor.u32 $0x8, v8;
	[tilespmem:v24+s17+$0x0] =	vst.idx.msk $0xffff, v20;
	v20 =	vld.idx.msk [tilespmem:v25+s4+$0x0], $0xffff  }
0x571: {  	v24 =	vor.u32 $0x9, v4;
	v25 =	vor.u32 $0x8, v6;
	[tilespmem:v28+s17+$0x0] =	vst.idx.msk $0xffff, v15;
	v15 =	vld.idx.msk [tilespmem:v26+s4+$0x0], $0xffff  }
0x572: {  	v26 =	vor.u32 $0x17, v11;
	v28 =	vor.u32 $0x9, v3;
	[tilespmem:v27+s17+$0x0] =	vst.idx.msk $0xffff, v17;
	v16 =	vld.idx.msk [tilespmem:v16+s4+$0x0], $0xffff  }
0x573: {  	v17 =	vor.u32 $0x17, v36;
	v27 =	vor.u32 $0x18, v9;
	[tilespmem:v45+s17+$0x0] =	vst.idx.msk $0xffff, v31;
	v19 =	vld.idx.msk [tilespmem:v19+s4+$0x0], $0xffff  }
0x574: {  	[tilespmem:v29+s17+$0x0] =	vst.idx.msk $0xffff, v18;
	v18 =	vor.u32 $0x18, v12;
	v29 =	vor.u32 $0x9, v41;
	v31 =	vld.idx.msk [tilespmem:v46+s4+$0x0], $0xffff  }
0x575: {  	v47 =	vor.u32 $0x9, v7;
	v21 =	vld.idx.msk [tilespmem:v21+s4+$0x0], $0xffff;
	[tilespmem:v30+s17+$0x0] =	vst.idx.msk $0xffff, v22;
	v22 =	vor.u32 $0xA, v2  }
0x576: {  	v48 =	vor.u32 $0xA, v5;
	v30 =	vor.u32 $0x1C, v0;
	v24 =	vld.idx.msk [tilespmem:v24+s4+$0x0], $0xffff;
	[tilespmem:v25+s17+$0x0] =	vst.idx.msk $0xffff, v20  }
0x577: {  	v20 =	vor.u32 $0x1D, v14;
	v25 =	vor.u32 $0x9, v8;
	[tilespmem:v26+s17+$0x0] =	vst.idx.msk $0xffff, v23;
	v23 =	vld.idx.msk [tilespmem:v28+s4+$0x0], $0xffff  }
0x578: {  	v26 =	vor.u32 $0x9, v6;
	v28 =	vor.u32 $0xA, v4;
	[tilespmem:v17+s17+$0x0] =	vst.idx.msk $0xffff, v15;
	v15 =	vld.idx.msk [tilespmem:v27+s4+$0x0], $0xffff  }
0x579: {  	v17 =	vor.u32 $0x18, v10;
	v27 =	vor.u32 $0xA, v3;
	[tilespmem:v29+s17+$0x0] =	vst.idx.msk $0xffff, v19;
	v18 =	vld.idx.msk [tilespmem:v18+s4+$0x0], $0xffff  }
0x57a: {  	v19 =	vor.u32 $0x18, v11;
	v29 =	vor.u32 $0x19, v13;
	[tilespmem:v47+s17+$0x0] =	vst.idx.msk $0xffff, v31;
	v22 =	vld.idx.msk [tilespmem:v22+s4+$0x0], $0xffff  }
0x57b: {  	[tilespmem:v30+s17+$0x0] =	vst.idx.msk $0xffff, v21;
	v21 =	vor.u32 $0x19, v9;
	v30 =	vor.u32 $0xA, v41;
	v31 =	vld.idx.msk [tilespmem:v48+s4+$0x0], $0xffff  }
0x57c: {  	v20 =	vld.idx.msk [tilespmem:v20+s4+$0x0], $0xffff;
	[tilespmem:v25+s17+$0x0] =	vst.idx.msk $0xffff, v24;
	v24 =	vor.u32 $0xB, v2;
	v25 =	vor.u32 $0x1D, v0  }
0x57d: {  	v49 =	vor.u32 $0xA, v7;
	v28 =	vld.idx.msk [tilespmem:v28+s4+$0x0], $0xffff;
	[tilespmem:v26+s17+$0x0] =	vst.idx.msk $0xffff, v23;
	v23 =	vor.u32 $0x1E, v14  }
0x57e: {  	v50 =	vor.u32 $0xA, v8;
	v26 =	vor.u32 $0xB, v5;
	[tilespmem:v17+s17+$0x0] =	vst.idx.msk $0xffff, v16;
	v16 =	vld.idx.msk [tilespmem:v27+s4+$0x0], $0xffff  }
0x57f: {  	v17 =	vor.u32 $0xA, v6;
	v27 =	vor.u32 $0xB, v4;
	[tilespmem:v19+s17+$0x0] =	vst.idx.msk $0xffff, v15;
	v15 =	vld.idx.msk [tilespmem:v29+s4+$0x0], $0xffff  }
0x580: {  	v19 =	vor.u32 $0x18, v36;
	v29 =	vor.u32 $0xB, v3;
	[tilespmem:v30+s17+$0x0] =	vst.idx.msk $0xffff, v22;
	v21 =	vld.idx.msk [tilespmem:v21+s4+$0x0], $0xffff  }
0x581: {  	v22 =	vor.u32 $0x19, v10;
	v30 =	vor.u32 $0x19, v12;
	v24 =	vld.idx.msk [tilespmem:v24+s4+$0x0], $0xffff;
	[tilespmem:v25+s17+$0x0] =	vst.idx.msk $0xffff, v20  }
0x582: {  	[tilespmem:v49+s17+$0x0] =	vst.idx.msk $0xffff, v31;
	v20 =	vor.u32 $0x1A, v13;
	v25 =	vor.u32 $0xB, v41;
	v23 =	vld.idx.msk [tilespmem:v23+s4+$0x0], $0xffff  }
0x583: {  	v31 =	vor.u32 $0x1E, v0;
	v26 =	vld.idx.msk [tilespmem:v26+s4+$0x0], $0xffff;
	[tilespmem:v50+s17+$0x0] =	vst.idx.msk $0xffff, v28;
	v28 =	vor.u32 $0xC, v2  }
0x584: {  	v51 =	vor.u32 $0xB, v7;
	v14 =	vor.u32 $0x1F, v14;
	v27 =	vld.idx.msk [tilespmem:v27+s4+$0x0], $0xffff;
	[tilespmem:v17+s17+$0x0] =	vst.idx.msk $0xffff, v16  }
0x585: {  	v16 =	vor.u32 $0xC, v5;
	v17 =	vor.u32 $0xB, v8;
	[tilespmem:v19+s17+$0x0] =	vst.idx.msk $0xffff, v18;
	v18 =	vld.idx.msk [tilespmem:v29+s4+$0x0], $0xffff  }
0x586: {  	v19 =	vor.u32 $0xB, v6;
	v29 =	vor.u32 $0xC, v4;
	[tilespmem:v22+s17+$0x0] =	vst.idx.msk $0xffff, v15;
	v15 =	vld.idx.msk [tilespmem:v30+s4+$0x0], $0xffff  }
0x587: {  	v22 =	vor.u32 $0x19, v11;
	v30 =	vor.u32 $0xC, v3;
	[tilespmem:v25+s17+$0x0] =	vst.idx.msk $0xffff, v24;
	v20 =	vld.idx.msk [tilespmem:v20+s4+$0x0], $0xffff  }
0x588: {  	v24 =	vor.u32 $0x1A, v9;
	v25 =	vor.u32 $0x19, v36;
	v28 =	vld.idx.msk [tilespmem:v28+s4+$0x0], $0xffff;
	[tilespmem:v31+s17+$0x0] =	vst.idx.msk $0xffff, v23  }
0x589: {  	v23 =	vor.u32 $0x1A, v12;
	[tilespmem:v51+s17+$0x0] =	vst.idx.msk $0xffff, v26;
	v26 =	vor.u32 $0xC, v41;
	v14 =	vld.idx.msk [tilespmem:v14+s4+$0x0], $0xffff  }
0x58a: {  	v31 =	vor.u32 $0x1A, v10;
	v16 =	vld.idx.msk [tilespmem:v16+s4+$0x0], $0xffff;
	[tilespmem:v17+s17+$0x0] =	vst.idx.msk $0xffff, v27;
	v17 =	vor.u32 $0xD, v2  }
0x58b: {  	v52 =	vor.u32 $0xC, v7;
	v27 =	vor.u32 $0x1B, v13;
	v29 =	vld.idx.msk [tilespmem:v29+s4+$0x0], $0xffff;
	[tilespmem:v19+s17+$0x0] =	vst.idx.msk $0xffff, v18  }
0x58c: {  	v18 =	vor.u32 $0xC, v8;
	v19 =	vor.u32 $0xD, v5;
	[tilespmem:v22+s17+$0x0] =	vst.idx.msk $0xffff, v21;
	v21 =	vld.idx.msk [tilespmem:v30+s4+$0x0], $0xffff  }
0x58d: {  	v22 =	vor.u32 $0xC, v6;
	v30 =	vor.u32 $0xD, v4;
	[tilespmem:v25+s17+$0x0] =	vst.idx.msk $0xffff, v15;
	v15 =	vld.idx.msk [tilespmem:v24+s4+$0x0], $0xffff  }
0x58e: {  	v24 =	vor.u32 $0x1A, v11;
	v25 =	vor.u32 $0xD, v3;
	[tilespmem:v26+s17+$0x0] =	vst.idx.msk $0xffff, v28;
	v23 =	vld.idx.msk [tilespmem:v23+s4+$0x0], $0xffff  }
0x58f: {  	v26 =	vor.u32 $0x1A, v36;
	v28 =	vor.u32 $0x1B, v9;
	[tilespmem:v31+s17+$0x0] =	vst.idx.msk $0xffff, v20;
	v17 =	vld.idx.msk [tilespmem:v17+s4+$0x0], $0xffff  }
0x590: {  	v20 =	vor.u32 $0x1B, v12;
	[tilespmem:v52+s17+$0x0] =	vst.idx.msk $0xffff, v16;
	v16 =	vor.u32 $0xD, v41;
	v27 =	vld.idx.msk [tilespmem:v27+s4+$0x0], $0xffff  }
0x591: {  	v31 =	vor.u32 $0x1B, v10;
	v19 =	vld.idx.msk [tilespmem:v19+s4+$0x0], $0xffff;
	[tilespmem:v18+s17+$0x0] =	vst.idx.msk $0xffff, v29;
	v18 =	vor.u32 $0xE, v2  }
0x592: {  	v53 =	vor.u32 $0xD, v7;
	v29 =	vor.u32 $0x1C, v13;
	v30 =	vld.idx.msk [tilespmem:v30+s4+$0x0], $0xffff;
	[tilespmem:v22+s17+$0x0] =	vst.idx.msk $0xffff, v21  }
0x593: {  	v21 =	vor.u32 $0xD, v8;
	v22 =	vor.u32 $0xE, v5;
	v25 =	vld.idx.msk [tilespmem:v25+s4+$0x0], $0xffff;
	[tilespmem:v24+s17+$0x0] =	vst.idx.msk $0xffff, v15  }
0x594: {  	v15 =	vor.u32 $0xD, v6;
	v24 =	vor.u32 $0xE, v4;
	v28 =	vld.idx.msk [tilespmem:v28+s4+$0x0], $0xffff;
	[tilespmem:v26+s17+$0x0] =	vst.idx.msk $0xffff, v23  }
0x595: {  	v23 =	vor.u32 $0x1B, v11;
	v26 =	vor.u32 $0xE, v3;
	[tilespmem:v16+s17+$0x0] =	vst.idx.msk $0xffff, v17;
	v16 =	vld.idx.msk [tilespmem:v20+s4+$0x0], $0xffff  }
0x596: {  	v17 =	vor.u32 $0x1B, v36;
	v20 =	vor.u32 $0x1C, v9;
	[tilespmem:v31+s17+$0x0] =	vst.idx.msk $0xffff, v27;
	v18 =	vld.idx.msk [tilespmem:v18+s4+$0x0], $0xffff  }
0x597: {  	v27 =	vor.u32 $0x1C, v12;
	[tilespmem:v53+s17+$0x0] =	vst.idx.msk $0xffff, v19;
	v19 =	vor.u32 $0xE, v41;
	v29 =	vld.idx.msk [tilespmem:v29+s4+$0x0], $0xffff  }
0x598: {  	v31 =	vor.u32 $0x1C, v10;
	v22 =	vld.idx.msk [tilespmem:v22+s4+$0x0], $0xffff;
	[tilespmem:v21+s17+$0x0] =	vst.idx.msk $0xffff, v30;
	v21 =	vor.u32 $0xF, v2  }
0x599: {  	v54 =	vor.u32 $0xE, v7;
	v30 =	vor.u32 $0x1D, v13;
	v24 =	vld.idx.msk [tilespmem:v24+s4+$0x0], $0xffff;
	[tilespmem:v15+s17+$0x0] =	vst.idx.msk $0xffff, v25  }
0x59a: {  	v15 =	vor.u32 $0xE, v8;
	v25 =	vor.u32 $0xF, v5;
	v26 =	vld.idx.msk [tilespmem:v26+s4+$0x0], $0xffff;
	[tilespmem:v23+s17+$0x0] =	vst.idx.msk $0xffff, v28  }
0x59b: {  	v23 =	vor.u32 $0xE, v6;
	v28 =	vor.u32 $0xF, v4;
	v20 =	vld.idx.msk [tilespmem:v20+s4+$0x0], $0xffff;
	[tilespmem:v17+s17+$0x0] =	vst.idx.msk $0xffff, v16  }
0x59c: {  	v16 =	vor.u32 $0x1C, v11;
	v17 =	vor.u32 $0xF, v3;
	[tilespmem:v19+s17+$0x0] =	vst.idx.msk $0xffff, v18;
	v18 =	vld.idx.msk [tilespmem:v27+s4+$0x0], $0xffff  }
0x59d: {  	v19 =	vor.u32 $0x1C, v36;
	v27 =	vor.u32 $0x1D, v9;
	[tilespmem:v31+s17+$0x0] =	vst.idx.msk $0xffff, v29;
	v21 =	vld.idx.msk [tilespmem:v21+s4+$0x0], $0xffff  }
0x59e: {  	v29 =	vor.u32 $0x1D, v12;
	[tilespmem:v54+s17+$0x0] =	vst.idx.msk $0xffff, v22;
	v22 =	vor.u32 $0xF, v41;
	v30 =	vld.idx.msk [tilespmem:v30+s4+$0x0], $0xffff  }
0x59f: {  	v31 =	vor.u32 $0x1D, v10;
	v25 =	vld.idx.msk [tilespmem:v25+s4+$0x0], $0xffff;
	[tilespmem:v15+s17+$0x0] =	vst.idx.msk $0xffff, v24;
	v15 =	vor.u32 $0x10, v2  }
0x5a0: {  	v55 =	vor.u32 $0xF, v7;
	v24 =	vor.u32 $0x1E, v13;
	v28 =	vld.idx.msk [tilespmem:v28+s4+$0x0], $0xffff;
	[tilespmem:v23+s17+$0x0] =	vst.idx.msk $0xffff, v26  }
0x5a1: {  	v23 =	vor.u32 $0xF, v8;
	v26 =	vor.u32 $0x10, v5;
	v17 =	vld.idx.msk [tilespmem:v17+s4+$0x0], $0xffff;
	[tilespmem:v16+s17+$0x0] =	vst.idx.msk $0xffff, v20  }
0x5a2: {  	v16 =	vor.u32 $0x10, v4;
	v20 =	vor.u32 $0xF, v6;
	v27 =	vld.idx.msk [tilespmem:v27+s4+$0x0], $0xffff;
	[tilespmem:v19+s17+$0x0] =	vst.idx.msk $0xffff, v18  }
0x5a3: {  	v18 =	vor.u32 $0x1D, v11;
	v19 =	vor.u32 $0x10, v3;
	[tilespmem:v22+s17+$0x0] =	vst.idx.msk $0xffff, v21;
	v21 =	vld.idx.msk [tilespmem:v29+s4+$0x0], $0xffff  }
0x5a4: {  	v22 =	vor.u32 $0x1D, v36;
	v29 =	vor.u32 $0x1E, v9;
	[tilespmem:v31+s17+$0x0] =	vst.idx.msk $0xffff, v30;
	v15 =	vld.idx.msk [tilespmem:v15+s4+$0x0], $0xffff  }
0x5a5: {  	v30 =	vor.u32 $0x1E, v12;
	[tilespmem:v55+s17+$0x0] =	vst.idx.msk $0xffff, v25;
	v25 =	vor.u32 $0x10, v41;
	v24 =	vld.idx.msk [tilespmem:v24+s4+$0x0], $0xffff  }
0x5a6: {  	v26 =	vld.idx.msk [tilespmem:v26+s4+$0x0], $0xffff;
	[tilespmem:v23+s17+$0x0] =	vst.idx.msk $0xffff, v28;
	v23 =	vor.u32 $0x11, v2  }
0x5a7: {  	v31 =	vor.u32 $0x1E, v10;
	v16 =	vld.idx.msk [tilespmem:v16+s4+$0x0], $0xffff;
	[tilespmem:v20+s17+$0x0] =	vst.idx.msk $0xffff, v17  }
0x5a8: {  	v28 =	vor.u32 $0x10, v7;
	v19 =	vld.idx.msk [tilespmem:v19+s4+$0x0], $0xffff;
	[tilespmem:v18+s17+$0x0] =	vst.idx.msk $0xffff, v27  }
0x5a9: {  	v13 =	vor.u32 $0x1F, v13;
	v18 =	vld.idx.msk [tilespmem:v29+s4+$0x0], $0xffff;
	[tilespmem:v22+s17+$0x0] =	vst.idx.msk $0xffff, v21;
	v22 =	vor.u32 $0x10, v8  }
0x5aa: {  	v57 =	vor.u32 $0x1E, v36;
	v17 =	vor.u32 $0x11, v5;
	[tilespmem:v25+s17+$0x0] =	vst.idx.msk $0xffff, v15;
	v15 =	vld.idx.msk [tilespmem:v30+s4+$0x0], $0xffff  }
0x5ab: {  	v12 =	vor.u32 $0x1F, v12;
	v21 =	vor.u32 $0x11, v41;
	v20 =	vld.idx.msk [tilespmem:v23+s4+$0x0], $0xffff  }
0x5ac: {  	v29 =	vld [tilespmem:s25+$0xFFFFFFD0];
	[tilespmem:v31+s17+$0x0] =	vst.idx.msk $0xffff, v24;
	v25 =	vor.u32 $0x10, v6;
	v23 =	vor.u32 $0x12, v2  }
0x5ad: {  	v24 =	vor.u32 $0x11, v4;
	v30 =	vor.u32 $0x1E, v11;
	[tilespmem:v28+s17+$0x0] =	vst.idx.msk $0xffff, v26;
	v26 =	vld [tilespmem:s25+$0x0]  }
0x5ae: {  	v58 =	vor.u32 $0x1F, v9;
	v0 =	vor.u32 $0x1F, v0;
	v13 =	vld.idx.msk [tilespmem:v13+s4+$0x0], $0xffff;
	[tilespmem:v22+s17+$0x0] =	vst.idx.msk $0xffff, v16  }
0x5af: {  	v27 =	vor.u32 $0x11, v7;
	v28 =	vor.u32 $0x11, v3;
	v17 =	vld.idx.msk [tilespmem:v17+s4+$0x0], $0xffff;
	[tilespmem:v57+s17+$0x0] =	vst.idx.msk $0xffff, v15  }
0x5b0: {  	v31 =	vor.u32 $0x12, v5;
	[tilespmem:v21+s17+$0x0] =	vst.idx.msk $0xffff, v20;
	v1 =	vld.idx.msk [tilespmem:v12+s4+$0x0], $0xffff  }
0x5b1: {  	[tilespmem:v25+s17+$0x0] =	vst.idx.msk $0xffff, v19;
	v20 =	vor.u32 $0x12, v41;
	v16 =	vld.idx.msk [tilespmem:v23+s4+$0x0], $0xffff  }
0x5b2: {  	v19 =	vld.idx.msk [tilespmem:v24+s4+$0x0], $0xffff;
	[tilespmem:v30+s17+$0x0] =	vst.idx.msk $0xffff, v18;
	v63 =	vshll.u32 v26, $0x5;
	v21 =	vor.u32 $0x1F, v10  }
0x5b3: {  	[tilespmem:v0+s17+$0x0] =	vst.idx.msk $0xffff, v14;
	v10 =	vshll.u32 v29, $0x5;
	v15 =	vld.idx.msk [tilespmem:v58+s4+$0x0], $0xffff;
	v23 =	vor.u32 $0x1F, v11;
	v11 =	vor.u32 $0x11, v8  }
0x5b4: {  	s25 =	simm.s32 $0xB0;
	v22 =	vor.u32 $0x13, v2;
	[tilespmem:v27+s17+$0x0] =	vst.idx.msk $0xffff, v17;
	v17 =	vld.idx.msk [tilespmem:v28+s4+$0x0], $0xffff  }
0x5b5: {  	v9 =	vshll.u32 v56, $0x5;
	v14 =	vmov s25;
	v24 =	vor.u32 $0x11, v6;
	v18 =	vld.idx.msk [tilespmem:v31+s4+$0x0], $0xffff;
	[tilespmem:$0x1F1E0] =	vst v1  }
0x5b6: {  	v14 =	vshll.u32 v14, $0x5;
	v26 =	vor.u32 $0x12, v7;
	v12 =	vor.u32 $0x12, v3;
	[tilespmem:v20+s17+$0x0] =	vst.idx.msk $0xffff, v16  }
0x5b7: {  	s26 =	simm.s32 $0x80;
	s31 =	simm.s32 $0x90;
	v0 =	vshll.u32 v59, $0x5;
	v34 =	vor.u32 v38, v14;
	v28 =	vld.idx.msk [tilespmem:v63+s4+$0x0], $0xffff;
	[tilespmem:v21+s17+$0x0] =	vst.idx.msk $0xffff, v13  }
0x5b8: {  	v25 =	vor.u32 $0x12, v4;
	v27 =	vmov s26;
	v13 =	vmov s31;
	[tilespmem:v11+s17+$0x0] =	vst.idx.msk $0xffff, v19;
	v19 =	vld.idx.msk [tilespmem:v10+s4+$0x0], $0xffff  }
0x5b9: {  	s8 =	simm.s32 $0xA0;
	v16 =	vshll.u32 v27, $0x5;
	v21 =	vor.u32 $0x1, v63;
	v14 =	vld.idx.msk [tilespmem:v22+s4+$0x0], $0xffff;
	v22 =	vor.u32 $0x13, v41  }
0x5ba: {  	v20 =	vmov s8;
	[tilespmem:v24+s17+$0x0] =	vst.idx.msk $0xffff, v17;
	v17 =	vor.u32 $0x14, v2;
	v11 =	vor.u32 v38, v16;
	v16 =	vld.idx.msk [tilespmem:v9+s4+$0x0], $0xffff  }
0x5bb: {  	v24 =	vor.u32 $0x1, v10;
	v13 =	vshll.u32 v13, $0x5;
	[tilespmem:v26+s17+$0x0] =	vst.idx.msk $0xffff, v18;
	v12 =	vld.idx.msk [tilespmem:v12+s4+$0x0], $0xffff;
	v26 =	vor.u32 $0x12, v6  }
0x5bc: {  	[tilespmem:v23+s17+$0x0] =	vst.idx.msk $0xffff, v15;
	v20 =	vshll.u32 v20, $0x5;
	v35 =	vor.u32 v38, v13;
	v13 =	vld.idx.msk [tilespmem:v0+s4+$0x0], $0xffff  }
0x5bd: {  	v46 =	vor.u32 v38, v20;
	v20 =	vld.idx.msk [tilespmem:v25+s4+$0x0], $0xffff;
	v25 =	vor.u32 $0x13, v5;
	[tilespmem:v34+s17+$0x0] =	vst.idx.msk $0xffff, v28  }
0x5be: {  	v15 =	vor.u32 $0x12, v8;
	v18 =	vor.u32 $0x1, v9;
	v21 =	vld.idx.msk [tilespmem:v21+s4+$0x0], $0xffff;
	[tilespmem:v22+s17+$0x0] =	vst.idx.msk $0xffff, v14  }
0x5bf: {  	v23 =	vor.u32 $0x1, v0;
	[tilespmem:v11+s17+$0x0] =	vst.idx.msk $0xffff, v19;
	v19 =	vor.u32 $0x1, v34;
	v17 =	vld.idx.msk [tilespmem:v17+s4+$0x0], $0xffff  }
0x5c0: {  	v14 =	vor.u32 $0x13, v4;
	[tilespmem:v26+s17+$0x0] =	vst.idx.msk $0xffff, v12;
	v22 =	vld.idx.msk [tilespmem:v24+s4+$0x0], $0xffff;
	v24 =	vor.u32 $0x14, v41  }
0x5c1: {  	v27 =	vor.u32 $0x1, v11;
	[tilespmem:v35+s17+$0x0] =	vst.idx.msk $0xffff, v16;
	v16 =	vor.u32 $0x2, v63  }
0x5c2: {  	v12 =	vor.u32 $0x13, v7;
	[tilespmem:v46+s17+$0x0] =	vst.idx.msk $0xffff, v13;
	v13 =	vor.u32 $0x15, v2;
	v25 =	vld.idx.msk [tilespmem:v25+s4+$0x0], $0xffff  }
0x5c3: {  	v29 =	vor.u32 $0x1, v35;
	v28 =	vor.u32 $0x2, v10;
	[tilespmem:v15+s17+$0x0] =	vst.idx.msk $0xffff, v20;
	v18 =	vld.idx.msk [tilespmem:v18+s4+$0x0], $0xffff  }
0x5c4: {  	v15 =	vor.u32 $0x2, v9;
	v20 =	vor.u32 $0x1, v46;
	v23 =	vld.idx.msk [tilespmem:v23+s4+$0x0], $0xffff;
	[tilespmem:v19+s17+$0x0] =	vst.idx.msk $0xffff, v21  }
0x5c5: {  	v26 =	vor.u32 $0x2, v0;
	v14 =	vld.idx.msk [tilespmem:v14+s4+$0x0], $0xffff;
	v21 =	vor.u32 $0x13, v8;
	[tilespmem:v24+s17+$0x0] =	vst.idx.msk $0xffff, v17  }
0x5c6: {  	v19 =	vor.u32 $0x13, v3;
	v16 =	vld.idx.msk [tilespmem:v16+s4+$0x0], $0xffff;
	[tilespmem:v27+s17+$0x0] =	vst.idx.msk $0xffff, v22;
	v22 =	vor.u32 $0x2, v34  }
0x5c7: {  	v17 =	vor.u32 $0x14, v5;
	v27 =	vor.u32 $0x15, v41;
	[tilespmem:v12+s17+$0x0] =	vst.idx.msk $0xffff, v25;
	v13 =	vld.idx.msk [tilespmem:v13+s4+$0x0], $0xffff  }
0x5c8: {  	v24 =	vld.idx.msk [tilespmem:v28+s4+$0x0], $0xffff;
	[tilespmem:v29+s17+$0x0] =	vst.idx.msk $0xffff, v18;
	v18 =	vor.u32 $0x3, v63;
	v28 =	vor.u32 $0x2, v11  }
0x5c9: {  	[tilespmem:v20+s17+$0x0] =	vst.idx.msk $0xffff, v23;
	v20 =	vor.u32 $0x16, v2;
	v29 =	vor.u32 $0x2, v35;
	v15 =	vld.idx.msk [tilespmem:v15+s4+$0x0], $0xffff  }
0x5ca: {  	v12 =	vor.u32 $0x2, v46;
	v23 =	vor.u32 $0x3, v10;
	v26 =	vld.idx.msk [tilespmem:v26+s4+$0x0], $0xffff;
	[tilespmem:v21+s17+$0x0] =	vst.idx.msk $0xffff, v14  }
0x5cb: {  	v25 =	vor.u32 $0x3, v9;
	v14 =	vld.idx.msk [tilespmem:v19+s4+$0x0], $0xffff;
	v19 =	vor.u32 $0x13, v6;
	[tilespmem:v22+s17+$0x0] =	vst.idx.msk $0xffff, v16  }
0x5cc: {  	v21 =	vor.u32 $0x3, v0;
	v16 =	vld.idx.msk [tilespmem:v17+s4+$0x0], $0xffff;
	v17 =	vor.u32 $0x14, v7;
	[tilespmem:v27+s17+$0x0] =	vst.idx.msk $0xffff, v13  }
0x5cd: {  	v22 =	vor.u32 $0x14, v4;
	v18 =	vld.idx.msk [tilespmem:v18+s4+$0x0], $0xffff;
	[tilespmem:v28+s17+$0x0] =	vst.idx.msk $0xffff, v24;
	v24 =	vor.u32 $0x3, v34  }
0x5ce: {  	v13 =	vor.u32 $0x14, v3;
	v27 =	vor.u32 $0x16, v41;
	v20 =	vld.idx.msk [tilespmem:v20+s4+$0x0], $0xffff;
	[tilespmem:v29+s17+$0x0] =	vst.idx.msk $0xffff, v15  }
0x5cf: {  	v28 =	vor.u32 $0x3, v11;
	v23 =	vld.idx.msk [tilespmem:v23+s4+$0x0], $0xffff;
	v15 =	vor.u32 $0x4, v63;
	[tilespmem:v12+s17+$0x0] =	vst.idx.msk $0xffff, v26  }
0x5d0: {  	v12 =	vor.u32 $0x17, v2;
	v26 =	vor.u32 $0x3, v35;
	v25 =	vld.idx.msk [tilespmem:v25+s4+$0x0], $0xffff;
	[tilespmem:v19+s17+$0x0] =	vst.idx.msk $0xffff, v14  }
0x5d1: {  	v29 =	vor.u32 $0x4, v10;
	v21 =	vld.idx.msk [tilespmem:v21+s4+$0x0], $0xffff;
	v14 =	vor.u32 $0x3, v46;
	[tilespmem:v17+s17+$0x0] =	vst.idx.msk $0xffff, v16  }
0x5d2: {  	v19 =	vor.u32 $0x4, v9;
	v16 =	vld.idx.msk [tilespmem:v22+s4+$0x0], $0xffff;
	[tilespmem:v24+s17+$0x0] =	vst.idx.msk $0xffff, v18  }
0x5d3: {  	v17 =	vor.u32 $0x14, v8;
	v13 =	vld.idx.msk [tilespmem:v13+s4+$0x0], $0xffff;
	[tilespmem:v27+s17+$0x0] =	vst.idx.msk $0xffff, v20  }
0x5d4: {  	v22 =	vor.u32 $0x4, v0;
	v18 =	vor.u32 $0x14, v6;
	v15 =	vld.idx.msk [tilespmem:v15+s4+$0x0], $0xffff;
	[tilespmem:v28+s17+$0x0] =	vst.idx.msk $0xffff, v23  }
0x5d5: {  	v24 =	vor.u32 $0x15, v5;
	v23 =	vor.u32 $0x4, v34;
	v12 =	vld.idx.msk [tilespmem:v12+s4+$0x0], $0xffff;
	[tilespmem:v26+s17+$0x0] =	vst.idx.msk $0xffff, v25  }
0x5d6: {  	v1 =	vor.u32 $0x1F, v36;
	v20 =	vor.u32 $0x15, v4;
	v27 =	vld.idx.msk [tilespmem:v29+s4+$0x0], $0xffff;
	v26 =	vor.u32 $0x17, v41;
	[tilespmem:v14+s17+$0x0] =	vst.idx.msk $0xffff, v21  }
0x5d7: {  	v28 =	vor.u32 $0x4, v11;
	v25 =	vor.u32 $0x5, v63;
	v19 =	vld.idx.msk [tilespmem:v19+s4+$0x0], $0xffff;
	[tilespmem:$0x1F1F0] =	vst v1  }
0x5d8: {  	v14 =	vor.u32 $0x18, v2;
	v21 =	vor.u32 $0x4, v35;
	[tilespmem:v17+s17+$0x0] =	vst.idx.msk $0xffff, v16  }
0x5d9: {  	v29 =	vor.u32 $0x5, v10;
	v22 =	vld.idx.msk [tilespmem:v22+s4+$0x0], $0xffff;
	v17 =	vor.u32 $0x4, v46;
	[tilespmem:v18+s17+$0x0] =	vst.idx.msk $0xffff, v13  }
0x5da: {  	v30 =	vor.u32 $0x5, v9;
	v24 =	vld.idx.msk [tilespmem:v24+s4+$0x0], $0xffff;
	v13 =	vor.u32 $0x15, v7;
	[tilespmem:v23+s17+$0x0] =	vst.idx.msk $0xffff, v15  }
0x5db: {  	v31 =	vor.u32 $0x5, v0;
	v18 =	vor.u32 $0x15, v8;
	v15 =	vld.idx.msk [tilespmem:v20+s4+$0x0], $0xffff;
	[tilespmem:v26+s17+$0x0] =	vst.idx.msk $0xffff, v12  }
0x5dc: {  	v16 =	vor.u32 $0x15, v3;
	v25 =	vld.idx.msk [tilespmem:v25+s4+$0x0], $0xffff;
	[tilespmem:v28+s17+$0x0] =	vst.idx.msk $0xffff, v27;
	v27 =	vor.u32 $0x5, v34  }
0x5dd: {  	v23 =	vor.u32 $0x16, v5;
	v14 =	vld.idx.msk [tilespmem:v14+s4+$0x0], $0xffff;
	[tilespmem:v21+s17+$0x0] =	vst.idx.msk $0xffff, v19;
	v21 =	vor.u32 $0x18, v41  }
0x5de: {  	v56 =	vor.u32 $0x5, v11;
	v29 =	vld.idx.msk [tilespmem:v29+s4+$0x0], $0xffff;
	v19 =	vor.u32 $0x6, v63;
	[tilespmem:v17+s17+$0x0] =	vst.idx.msk $0xffff, v22  }
0x5df: {  	v57 =	vor.u32 $0x6, v10;
	v30 =	vld.idx.msk [tilespmem:v30+s4+$0x0], $0xffff;
	v22 =	vor.u32 $0x5, v35;
	[tilespmem:v13+s17+$0x0] =	vst.idx.msk $0xffff, v24  }
0x5e0: {  	v17 =	vor.u32 $0x19, v2;
	v24 =	vor.u32 $0x5, v46;
	v31 =	vld.idx.msk [tilespmem:v31+s4+$0x0], $0xffff;
	[tilespmem:v18+s17+$0x0] =	vst.idx.msk $0xffff, v15  }
0x5e1: {  	v58 =	vor.u32 $0x6, v9;
	v20 =	vor.u32 $0x15, v6;
	v15 =	vld.idx.msk [tilespmem:v16+s4+$0x0], $0xffff;
	[tilespmem:v27+s17+$0x0] =	vst.idx.msk $0xffff, v25  }
0x5e2: {  	v62 =	vor.u32 $0x16, v4;
	v26 =	vor.u32 $0x16, v7;
	v23 =	vld.idx.msk [tilespmem:v23+s4+$0x0], $0xffff;
	[tilespmem:v21+s17+$0x0] =	vst.idx.msk $0xffff, v14  }
0x5e3: {  	v59 =	vor.u32 $0x6, v0;
	v19 =	vld.idx.msk [tilespmem:v19+s4+$0x0], $0xffff;
	[tilespmem:v56+s17+$0x0] =	vst.idx.msk $0xffff, v29;
	v14 =	vor.u32 $0x6, v34  }
0x5e4: {  	v12 =	vor.u32 $0x16, v3;
	v27 =	vor.u32 $0x6, v11;
	v21 =	vld.idx.msk [tilespmem:v57+s4+$0x0], $0xffff;
	[tilespmem:v22+s17+$0x0] =	vst.idx.msk $0xffff, v30  }
0x5e5: {  	v25 =	vor.u32 $0x19, v41;
	v17 =	vld.idx.msk [tilespmem:v17+s4+$0x0], $0xffff;
	v22 =	vor.u32 $0x7, v63;
	[tilespmem:v24+s17+$0x0] =	vst.idx.msk $0xffff, v31  }
0x5e6: {  	v1 =	vor.u32 $0x17, v5;
	v29 =	vld.idx.msk [tilespmem:v58+s4+$0x0], $0xffff;
	v31 =	vor.u32 $0x6, v35;
	[tilespmem:v20+s17+$0x0] =	vst.idx.msk $0xffff, v15  }
0x5e7: {  	v28 =	vor.u32 $0x16, v8;
	v30 =	vor.u32 $0x1A, v2;
	[tilespmem:v26+s17+$0x0] =	vst.idx.msk $0xffff, v23;
	v26 =	vld.idx.msk [tilespmem:v62+s4+$0x0], $0xffff  }
0x5e8: {  	v60 =	vor.u32 $0x7, v10;
	v15 =	vor.u32 $0x6, v46;
	v61 =	vld.idx.msk [tilespmem:v59+s4+$0x0], $0xffff;
	[tilespmem:v14+s17+$0x0] =	vst.idx.msk $0xffff, v19  }
0x5e9: {  	v43 =	vor.u32 $0x16, v6;
	v20 =	vor.u32 $0x7, v9;
	v12 =	vld.idx.msk [tilespmem:v12+s4+$0x0], $0xffff;
	[tilespmem:v27+s17+$0x0] =	vst.idx.msk $0xffff, v21  }
0x5ea: {  	v62 =	vor.u32 $0x7, v0;
	v14 =	vld.idx.msk [tilespmem:v22+s4+$0x0], $0xffff;
	[tilespmem:v25+s17+$0x0] =	vst.idx.msk $0xffff, v17;
	v17 =	vor.u32 $0x7, v34  }
0x5eb: {  	v13 =	vor.u32 $0x17, v4;
	v33 =	vld.idx.msk [tilespmem:v1+s4+$0x0], $0xffff;
	[tilespmem:v31+s17+$0x0] =	vst.idx.msk $0xffff, v29  }
0x5ec: {  	v55 =	vor.u32 $0x1A, v41;
	v25 =	vld.idx.msk [tilespmem:v30+s4+$0x0], $0xffff;
	[tilespmem:v28+s17+$0x0] =	vst.idx.msk $0xffff, v26  }
0x5ed: {  	v56 =	vor.u32 $0x7, v11;
	v54 =	vld.idx.msk [tilespmem:v60+s4+$0x0], $0xffff;
	v29 =	vor.u32 $0x8, v63;
	[tilespmem:v15+s17+$0x0] =	vst.idx.msk $0xffff, v61  }
0x5ee: {  	v20 =	vld.idx.msk [tilespmem:v20+s4+$0x0], $0xffff;
	v15 =	vor.u32 $0x1B, v2;
	[tilespmem:v43+s17+$0x0] =	vst.idx.msk $0xffff, v12  }
0x5ef: {  	v53 =	vor.u32 $0x7, v35;
	v1 =	vor.u32 $0x1C, v7;
	v32 =	vld.idx.msk [tilespmem:v62+s4+$0x0], $0xffff;
	[tilespmem:v17+s17+$0x0] =	vst.idx.msk $0xffff, v14  }
0x5f0: {  	v57 =	vor.u32 $0x8, v10;
	v59 =	vor.u32 $0x7, v46;
	v14 =	vld.idx.msk [tilespmem:v13+s4+$0x0], $0xffff;
	[tilespmem:$0x1F410] =	vst v1  }
0x5f1: {  	v58 =	vor.u32 $0x8, v9;
	[tilespmem:v55+s17+$0x0] =	vst.idx.msk $0xffff, v25  }
0x5f2: {  	v18 =	vor.u32 $0x17, v7;
	v1 =	vor.u32 $0x1D, v5;
	v29 =	vld.idx.msk [tilespmem:v29+s4+$0x0], $0xffff;
	[tilespmem:v56+s17+$0x0] =	vst.idx.msk $0xffff, v54  }
0x5f3: {  	v47 =	vor.u32 $0x17, v8;
	v12 =	vor.u32 $0x8, v0;
	v15 =	vld.idx.msk [tilespmem:v15+s4+$0x0], $0xffff;
	[tilespmem:$0x1F450] =	vst v1  }
0x5f4: {  	v16 =	vor.u32 $0x17, v3;
	v43 =	vor.u32 $0x8, v34;
	[tilespmem:v53+s17+$0x0] =	vst.idx.msk $0xffff, v20  }
0x5f5: {  	v49 =	vor.u32 $0x18, v5;
	v55 =	vor.u32 $0x1B, v41;
	v1 =	vor.u32 $0x1D, v4;
	v54 =	vld.idx.msk [tilespmem:v57+s4+$0x0], $0xffff;
	[tilespmem:v59+s17+$0x0] =	vst.idx.msk $0xffff, v32  }
0x5f6: {  	v56 =	vor.u32 $0x8, v11;
	v53 =	vor.u32 $0x9, v63;
	v57 =	vld.idx.msk [tilespmem:v58+s4+$0x0], $0xffff;
	[tilespmem:$0x1F470] =	vst v1  }
0x5f7: {  	v58 =	vor.u32 $0x1C, v2;
	[tilespmem:v18+s17+$0x0] =	vst.idx.msk $0xffff, v33  }
0x5f8: {  	v39 =	vor.u32 $0x1A, v5;
	v44 =	vor.u32 $0x19, v5;
	v59 =	vor.u32 $0x8, v35;
	v62 =	vld.idx.msk [tilespmem:v12+s4+$0x0], $0xffff;
	[tilespmem:v47+s17+$0x0] =	vst.idx.msk $0xffff, v14  }
0x5f9: {  	v45 =	vor.u32 $0x19, v4;
	v48 =	vor.u32 $0x17, v6;
	v50 =	vor.u32 $0x18, v4;
	v14 =	vld.idx.msk [tilespmem:v16+s4+$0x0], $0xffff;
	[tilespmem:v43+s17+$0x0] =	vst.idx.msk $0xffff, v29  }
0x5fa: {  	v51 =	vor.u32 $0x18, v7;
	v52 =	vor.u32 $0x18, v3;
	v47 =	vor.u32 $0x8, v46;
	v1 =	vld.idx.msk [tilespmem:v49+s4+$0x0], $0xffff;
	[tilespmem:v55+s17+$0x0] =	vst.idx.msk $0xffff, v15  }
0x5fb: {  	v36 =	vor.u32 $0x1B, v5;
	v61 =	vor.u32 $0x9, v10;
	v25 =	vor.u32 $0x1E, v8;
	v53 =	vld.idx.msk [tilespmem:v53+s4+$0x0], $0xffff;
	[tilespmem:v56+s17+$0x0] =	vst.idx.msk $0xffff, v54  }
0x5fc: {  	v38 =	vor.u32 $0x1A, v4;
	v23 =	vor.u32 $0x1A, v3;
	v60 =	vor.u32 $0x9, v9;
	v54 =	vld.idx.msk [tilespmem:v58+s4+$0x0], $0xffff;
	[tilespmem:$0x1F200] =	vst v25  }
0x5fd: {  	v13 =	vor.u32 $0x1C, v5;
	v29 =	vor.u32 $0x1E, v5;
	v5 =	vor.u32 $0x1F, v5;
	[tilespmem:v59+s17+$0x0] =	vst.idx.msk $0xffff, v57  }
0x5fe: {  	v19 =	vor.u32 $0x19, v3;
	v21 =	vor.u32 $0x1B, v4;
	v26 =	vor.u32 $0x1C, v4;
	[tilespmem:$0x1F580] =	vst v5  }
0x5ff: {  	v12 =	vor.u32 $0x9, v0;
	v15 =	vor.u32 $0x1E, v4;
	v4 =	vor.u32 $0x1F, v4;
	[tilespmem:v47+s17+$0x0] =	vst.idx.msk $0xffff, v62  }
0x600: {  	v31 =	vor.u32 $0x1B, v3;
	v17 =	vor.u32 $0x1C, v3;
	v33 =	vor.u32 $0x9, v34;
	v56 =	vld.idx.msk [tilespmem:v61+s4+$0x0], $0xffff;
	[tilespmem:$0x1F210] =	vst v4  }
0x601: {  	v18 =	vor.u32 $0x1D, v3;
	v43 =	vor.u32 $0x1E, v3;
	v3 =	vor.u32 $0x1F, v3;
	[tilespmem:v48+s17+$0x0] =	vst.idx.msk $0xffff, v14  }
0x602: {  	v37 =	vor.u32 $0x18, v8;
	v40 =	vor.u32 $0x19, v8;
	v57 =	vor.u32 $0x1C, v41;
	v4 =	vld.idx.msk [tilespmem:v60+s4+$0x0], $0xffff;
	[tilespmem:$0x1F220] =	vst v3  }
0x603: {  	v5 =	vor.u32 $0xA, v63;
	v60 =	vor.u32 $0x9, v11;
	[tilespmem:v51+s17+$0x0] =	vst.idx.msk $0xffff, v1;
	v1 =	vor.u32 $0x1F, v7  }
0x604: {  	v42 =	vor.u32 $0x19, v7;
	v24 =	vor.u32 $0x18, v6;
	v61 =	vor.u32 $0x1D, v2;
	v12 =	vld.idx.msk [tilespmem:v12+s4+$0x0], $0xffff;
	[tilespmem:$0x1F230] =	vst v1  }
0x605: {  	v27 =	vor.u32 $0x1B, v8;
	v48 =	vor.u32 $0x9, v35;
	v3 =	vor.u32 $0x1F, v8;
	[tilespmem:v33+s17+$0x0] =	vst.idx.msk $0xffff, v53  }
0x606: {  	v22 =	vor.u32 $0x1A, v7;
	v30 =	vor.u32 $0x1A, v8;
	v28 =	vor.u32 $0x1B, v7;
	v1 =	vld.idx.msk [tilespmem:v50+s4+$0x0], $0xffff;
	[tilespmem:$0x1F240] =	vst v3  }
0x607: {  	v32 =	vor.u32 $0x1D, v7;
	v49 =	vor.u32 $0x1E, v7;
	v62 =	vor.u32 $0xA, v10;
	v51 =	vld.idx.msk [tilespmem:v52+s4+$0x0], $0xffff;
	[tilespmem:v57+s17+$0x0] =	vst.idx.msk $0xffff, v54  }
0x608: {  	v7 =	vor.u32 $0x9, v46;
	v50 =	vor.u32 $0xA, v9;
	v3 =	vor.u32 $0x1E, v6;
	v54 =	vld.idx.msk [tilespmem:v5+s4+$0x0], $0xffff;
	[tilespmem:v60+s17+$0x0] =	vst.idx.msk $0xffff, v56  }
0x609: {  	v20 =	vor.u32 $0x1C, v8;
	v16 =	vor.u32 $0x1D, v8;
	v33 =	vor.u32 $0xA, v0;
	v60 =	vld.idx.msk [tilespmem:v61+s4+$0x0], $0xffff;
	[tilespmem:$0x1F250] =	vst v3  }
0x60a: {  	v55 =	vor.u32 $0x1A, v6;
	v14 =	vor.u32 $0x1D, v6;
	v3 =	vor.u32 $0x1F, v6;
	[tilespmem:v48+s17+$0x0] =	vst.idx.msk $0xffff, v4  }
0x60b: {  	v8 =	vor.u32 $0x1C, v6;
	v53 =	vor.u32 $0x19, v6;
	v61 =	vor.u32 $0xA, v34;
	[tilespmem:$0x1F260] =	vst v3  }
0x60c: {  	v5 =	vor.u32 $0x1B, v6;
	v6 =	vor.u32 $0xB, v63;
	v4 =	vld.idx.msk [tilespmem:v62+s4+$0x0], $0xffff;
	v62 =	vor.u32 $0x1D, v41  }
0x60d: {  	[tilespmem:v7+s17+$0x0] =	vst.idx.msk $0xffff, v12;
	v7 =	vld.idx.msk [tilespmem:v50+s4+$0x0], $0xffff;
	v12 =	vor.u32 $0x1E, v2;
	v50 =	vor.u32 $0x1F, v2;
	v2 =	vor.u32 $0xA, v11  }
0x60e: {  	[tilespmem:v37+s17+$0x0] =	vst.idx.msk $0xffff, v1;
	v3 =	vld.idx.msk [tilespmem:v33+s4+$0x0], $0xffff;
	v33 =	vor.u32 $0xA, v35  }
0x60f: {  	v57 =	vor.u32 $0xA, v46;
	v37 =	vor.u32 $0xB, v10;
	[tilespmem:v24+s17+$0x0] =	vst.idx.msk $0xffff, v51  }
0x610: {  	v24 =	vld.idx.msk [tilespmem:v44+s4+$0x0], $0xffff;
	v51 =	vor.u32 $0xB, v9;
	[tilespmem:v61+s17+$0x0] =	vst.idx.msk $0xffff, v54  }
0x611: {  	v45 =	vld.idx.msk [tilespmem:v45+s4+$0x0], $0xffff;
	[tilespmem:v62+s17+$0x0] =	vst.idx.msk $0xffff, v60  }
0x612: {  	v47 =	vld.idx.msk [tilespmem:v6+s4+$0x0], $0xffff;
	[tilespmem:v2+s17+$0x0] =	vst.idx.msk $0xffff, v4  }
0x613: {  	v58 =	vor.u32 $0xB, v0;
	v4 =	vld.idx.msk [tilespmem:v12+s4+$0x0], $0xffff;
	[tilespmem:v33+s17+$0x0] =	vst.idx.msk $0xffff, v7  }
0x614: {  	v25 =	vor.u32 $0x12, v10;
	v37 =	vld.idx.msk [tilespmem:v37+s4+$0x0], $0xffff;
	[tilespmem:v57+s17+$0x0] =	vst.idx.msk $0xffff, v3  }
0x615: {  	v3 =	vld.idx.msk [tilespmem:v51+s4+$0x0], $0xffff;
	[tilespmem:$0x1F270] =	vst v25;
	v25 =	vor.u32 $0x13, v10  }
0x616: {  	[tilespmem:$0x1F280] =	vst v25  }
0x617: {  	v25 =	vor.u32 $0x14, v10;
	[tilespmem:v42+s17+$0x0] =	vst.idx.msk $0xffff, v24  }
0x618: {  	v24 =	vld.idx.msk [tilespmem:v58+s4+$0x0], $0xffff;
	[tilespmem:$0x1F290] =	vst v25;
	v25 =	vor.u32 $0x15, v10  }
0x619: {  	[tilespmem:$0x1F2A0] =	vst v25;
	v25 =	vor.u32 $0x16, v10  }
0x61a: {  	v62 =	vor.u32 $0xB, v34;
	[tilespmem:$0x1F2B0] =	vst v25  }
0x61b: {  	v25 =	vor.u32 $0x17, v10;
	[tilespmem:v40+s17+$0x0] =	vst.idx.msk $0xffff, v45  }
0x61c: {  	v1 =	vor.u32 $0x1E, v41;
	v19 =	vld.idx.msk [tilespmem:v19+s4+$0x0], $0xffff;
	[tilespmem:$0x1F2C0] =	vst v25;
	v25 =	vor.u32 $0x18, v10  }
0x61d: {  	v44 =	vor.u32 $0xB, v11;
	v33 =	vor.u32 $0xC, v63;
	[tilespmem:$0x1F2D0] =	vst v25;
	v25 =	vor.u32 $0x19, v10  }
0x61e: {  	v56 =	vor.u32 $0xB, v35;
	[tilespmem:$0x1F2E0] =	vst v25  }
0x61f: {  	v59 =	vor.u32 $0xB, v46;
	v54 =	vor.u32 $0xC, v10;
	v25 =	vor.u32 $0x1A, v10;
	[tilespmem:v62+s17+$0x0] =	vst.idx.msk $0xffff, v47  }
0x620: {  	v52 =	vor.u32 $0x1E, v10;
	v48 =	vor.u32 $0xC, v9;
	v61 =	vor.u32 $0xD, v10;
	v39 =	vld.idx.msk [tilespmem:v39+s4+$0x0], $0xffff;
	[tilespmem:$0x1F2F0] =	vst v25  }
0x621: {  	v6 =	vor.u32 $0xF, v10;
	v60 =	vor.u32 $0xC, v0;
	v2 =	vor.u32 $0x10, v10;
	[tilespmem:v1+s17+$0x0] =	vst.idx.msk $0xffff, v4  }
0x622: {  	v12 =	vor.u32 $0xE, v10;
	v7 =	vor.u32 $0x11, v10;
	v57 =	vor.u32 $0x1D, v10;
	v4 =	vld.idx.msk [tilespmem:v33+s4+$0x0], $0xffff;
	[tilespmem:v44+s17+$0x0] =	vst.idx.msk $0xffff, v37  }
0x623: {  	v51 =	vor.u32 $0x1F, v10;
	v58 =	vor.u32 $0x1C, v10;
	v62 =	vor.u32 $0x1B, v10;
	[tilespmem:v56+s17+$0x0] =	vst.idx.msk $0xffff, v3;
	v10 =	vld.idx.msk [tilespmem:v50+s4+$0x0], $0xffff  }
0x624: {  	[tilespmem:v59+s17+$0x0] =	vst.idx.msk $0xffff, v24;
	v3 =	vld.idx.msk [tilespmem:v54+s4+$0x0], $0xffff  }
0x625: {  	v25 =	vor.u32 $0x11, v9;
	[tilespmem:v53+s17+$0x0] =	vst.idx.msk $0xffff, v19;
	v24 =	vld.idx.msk [tilespmem:v48+s4+$0x0], $0xffff  }
0x626: {  	v37 =	vor.u32 $0x1F, v41;
	v41 =	vor.u32 $0xC, v34;
	v19 =	vld.idx.msk [tilespmem:v60+s4+$0x0], $0xffff;
	[tilespmem:$0x1F300] =	vst v25  }
0x627: {  	v25 =	vor.u32 $0x12, v9;
	[tilespmem:v22+s17+$0x0] =	vst.idx.msk $0xffff, v39  }
0x628: {  	v22 =	vld.idx.msk [tilespmem:v38+s4+$0x0], $0xffff;
	[tilespmem:$0x1F310] =	vst v25;
	v25 =	vor.u32 $0x13, v9  }
0x629: {  	[tilespmem:$0x1F320] =	vst v25;
	v25 =	vor.u32 $0x14, v9  }
0x62a: {  	[tilespmem:$0x1F330] =	vst v25  }
0x62b: {  	v56 =	vor.u32 $0xD, v63;
	[tilespmem:v41+s17+$0x0] =	vst.idx.msk $0xffff, v4;
	v4 =	vld.idx.msk [tilespmem:v23+s4+$0x0], $0xffff;
	v23 =	vor.u32 $0x15, v9  }
0x62c: {  	[tilespmem:$0x1F340] =	vst v23;
	v23 =	vor.u32 $0x16, v9  }
0x62d: {  	v40 =	vor.u32 $0xC, v11;
	[tilespmem:$0x1F350] =	vst v23;
	v23 =	vor.u32 $0x17, v9  }
0x62e: {  	v42 =	vor.u32 $0xC, v35;
	[tilespmem:$0x1F360] =	vst v23  }
0x62f: {  	v33 =	vor.u32 $0xC, v46;
	v23 =	vor.u32 $0x18, v9;
	[tilespmem:v37+s17+$0x0] =	vst.idx.msk $0xffff, v10  }
0x630: {  	v47 =	vor.u32 $0xD, v9;
	v10 =	vld.idx.msk [tilespmem:v56+s4+$0x0], $0xffff;
	[tilespmem:$0x1F370] =	vst v23;
	v23 =	vor.u32 $0x19, v9  }
0x631: {  	v48 =	vor.u32 $0xD, v0;
	[tilespmem:$0x1F380] =	vst v23  }
0x632: {  	v53 =	vor.u32 $0xF, v9;
	[tilespmem:v40+s17+$0x0] =	vst.idx.msk $0xffff, v3  }
0x633: {  	v1 =	vor.u32 $0x10, v9;
	v59 =	vor.u32 $0x1A, v9;
	v23 =	vor.u32 $0xD, v34;
	v3 =	vld.idx.msk [tilespmem:v36+s4+$0x0], $0xffff;
	[tilespmem:v42+s17+$0x0] =	vst.idx.msk $0xffff, v24  }
0x634: {  	v50 =	vor.u32 $0xE, v9;
	v54 =	vor.u32 $0x1C, v9;
	v41 =	vor.u32 $0x1D, v9;
	[tilespmem:v33+s17+$0x0] =	vst.idx.msk $0xffff, v19;
	v24 =	vld.idx.msk [tilespmem:v61+s4+$0x0], $0xffff  }
0x635: {  	v56 =	vor.u32 $0x1B, v9;
	v40 =	vor.u32 $0x1E, v9;
	v33 =	vor.u32 $0x1F, v9;
	[tilespmem:v30+s17+$0x0] =	vst.idx.msk $0xffff, v22;
	v9 =	vld.idx.msk [tilespmem:v47+s4+$0x0], $0xffff  }
0x636: {  	v60 =	vor.u32 $0xE, v63;
	[tilespmem:v55+s17+$0x0] =	vst.idx.msk $0xffff, v4;
	v22 =	vld.idx.msk [tilespmem:v48+s4+$0x0], $0xffff;
	v61 =	vor.u32 $0x11, v0  }
0x637: {  	v4 =	vld.idx.msk [tilespmem:v21+s4+$0x0], $0xffff;
	[tilespmem:$0x1F390] =	vst v61  }
0x638: {  	[tilespmem:v23+s17+$0x0] =	vst.idx.msk $0xffff, v10;
	v23 =	vor.u32 $0x14, v0  }
0x639: {  	v19 =	vor.u32 $0xD, v11;
	v10 =	vld.idx.msk [tilespmem:v31+s4+$0x0], $0xffff;
	[tilespmem:$0x1F3A0] =	vst v23  }
0x63a: {  	v23 =	vor.u32 $0x15, v0;
	[tilespmem:v28+s17+$0x0] =	vst.idx.msk $0xffff, v3  }
0x63b: {  	v37 =	vor.u32 $0xD, v35;
	v3 =	vld.idx.msk [tilespmem:v60+s4+$0x0], $0xffff;
	[tilespmem:$0x1F3B0] =	vst v23;
	v23 =	vor.u32 $0x16, v0  }
0x63c: {  	v30 =	vor.u32 $0xD, v46;
	[tilespmem:$0x1F3C0] =	vst v23;
	v23 =	vor.u32 $0x17, v0  }
0x63d: {  	[tilespmem:$0x1F3D0] =	vst v23  }
0x63e: {  	v48 =	vor.u32 $0xE, v0;
	[tilespmem:v19+s17+$0x0] =	vst.idx.msk $0xffff, v24;
	v19 =	vor.u32 $0x18, v0  }
0x63f: {  	v44 =	vor.u32 $0x13, v0;
	v13 =	vld.idx.msk [tilespmem:v13+s4+$0x0], $0xffff;
	[tilespmem:$0x1F3E0] =	vst v19  }
0x640: {  	v38 =	vor.u32 $0x10, v0;
	v55 =	vor.u32 $0x1A, v0;
	v19 =	vor.u32 $0xE, v34;
	[tilespmem:v37+s17+$0x0] =	vst.idx.msk $0xffff, v9  }
0x641: {  	v36 =	vor.u32 $0x1C, v0;
	v21 =	vor.u32 $0xF, v0;
	v47 =	vor.u32 $0x12, v0;
	v9 =	vld.idx.msk [tilespmem:v12+s4+$0x0], $0xffff;
	[tilespmem:v30+s17+$0x0] =	vst.idx.msk $0xffff, v22  }
0x642: {  	v60 =	vor.u32 $0x19, v0;
	v28 =	vor.u32 $0x1E, v0;
	v37 =	vor.u32 $0x1B, v0;
	[tilespmem:v27+s17+$0x0] =	vst.idx.msk $0xffff, v4;
	v22 =	vld.idx.msk [tilespmem:v50+s4+$0x0], $0xffff  }
0x643: {  	v30 =	vor.u32 $0x1D, v0;
	v4 =	vor.u32 $0x1F, v0;
	[tilespmem:v5+s17+$0x0] =	vst.idx.msk $0xffff, v10;
	v27 =	vor.u32 $0x11, v11;
	v0 =	vld.idx.msk [tilespmem:v48+s4+$0x0], $0xffff  }
0x644: {  	v5 =	vld.idx.msk [tilespmem:v26+s4+$0x0], $0xffff;
	[tilespmem:$0x1F3F0] =	vst v27  }
0x645: {  	[tilespmem:v19+s17+$0x0] =	vst.idx.msk $0xffff, v3;
	v3 =	vld.idx.msk [tilespmem:v17+s4+$0x0], $0xffff;
	v17 =	vor.u32 $0x14, v11  }
0x646: {  	[tilespmem:$0x1F400] =	vst v17;
	v17 =	vld [tilespmem:$0x1F410];
	_ =	sdelay $0x3  }
0x647: {  	v12 =	vor.u32 $0xF, v63;
	_ =	sdelay $0x2  }
0x648: {  	v25 =	vor.u32 $0xE, v11  }
0x649: {  	[tilespmem:v17+s17+$0x0] =	vst.idx.msk $0xffff, v13;
	v13 =	vor.u32 $0x15, v11  }
0x64a: {  	v12 =	vld.idx.msk [tilespmem:v12+s4+$0x0], $0xffff;
	[tilespmem:$0x1F420] =	vst v13;
	v13 =	vor.u32 $0x16, v11  }
0x64b: {  	[tilespmem:$0x1F430] =	vst v13;
	v13 =	vor.u32 $0x17, v11  }
0x64c: {  	[tilespmem:$0x1F440] =	vst v13  }
0x64d: {  	[tilespmem:v25+s17+$0x0] =	vst.idx.msk $0xffff, v9  }
0x64e: {  	v9 =	vld [tilespmem:$0x1F450];
	_ =	sdelay $0x3  }
0x64f: {  	v23 =	vor.u32 $0xE, v35  }
0x650: {  	v24 =	vor.u32 $0xE, v46;
	_ =	sdelay $0x1  }
0x651: {  	v13 =	vor.u32 $0x18, v11  }
0x652: {  	v9 =	vld.idx.msk [tilespmem:v9+s4+$0x0], $0xffff;
	[tilespmem:$0x1F460] =	vst v13  }
0x653: {  	[tilespmem:v23+s17+$0x0] =	vst.idx.msk $0xffff, v22  }
0x654: {  	[tilespmem:v24+s17+$0x0] =	vst.idx.msk $0xffff, v0  }
0x655: {  	[tilespmem:v20+s17+$0x0] =	vst.idx.msk $0xffff, v5  }
0x656: {  	[tilespmem:v8+s17+$0x0] =	vst.idx.msk $0xffff, v3  }
0x657: {  	v3 =	vld [tilespmem:$0x1F470];
	_ =	sdelay $0x2  }
0x658: {  	v45 =	vor.u32 $0x13, v11  }
0x659: {  	v39 =	vor.u32 $0x1B, v11;
	v61 =	vor.u32 $0x19, v11;
	v31 =	vor.u32 $0x12, v11  }
0x65a: {  	v10 =	vor.u32 $0xF, v11;
	v26 =	vor.u32 $0x10, v11;
	v13 =	vor.u32 $0xF, v34;
	v22 =	vld.idx.msk [tilespmem:v6+s4+$0x0], $0xffff  }
0x65b: {  	v50 =	vor.u32 $0x1A, v11;
	v25 =	vor.u32 $0x1C, v11;
	v24 =	vor.u32 $0x1D, v11;
	v0 =	vld.idx.msk [tilespmem:v53+s4+$0x0], $0xffff  }
0x65c: {  	v23 =	vor.u32 $0x1E, v11;
	v5 =	vor.u32 $0x1F, v11;
	v8 =	vor.u32 $0x11, v35;
	v11 =	vld.idx.msk [tilespmem:v21+s4+$0x0], $0xffff  }
0x65d: {  	v3 =	vld.idx.msk [tilespmem:v3+s4+$0x0], $0xffff;
	[tilespmem:$0x1F480] =	vst v8;
	v8 =	vor.u32 $0x12, v35  }
0x65e: {  	[tilespmem:$0x1F490] =	vst v8  }
0x65f: {  	v17 =	vor.u32 $0x10, v63;
	v8 =	vor.u32 $0x13, v35;
	[tilespmem:v13+s17+$0x0] =	vst.idx.msk $0xffff, v12  }
0x660: {  	v12 =	vld.idx.msk [tilespmem:v18+s4+$0x0], $0xffff;
	[tilespmem:$0x1F4A0] =	vst v8;
	v8 =	vor.u32 $0x14, v35  }
0x661: {  	[tilespmem:$0x1F4B0] =	vst v8;
	v8 =	vor.u32 $0x15, v35  }
0x662: {  	[tilespmem:$0x1F4C0] =	vst v8  }
0x663: {  	v19 =	vor.u32 $0xF, v35;
	v8 =	vor.u32 $0x16, v35;
	[tilespmem:v32+s17+$0x0] =	vst.idx.msk $0xffff, v9  }
0x664: {  	v20 =	vor.u32 $0xF, v46;
	v13 =	vld.idx.msk [tilespmem:v17+s4+$0x0], $0xffff;
	[tilespmem:$0x1F4D0] =	vst v8;
	v8 =	vor.u32 $0x17, v35  }
0x665: {  	[tilespmem:$0x1F4E0] =	vst v8;
	v8 =	vor.u32 $0x18, v35  }
0x666: {  	[tilespmem:$0x1F4F0] =	vst v8  }
0x667: {  	[tilespmem:v10+s17+$0x0] =	vst.idx.msk $0xffff, v22  }
0x668: {  	v29 =	vld.idx.msk [tilespmem:v29+s4+$0x0], $0xffff;
	[tilespmem:v19+s17+$0x0] =	vst.idx.msk $0xffff, v0  }
0x669: {  	v6 =	vmov v46;
	[tilespmem:v20+s17+$0x0] =	vst.idx.msk $0xffff, v11;
	v19 =	vld.idx.msk [tilespmem:v2+s4+$0x0], $0xffff  }
0x66a: {  	[tilespmem:v16+s17+$0x0] =	vst.idx.msk $0xffff, v3;
	v0 =	vor.u32 $0x12, v6;
	v20 =	vld.idx.msk [tilespmem:v1+s4+$0x0], $0xffff  }
0x66b: {  	v17 =	vor.u32 $0x10, v34;
	v10 =	vld.idx.msk [tilespmem:v38+s4+$0x0], $0xffff;
	[tilespmem:$0x1F500] =	vst v0  }
0x66c: {  	v0 =	vor.u32 $0x13, v6;
	[tilespmem:v14+s17+$0x0] =	vst.idx.msk $0xffff, v12  }
0x66d: {  	v1 =	vld.idx.msk [tilespmem:v15+s4+$0x0], $0xffff;
	[tilespmem:$0x1F510] =	vst v0;
	v0 =	vor.u32 $0x14, v6  }
0x66e: {  	[tilespmem:$0x1F520] =	vst v0;
	v0 =	vor.u32 $0x15, v6  }
0x66f: {  	[tilespmem:$0x1F530] =	vst v0  }
0x670: {  	v22 =	vor.u32 $0x11, v63;
	v3 =	vor.u32 $0x16, v6;
	[tilespmem:v17+s17+$0x0] =	vst.idx.msk $0xffff, v13  }
0x671: {  	v0 =	vld.idx.msk [tilespmem:v43+s4+$0x0], $0xffff;
	[tilespmem:$0x1F540] =	vst v3;
	v3 =	vor.u32 $0x17, v6  }
0x672: {  	[tilespmem:$0x1F550] =	vst v3;
	v3 =	vor.u32 $0x18, v6  }
0x673: {  	[tilespmem:$0x1F560] =	vst v3  }
0x674: {  	v3 =	vor.u32 $0x19, v6;
	[tilespmem:v49+s17+$0x0] =	vst.idx.msk $0xffff, v29  }
0x675: {  	v11 =	vld.idx.msk [tilespmem:v22+s4+$0x0], $0xffff;
	[tilespmem:$0x1F570] =	vst v3  }
0x676: {  	s26 =	smulhi.u32 $0x66666667, s24;
	[tilespmem:v26+s17+$0x0] =	vst.idx.msk $0xffff, v19  }
0x677: {  	v3 =	vld [tilespmem:$0x1F580]  }
0x678: {  	s0 =	sshrl.u32 s26, $0x1  }
0x679: {  	s3 =	sadd.s32 s7, s0  }
0x67a: {  	s31 =	smulhi.u32 $0x2AAAAAAB, s3;
	v42 =	vor.u32 $0x1C, v35;
	v48 =	vor.u32 $0x1A, v35;
	v21 =	vor.u32 $0x10, v35  }
0x67b: {  	v27 =	vor.u32 $0x1D, v35;
	v46 =	vor.u32 $0x1B, v35;
	v53 =	vor.u32 $0x19, v35  }
0x67c: {  	s0 =	smul.u32 $0x5, s0;
	s26 =	sshrl.u32 s31, $0x1;
	v18 =	vor.u32 $0x1E, v35;
	v9 =	vor.u32 $0x10, v6;
	v8 =	vor.u32 $0x1F, v35  }
0x67d: {  	s8 =	smul.u32 $0xC, s26;
	v35 =	vor.u32 $0x1C, v6;
	v2 =	vor.u32 $0x11, v6;
	v38 =	vor.u32 $0x1B, v6  }
0x67e: {  	s29 =	simm.s32 $0x8;
	v12 =	vor.u32 $0x11, v34;
	v13 =	vor.u32 $0x12, v63;
	v49 =	vor.u32 $0x1A, v6;
	v7 =	vld.idx.msk [tilespmem:v7+s4+$0x0], $0xffff  }
0x67f: {  	s30 =	simm.s32 $0x2B70;
	s24 =	ssub.s32 s24, s0;
	s28 =	ssub.s32 s3, s8;
	v29 =	vor.u32 $0x1E, v6;
	v19 =	vor.u32 $0x1D, v6;
	v6 =	vor.u32 $0x1F, v6;
	[tilespmem:v21+s17+$0x0] =	vst.idx.msk $0xffff, v20;
	v3 =	vld.idx.msk [tilespmem:v3+s4+$0x0], $0xffff  }
.LBB2_5:
0x680: {  	[tilespmem:$0x1EDB0] =	vst v53  }
0x681: {  	[tilespmem:$0x1EDA0] =	vst v61  }
0x682: {  	[tilespmem:$0x1EDC0] =	vst v60  }
0x683: {  	[tilespmem:$0x1EE70] =	vst v62  }
0x684: {  	[tilespmem:$0x1EE50] =	vst v55  }
0x685: {  	[tilespmem:$0x1EFC0] =	vst v54  }
0x686: {  	[tilespmem:$0x1EE40] =	vst v59  }
0x687: {  	[tilespmem:$0x1EE30] =	vst v50  }
0x688: {  	[tilespmem:$0x1F000] =	vst v25  }
0x689: {  	[tilespmem:$0x1EF40] =	vst v58  }
0x68a: {  	[tilespmem:$0x1EED0] =	vst v48  }
0x68b: {  	[tilespmem:$0x1EEE0] =	vst v56  }
0x68c: {  	[tilespmem:$0x1F080] =	vst v42  }
0x68d: {  	[tilespmem:$0x1EF10] =	vst v37  }
0x68e: {  	[tilespmem:$0x1EEF0] =	vst v49  }
0x68f: {  	[tilespmem:$0x1F020] =	vst v57  }
0x690: {  	[tilespmem:$0x1EFF0] =	vst v36  }
0x691: {  	[tilespmem:$0x1EF20] =	vst v39  }
0x692: {  	[tilespmem:$0x1EFA0] =	vst v46  }
0x693: {  	[tilespmem:$0x1F090] =	vst v41  }
0x694: {  	[tilespmem:$0x1EFD0] =	vst v38  }
0x695: {  	[tilespmem:$0x1F0A0] =	vst v35  }
0x696: {  	[tilespmem:$0x1F0F0] =	vst v52  }
0x697: {  	[tilespmem:$0x1F1B0] =	vst v51  }
0x698: {  	[tilespmem:v9+s17+$0x0] =	vst.idx.msk $0xffff, v10;
	v10 =	vld [tilespmem:$0x1F200];
	_ =	sdelay $0x7  }
0x699: {  	[tilespmem:v10+s17+$0x0] =	vst.idx.msk $0xffff, v1;
	v1 =	vmov v18  }
0x69a: {  	[tilespmem:$0x1F200] =	vst v1;
	v1 =	vld [tilespmem:$0x1F250];
	_ =	sdelay $0x7  }
0x69b: {  	[tilespmem:v1+s17+$0x0] =	vst.idx.msk $0xffff, v0;
	v1 =	vld [tilespmem:$0x1F230];
	_ =	sdelay $0x6  }
0x69c: {  	v9 =	vld [tilespmem:s30+$0xFFFFFFD0]  }
0x69d: {  	[tilespmem:v1+s17+$0x0] =	vst.idx.msk $0xffff, v3;
	v3 =	vld [tilespmem:$0x1F3F0];
	_ =	sdelay $0x7  }
0x69e: {  	[tilespmem:v3+s17+$0x0] =	vst.idx.msk $0xffff, v7;
	v7 =	vld [tilespmem:$0x1F390]  }
0x69f: {  	v14 =	vld [tilespmem:s30+$0x0];
	_ =	sdelay $0x3  }
0x6a0: {  	v1 =	vmov v5  }
0x6a1: {  	[tilespmem:$0x1F230] =	vst v1;
	v1 =	vshll.u32 v14, $0x5;
	v14 =	vld [tilespmem:$0x1F1F0];
	_ =	sdelay $0x1  }
0x6a2: {  	v5 =	vshll.u32 v9, $0x5;
	v9 =	vld.idx.msk [tilespmem:v7+s4+$0x0], $0xffff  }
0x6a3: {  	v7 =	vld [tilespmem:$0x1F1E0];
	_ =	sdelay $0x1  }
0x6a4: {  	v0 =	vmov v29  }
0x6a5: {  	[tilespmem:$0x1F250] =	vst v0;
	v0 =	vld [tilespmem:s30+$0xFFFFFFF0]  }
0x6a6: {  	v3 =	vld [tilespmem:$0x1F300]  }
0x6a7: {  	[tilespmem:v14+s17+$0x0] =	vst.idx.msk $0xffff, v7;
	v14 =	vld [tilespmem:$0x1F260];
	v7 =	vmov v6  }
0x6a8: {  	[tilespmem:$0x1F260] =	vst v7;
	v7 =	vld [tilespmem:$0x1F270];
	_ =	sdelay $0x1  }
0x6a9: {  	v20 =	vld [tilespmem:$0x1F220]  }
0x6aa: {  	[tilespmem:$0x1F0D0] =	vst v24;
	v10 =	vld [tilespmem:s30+$0xFFFFFFE0]  }
0x6ab: {  	v24 =	vld [tilespmem:$0x1FFF0];
	[tilespmem:v12+s17+$0x0] =	vst.idx.msk $0xffff, v11  }
0x6ac: {  	v11 =	vld.idx.msk [tilespmem:v13+s4+$0x0], $0xffff  }
0x6ad: {  	v12 =	vld.idx.msk [tilespmem:v3+s4+$0x0], $0xffff;
	v3 =	vor.u32 $0x12, v34;
	_ =	sdelay $0x1  }
0x6ae: {  	s25 =	sadd.s32 $0x40, s25;
	v6 =	vshll.u32 v10, $0x5;
	v10 =	vmov v33;
	v16 =	vld.idx.msk [tilespmem:v7+s4+$0x0], $0xffff  }
0x6af: {  	v7 =	vshll.u32 v0, $0x5;
	v0 =	vld [tilespmem:$0x1F210];
	[tilespmem:$0x1F210] =	vst v10;
	v10 =	vmov s25  }
0x6b0: {  	v21 =	vld.idx.msk [tilespmem:v1+s4+$0x0], $0xffff;
	v10 =	vshll.u32 v10, $0x5  }
0x6b1: {  	[tilespmem:v3+s17+$0x0] =	vst.idx.msk $0xffff, v11;
	v3 =	vor.u32 v24, v10;
	v10 =	vld [tilespmem:$0x1F480]  }
0x6b2: {  	v20 =	vld.idx.msk [tilespmem:v20+s4+$0x0], $0xffff;
	_ =	sdelay $0x3  }
0x6b3: {  	[tilespmem:v2+s17+$0x0] =	vst.idx.msk $0xffff, v9  }
0x6b4: {  	s3 =	sadd.s32 $0xFFFFFFE0, s25;
	s8 =	sadd.s32 $0xFFFFFFF0, s25;
	[tilespmem:$0x1F1E0] =	vst v20;
	v20 =	vmov v4  }
0x6b5: {  	v11 =	vmov s8;
	[tilespmem:$0x1F220] =	vst v20;
	v20 =	vmov s3  }
0x6b6: {  	v9 =	vshll.u32 v11, $0x5;
	v0 =	vld.idx.msk [tilespmem:v0+s4+$0x0], $0xffff;
	[tilespmem:v10+s17+$0x0] =	vst.idx.msk $0xffff, v12;
	v12 =	vshll.u32 v20, $0x5  }
0x6b7: {  	v11 =	vor.u32 v24, v12;
	v12 =	vor.u32 v24, v9;
	v9 =	vld [tilespmem:$0x1F310];
	_ =	sdelay $0x6  }
0x6b8: {  	v22 =	vld.idx.msk [tilespmem:v5+s4+$0x0], $0xffff  }
0x6b9: {  	v13 =	vor.u32 $0x13, v63;
	[tilespmem:v31+s17+$0x0] =	vst.idx.msk $0xffff, v16;
	v31 =	vld.idx.msk [tilespmem:v9+s4+$0x0], $0xffff  }
0x6ba: {  	v9 =	vld [tilespmem:$0x1F240];
	_ =	sdelay $0x2  }
0x6bb: {  	v20 =	vor.u32 $0x1, v1  }
0x6bc: {  	s0 =	sadd.s32 $0xFFFFFFD0, s25;
	v13 =	vld.idx.msk [tilespmem:v13+s4+$0x0], $0xffff;
	v2 =	vor.u32 $0x13, v34  }
0x6bd: {  	v4 =	vmov s0  }
0x6be: {  	v4 =	vshll.u32 v4, $0x5  }
0x6bf: {  	[tilespmem:v3+s17+$0x0] =	vst.idx.msk $0xffff, v21;
	v10 =	vor.u32 v24, v4;
	v4 =	vld.idx.msk [tilespmem:v6+s4+$0x0], $0xffff  }
0x6c0: {  	[tilespmem:v9+s17+$0x0] =	vst.idx.msk $0xffff, v0;
	v0 =	vmov v8;
	v8 =	vld.idx.msk [tilespmem:v20+s4+$0x0], $0xffff  }
0x6c1: {  	[tilespmem:v2+s17+$0x0] =	vst.idx.msk $0xffff, v13;
	v2 =	vld [tilespmem:$0x1F490];
	_ =	sdelay $0x1  }
0x6c2: {  	v17 =	vor.u32 $0x1, v6;
	_ =	sdelay $0x3  }
0x6c3: {  	[tilespmem:v11+s17+$0x0] =	vst.idx.msk $0xffff, v4  }
0x6c4: {  	v32 =	vld.idx.msk [tilespmem:v17+s4+$0x0], $0xffff  }
0x6c5: {  	[tilespmem:v2+s17+$0x0] =	vst.idx.msk $0xffff, v31;
	v2 =	vld [tilespmem:$0x1F280];
	_ =	sdelay $0x6  }
0x6c6: {  	[tilespmem:v10+s17+$0x0] =	vst.idx.msk $0xffff, v22  }
0x6c7: {  	v31 =	vld.idx.msk [tilespmem:v2+s4+$0x0], $0xffff  }
0x6c8: {  	v2 =	vld [tilespmem:$0x1F500]  }
0x6c9: {  	[tilespmem:$0x1F190] =	vst v23;
	v23 =	vld.idx.msk [tilespmem:v7+s4+$0x0], $0xffff  }
0x6ca: {  	[tilespmem:$0x1F170] =	vst v19;
	v19 =	vor.u32 $0x1, v7  }
0x6cb: {  	[tilespmem:$0x1F240] =	vst v0;
	v0 =	vld.idx.msk [tilespmem:v47+s4+$0x0], $0xffff;
	_ =	sdelay $0x2  }
0x6cc: {  	[tilespmem:v12+s17+$0x0] =	vst.idx.msk $0xffff, v23  }
0x6cd: {  	[tilespmem:$0x1F0C0] =	vst v30;
	v41 =	vld.idx.msk [tilespmem:v19+s4+$0x0], $0xffff  }
0x6ce: {  	v30 =	vor.u32 $0x1, v12;
	[tilespmem:v2+s17+$0x0] =	vst.idx.msk $0xffff, v0;
	v0 =	vld [tilespmem:$0x1F320]  }
0x6cf: {  	v26 =	vor.u32 $0x2, v7  }
0x6d0: {  	v16 =	vor.u32 $0x14, v63  }
0x6d1: {  	v20 =	vor.u32 $0x1, v3;
	_ =	sdelay $0x1  }
0x6d2: {  	[tilespmem:v30+s17+$0x0] =	vst.idx.msk $0xffff, v41  }
0x6d3: {  	[tilespmem:$0x1F160] =	vst v40;
	v14 =	vmov v14;
	v40 =	vor.u32 $0x2, v12;
	v25 =	vld.idx.msk [tilespmem:v26+s4+$0x0], $0xffff  }
0x6d4: {  	[tilespmem:$0x1F1F0] =	vst v14;
	v16 =	vld.idx.msk [tilespmem:v16+s4+$0x0], $0xffff  }
0x6d5: {  	v14 =	vor.u32 $0x1, v5;
	[tilespmem:v20+s17+$0x0] =	vst.idx.msk $0xffff, v8;
	v8 =	vld.idx.msk [tilespmem:v0+s4+$0x0], $0xffff  }
0x6d6: {  	v0 =	vld [tilespmem:$0x1F4A0]  }
0x6d7: {  	v29 =	vor.u32 $0x1, v11;
	v4 =	vor.u32 $0x2, v1;
	v54 =	vld.idx.msk [tilespmem:v44+s4+$0x0], $0xffff  }
0x6d8: {  	v18 =	vor.u32 $0x2, v6;
	v21 =	vor.u32 $0x14, v34;
	[tilespmem:v40+s17+$0x0] =	vst.idx.msk $0xffff, v25;
	v25 =	vld [tilespmem:$0x1F510];
	_ =	sdelay $0x1  }
0x6d9: {  	[tilespmem:$0x1F150] =	vst v27;
	v27 =	vor.u32 $0x1, v10;
	v14 =	vld.idx.msk [tilespmem:v14+s4+$0x0], $0xffff  }
0x6da: {  	v50 =	vor.u32 $0x3, v7  }
0x6db: {  	v4 =	vld.idx.msk [tilespmem:v4+s4+$0x0], $0xffff;
	[tilespmem:v29+s17+$0x0] =	vst.idx.msk $0xffff, v32  }
0x6dc: {  	[tilespmem:v21+s17+$0x0] =	vst.idx.msk $0xffff, v16;
	v18 =	vld.idx.msk [tilespmem:v18+s4+$0x0], $0xffff  }
0x6dd: {  	[tilespmem:v0+s17+$0x0] =	vst.idx.msk $0xffff, v8;
	v0 =	vld [tilespmem:$0x1F290]  }
0x6de: {  	v62 =	vor.u32 $0x15, v63;
	[tilespmem:v27+s17+$0x0] =	vst.idx.msk $0xffff, v14  }
0x6df: {  	v15 =	vor.u32 $0x2, v5;
	v50 =	vld.idx.msk [tilespmem:v50+s4+$0x0], $0xffff;
	[tilespmem:v25+s17+$0x0] =	vst.idx.msk $0xffff, v54;
	v25 =	vor.u32 $0xB, v5  }
0x6e0: {  	v14 =	vor.u32 $0x2, v3;
	[tilespmem:$0x1ED60] =	vst v25;
	v25 =	vor.u32 $0xA, v11  }
0x6e1: {  	[tilespmem:$0x1ED70] =	vst v25;
	v25 =	vor.u32 $0xA, v12  }
0x6e2: {  	[tilespmem:$0x1ED80] =	vst v25;
	v25 =	vld [tilespmem:$0x1F400]  }
0x6e3: {  	[tilespmem:$0x1F180] =	vst v28;
	v60 =	vld.idx.msk [tilespmem:v62+s4+$0x0], $0xffff  }
0x6e4: {  	v28 =	vor.u32 $0x2, v10;
	v15 =	vld.idx.msk [tilespmem:v15+s4+$0x0], $0xffff;
	[tilespmem:v45+s17+$0x0] =	vst.idx.msk $0xffff, v31  }
0x6e5: {  	v38 =	vor.u32 $0x3, v5;
	[tilespmem:v14+s17+$0x0] =	vst.idx.msk $0xffff, v4;
	v14 =	vld.idx.msk [tilespmem:v0+s4+$0x0], $0xffff;
	_ =	sdelay $0x2  }
0x6e6: {  	v61 =	vor.u32 $0x15, v34;
	v29 =	vor.u32 $0x3, v1  }
0x6e7: {  	[tilespmem:v28+s17+$0x0] =	vst.idx.msk $0xffff, v15  }
0x6e8: {  	v38 =	vld.idx.msk [tilespmem:v38+s4+$0x0], $0xffff;
	[tilespmem:v25+s17+$0x0] =	vst.idx.msk $0xffff, v14;
	v25 =	vor.u32 $0xB, v7  }
0x6e9: {  	[tilespmem:$0x1ED90] =	vst v25;
	v25 =	vld [tilespmem:$0x1F3A0]  }
0x6ea: {  	v39 =	vor.u32 $0x2, v11  }
0x6eb: {  	v62 =	vor.u32 $0x16, v63;
	v53 =	vld.idx.msk [tilespmem:v29+s4+$0x0], $0xffff;
	[tilespmem:v61+s17+$0x0] =	vst.idx.msk $0xffff, v60;
	v60 =	vor.u32 $0x3, v3;
	_ =	sdelay $0x3  }
0x6ec: {  	[tilespmem:v39+s17+$0x0] =	vst.idx.msk $0xffff, v18  }
0x6ed: {  	v61 =	vld.idx.msk [tilespmem:v62+s4+$0x0], $0xffff;
	[tilespmem:v60+s17+$0x0] =	vst.idx.msk $0xffff, v53;
	v0 =	vor.u32 $0x9, v10  }
0x6ee: {  	[tilespmem:$0x1ED20] =	vst v0;
	v60 =	vld.idx.msk [tilespmem:v25+s4+$0x0], $0xffff;
	v25 =	vor.u32 $0xC, v5  }
0x6ef: {  	[tilespmem:$0x1EDE0] =	vst v25;
	v25 =	vor.u32 $0xB, v11  }
0x6f0: {  	[tilespmem:$0x1EDF0] =	vst v25;
	v25 =	vor.u32 $0xB, v12  }
0x6f1: {  	v14 =	vld [tilespmem:$0x1F330];
	[tilespmem:$0x1EE10] =	vst v25;
	v25 =	vor.u32 $0xC, v10  }
0x6f2: {  	[tilespmem:$0x1EE60] =	vst v25;
	v25 =	vor.u32 $0xC, v11  }
0x6f3: {  	v49 =	vor.u32 $0x3, v6;
	[tilespmem:$0x1EE90] =	vst v25;
	v25 =	vor.u32 $0xD, v5  }
0x6f4: {  	[tilespmem:$0x1EE80] =	vst v25;
	v25 =	vor.u32 $0xD, v6  }
0x6f5: {  	[tilespmem:$0x1EEA0] =	vst v25;
	v25 =	vor.u32 $0xD, v7  }
0x6f6: {  	v0 =	vor.u32 $0x9, v11;
	[tilespmem:$0x1EEC0] =	vst v25;
	v25 =	vld [tilespmem:$0x1F4B0]  }
0x6f7: {  	v15 =	vor.u32 $0x4, v1;
	[tilespmem:$0x1ED30] =	vst v0;
	v0 =	vor.u32 $0x16, v34  }
0x6f8: {  	v37 =	vor.u32 $0x3, v11;
	v39 =	vor.u32 $0x17, v63;
	v49 =	vld.idx.msk [tilespmem:v49+s4+$0x0], $0xffff  }
0x6f9: {  	v59 =	vor.u32 $0x4, v6;
	v40 =	vld.idx.msk [tilespmem:v14+s4+$0x0], $0xffff;
	_ =	sdelay $0x2  }
0x6fa: {  	v15 =	vld.idx.msk [tilespmem:v15+s4+$0x0], $0xffff;
	[tilespmem:v0+s17+$0x0] =	vst.idx.msk $0xffff, v61  }
0x6fb: {  	v33 =	vld.idx.msk [tilespmem:v39+s4+$0x0], $0xffff;
	[tilespmem:v37+s17+$0x0] =	vst.idx.msk $0xffff, v49  }
0x6fc: {  	v39 =	vld.idx.msk [tilespmem:v59+s4+$0x0], $0xffff;
	[tilespmem:v25+s17+$0x0] =	vst.idx.msk $0xffff, v40;
	v25 =	vor.u32 $0xD, v10  }
0x6fd: {  	[tilespmem:$0x1EF30] =	vst v25;
	v25 =	vor.u32 $0xD, v11  }
0x6fe: {  	[tilespmem:$0x1EF60] =	vst v25;
	v25 =	vor.u32 $0xD, v12  }
0x6ff: {  	[tilespmem:$0x1EF80] =	vst v25;
	v25 =	vld [tilespmem:$0x1F2A0];
	_ =	sdelay $0x1  }
0x700: {  	v46 =	vor.u32 $0x3, v10;
	_ =	sdelay $0x4  }
0x701: {  	v24 =	vor.u32 $0x3, v12;
	[tilespmem:v46+s17+$0x0] =	vst.idx.msk $0xffff, v38  }
0x702: {  	v48 =	vor.u32 $0x4, v7;
	v0 =	vor.u32 $0xC, v6;
	v40 =	vld.idx.msk [tilespmem:v25+s4+$0x0], $0xffff  }
0x703: {  	[tilespmem:$0x1EE00] =	vst v0;
	v0 =	vor.u32 $0xC, v7;
	v25 =	vld [tilespmem:$0x1F520]  }
0x704: {  	[tilespmem:$0x1EE20] =	vst v0;
	v0 =	vor.u32 $0x4, v3;
	_ =	sdelay $0x1  }
0x705: {  	[tilespmem:v24+s17+$0x0] =	vst.idx.msk $0xffff, v50  }
0x706: {  	v9 =	vor.u32 $0x4, v12;
	v48 =	vld.idx.msk [tilespmem:v48+s4+$0x0], $0xffff;
	_ =	sdelay $0x1  }
0x707: {  	v24 =	vor.u32 $0xC, v12;
	[tilespmem:v0+s17+$0x0] =	vst.idx.msk $0xffff, v15  }
0x708: {  	[tilespmem:$0x1EEB0] =	vst v24  }
0x709: {  	[tilespmem:v25+s17+$0x0] =	vst.idx.msk $0xffff, v60  }
0x70a: {  	v56 =	vor.u32 $0x4, v5;
	v0 =	vld [tilespmem:$0x1F340];
	[tilespmem:v9+s17+$0x0] =	vst.idx.msk $0xffff, v48;
	v9 =	vor.u32 $0x10, v5  }
0x70b: {  	[tilespmem:$0x1F100] =	vst v9;
	v9 =	vor.u32 $0x10, v6  }
0x70c: {  	v62 =	vor.u32 $0x5, v1;
	v38 =	vor.u32 $0x17, v34;
	[tilespmem:$0x1F120] =	vst v9;
	v9 =	vor.u32 $0xF, v12  }
0x70d: {  	v13 =	vor.u32 $0x4, v11;
	v15 =	vor.u32 $0xE, v10;
	[tilespmem:$0x1F130] =	vst v9;
	v9 =	vld [tilespmem:$0x1F420]  }
0x70e: {  	[tilespmem:$0x1F010] =	vst v15;
	v15 =	vor.u32 $0xE, v11  }
0x70f: {  	v23 =	vor.u32 $0x4, v10;
	v46 =	vld.idx.msk [tilespmem:v56+s4+$0x0], $0xffff;
	[tilespmem:$0x1F040] =	vst v15;
	v15 =	vor.u32 $0xE, v12  }
0x710: {  	v36 =	vor.u32 $0x5, v5;
	[tilespmem:$0x1F060] =	vst v15  }
0x711: {  	v15 =	vld.idx.msk [tilespmem:v62+s4+$0x0], $0xffff;
	[tilespmem:v38+s17+$0x0] =	vst.idx.msk $0xffff, v33  }
0x712: {  	v0 =	vld.idx.msk [tilespmem:v0+s4+$0x0], $0xffff;
	[tilespmem:v13+s17+$0x0] =	vst.idx.msk $0xffff, v39;
	v13 =	vor.u32 $0xF, v7  }
0x713: {  	[tilespmem:$0x1F070] =	vst v13  }
0x714: {  	[tilespmem:v23+s17+$0x0] =	vst.idx.msk $0xffff, v46  }
0x715: {  	v54 =	vld.idx.msk [tilespmem:v36+s4+$0x0], $0xffff;
	[tilespmem:v9+s17+$0x0] =	vst.idx.msk $0xffff, v40;
	v9 =	vor.u32 $0x10, v10  }
0x716: {  	[tilespmem:$0x1F1A0] =	vst v9;
	v9 =	vor.u32 $0x10, v11  }
0x717: {  	[tilespmem:$0x1F1D0] =	vst v9;
	v9 =	vor.u32 $0x10, v7  }
0x718: {  	v23 =	vor.u32 $0xF, v5;
	[tilespmem:$0x1F140] =	vst v9;
	v9 =	vld [tilespmem:$0x1F4C0]  }
0x719: {  	[tilespmem:$0x1F030] =	vst v23;
	v23 =	vor.u32 $0xF, v6  }
0x71a: {  	v22 =	vor.u32 $0x5, v6;
	[tilespmem:$0x1F050] =	vst v23;
	v25 =	vor.u32 $0xE, v5  }
0x71b: {  	[tilespmem:$0x1EF50] =	vst v25;
	v25 =	vor.u32 $0xE, v6  }
0x71c: {  	[tilespmem:$0x1EF70] =	vst v25;
	v25 =	vor.u32 $0xE, v7  }
0x71d: {  	[tilespmem:$0x1EF90] =	vst v25;
	v25 =	vor.u32 $0xF, v10  }
0x71e: {  	[tilespmem:$0x1F0E0] =	vst v25;
	v25 =	vor.u32 $0xF, v11  }
0x71f: {  	v24 =	vor.u32 $0x18, v63;
	v22 =	vld.idx.msk [tilespmem:v22+s4+$0x0], $0xffff;
	[tilespmem:$0x1F110] =	vst v25  }
0x720: {  	v25 =	vor.u32 $0x12, v10;
	[tilespmem:v9+s17+$0x0] =	vst.idx.msk $0xffff, v0;
	v0 =	vld [tilespmem:$0x1F3B0]  }
0x721: {  	[tilespmem:$0x1F0B0] =	vst v25;
	v25 =	vor.u32 $0x12, v7  }
0x722: {  	v52 =	vor.u32 $0x5, v7;
	v23 =	vor.u32 $0x5, v3;
	[tilespmem:$0x1EF00] =	vst v25;
	v25 =	vor.u32 $0x13, v5  }
0x723: {  	[tilespmem:$0x1F280] =	vst v25;
	v25 =	vor.u32 $0x12, v11  }
0x724: {  	v56 =	vor.u32 $0x18, v34;
	v24 =	vld.idx.msk [tilespmem:v24+s4+$0x0], $0xffff;
	v13 =	vor.u32 $0x6, v1;
	[tilespmem:$0x1F490] =	vst v25;
	v25 =	vor.u32 $0x12, v12  }
0x725: {  	[tilespmem:$0x1F500] =	vst v25;
	v25 =	vld [tilespmem:$0x1F530];
	_ =	sdelay $0x1  }
0x726: {  	v55 =	vor.u32 $0x5, v12;
	[tilespmem:v23+s17+$0x0] =	vst.idx.msk $0xffff, v15;
	v23 =	vor.u32 $0x11, v10;
	v60 =	vld.idx.msk [tilespmem:v52+s4+$0x0], $0xffff  }
0x727: {  	v47 =	vor.u32 $0x6, v7;
	[tilespmem:$0x1F3F0] =	vst v23;
	v0 =	vld.idx.msk [tilespmem:v0+s4+$0x0], $0xffff  }
0x728: {  	v23 =	vor.u32 $0x11, v11;
	v13 =	vld.idx.msk [tilespmem:v13+s4+$0x0], $0xffff;
	[tilespmem:v56+s17+$0x0] =	vst.idx.msk $0xffff, v24  }
0x729: {  	[tilespmem:$0x1F480] =	vst v23;
	v23 =	vor.u32 $0x11, v7  }
0x72a: {  	v15 =	vld [tilespmem:$0x1F2B0];
	[tilespmem:$0x1F390] =	vst v23  }
0x72b: {  	v59 =	vor.u32 $0x19, v63;
	[tilespmem:v55+s17+$0x0] =	vst.idx.msk $0xffff, v60  }
0x72c: {  	v23 =	vor.u32 $0x6, v3;
	v47 =	vld.idx.msk [tilespmem:v47+s4+$0x0], $0xffff;
	[tilespmem:v25+s17+$0x0] =	vst.idx.msk $0xffff, v0;
	v0 =	vor.u32 $0x13, v10  }
0x72d: {  	[tilespmem:$0x1EFE0] =	vst v0;
	v0 =	vor.u32 $0x13, v6  }
0x72e: {  	[tilespmem:$0x1F320] =	vst v0;
	v0 =	vor.u32 $0x13, v7  }
0x72f: {  	[tilespmem:$0x1EFB0] =	vst v0;
	v0 =	vld [tilespmem:$0x1F430]  }
0x730: {  	v2 =	vor.u32 $0x5, v10;
	v24 =	vld.idx.msk [tilespmem:v59+s4+$0x0], $0xffff  }
0x731: {  	v58 =	vor.u32 $0x6, v5;
	v51 =	vor.u32 $0x5, v11;
	[tilespmem:v23+s17+$0x0] =	vst.idx.msk $0xffff, v13;
	v13 =	vld [tilespmem:$0x1F3C0]  }
0x732: {  	v15 =	vld.idx.msk [tilespmem:v15+s4+$0x0], $0xffff;
	_ =	sdelay $0x1  }
0x733: {  	v32 =	vor.u32 $0x6, v12  }
0x734: {  	[tilespmem:v2+s17+$0x0] =	vst.idx.msk $0xffff, v54  }
0x735: {  	v33 =	vld.idx.msk [tilespmem:v58+s4+$0x0], $0xffff;
	[tilespmem:v51+s17+$0x0] =	vst.idx.msk $0xffff, v22  }
0x736: {  	v22 =	vor.u32 $0x12, v6;
	[tilespmem:v0+s17+$0x0] =	vst.idx.msk $0xffff, v15;
	v0 =	vld [tilespmem:$0x1F350]  }
0x737: {  	v57 =	vor.u32 $0x6, v6;
	[tilespmem:$0x1F310] =	vst v22  }
0x738: {  	v19 =	vor.u32 $0x6, v10;
	v25 =	vor.u32 $0x15, v10;
	v13 =	vld.idx.msk [tilespmem:v13+s4+$0x0], $0xffff;
	[tilespmem:v32+s17+$0x0] =	vst.idx.msk $0xffff, v47  }
0x739: {  	[tilespmem:$0x1F420] =	vst v25;
	v25 =	vor.u32 $0x15, v11  }
0x73a: {  	[tilespmem:$0x1F4C0] =	vst v25;
	v25 =	vor.u32 $0x15, v12  }
0x73b: {  	[tilespmem:$0x1F530] =	vst v25;
	v25 =	vld [tilespmem:$0x1F4D0];
	v15 =	vor.u32 $0x14, v5  }
0x73c: {  	v17 =	vor.u32 $0x6, v11;
	v62 =	vld.idx.msk [tilespmem:v57+s4+$0x0], $0xffff;
	[tilespmem:$0x1F290] =	vst v15  }
0x73d: {  	v20 =	vor.u32 $0x7, v6;
	v15 =	vor.u32 $0x13, v11;
	[tilespmem:v19+s17+$0x0] =	vst.idx.msk $0xffff, v33  }
0x73e: {  	v19 =	vor.u32 $0x14, v11;
	[tilespmem:$0x1F4A0] =	vst v15;
	v0 =	vld.idx.msk [tilespmem:v0+s4+$0x0], $0xffff  }
0x73f: {  	v15 =	vor.u32 $0x13, v12;
	[tilespmem:$0x1F4B0] =	vst v19  }
0x740: {  	[tilespmem:$0x1F510] =	vst v15  }
0x741: {  	v19 =	vor.u32 $0x14, v12;
	[tilespmem:v17+s17+$0x0] =	vst.idx.msk $0xffff, v62  }
0x742: {  	[tilespmem:$0x1F520] =	vst v19;
	v20 =	vld.idx.msk [tilespmem:v20+s4+$0x0], $0xffff  }
0x743: {  	[tilespmem:v25+s17+$0x0] =	vst.idx.msk $0xffff, v0;
	v0 =	vor.u32 $0x16, v5;
	v25 =	vld [tilespmem:$0x1F540]  }
0x744: {  	v35 =	vor.u32 $0x7, v7;
	[tilespmem:$0x1F2B0] =	vst v0;
	v0 =	vor.u32 $0x16, v6  }
0x745: {  	v61 =	vor.u32 $0x19, v34;
	v22 =	vor.u32 $0x7, v1;
	[tilespmem:$0x1F350] =	vst v0;
	v0 =	vor.u32 $0x16, v7  }
0x746: {  	v15 =	vor.u32 $0x14, v10;
	[tilespmem:$0x1F3C0] =	vst v0;
	v0 =	vld [tilespmem:$0x1F2C0]  }
0x747: {  	v40 =	vor.u32 $0x1A, v63;
	[tilespmem:$0x1F400] =	vst v15;
	v15 =	vor.u32 $0x14, v6  }
0x748: {  	v21 =	vor.u32 $0x7, v5;
	[tilespmem:$0x1F330] =	vst v15;
	v15 =	vor.u32 $0x14, v7  }
0x749: {  	v32 =	vld.idx.msk [tilespmem:v35+s4+$0x0], $0xffff;
	[tilespmem:$0x1F3A0] =	vst v15  }
0x74a: {  	v15 =	vld.idx.msk [tilespmem:v22+s4+$0x0], $0xffff;
	[tilespmem:v61+s17+$0x0] =	vst.idx.msk $0xffff, v24  }
0x74b: {  	v23 =	vor.u32 $0x15, v5;
	v19 =	vor.u32 $0x7, v3;
	[tilespmem:v25+s17+$0x0] =	vst.idx.msk $0xffff, v13;
	v25 =	vld [tilespmem:$0x1F440]  }
0x74c: {  	[tilespmem:$0x1F2A0] =	vst v23;
	v23 =	vor.u32 $0x1A, v34;
	v22 =	vld.idx.msk [tilespmem:v40+s4+$0x0], $0xffff;
	v17 =	vor.u32 $0x8, v1;
	v13 =	vor.u32 $0x16, v10  }
0x74d: {  	v16 =	vor.u32 $0x7, v10;
	v21 =	vld.idx.msk [tilespmem:v21+s4+$0x0], $0xffff;
	[tilespmem:$0x1F430] =	vst v13;
	v13 =	vor.u32 $0x16, v11  }
0x74e: {  	v45 =	vor.u32 $0x8, v5;
	[tilespmem:$0x1F4D0] =	vst v13;
	v13 =	vor.u32 $0x16, v12;
	v0 =	vld.idx.msk [tilespmem:v0+s4+$0x0], $0xffff  }
0x74f: {  	[tilespmem:$0x1F540] =	vst v13;
	v13 =	vld [tilespmem:$0x1F360]  }
0x750: {  	[tilespmem:v19+s17+$0x0] =	vst.idx.msk $0xffff, v15  }
0x751: {  	v17 =	vld.idx.msk [tilespmem:v17+s4+$0x0], $0xffff;
	[tilespmem:v23+s17+$0x0] =	vst.idx.msk $0xffff, v22  }
0x752: {  	[tilespmem:v16+s17+$0x0] =	vst.idx.msk $0xffff, v21;
	v16 =	vor.u32 $0x17, v10  }
0x753: {  	v23 =	vld.idx.msk [tilespmem:v45+s4+$0x0], $0xffff;
	[tilespmem:v25+s17+$0x0] =	vst.idx.msk $0xffff, v0;
	v0 =	vmov v16  }
0x754: {  	[tilespmem:$0x1F440] =	vst v0;
	v0 =	vld [tilespmem:$0x1F4E0]  }
0x755: {  	v42 =	vor.u32 $0x7, v11  }
0x756: {  	v43 =	vor.u32 $0x8, v6  }
0x757: {  	v13 =	vld.idx.msk [tilespmem:v13+s4+$0x0], $0xffff  }
0x758: {  	v15 =	vor.u32 $0x17, v5  }
0x759: {  	[tilespmem:$0x1F2C0] =	vst v15  }
0x75a: {  	v15 =	vor.u32 $0x17, v6;
	[tilespmem:v42+s17+$0x0] =	vst.idx.msk $0xffff, v20  }
0x75b: {  	[tilespmem:$0x1F360] =	vst v15;
	v15 =	vor.u32 $0x17, v7;
	v61 =	vld.idx.msk [tilespmem:v43+s4+$0x0], $0xffff  }
0x75c: {  	[tilespmem:v0+s17+$0x0] =	vst.idx.msk $0xffff, v13;
	v0 =	vld [tilespmem:$0x1F3D0];
	v13 =	vmov v15  }
0x75d: {  	[tilespmem:$0x1F3D0] =	vst v13;
	v13 =	vld [tilespmem:$0x1F2D0];
	_ =	sdelay $0x4  }
0x75e: {  	v31 =	vor.u32 $0x7, v12  }
0x75f: {  	v44 =	vor.u32 $0x8, v7  }
0x760: {  	v60 =	vor.u32 $0x18, v5  }
0x761: {  	v16 =	vld.idx.msk [tilespmem:v13+s4+$0x0], $0xffff;
	v13 =	vmov v60  }
0x762: {  	[tilespmem:$0x1F2D0] =	vst v13;
	v13 =	vld [tilespmem:$0x1F550]  }
0x763: {  	[tilespmem:v31+s17+$0x0] =	vst.idx.msk $0xffff, v32  }
0x764: {  	v27 =	vor.u32 $0x8, v12;
	v62 =	vld.idx.msk [tilespmem:v44+s4+$0x0], $0xffff  }
0x765: {  	v28 =	vor.u32 $0x9, v7;
	v0 =	vld.idx.msk [tilespmem:v0+s4+$0x0], $0xffff;
	_ =	sdelay $0x3  }
0x766: {  	v20 =	vor.u32 $0x17, v12;
	[tilespmem:v27+s17+$0x0] =	vst.idx.msk $0xffff, v62  }
0x767: {  	v58 =	vld.idx.msk [tilespmem:v28+s4+$0x0], $0xffff;
	[tilespmem:v13+s17+$0x0] =	vst.idx.msk $0xffff, v0;
	v0 =	vmov v20  }
0x768: {  	[tilespmem:$0x1F550] =	vst v0;
	v0 =	vld [tilespmem:$0x1F460]  }
0x769: {  	v30 =	vor.u32 $0x8, v10  }
0x76a: {  	v4 =	vor.u32 $0x9, v5;
	_ =	sdelay $0x3  }
0x76b: {  	[tilespmem:v30+s17+$0x0] =	vst.idx.msk $0xffff, v23  }
0x76c: {  	v4 =	vld.idx.msk [tilespmem:v4+s4+$0x0], $0xffff  }
0x76d: {  	[tilespmem:v0+s17+$0x0] =	vst.idx.msk $0xffff, v16;
	v0 =	vld [tilespmem:$0x1F370];
	_ =	sdelay $0x1  }
0x76e: {  	v26 =	vor.u32 $0x8, v11;
	_ =	sdelay $0x4  }
0x76f: {  	v43 =	vor.u32 $0x18, v6;
	[tilespmem:v26+s17+$0x0] =	vst.idx.msk $0xffff, v61  }
0x770: {  	v16 =	vld.idx.msk [tilespmem:v0+s4+$0x0], $0xffff;
	v0 =	vmov v43  }
0x771: {  	[tilespmem:$0x1F370] =	vst v0;
	v0 =	vld [tilespmem:$0x1F3E0];
	_ =	sdelay $0x6  }
0x772: {  	v51 =	vor.u32 $0x18, v7  }
0x773: {  	v20 =	vld.idx.msk [tilespmem:v0+s4+$0x0], $0xffff;
	v0 =	vmov v51  }
0x774: {  	[tilespmem:$0x1F3E0] =	vst v0;
	v0 =	vld [tilespmem:$0x1ED20];
	_ =	sdelay $0x5  }
0x775: {  	v41 =	vor.u32 $0x9, v6;
	_ =	sdelay $0x1  }
0x776: {  	v8 =	vor.u32 $0x9, v12;
	[tilespmem:v0+s17+$0x0] =	vst.idx.msk $0xffff, v4;
	v0 =	vld [tilespmem:$0x1ED30]  }
0x777: {  	[tilespmem:$0x1ED40] =	vst v8;
	v24 =	vor.u32 $0x15, v6;
	v4 =	vld [tilespmem:$0x1F4F0]  }
0x778: {  	[tilespmem:$0x1F340] =	vst v24;
	v24 =	vor.u32 $0x15, v7  }
0x779: {  	v8 =	vor.u32 $0xA, v10;
	[tilespmem:$0x1F3B0] =	vst v24;
	v24 =	vor.u32 $0x1B, v63;
	v61 =	vld.idx.msk [tilespmem:v41+s4+$0x0], $0xffff  }
0x77a: {  	[tilespmem:$0x1ED50] =	vst v8;
	v8 =	vor.u32 $0xA, v6;
	_ =	sdelay $0x3  }
0x77b: {  	v53 =	vor.u32 $0x18, v11;
	v22 =	vld.idx.msk [tilespmem:v24+s4+$0x0], $0xffff;
	[tilespmem:v0+s17+$0x0] =	vst.idx.msk $0xffff, v61  }
0x77c: {  	v21 =	vor.u32 $0x8, v3;
	v61 =	vld.idx.msk [tilespmem:v8+s4+$0x0], $0xffff;
	[tilespmem:v4+s17+$0x0] =	vst.idx.msk $0xffff, v16;
	v4 =	vmov v53  }
0x77d: {  	v47 =	vor.u32 $0x1B, v34;
	v24 =	vor.u32 $0x9, v1;
	[tilespmem:$0x1F4F0] =	vst v4;
	v4 =	vld [tilespmem:$0x1F2E0]  }
0x77e: {  	v31 =	vor.u32 $0x1C, v63;
	_ =	sdelay $0x2  }
0x77f: {  	v19 =	vor.u32 $0x17, v11;
	[tilespmem:v21+s17+$0x0] =	vst.idx.msk $0xffff, v17  }
0x780: {  	v17 =	vld.idx.msk [tilespmem:v24+s4+$0x0], $0xffff;
	[tilespmem:v47+s17+$0x0] =	vst.idx.msk $0xffff, v22  }
0x781: {  	v21 =	vld.idx.msk [tilespmem:v31+s4+$0x0], $0xffff  }
0x782: {  	v19 =	vmov v19;
	v0 =	vld [tilespmem:$0x1ED40]  }
0x783: {  	[tilespmem:$0x1F4E0] =	vst v19;
	v19 =	vor.u32 $0x9, v3;
	v53 =	vld.idx.msk [tilespmem:v4+s4+$0x0], $0xffff  }
0x784: {  	v31 =	vor.u32 $0xA, v1;
	v60 =	vor.u32 $0x1C, v34;
	v4 =	vld [tilespmem:$0x1F560]  }
0x785: {  	v62 =	vor.u32 $0x1D, v63  }
0x786: {  	v29 =	vor.u32 $0xA, v7;
	_ =	sdelay $0x1  }
0x787: {  	[tilespmem:v19+s17+$0x0] =	vst.idx.msk $0xffff, v17  }
0x788: {  	v18 =	vor.u32 $0xA, v5;
	v49 =	vor.u32 $0x1B, v5;
	v40 =	vld.idx.msk [tilespmem:v31+s4+$0x0], $0xffff;
	[tilespmem:v60+s17+$0x0] =	vst.idx.msk $0xffff, v21  }
0x789: {  	v56 =	vor.u32 $0x1A, v5;
	v2 =	vor.u32 $0x12, v5;
	v32 =	vor.u32 $0x18, v10;
	v57 =	vld.idx.msk [tilespmem:v62+s4+$0x0], $0xffff;
	[tilespmem:v0+s17+$0x0] =	vst.idx.msk $0xffff, v58  }
0x78a: {  	v9 =	vor.u32 $0x11, v5;
	v25 =	vor.u32 $0x19, v5;
	v17 =	vmovc v32;
	v32 =	vor.u32 $0x1E, v5;
	v62 =	vld.idx.msk [tilespmem:v29+s4+$0x0], $0xffff  }
0x78b: {  	v41 =	vor.u32 $0x1D, v5;
	v13 =	vor.u32 $0x1C, v5;
	[tilespmem:v4+s17+$0x0] =	vst.idx.msk $0xffff, v20;
	v20 =	vor.u32 $0x1F, v5;
	v5 =	vld [tilespmem:$0x1F380]  }
0x78c: {  	v14 =	vor.u32 $0xB, v10;
	v38 =	vor.u32 $0xB, v1;
	v51 =	vor.u32 $0xA, v3  }
0x78d: {  	v39 =	vor.u32 $0x19, v6;
	v46 =	vor.u32 $0x1A, v11;
	v48 =	vor.u32 $0x1A, v7  }
0x78e: {  	v52 =	vor.u32 $0x18, v12;
	v54 =	vor.u32 $0x19, v11;
	v55 =	vor.u32 $0x19, v7  }
0x78f: {  	v35 =	vor.u32 $0x1C, v10;
	v44 =	vor.u32 $0x1B, v11;
	v24 =	vor.u32 $0x1A, v10  }
0x790: {  	v22 =	vor.u32 $0x1B, v10;
	v19 =	vor.u32 $0x1D, v11;
	v60 =	vor.u32 $0x1D, v34;
	[tilespmem:$0x1F460] =	vst v17  }
0x791: {  	v30 =	vor.u32 $0x1C, v11;
	[tilespmem:v51+s17+$0x0] =	vst.idx.msk $0xffff, v40;
	v59 =	vld.idx.msk [tilespmem:v18+s4+$0x0], $0xffff;
	v18 =	vor.u32 $0x1E, v11;
	v8 =	vor.u32 $0x1F, v11;
	v11 =	vmovc v52  }
0x792: {  	v15 =	vor.u32 $0x19, v10;
	v27 =	vor.u32 $0x1D, v7;
	v23 =	vor.u32 $0x1B, v7;
	[tilespmem:$0x1F560] =	vst v11;
	v11 =	vld [tilespmem:$0x1ED50];
	v4 =	vmovc v25  }
0x793: {  	v17 =	vor.u32 $0x1E, v7;
	v43 =	vor.u32 $0x1C, v7;
	[tilespmem:$0x1F2E0] =	vst v4;
	v4 =	vor.u32 $0x1F, v7;
	v7 =	vld.idx.msk [tilespmem:v5+s4+$0x0], $0xffff;
	v5 =	vmovc v39  }
0x794: {  	v28 =	vor.u32 $0x1D, v10;
	v16 =	vor.u32 $0x1E, v10;
	[tilespmem:$0x1F380] =	vst v5;
	v5 =	vor.u32 $0x1F, v10;
	v10 =	vld.idx.msk [tilespmem:v38+s4+$0x0], $0xffff  }
0x795: {  	[tilespmem:v60+s17+$0x0] =	vst.idx.msk $0xffff, v57;
	v57 =	vld [tilespmem:$0x1ED70];
	_ =	sdelay $0x2  }
0x796: {  	[tilespmem:$0x1EDD0] =	vst v14  }
0x797: {  	v37 =	vor.u32 $0x1A, v6;
	v14 =	vor.u32 $0xB, v6;
	v50 =	vor.u32 $0x19, v12;
	[tilespmem:$0x1F270] =	vst v2  }
0x798: {  	v36 =	vor.u32 $0x1B, v6;
	[tilespmem:$0x1F1C0] =	vst v9;
	v9 =	vor.u32 $0x11, v6;
	v58 =	vor.u32 $0x1E, v63  }
0x799: {  	v2 =	vor.u32 $0x11, v12;
	[tilespmem:$0x1F300] =	vst v9;
	v9 =	vor.u32 $0x10, v12;
	v33 =	vor.u32 $0x1F, v6  }
0x79a: {  	v45 =	vor.u32 $0x1C, v6;
	v47 =	vor.u32 $0x1A, v12;
	v42 =	vor.u32 $0x1B, v12;
	[tilespmem:v11+s17+$0x0] =	vst.idx.msk $0xffff, v59  }
0x79b: {  	v31 =	vor.u32 $0x1D, v6;
	v26 =	vor.u32 $0x1C, v12;
	v11 =	vor.u32 $0xB, v3;
	[tilespmem:v57+s17+$0x0] =	vst.idx.msk $0xffff, v61;
	v61 =	vmovc v15;
	v15 =	vld [tilespmem:$0x1EDB0]  }
0x79c: {  	v21 =	vor.u32 $0x1E, v6;
	v6 =	vor.u32 $0x1F, v12;
	v38 =	vor.u32 $0xC, v1  }
0x79d: {  	v0 =	vor.u32 $0x1D, v12;
	v29 =	vor.u32 $0x1E, v12;
	v39 =	vor.u32 $0x1E, v34;
	v12 =	vld.idx.msk [tilespmem:v58+s4+$0x0], $0xffff  }
0x79e: {  	v59 =	vor.u32 $0x1F, v63;
	v63 =	vmov v1;
	v1 =	vld [tilespmem:$0x1ED90]  }
0x79f: {  	v58 =	vld [tilespmem:$0x1ED80]  }
0x7a0: {  	[tilespmem:v11+s17+$0x0] =	vst.idx.msk $0xffff, v10;
	v10 =	vld [tilespmem:$0x1F2F0];
	v11 =	vmov v56  }
0x7a1: {  	[tilespmem:$0x1F2F0] =	vst v11;
	v11 =	vld.idx.msk [tilespmem:v38+s4+$0x0], $0xffff  }
0x7a2: {  	[tilespmem:v39+s17+$0x0] =	vst.idx.msk $0xffff, v12;
	v14 =	vld.idx.msk [tilespmem:v14+s4+$0x0], $0xffff  }
0x7a3: {  	[tilespmem:v15+s17+$0x0] =	vst.idx.msk $0xffff, v7;
	v7 =	vld [tilespmem:$0x1EDC0]  }
0x7a4: {  	v15 =	vld.idx.msk [tilespmem:v59+s4+$0x0], $0xffff  }
0x7a5: {  	v59 =	vld [tilespmem:$0x1EE10];
	_ =	sdelay $0x1  }
0x7a6: {  	v25 =	vld [tilespmem:$0x1ED60];
	[tilespmem:v58+s17+$0x0] =	vst.idx.msk $0xffff, v62  }
0x7a7: {  	v1 =	vld.idx.msk [tilespmem:v1+s4+$0x0], $0xffff  }
0x7a8: {  	v12 =	vld [tilespmem:$0x1EDD0]  }
0x7a9: {  	v57 =	vld [tilespmem:$0x1EDA0]  }
0x7aa: {  	v62 =	vld [tilespmem:$0x1F570]  }
0x7ab: {  	v7 =	vld.idx.msk [tilespmem:v7+s4+$0x0], $0xffff  }
0x7ac: {  	[tilespmem:v59+s17+$0x0] =	vst.idx.msk $0xffff, v1;
	v1 =	vld [tilespmem:$0x1EE20];
	_ =	sdelay $0x1  }
0x7ad: {  	v25 =	vld.idx.msk [tilespmem:v25+s4+$0x0], $0xffff;
	_ =	sdelay $0x2  }
0x7ae: {  	[tilespmem:v57+s17+$0x0] =	vst.idx.msk $0xffff, v53  }
0x7af: {  	v10 =	vld.idx.msk [tilespmem:v10+s4+$0x0], $0xffff  }
0x7b0: {  	[tilespmem:v12+s17+$0x0] =	vst.idx.msk $0xffff, v25;
	v12 =	vor.u32 $0xC, v3;
	v25 =	vld [tilespmem:$0x1EDE0]  }
0x7b1: {  	v1 =	vld.idx.msk [tilespmem:v1+s4+$0x0], $0xffff;
	[tilespmem:v62+s17+$0x0] =	vst.idx.msk $0xffff, v7;
	v7 =	vmov v50  }
0x7b2: {  	[tilespmem:$0x1F570] =	vst v7;
	v7 =	vld [tilespmem:$0x1EE30]  }
0x7b3: {  	v58 =	vld [tilespmem:$0x1EDF0];
	_ =	sdelay $0x1  }
0x7b4: {  	[tilespmem:v12+s17+$0x0] =	vst.idx.msk $0xffff, v11;
	v12 =	vld [tilespmem:$0x1EE60];
	_ =	sdelay $0x1  }
0x7b5: {  	v38 =	vor.u32 $0x1F, v34;
	v34 =	vmov v3;
	v3 =	vld [tilespmem:$0x1EE00]  }
0x7b6: {  	v25 =	vld.idx.msk [tilespmem:v25+s4+$0x0], $0xffff;
	_ =	sdelay $0x1  }
0x7b7: {  	[tilespmem:v7+s17+$0x0] =	vst.idx.msk $0xffff, v10;
	v7 =	vld [tilespmem:$0x1EE40]  }
0x7b8: {  	[tilespmem:v58+s17+$0x0] =	vst.idx.msk $0xffff, v14;
	v14 =	vor.u32 $0xD, v63;
	v10 =	vld [tilespmem:$0x1EE50]  }
0x7b9: {  	v50 =	vmov v24;
	v24 =	vld [tilespmem:$0x1EE90]  }
0x7ba: {  	[tilespmem:v12+s17+$0x0] =	vst.idx.msk $0xffff, v25;
	v25 =	vld [tilespmem:$0x1EEB0];
	_ =	sdelay $0x1  }
0x7bb: {  	v3 =	vld.idx.msk [tilespmem:v3+s4+$0x0], $0xffff  }
0x7bc: {  	v11 =	vld.idx.msk [tilespmem:v14+s4+$0x0], $0xffff  }
0x7bd: {  	v14 =	vld [tilespmem:$0x1EE70]  }
0x7be: {  	v12 =	vor.u32 $0xD, v34;
	v7 =	vld.idx.msk [tilespmem:v7+s4+$0x0], $0xffff  }
0x7bf: {  	v10 =	vld.idx.msk [tilespmem:v10+s4+$0x0], $0xffff  }
0x7c0: {  	[tilespmem:v24+s17+$0x0] =	vst.idx.msk $0xffff, v3;
	v24 =	vld [tilespmem:$0x1EEA0]  }
0x7c1: {  	[tilespmem:v25+s17+$0x0] =	vst.idx.msk $0xffff, v1;
	v25 =	vld [tilespmem:$0x1EED0]  }
0x7c2: {  	[tilespmem:v38+s17+$0x0] =	vst.idx.msk $0xffff, v15;
	v15 =	vld [tilespmem:$0x1EE80]  }
0x7c3: {  	[tilespmem:v12+s17+$0x0] =	vst.idx.msk $0xffff, v11;
	v11 =	vld [tilespmem:$0x1EF20];
	_ =	sdelay $0x2  }
0x7c4: {  	v14 =	vld.idx.msk [tilespmem:v14+s4+$0x0], $0xffff  }
0x7c5: {  	v1 =	vld [tilespmem:$0x1EEC0]  }
0x7c6: {  	v24 =	vld.idx.msk [tilespmem:v24+s4+$0x0], $0xffff  }
0x7c7: {  	[tilespmem:v25+s17+$0x0] =	vst.idx.msk $0xffff, v7;
	v25 =	vld [tilespmem:$0x1EEF0]  }
0x7c8: {  	v15 =	vld.idx.msk [tilespmem:v15+s4+$0x0], $0xffff  }
0x7c9: {  	[tilespmem:v11+s17+$0x0] =	vst.idx.msk $0xffff, v14;
	v11 =	vld [tilespmem:$0x1EF30];
	_ =	sdelay $0x2  }
0x7ca: {  	v3 =	vor.u32 $0xE, v63  }
0x7cb: {  	v39 =	vmov v22;
	v22 =	vld [tilespmem:$0x1EF80]  }
0x7cc: {  	v1 =	vld.idx.msk [tilespmem:v1+s4+$0x0], $0xffff  }
0x7cd: {  	[tilespmem:v25+s17+$0x0] =	vst.idx.msk $0xffff, v10;
	v10 =	vld [tilespmem:$0x1EF10]  }
0x7ce: {  	v58 =	vmov v13;
	v13 =	vld [tilespmem:$0x1EF50]  }
0x7cf: {  	v3 =	vld.idx.msk [tilespmem:v3+s4+$0x0], $0xffff;
	[tilespmem:v11+s17+$0x0] =	vst.idx.msk $0xffff, v15;
	v11 =	vor.u32 $0xE, v34  }
0x7d0: {  	v12 =	vld [tilespmem:$0x1EF40]  }
0x7d1: {  	v7 =	vld [tilespmem:$0x1EEE0]  }
0x7d2: {  	v14 =	vld [tilespmem:$0x1EF60]  }
0x7d3: {  	v15 =	vld [tilespmem:$0x1EF70]  }
0x7d4: {  	[tilespmem:v11+s17+$0x0] =	vst.idx.msk $0xffff, v3;
	v11 =	vld [tilespmem:$0x1F000]  }
0x7d5: {  	v10 =	vld.idx.msk [tilespmem:v10+s4+$0x0], $0xffff  }
0x7d6: {  	[tilespmem:v22+s17+$0x0] =	vst.idx.msk $0xffff, v1;
	v22 =	vld [tilespmem:$0x1EFA0];
	_ =	sdelay $0x1  }
0x7d7: {  	v12 =	vld.idx.msk [tilespmem:v12+s4+$0x0], $0xffff  }
0x7d8: {  	v7 =	vld.idx.msk [tilespmem:v7+s4+$0x0], $0xffff  }
0x7d9: {  	v13 =	vld.idx.msk [tilespmem:v13+s4+$0x0], $0xffff;
	[tilespmem:v14+s17+$0x0] =	vst.idx.msk $0xffff, v24  }
0x7da: {  	v15 =	vld.idx.msk [tilespmem:v15+s4+$0x0], $0xffff  }
0x7db: {  	v1 =	vld [tilespmem:$0x1EF90]  }
0x7dc: {  	[tilespmem:v11+s17+$0x0] =	vst.idx.msk $0xffff, v12;
	v11 =	vld [tilespmem:$0x1F010]  }
0x7dd: {  	[tilespmem:v22+s17+$0x0] =	vst.idx.msk $0xffff, v7;
	v22 =	vld [tilespmem:$0x1EFD0];
	_ =	sdelay $0x2  }
0x7de: {  	v14 =	vor.u32 $0xF, v63;
	_ =	sdelay $0x2  }
0x7df: {  	v12 =	vld [tilespmem:$0x1F020]  }
0x7e0: {  	v1 =	vld.idx.msk [tilespmem:v1+s4+$0x0], $0xffff;
	[tilespmem:v11+s17+$0x0] =	vst.idx.msk $0xffff, v13  }
0x7e1: {  	v11 =	vor.u32 $0xF, v34;
	[tilespmem:v22+s17+$0x0] =	vst.idx.msk $0xffff, v10;
	v10 =	vld.idx.msk [tilespmem:v14+s4+$0x0], $0xffff;
	_ =	sdelay $0x3  }
0x7e2: {  	v13 =	vld [tilespmem:$0x1F030]  }
0x7e3: {  	[tilespmem:v11+s17+$0x0] =	vst.idx.msk $0xffff, v10;
	v10 =	vld [tilespmem:$0x1F0D0];
	_ =	sdelay $0x2  }
0x7e4: {  	v12 =	vld.idx.msk [tilespmem:v12+s4+$0x0], $0xffff;
	_ =	sdelay $0x3  }
0x7e5: {  	v13 =	vld.idx.msk [tilespmem:v13+s4+$0x0], $0xffff  }
0x7e6: {  	[tilespmem:v10+s17+$0x0] =	vst.idx.msk $0xffff, v12;
	v10 =	vld [tilespmem:$0x1F0E0];
	_ =	sdelay $0x3  }
0x7e7: {  	v7 =	vld [tilespmem:$0x1EFC0]  }
0x7e8: {  	v3 =	vld [tilespmem:$0x1EFF0]  }
0x7e9: {  	v14 =	vld [tilespmem:$0x1F040]  }
0x7ea: {  	v22 =	vld [tilespmem:$0x1F060]  }
0x7eb: {  	[tilespmem:v10+s17+$0x0] =	vst.idx.msk $0xffff, v13;
	v10 =	vld [tilespmem:$0x1F0F0];
	_ =	sdelay $0x3  }
0x7ec: {  	v7 =	vld.idx.msk [tilespmem:v7+s4+$0x0], $0xffff  }
0x7ed: {  	v3 =	vld.idx.msk [tilespmem:v3+s4+$0x0], $0xffff  }
0x7ee: {  	[tilespmem:v14+s17+$0x0] =	vst.idx.msk $0xffff, v15;
	v15 =	vld [tilespmem:$0x1F050]  }
0x7ef: {  	[tilespmem:v22+s17+$0x0] =	vst.idx.msk $0xffff, v1;
	v22 =	vld [tilespmem:$0x1F080]  }
0x7f0: {  	v13 =	vld.idx.msk [tilespmem:v10+s4+$0x0], $0xffff  }
0x7f1: {  	v14 =	vor.u32 $0x10, v63;
	v10 =	vld [tilespmem:$0x1F100];
	_ =	sdelay $0x4  }
0x7f2: {  	v11 =	vld.idx.msk [tilespmem:v14+s4+$0x0], $0xffff  }
0x7f3: {  	v15 =	vld.idx.msk [tilespmem:v15+s4+$0x0], $0xffff  }
0x7f4: {  	[tilespmem:v22+s17+$0x0] =	vst.idx.msk $0xffff, v7;
	v7 =	vld [tilespmem:$0x1F090]  }
0x7f5: {  	v14 =	vld.idx.msk [tilespmem:v10+s4+$0x0], $0xffff  }
0x7f6: {  	v10 =	vld [tilespmem:$0x1F110];
	_ =	sdelay $0x4  }
0x7f7: {  	v1 =	vld [tilespmem:$0x1F070]  }
0x7f8: {  	v22 =	vld [tilespmem:$0x1F0A0]  }
0x7f9: {  	v7 =	vld.idx.msk [tilespmem:v7+s4+$0x0], $0xffff  }
0x7fa: {  	[tilespmem:v10+s17+$0x0] =	vst.idx.msk $0xffff, v15;
	v10 =	vld [tilespmem:$0x1F120];
	_ =	sdelay $0x5  }
0x7fb: {  	v1 =	vld.idx.msk [tilespmem:v1+s4+$0x0], $0xffff  }
0x7fc: {  	[tilespmem:v22+s17+$0x0] =	vst.idx.msk $0xffff, v3;
	v3 =	vld [tilespmem:$0x1F0C0]  }
0x7fd: {  	v22 =	vld.idx.msk [tilespmem:v10+s4+$0x0], $0xffff  }
0x7fe: {  	v10 =	vld [tilespmem:$0x1F130];
	_ =	sdelay $0x6  }
0x7ff: {  	v3 =	vld.idx.msk [tilespmem:v3+s4+$0x0], $0xffff  }
0x800: {  	[tilespmem:v10+s17+$0x0] =	vst.idx.msk $0xffff, v1;
	v1 =	vld [tilespmem:$0x1F140];
	_ =	sdelay $0x7  }
0x801: {  	v10 =	vld.idx.msk [tilespmem:v1+s4+$0x0], $0xffff  }
0x802: {  	v1 =	vld [tilespmem:$0x1F150];
	_ =	sdelay $0x7  }
0x803: {  	[tilespmem:v1+s17+$0x0] =	vst.idx.msk $0xffff, v7;
	v7 =	vld [tilespmem:$0x1F170];
	_ =	sdelay $0x7  }
0x804: {  	[tilespmem:v7+s17+$0x0] =	vst.idx.msk $0xffff, v3;
	v3 =	vld [tilespmem:$0x1F190];
	_ =	sdelay $0x7  }
0x805: {  	[tilespmem:v3+s17+$0x0] =	vst.idx.msk $0xffff, v13;
	v3 =	vld [tilespmem:$0x1F1A0];
	_ =	sdelay $0x2  }
0x806: {  	v60 =	vmovc v55;
	v55 =	vmov v48;
	v48 =	vmov v46;
	v46 =	vmov v44;
	v44 =	vld [tilespmem:$0x1EFB0]  }
0x807: {  	v38 =	vmovc v42;
	v42 =	vmovc v30;
	v30 =	vmov v27;
	v27 =	vmov v19;
	v19 =	vmov v0;
	v0 =	vld [tilespmem:$0x1F180]  }
0x808: {  	v1 =	vld [tilespmem:$0x1F160]  }
0x809: {  	v12 =	vor.u32 $0x10, v34;
	v7 =	vld [tilespmem:$0x1F1C0]  }
0x80a: {  	v15 =	vor.u32 $0x11, v63;
	v13 =	vld [tilespmem:$0x1F1D0]  }
0x80b: {  	[tilespmem:v3+s17+$0x0] =	vst.idx.msk $0xffff, v14;
	v3 =	vld [tilespmem:$0x1F1B0]  }
0x80c: {  	v53 =	vmov v54;
	v54 =	vmov v45;
	v45 =	vld [tilespmem:$0x1EFE0]  }
0x80d: {  	s29 =	sadd.s32 $0x4, s29;
	v57 =	vmov v41;
	v41 =	vmov v31;
	v31 =	vld [tilespmem:$0x1F0B0]  }
0x80e: {  	p0 =	slt.u32 s29, $0x10;
	v62 =	vmov v49;
	v49 =	vmov v47;
	v47 =	vld [tilespmem:$0x1EF00];
	[tilespmem:v12+s17+$0x0] =	vst.idx.msk $0xffff, v11  }
.Ltmp1:
0x80f: {  	v11 =	vld.idx.msk [tilespmem:v15+s4+$0x0], $0xffff;
	(pc) =	sbr.rel @p0 .LBB2_5-.Ltmp1, $4  }
0x810: {  	v1 =	vld.idx.msk [tilespmem:v1+s4+$0x0], $0xffff  }
0x811: {  	v40 =	vmovc v21;
	v52 =	vmovc v32;
	v51 =	vmov v20;
	v56 =	vmov v36;
	v36 =	vmov v43;
	v0 =	vld.idx.msk [tilespmem:v0+s4+$0x0], $0xffff  }
0x812: {  	v59 =	vmovc v37;
	v37 =	vmovc v23;
	v23 =	vmov v16;
	v25 =	vmov v35;
	v35 =	vmov v26;
	v7 =	vld.idx.msk [tilespmem:v7+s4+$0x0], $0xffff  }
0x813: {  	s30 =	sadd.s32 $0x40, s30;
	v24 =	vmovc v28;
	v28 =	vmov v17;
	v12 =	vor.u32 $0x11, v34;
	[tilespmem:v13+s17+$0x0] =	vst.idx.msk $0xffff, v22;
	v13 =	vor.u32 $0x12, v63;
	v3 =	vld.idx.msk [tilespmem:v3+s4+$0x0], $0xffff  }
0x814: {  	_ =	sdelay $0x3  }
0x815: {  	[tilespmem:v9+s17+$0x0] =	vst.idx.msk $0xffff, v10  }
0x816: {  	v9 =	vld [tilespmem:$0x1F300]  }
0x817: {  	v10 =	vld [tilespmem:$0x1F390];
	[tilespmem:v12+s17+$0x0] =	vst.idx.msk $0xffff, v11  }
0x818: {  	v11 =	vld [tilespmem:$0x1F3F0];
	_ =	sdelay $0x7  }
0x819: {  	[tilespmem:v11+s17+$0x0] =	vst.idx.msk $0xffff, v7  }
0x81a: {  	v12 =	vld [tilespmem:$0x1F270]  }
0x81b: {  	v14 =	vld [tilespmem:$0x1F480];
	_ =	sdelay $0x1  }
0x81c: {  	v10 =	vld.idx.msk [tilespmem:v10+s4+$0x0], $0xffff  }
0x81d: {  	v9 =	vld.idx.msk [tilespmem:v9+s4+$0x0], $0xffff;
	_ =	sdelay $0x3  }
0x81e: {  	v21 =	vor.u32 $0x12, v34;
	v20 =	vld.idx.msk [tilespmem:v13+s4+$0x0], $0xffff;
	[tilespmem:v2+s17+$0x0] =	vst.idx.msk $0xffff, v10  }
0x81f: {  	v12 =	vld.idx.msk [tilespmem:v12+s4+$0x0], $0xffff;
	[tilespmem:v14+s17+$0x0] =	vst.idx.msk $0xffff, v9  }
0x820: {  	v2 =	vld [tilespmem:$0x1F310];
	_ =	sdelay $0x2  }
0x821: {  	[tilespmem:v21+s17+$0x0] =	vst.idx.msk $0xffff, v20  }
0x822: {  	[tilespmem:v31+s17+$0x0] =	vst.idx.msk $0xffff, v12  }
0x823: {  	v43 =	vld [tilespmem:$0x1F490];
	_ =	sdelay $0x2  }
0x824: {  	v2 =	vld.idx.msk [tilespmem:v2+s4+$0x0], $0xffff;
	_ =	sdelay $0x4  }
0x825: {  	v11 =	vld [tilespmem:$0x1F280];
	[tilespmem:v43+s17+$0x0] =	vst.idx.msk $0xffff, v2  }
0x826: {  	v2 =	vld [tilespmem:$0x1F500];
	_ =	sdelay $0x1  }
0x827: {  	v22 =	vor.u32 $0x13, v63  }
0x828: {  	v26 =	vld.idx.msk [tilespmem:v47+s4+$0x0], $0xffff;
	_ =	sdelay $0x3  }
0x829: {  	v7 =	vld.idx.msk [tilespmem:v22+s4+$0x0], $0xffff;
	v31 =	vor.u32 $0x13, v34  }
0x82a: {  	v11 =	vld.idx.msk [tilespmem:v11+s4+$0x0], $0xffff;
	[tilespmem:v2+s17+$0x0] =	vst.idx.msk $0xffff, v26  }
0x82b: {  	v2 =	vld [tilespmem:$0x1F320];
	_ =	sdelay $0x2  }
0x82c: {  	[tilespmem:v31+s17+$0x0] =	vst.idx.msk $0xffff, v7  }
0x82d: {  	[tilespmem:v45+s17+$0x0] =	vst.idx.msk $0xffff, v11  }
0x82e: {  	v13 =	vld [tilespmem:$0x1F4A0];
	_ =	sdelay $0x2  }
0x82f: {  	v2 =	vld.idx.msk [tilespmem:v2+s4+$0x0], $0xffff;
	_ =	sdelay $0x4  }
0x830: {  	v11 =	vld [tilespmem:$0x1F290];
	[tilespmem:v13+s17+$0x0] =	vst.idx.msk $0xffff, v2  }
0x831: {  	v32 =	vor.u32 $0x14, v63;
	v2 =	vld [tilespmem:$0x1F510];
	_ =	sdelay $0x2  }
0x832: {  	v9 =	vld.idx.msk [tilespmem:v44+s4+$0x0], $0xffff;
	_ =	sdelay $0x1  }
0x833: {  	v47 =	vor.u32 $0x14, v34;
	v7 =	vld.idx.msk [tilespmem:v32+s4+$0x0], $0xffff;
	_ =	sdelay $0x2  }
0x834: {  	[tilespmem:v2+s17+$0x0] =	vst.idx.msk $0xffff, v9  }
0x835: {  	v2 =	vld [tilespmem:$0x1F330]  }
0x836: {  	v9 =	vld [tilespmem:$0x1F3A0];
	[tilespmem:v47+s17+$0x0] =	vst.idx.msk $0xffff, v7  }
0x837: {  	v7 =	vld [tilespmem:$0x1F400];
	_ =	sdelay $0x2  }
0x838: {  	v11 =	vld.idx.msk [tilespmem:v11+s4+$0x0], $0xffff;
	_ =	sdelay $0x4  }
0x839: {  	[tilespmem:v7+s17+$0x0] =	vst.idx.msk $0xffff, v11  }
0x83a: {  	v13 =	vld [tilespmem:$0x1F4B0];
	_ =	sdelay $0x2  }
0x83b: {  	v2 =	vld.idx.msk [tilespmem:v2+s4+$0x0], $0xffff;
	_ =	sdelay $0x4  }
0x83c: {  	v11 =	vld [tilespmem:$0x1F2A0];
	[tilespmem:v13+s17+$0x0] =	vst.idx.msk $0xffff, v2  }
0x83d: {  	v16 =	vor.u32 $0x15, v63;
	v2 =	vld [tilespmem:$0x1F520];
	_ =	sdelay $0x2  }
0x83e: {  	v9 =	vld.idx.msk [tilespmem:v9+s4+$0x0], $0xffff;
	_ =	sdelay $0x1  }
0x83f: {  	v20 =	vor.u32 $0x15, v34;
	v17 =	vld.idx.msk [tilespmem:v16+s4+$0x0], $0xffff;
	_ =	sdelay $0x2  }
0x840: {  	[tilespmem:v2+s17+$0x0] =	vst.idx.msk $0xffff, v9  }
0x841: {  	v2 =	vld [tilespmem:$0x1F340]  }
0x842: {  	v9 =	vld [tilespmem:$0x1F3B0];
	[tilespmem:v20+s17+$0x0] =	vst.idx.msk $0xffff, v17  }
0x843: {  	v7 =	vld [tilespmem:$0x1F420];
	_ =	sdelay $0x2  }
0x844: {  	v11 =	vld.idx.msk [tilespmem:v11+s4+$0x0], $0xffff;
	_ =	sdelay $0x4  }
0x845: {  	[tilespmem:v7+s17+$0x0] =	vst.idx.msk $0xffff, v11  }
0x846: {  	v13 =	vld [tilespmem:$0x1F4C0];
	_ =	sdelay $0x2  }
0x847: {  	v2 =	vld.idx.msk [tilespmem:v2+s4+$0x0], $0xffff;
	_ =	sdelay $0x4  }
0x848: {  	v11 =	vld [tilespmem:$0x1F2B0];
	[tilespmem:v13+s17+$0x0] =	vst.idx.msk $0xffff, v2  }
0x849: {  	v21 =	vor.u32 $0x16, v63;
	v2 =	vld [tilespmem:$0x1F530];
	_ =	sdelay $0x2  }
0x84a: {  	v9 =	vld.idx.msk [tilespmem:v9+s4+$0x0], $0xffff;
	_ =	sdelay $0x1  }
0x84b: {  	v26 =	vor.u32 $0x16, v34;
	v22 =	vld.idx.msk [tilespmem:v21+s4+$0x0], $0xffff;
	_ =	sdelay $0x2  }
0x84c: {  	[tilespmem:v2+s17+$0x0] =	vst.idx.msk $0xffff, v9  }
0x84d: {  	v2 =	vld [tilespmem:$0x1F350]  }
0x84e: {  	v9 =	vld [tilespmem:$0x1F3C0];
	[tilespmem:v26+s17+$0x0] =	vst.idx.msk $0xffff, v22  }
0x84f: {  	v7 =	vld [tilespmem:$0x1F430];
	_ =	sdelay $0x2  }
0x850: {  	v11 =	vld.idx.msk [tilespmem:v11+s4+$0x0], $0xffff;
	_ =	sdelay $0x4  }
0x851: {  	[tilespmem:v7+s17+$0x0] =	vst.idx.msk $0xffff, v11  }
0x852: {  	v13 =	vld [tilespmem:$0x1F4D0];
	_ =	sdelay $0x2  }
0x853: {  	v2 =	vld.idx.msk [tilespmem:v2+s4+$0x0], $0xffff;
	_ =	sdelay $0x4  }
0x854: {  	v11 =	vld [tilespmem:$0x1F2C0];
	[tilespmem:v13+s17+$0x0] =	vst.idx.msk $0xffff, v2  }
0x855: {  	v31 =	vor.u32 $0x17, v63;
	v2 =	vld [tilespmem:$0x1F540];
	_ =	sdelay $0x2  }
0x856: {  	v9 =	vld.idx.msk [tilespmem:v9+s4+$0x0], $0xffff;
	_ =	sdelay $0x1  }
0x857: {  	v43 =	vor.u32 $0x17, v34;
	v32 =	vld.idx.msk [tilespmem:v31+s4+$0x0], $0xffff;
	_ =	sdelay $0x2  }
0x858: {  	[tilespmem:v2+s17+$0x0] =	vst.idx.msk $0xffff, v9  }
0x859: {  	v2 =	vld [tilespmem:$0x1F360]  }
0x85a: {  	v9 =	vld [tilespmem:$0x1F3D0];
	[tilespmem:v43+s17+$0x0] =	vst.idx.msk $0xffff, v32  }
0x85b: {  	v7 =	vld [tilespmem:$0x1F440];
	_ =	sdelay $0x2  }
0x85c: {  	v11 =	vld.idx.msk [tilespmem:v11+s4+$0x0], $0xffff;
	_ =	sdelay $0x4  }
0x85d: {  	[tilespmem:v7+s17+$0x0] =	vst.idx.msk $0xffff, v11  }
0x85e: {  	v13 =	vld [tilespmem:$0x1F4E0];
	_ =	sdelay $0x2  }
0x85f: {  	v2 =	vld.idx.msk [tilespmem:v2+s4+$0x0], $0xffff;
	_ =	sdelay $0x4  }
0x860: {  	v11 =	vld [tilespmem:$0x1F2D0];
	[tilespmem:v13+s17+$0x0] =	vst.idx.msk $0xffff, v2  }
0x861: {  	v44 =	vor.u32 $0x18, v63;
	v2 =	vld [tilespmem:$0x1F550];
	_ =	sdelay $0x2  }
0x862: {  	v9 =	vld.idx.msk [tilespmem:v9+s4+$0x0], $0xffff;
	_ =	sdelay $0x1  }
0x863: {  	v47 =	vor.u32 $0x18, v34;
	v45 =	vld.idx.msk [tilespmem:v44+s4+$0x0], $0xffff;
	_ =	sdelay $0x2  }
0x864: {  	[tilespmem:v2+s17+$0x0] =	vst.idx.msk $0xffff, v9  }
0x865: {  	v2 =	vld [tilespmem:$0x1F370]  }
0x866: {  	v9 =	vld [tilespmem:$0x1F3E0];
	[tilespmem:v47+s17+$0x0] =	vst.idx.msk $0xffff, v45  }
0x867: {  	v10 =	vld [tilespmem:$0x1F460];
	_ =	sdelay $0x2  }
0x868: {  	v11 =	vld.idx.msk [tilespmem:v11+s4+$0x0], $0xffff;
	_ =	sdelay $0x4  }
0x869: {  	[tilespmem:v10+s17+$0x0] =	vst.idx.msk $0xffff, v11  }
0x86a: {  	v13 =	vld [tilespmem:$0x1F4F0];
	_ =	sdelay $0x2  }
0x86b: {  	v2 =	vld.idx.msk [tilespmem:v2+s4+$0x0], $0xffff;
	_ =	sdelay $0x4  }
0x86c: {  	v21 =	vld [tilespmem:$0x1F2E0];
	[tilespmem:v13+s17+$0x0] =	vst.idx.msk $0xffff, v2  }
0x86d: {  	v2 =	vld [tilespmem:$0x1F560];
	_ =	sdelay $0x2  }
0x86e: {  	v9 =	vld.idx.msk [tilespmem:v9+s4+$0x0], $0xffff;
	_ =	sdelay $0x4  }
0x86f: {  	[tilespmem:v2+s17+$0x0] =	vst.idx.msk $0xffff, v9  }
0x870: {  	v2 =	vld [tilespmem:$0x1F380]  }
0x871: {  	v16 =	vor.u32 $0x19, v63;
	_ =	sdelay $0x4  }
0x872: {  	v17 =	vor.u32 $0x19, v34;
	v7 =	vld.idx.msk [tilespmem:v16+s4+$0x0], $0xffff  }
0x873: {  	v12 =	vld.idx.msk [tilespmem:v21+s4+$0x0], $0xffff  }
0x874: {  	v2 =	vld.idx.msk [tilespmem:v2+s4+$0x0], $0xffff;
	_ =	sdelay $0x2  }
0x875: {  	[tilespmem:v17+s17+$0x0] =	vst.idx.msk $0xffff, v7  }
0x876: {  	[tilespmem:v61+s17+$0x0] =	vst.idx.msk $0xffff, v12  }
0x877: {  	v12 =	vld [tilespmem:$0x1F2F0];
	[tilespmem:v53+s17+$0x0] =	vst.idx.msk $0xffff, v2  }
0x878: {  	v2 =	vld [tilespmem:$0x1F570]  }
0x879: {  	v20 =	vor.u32 $0x1A, v63;
	_ =	sdelay $0x1  }
0x87a: {  	v9 =	vld.idx.msk [tilespmem:v60+s4+$0x0], $0xffff;
	_ =	sdelay $0x2  }
0x87b: {  	v22 =	vor.u32 $0x1A, v34;
	v7 =	vld.idx.msk [tilespmem:v20+s4+$0x0], $0xffff  }
0x87c: {  	v26 =	vor.u32 $0x1B, v63;
	v12 =	vld.idx.msk [tilespmem:v12+s4+$0x0], $0xffff  }
0x87d: {  	v31 =	vld.idx.msk [tilespmem:v59+s4+$0x0], $0xffff;
	[tilespmem:v2+s17+$0x0] =	vst.idx.msk $0xffff, v9  }
0x87e: {  	v9 =	vld.idx.msk [tilespmem:v55+s4+$0x0], $0xffff;
	_ =	sdelay $0x1  }
0x87f: {  	[tilespmem:v22+s17+$0x0] =	vst.idx.msk $0xffff, v7  }
0x880: {  	v32 =	vor.u32 $0x1B, v34;
	[tilespmem:v50+s17+$0x0] =	vst.idx.msk $0xffff, v12;
	v7 =	vld.idx.msk [tilespmem:v26+s4+$0x0], $0xffff  }
0x881: {  	v43 =	vor.u32 $0x1C, v63;
	v12 =	vld.idx.msk [tilespmem:v62+s4+$0x0], $0xffff;
	[tilespmem:v48+s17+$0x0] =	vst.idx.msk $0xffff, v31  }
0x882: {  	v2 =	vld.idx.msk [tilespmem:v56+s4+$0x0], $0xffff;
	[tilespmem:v49+s17+$0x0] =	vst.idx.msk $0xffff, v9  }
0x883: {  	v9 =	vld.idx.msk [tilespmem:v37+s4+$0x0], $0xffff;
	_ =	sdelay $0x1  }
0x884: {  	[tilespmem:v32+s17+$0x0] =	vst.idx.msk $0xffff, v7  }
0x885: {  	v44 =	vor.u32 $0x1C, v34;
	[tilespmem:v39+s17+$0x0] =	vst.idx.msk $0xffff, v12;
	v7 =	vld.idx.msk [tilespmem:v43+s4+$0x0], $0xffff  }
0x886: {  	v12 =	vld.idx.msk [tilespmem:v58+s4+$0x0], $0xffff;
	[tilespmem:v46+s17+$0x0] =	vst.idx.msk $0xffff, v2  }
0x887: {  	v2 =	vld.idx.msk [tilespmem:v54+s4+$0x0], $0xffff;
	[tilespmem:v38+s17+$0x0] =	vst.idx.msk $0xffff, v9  }
0x888: {  	v9 =	vld.idx.msk [tilespmem:v36+s4+$0x0], $0xffff;
	_ =	sdelay $0x1  }
0x889: {  	v45 =	vor.u32 $0x1D, v63;
	[tilespmem:v44+s17+$0x0] =	vst.idx.msk $0xffff, v7  }
0x88a: {  	[tilespmem:v25+s17+$0x0] =	vst.idx.msk $0xffff, v12  }
0x88b: {  	[tilespmem:v42+s17+$0x0] =	vst.idx.msk $0xffff, v2  }
0x88c: {  	[tilespmem:v35+s17+$0x0] =	vst.idx.msk $0xffff, v9  }
0x88d: {  	v9 =	vld [tilespmem:$0x1F200]  }
0x88e: {  	v47 =	vor.u32 $0x1D, v34;
	v7 =	vld.idx.msk [tilespmem:v45+s4+$0x0], $0xffff  }
0x88f: {  	v12 =	vld.idx.msk [tilespmem:v57+s4+$0x0], $0xffff;
	_ =	sdelay $0x3  }
0x890: {  	[tilespmem:v47+s17+$0x0] =	vst.idx.msk $0xffff, v7  }
0x891: {  	[tilespmem:v24+s17+$0x0] =	vst.idx.msk $0xffff, v12  }
0x892: {  	[tilespmem:v9+s17+$0x0] =	vst.idx.msk $0xffff, v1  }
0x893: {  	v10 =	vld [tilespmem:$0x1F250]  }
0x894: {  	v2 =	vld.idx.msk [tilespmem:v41+s4+$0x0], $0xffff  }
0x895: {  	v49 =	vld.idx.msk [tilespmem:v30+s4+$0x0], $0xffff;
	_ =	sdelay $0x3  }
0x896: {  	v48 =	vor.u32 $0x1E, v63;
	[tilespmem:v27+s17+$0x0] =	vst.idx.msk $0xffff, v2  }
0x897: {  	[tilespmem:v19+s17+$0x0] =	vst.idx.msk $0xffff, v49  }
0x898: {  	[tilespmem:v10+s17+$0x0] =	vst.idx.msk $0xffff, v0  }
0x899: {  	v2 =	vld [tilespmem:$0x1F230];
	_ =	sdelay $0x1  }
0x89a: {  	v50 =	vor.u32 $0x1E, v34;
	v7 =	vld.idx.msk [tilespmem:v48+s4+$0x0], $0xffff;
	_ =	sdelay $0x1  }
0x89b: {  	v54 =	vld.idx.msk [tilespmem:v52+s4+$0x0], $0xffff;
	_ =	sdelay $0x2  }
0x89c: {  	[tilespmem:v50+s17+$0x0] =	vst.idx.msk $0xffff, v7  }
0x89d: {  	[tilespmem:v2+s17+$0x0] =	vst.idx.msk $0xffff, v3  }
0x89e: {  	v3 =	vld [tilespmem:$0x1F210];
	[tilespmem:v23+s17+$0x0] =	vst.idx.msk $0xffff, v54  }
0x89f: {  	v10 =	vld [tilespmem:$0x1F1F0];
	_ =	sdelay $0x1  }
0x8a0: {  	v55 =	vld.idx.msk [tilespmem:v40+s4+$0x0], $0xffff  }
0x8a1: {  	v9 =	vld [tilespmem:$0x1F1E0]  }
0x8a2: {  	v56 =	vld.idx.msk [tilespmem:v28+s4+$0x0], $0xffff;
	_ =	sdelay $0x1  }
0x8a3: {  	v53 =	vor.u32 $0x1F, v63  }
0x8a4: {  	[tilespmem:v18+s17+$0x0] =	vst.idx.msk $0xffff, v55  }
0x8a5: {  	[tilespmem:v10+s17+$0x0] =	vst.idx.msk $0xffff, v9  }
0x8a6: {  	v1 =	vld [tilespmem:$0x1F220];
	[tilespmem:v29+s17+$0x0] =	vst.idx.msk $0xffff, v56  }
0x8a7: {  	v10 =	vld [tilespmem:$0x1F240]  }
0x8a8: {  	v57 =	vor.u32 $0x1F, v34;
	v0 =	vld.idx.msk [tilespmem:v53+s4+$0x0], $0xffff  }
0x8a9: {  	v58 =	vld.idx.msk [tilespmem:v51+s4+$0x0], $0xffff  }
0x8aa: {  	v3 =	vld.idx.msk [tilespmem:v3+s4+$0x0], $0xffff;
	_ =	sdelay $0x2  }
0x8ab: {  	[tilespmem:v57+s17+$0x0] =	vst.idx.msk $0xffff, v0  }
0x8ac: {  	[tilespmem:v5+s17+$0x0] =	vst.idx.msk $0xffff, v58  }
0x8ad: {  	[tilespmem:v10+s17+$0x0] =	vst.idx.msk $0xffff, v3  }
0x8ae: {  	v0 =	vld [tilespmem:$0x1F260]  }
0x8af: {  	v59 =	vld.idx.msk [tilespmem:v33+s4+$0x0], $0xffff  }
0x8b0: {  	v60 =	vld.idx.msk [tilespmem:v4+s4+$0x0], $0xffff  }
0x8b1: {  	v1 =	vld.idx.msk [tilespmem:v1+s4+$0x0], $0xffff;
	_ =	sdelay $0x2  }
0x8b2: {  	[tilespmem:v8+s17+$0x0] =	vst.idx.msk $0xffff, v59  }
0x8b3: {  	[tilespmem:v6+s17+$0x0] =	vst.idx.msk $0xffff, v60  }
0x8b4: {  	[tilespmem:v0+s17+$0x0] =	vst.idx.msk $0xffff, v1  }
0x8b5: {  	v0 =	vld [tilespmem:$0x2BC0];
	_ =	sdelay $0x4  }
0x8b6: {  	v0 =	vshll.u32 v0, $0x5;
	_ =	sdelay $0x1  }
0x8b7: {  	v3 =	vld [tilespmem:$0x1FDF0];
	_ =	sdelay $0x2  }
0x8b8: {  	v1 =	vld.idx.msk [tilespmem:v0+s4+$0x0], $0xffff  }
0x8b9: {  	v61 =	vor.u32 $0x1, v0;
	_ =	sdelay $0x1  }
0x8ba: {  	v63 =	vld [tilespmem:$0x1FE00];
	_ =	sdelay $0x1  }
0x8bb: {  	[tilespmem:v3+s17+$0x0] =	vst.idx.msk $0xffff, v1  }
0x8bc: {  	v1 =	vld.idx.msk [tilespmem:v61+s4+$0x0], $0xffff  }
0x8bd: {  	v62 =	vor.u32 $0x2, v0;
	_ =	sdelay $0x1  }
0x8be: {  	v7 =	vld [tilespmem:$0x1FE10];
	_ =	sdelay $0x1  }
0x8bf: {  	[tilespmem:v63+s17+$0x0] =	vst.idx.msk $0xffff, v1  }
0x8c0: {  	v1 =	vld.idx.msk [tilespmem:v62+s4+$0x0], $0xffff  }
0x8c1: {  	v6 =	vor.u32 $0x3, v0;
	_ =	sdelay $0x1  }
0x8c2: {  	v9 =	vld [tilespmem:$0x1FE20];
	_ =	sdelay $0x1  }
0x8c3: {  	[tilespmem:v7+s17+$0x0] =	vst.idx.msk $0xffff, v1  }
0x8c4: {  	v1 =	vld.idx.msk [tilespmem:v6+s4+$0x0], $0xffff  }
0x8c5: {  	v8 =	vor.u32 $0x4, v0;
	_ =	sdelay $0x1  }
0x8c6: {  	v11 =	vld [tilespmem:$0x1FE30];
	_ =	sdelay $0x1  }
0x8c7: {  	[tilespmem:v9+s17+$0x0] =	vst.idx.msk $0xffff, v1  }
0x8c8: {  	v1 =	vld.idx.msk [tilespmem:v8+s4+$0x0], $0xffff  }
0x8c9: {  	v10 =	vor.u32 $0x5, v0;
	_ =	sdelay $0x1  }
0x8ca: {  	v13 =	vld [tilespmem:$0x1FE40];
	_ =	sdelay $0x1  }
0x8cb: {  	[tilespmem:v11+s17+$0x0] =	vst.idx.msk $0xffff, v1  }
0x8cc: {  	v1 =	vld.idx.msk [tilespmem:v10+s4+$0x0], $0xffff  }
0x8cd: {  	v12 =	vor.u32 $0x6, v0;
	_ =	sdelay $0x1  }
0x8ce: {  	v15 =	vld [tilespmem:$0x1FE50];
	_ =	sdelay $0x1  }
0x8cf: {  	[tilespmem:v13+s17+$0x0] =	vst.idx.msk $0xffff, v1  }
0x8d0: {  	v1 =	vld.idx.msk [tilespmem:v12+s4+$0x0], $0xffff  }
0x8d1: {  	v14 =	vor.u32 $0x7, v0;
	_ =	sdelay $0x1  }
0x8d2: {  	v17 =	vld [tilespmem:$0x1FE60];
	_ =	sdelay $0x1  }
0x8d3: {  	[tilespmem:v15+s17+$0x0] =	vst.idx.msk $0xffff, v1  }
0x8d4: {  	v1 =	vld.idx.msk [tilespmem:v14+s4+$0x0], $0xffff  }
0x8d5: {  	v16 =	vor.u32 $0x8, v0;
	_ =	sdelay $0x1  }
0x8d6: {  	v19 =	vld [tilespmem:$0x1FE70];
	_ =	sdelay $0x1  }
0x8d7: {  	[tilespmem:v17+s17+$0x0] =	vst.idx.msk $0xffff, v1  }
0x8d8: {  	v1 =	vld.idx.msk [tilespmem:v16+s4+$0x0], $0xffff  }
0x8d9: {  	v18 =	vor.u32 $0x9, v0;
	_ =	sdelay $0x1  }
0x8da: {  	v21 =	vld [tilespmem:$0x1FE80];
	_ =	sdelay $0x1  }
0x8db: {  	[tilespmem:v19+s17+$0x0] =	vst.idx.msk $0xffff, v1  }
0x8dc: {  	v1 =	vld.idx.msk [tilespmem:v18+s4+$0x0], $0xffff  }
0x8dd: {  	v20 =	vor.u32 $0xA, v0;
	_ =	sdelay $0x1  }
0x8de: {  	v23 =	vld [tilespmem:$0x1FE90];
	_ =	sdelay $0x1  }
0x8df: {  	[tilespmem:v21+s17+$0x0] =	vst.idx.msk $0xffff, v1  }
0x8e0: {  	v1 =	vld.idx.msk [tilespmem:v20+s4+$0x0], $0xffff  }
0x8e1: {  	v22 =	vor.u32 $0xB, v0;
	_ =	sdelay $0x1  }
0x8e2: {  	v25 =	vld [tilespmem:$0x1FEA0];
	_ =	sdelay $0x1  }
0x8e3: {  	[tilespmem:v23+s17+$0x0] =	vst.idx.msk $0xffff, v1  }
0x8e4: {  	v1 =	vld.idx.msk [tilespmem:v22+s4+$0x0], $0xffff  }
0x8e5: {  	v24 =	vor.u32 $0xC, v0;
	_ =	sdelay $0x1  }
0x8e6: {  	v27 =	vld [tilespmem:$0x1FEB0];
	_ =	sdelay $0x1  }
0x8e7: {  	[tilespmem:v25+s17+$0x0] =	vst.idx.msk $0xffff, v1  }
0x8e8: {  	v1 =	vld.idx.msk [tilespmem:v24+s4+$0x0], $0xffff  }
0x8e9: {  	v26 =	vor.u32 $0xD, v0;
	_ =	sdelay $0x1  }
0x8ea: {  	v29 =	vld [tilespmem:$0x1FEC0];
	_ =	sdelay $0x1  }
0x8eb: {  	[tilespmem:v27+s17+$0x0] =	vst.idx.msk $0xffff, v1  }
0x8ec: {  	v1 =	vld.idx.msk [tilespmem:v26+s4+$0x0], $0xffff  }
0x8ed: {  	v28 =	vor.u32 $0xE, v0;
	_ =	sdelay $0x1  }
0x8ee: {  	v31 =	vld [tilespmem:$0x1FED0];
	_ =	sdelay $0x1  }
0x8ef: {  	[tilespmem:v29+s17+$0x0] =	vst.idx.msk $0xffff, v1  }
0x8f0: {  	v1 =	vld.idx.msk [tilespmem:v28+s4+$0x0], $0xffff  }
0x8f1: {  	v30 =	vor.u32 $0xF, v0;
	_ =	sdelay $0x1  }
0x8f2: {  	v33 =	vld [tilespmem:$0x1FEE0];
	_ =	sdelay $0x1  }
0x8f3: {  	[tilespmem:v31+s17+$0x0] =	vst.idx.msk $0xffff, v1  }
0x8f4: {  	v1 =	vld.idx.msk [tilespmem:v30+s4+$0x0], $0xffff  }
0x8f5: {  	v32 =	vor.u32 $0x10, v0;
	_ =	sdelay $0x1  }
0x8f6: {  	v35 =	vld [tilespmem:$0x1FEF0];
	_ =	sdelay $0x1  }
0x8f7: {  	[tilespmem:v33+s17+$0x0] =	vst.idx.msk $0xffff, v1  }
0x8f8: {  	v1 =	vld.idx.msk [tilespmem:v32+s4+$0x0], $0xffff  }
0x8f9: {  	v34 =	vor.u32 $0x11, v0;
	_ =	sdelay $0x1  }
0x8fa: {  	v37 =	vld [tilespmem:$0x1FF00];
	_ =	sdelay $0x1  }
0x8fb: {  	[tilespmem:v35+s17+$0x0] =	vst.idx.msk $0xffff, v1  }
0x8fc: {  	v1 =	vld.idx.msk [tilespmem:v34+s4+$0x0], $0xffff  }
0x8fd: {  	v36 =	vor.u32 $0x12, v0;
	_ =	sdelay $0x1  }
0x8fe: {  	v39 =	vld [tilespmem:$0x1FF10];
	_ =	sdelay $0x1  }
0x8ff: {  	[tilespmem:v37+s17+$0x0] =	vst.idx.msk $0xffff, v1  }
0x900: {  	v1 =	vld.idx.msk [tilespmem:v36+s4+$0x0], $0xffff  }
0x901: {  	v38 =	vor.u32 $0x13, v0;
	_ =	sdelay $0x1  }
0x902: {  	v41 =	vld [tilespmem:$0x1FF20];
	_ =	sdelay $0x1  }
0x903: {  	[tilespmem:v39+s17+$0x0] =	vst.idx.msk $0xffff, v1  }
0x904: {  	v1 =	vld.idx.msk [tilespmem:v38+s4+$0x0], $0xffff  }
0x905: {  	v40 =	vor.u32 $0x14, v0;
	_ =	sdelay $0x1  }
0x906: {  	v43 =	vld [tilespmem:$0x1FF30];
	_ =	sdelay $0x1  }
0x907: {  	[tilespmem:v41+s17+$0x0] =	vst.idx.msk $0xffff, v1  }
0x908: {  	v1 =	vld.idx.msk [tilespmem:v40+s4+$0x0], $0xffff  }
0x909: {  	v42 =	vor.u32 $0x15, v0;
	_ =	sdelay $0x1  }
0x90a: {  	v45 =	vld [tilespmem:$0x1FF40];
	_ =	sdelay $0x1  }
0x90b: {  	[tilespmem:v43+s17+$0x0] =	vst.idx.msk $0xffff, v1  }
0x90c: {  	v1 =	vld.idx.msk [tilespmem:v42+s4+$0x0], $0xffff  }
0x90d: {  	v44 =	vor.u32 $0x16, v0;
	_ =	sdelay $0x1  }
0x90e: {  	v47 =	vld [tilespmem:$0x1FF50];
	_ =	sdelay $0x1  }
0x90f: {  	[tilespmem:v45+s17+$0x0] =	vst.idx.msk $0xffff, v1  }
0x910: {  	v1 =	vld.idx.msk [tilespmem:v44+s4+$0x0], $0xffff  }
0x911: {  	v46 =	vor.u32 $0x17, v0;
	_ =	sdelay $0x1  }
0x912: {  	v49 =	vld [tilespmem:$0x1FF60];
	_ =	sdelay $0x1  }
0x913: {  	[tilespmem:v47+s17+$0x0] =	vst.idx.msk $0xffff, v1  }
0x914: {  	v1 =	vld.idx.msk [tilespmem:v46+s4+$0x0], $0xffff  }
0x915: {  	v48 =	vor.u32 $0x18, v0;
	_ =	sdelay $0x1  }
0x916: {  	v51 =	vld [tilespmem:$0x1FF70];
	_ =	sdelay $0x1  }
0x917: {  	[tilespmem:v49+s17+$0x0] =	vst.idx.msk $0xffff, v1  }
0x918: {  	v1 =	vld.idx.msk [tilespmem:v48+s4+$0x0], $0xffff  }
0x919: {  	v50 =	vor.u32 $0x19, v0;
	_ =	sdelay $0x1  }
0x91a: {  	v53 =	vld [tilespmem:$0x1FF80];
	_ =	sdelay $0x1  }
0x91b: {  	[tilespmem:v51+s17+$0x0] =	vst.idx.msk $0xffff, v1  }
0x91c: {  	v1 =	vld.idx.msk [tilespmem:v50+s4+$0x0], $0xffff  }
0x91d: {  	v52 =	vor.u32 $0x1A, v0;
	_ =	sdelay $0x1  }
0x91e: {  	v55 =	vld [tilespmem:$0x1FF90];
	_ =	sdelay $0x1  }
0x91f: {  	[tilespmem:v53+s17+$0x0] =	vst.idx.msk $0xffff, v1  }
0x920: {  	v1 =	vld.idx.msk [tilespmem:v52+s4+$0x0], $0xffff  }
0x921: {  	v54 =	vor.u32 $0x1B, v0;
	_ =	sdelay $0x1  }
0x922: {  	v57 =	vld [tilespmem:$0x1FFA0];
	_ =	sdelay $0x1  }
0x923: {  	[tilespmem:v55+s17+$0x0] =	vst.idx.msk $0xffff, v1  }
0x924: {  	v1 =	vld.idx.msk [tilespmem:v54+s4+$0x0], $0xffff  }
0x925: {  	v56 =	vor.u32 $0x1C, v0;
	_ =	sdelay $0x1  }
0x926: {  	v59 =	vld [tilespmem:$0x1FFB0];
	_ =	sdelay $0x1  }
0x927: {  	[tilespmem:v57+s17+$0x0] =	vst.idx.msk $0xffff, v1  }
0x928: {  	v1 =	vld.idx.msk [tilespmem:v56+s4+$0x0], $0xffff  }
0x929: {  	v58 =	vor.u32 $0x1D, v0;
	_ =	sdelay $0x1  }
0x92a: {  	v61 =	vld [tilespmem:$0x1FFC0];
	_ =	sdelay $0x1  }
0x92b: {  	[tilespmem:v59+s17+$0x0] =	vst.idx.msk $0xffff, v1  }
0x92c: {  	v1 =	vld.idx.msk [tilespmem:v58+s4+$0x0], $0xffff  }
0x92d: {  	v60 =	vor.u32 $0x1E, v0;
	_ =	sdelay $0x1  }
0x92e: {  	v62 =	vld [tilespmem:$0x1FFD0];
	_ =	sdelay $0x1  }
0x92f: {  	[tilespmem:v61+s17+$0x0] =	vst.idx.msk $0xffff, v1  }
0x930: {  	v1 =	vld.idx.msk [tilespmem:v60+s4+$0x0], $0xffff  }
0x931: {  	v0 =	vor.u32 $0x1F, v0;
	_ =	sdelay $0x1  }
0x932: {  	v63 =	vld [tilespmem:$0x1FFE0];
	_ =	sdelay $0x1  }
0x933: {  	[tilespmem:v62+s17+$0x0] =	vst.idx.msk $0xffff, v1  }
0x934: {  	v0 =	vld.idx.msk [tilespmem:v0+s4+$0x0], $0xffff;
	_ =	sdelay $0x1  }
0x935: {  	s0 =	smul.u32 $0x1D4C00, s26  }
0x936: {  	s3 =	smul.u32 $0x27100, s28  }
0x937: {  	s8 =	smul.u32 $0x7D00, s24  }
0x938: {  	s23 =	sadd.s32 $0x1, s23;
	s0 =	sadd.s32 s3, s0;
	[tilespmem:v63+s17+$0x0] =	vst.idx.msk $0xffff, v0  }
0x939: {  	p0 =	sne.s32 s23, $0x3C;
	s0 =	sadd.s32 s8, s0;
	_ =	swait.ge [sflag:s14], $0x5300  }
.Ltmp2:
0x93a: {  	s0 =	sshrl.u32 s0, $0x3;
	[sflag:s14] =	ssyncset.done $0x0;
	(pc) =	sbr.rel @p0 .LBB2_2-.Ltmp2, $4  }
0x93b: {  	s0 =	sadd.s32 s2, s0;
	[sflag:s14] =	ssyncadd.s32 $0xFFFFAD00  }
0x93c: {  	[hbm4b:s0+s4] =	stream.linear.scatter [tilespmem:s16], [sflag:$0x2], $0x5300, $0x38;
	[tilespmem:$0x125D0] =	vst v63  }
0x93d: {  	s0 =	sadd.s32 $0xA60, s0  }
0x93e: {  	v37 =	vld [tilespmem:$0x1FFF0];
	[hbm4b:s0+s4] =	stream.linear.scatter [tilespmem:s17], [sflag:$0x4], $0x2A00, $0x38  }
0x93f: {  	_ =	swait.ge [sflag:s18], $0x5300  }
0x940: {  	[sflag:s18] =	ssyncset.done $0x0  }
0x941: {  	[sflag:s18] =	ssyncadd.s32 $0xFFFFAD00  }
0x942: {  	_ =	swait.ge [sflag:s19], $0x2A00  }
0x943: {  	[sflag:s19] =	ssyncset.done $0x0  }
0x944: {  	[sflag:s19] =	ssyncadd.s32 $0xFFFFD600  }
0x945: {  	_ =	swait.ge [sflag:s20], $0x5300  }
0x946: {  	[sflag:s20] =	ssyncset.done $0x0  }
0x947: {  	[sflag:s20] =	ssyncadd.s32 $0xFFFFAD00  }
0x948: {  	_ =	swait.ge [sflag:s21], $0x2A00  }
0x949: {  	s22 =	sadd.s32 $0x1, s22;
	s0 =	rddreg [dreg:$0x4]  }
0x94a: {  	p0 =	sne.s32 s22, s0  }
.Ltmp3:
0x94b: {  	_ = 	snop;
	(pc) =	sbr.rel @p0 .LBB2_1-.Ltmp3, $3  }
0x94c: {  	_ =	sdelay $0x1  }
0x94d: {  	[sflag:s21] =	ssyncset.done $0x0  }
0x94e: {  	[sflag:s21] =	ssyncadd.s32 $0xFFFFD600  }
0x94f: {  	_ =	sfence.sel $0x180000  }
0x950: {  	[bflag:$0x0] =	sbarrier.arrive $0xFFFF  }
0x951: {  	_ =	strace $0x90000047  }
0x952: {  	s0 =	stileid.u32;
	[bflag:$0x2] =	sbarrier.arrive $0xFFFF  }
0x953: {  	p0 =	sne.s32 s0, $0x0;
	s0 =	rddreg [dreg:$0x3]  }
0x954: {  	s0 =	sadd.s32 @!p0 $0x100000, s0  }
0x955: {  	[sflag:s0] =	ssyncadd.tile.s32 @!p0 $0x1;
	_ =	shalt  }
.Lfunc_end2:
_tile_overlayer_lowered:
.L_overlay_start_2:
0x956: {  	(tag) =	ssettag $0x2  }
0x957: {  	s0 =	rddreg [dreg:$0x0];
	s2 =	stileid.u32  }
0x958: {  	s1 =	rddreg [dreg:$0x1];
	p0 =	sne.s32 s2, $0x0  }
0x959: {  	s3 =	rddreg [dreg:$0x2];
	[bflag:$0x3] =	sbarrier.arrive $0xFFFF;
	s2 =	simm.s32 @!p0 $0x1C06  }
0x95a: {  	[timem:s3], [sflag:s2] =	dma.local @!p0 [hbm:s0], s1  }
0x95b: {  	s0 =	simm.s32 @!p0 $0x6  }
0x95c: {  	_ =	swait.ge @!p0 [sflag:s0], s1  }
0x95d: {  	s1 =	ssub.s32 @!p0 $0x0, s1;
	[sflag:s0] =	ssyncset.done @!p0 $0x0  }
0x95e: {  	[sflag:s0] =	ssyncadd.s32 @!p0 s1  }
0x95f: {  	[bflag:$0x3] =	sbarrier.arrive $0xFFFF  }
0x960: {  	_ =	shalt  }

// kernel: sparse-core-data-format-call.cloned.1.call-start
scs
called_computation_lowered:
.L_overlay_start_0:
0x0: {  	s2 =	sld [smem:$0x3FD9]  }
0x1: {  	s3 =	sld [smem:$0x3FFE];
	_ =	sdelay $0x1  }
0x2: {  	s1 =	srdreg.scid  }
0x3: {  	s0 =	sand.u32 $0x1, s1  }
0x4: {  	s15 =	sshll.u32 s0, $0xA;
	s2 =	sadd.s32 s3, s2  }
0x5: {  	s2 =	sadd.s32 s2, s15  }
0x6: {  	[smem:$0x3FC3] =	sst s2  }
0x7: {  	_ = 	snop  }
0x8: {  	s2 =	sld [smem:$0x3FD0];
	_ =	sdelay $0x2  }
0x9: {  	s16 =	simm.s32 $0xA;
	s4 =	simm.s32 $0x10  }
0xa: {  	[smem:s4], [sflag:s16] =	dma.local [hbm:s2], $0x1  }
0xb: {  	_ =	swait.eq [sflag:s16], $0x1  }
0xc: {  	[sflag:s16] =	ssyncset.done $0x0  }
0xd: {  	[sflag:s16] =	ssyncadd.s32 $0xFFFFFFFF  }
0xe: {  	s17 =	sld [smem:$0x12];
	(tm) =	ssettm $0x1  }
0xf: {  	s18 =	sld [smem:$0x3FFB];
	_ =	sdelay $0x3  }
0x10: {  	_ =	strace s18  }
0x11: {  	s3 =	sld [smem:$0x3FFC];
	_ =	sdelay $0x3  }
0x12: {  	_ =	strace s3  }
0x13: {  	s3 =	sld [smem:$0x3FFD];
	_ =	sdelay $0x3  }
0x14: {  	_ =	strace s3  }
0x15: {  	_ =	strace $0x8FFFFFFF  }
0x16: {  	s19 =	sld [smem:$0x3FDB];
	_ =	sdelay $0x1  }
0x17: {  	s20 =	simm.s32 $_scs_section_size  }
0x18: {  	s5 =	simm.s32 $_size__tile_overlayer_lowered;
	s6 =	simm.s32 $_tile_overlayer_lowered  }
0x19: {  	s23 =	simm.s32 $0x1BFF;
	s22 =	sshll.u32 s6, $0x1;
	s3 =	sadd.s32 s20, s19  }
0x1a: {  	s7 =	simm.s32 $0x0;
	s21 =	sshll.u32 s5, $0x1;
	s5 =	sadd.s32 s22, s3  }
0x1b: {  	[timem:s7], [sflag:s23] =	dma.local [hbm:s5], s21  }
0x1c: {  	_ =	swait.ge [sflag:s23], s21  }
0x1d: {  	s4 =	ssub.s32 $0x0, s21;
	[sflag:s23] =	ssyncset.done $0x0  }
0x1e: {  	[sflag:s23] =	ssyncadd.s32 s4;
	_ =	sdelay $0x1  }
0x1f: {  	s24 =	simm.s32 $0x1B8B  }
0x20: {  	_ =	swait.ge [sflag:s24], $0x1  }
0x21: {  	[sflag:s24] =	ssyncset.done $0x0  }
0x22: {  	s26 =	simm.s32 $0x1B8E;
	s25 =	sld [smem:$0x3FFE];
	[sflag:s24] =	ssyncadd.s32 $0xFFFFFFFF  }
0x23: {  	s27 =	simm.s32 $execute0_lowered;
	[smem:$0x3FD2] =	sst s26  }
0x24: {  	s5 =	sshll.u32 s27, $0x1;
	_ =	strace $0x80000049;
	[dreg:$0x1] =	wrdreg $0xFFFFFFFF  }
0x25: {  	s28 =	simm.s32 $_size_execute0_lowered;
	s3 =	sadd.s32 s3, s5;
	[dreg:$0x0] =	wrdreg $0x0  }
0x26: {  	s5 =	sshll.u32 s28, $0x1;
	[dreg:$0x2] =	wrdreg s3  }
0x27: {  	[dreg:$0x3] =	wrdreg s5  }
0x28: {  	[dreg:$0x4] =	wrdreg $0xC0  }
0x29: {  	_ =	task [dreg:s7], $0x5FFFF  }
0x2a: {  	[dreg:$0x1] =	wrdreg $0xFFFFFFFF  }
0x2b: {  	[dreg:$0x0] =	wrdreg $0x60  }
0x2c: {  	[dreg:$0x2] =	wrdreg s25  }
0x2d: {  	[dreg:$0x3] =	wrdreg s17  }
0x2e: {  	[dreg:$0x4] =	wrdreg $0x9  }
0x2f: {  	_ =	task.clear_ibuf [dreg:s7], $0x5FFFF;
	_ =	strace $0x90000049  }
0x30: {  	s29 =	simm.s32 $0x9;
	_ =	strace $0x8000004B  }
0x31: {  	_ =	swait.ge [sflag:s29], $0x1  }
0x32: {  	[sflag:s29] =	ssyncadd.s32 $0xFFFFFFFF  }
0x33: {  	_ =	strace $0x9000004B  }
0x34: {  	_ =	sfence  }
0x35: {  	s30 =	sld [smem:$0x0];
	_ =	sdelay $0x2  }
0x36: {  	s31 =	sshll.u32 s1, $0xD;
	s1 =	sshrl.u32 s1, $0x2  }
0x37: {  	s3 =	sand.u32 $0x4000, s31;
	s1 =	sadd.s32 s1, s30  }
0x38: {  	s0 =	sor.u32 s3, s0;
	s1 =	sshll.u32 s1, $0x11  }
0x39: {  	s0 =	sor.u32 s1, s0  }
0x3a: {  	s0 =	sadd.s32 $0x8F2B, s0  }
0x3b: {  	[sflag:s0] =	ssyncadd.remote.s32 $0x1  }
0x3c: {  	_ =	sfence.sel $0xFFFF  }
0x3d: {  	[dreg:$0x0] =	wrdreg $0xFFFFFFFF;
	(pc) =	sbr.abs _section_cstart, $3  }
0x3e: {  	[dreg:$0x1] =	wrdreg $0xFFFFFFFF  }
0x3f: {  	_ =	task.clear_ibuf [dreg:s7], $0x2FFFF;
	_ =	strace $0x9FFFFFFF  }
0x40: {  	(tm) =	ssettm $0x7FFFFFFF  }
0x41: {  	_ =	shalt  }
tec
execute0_lowered:
.L_overlay_start_1:
0x0: {  	(tag) =	ssettag $0x1  }
0x1: {  	s1 =	rddreg [dreg:$0x0]  }
0x2: {  	s2 =	rddreg [dreg:$0x1]  }
0x3: {  	s0 =	rddreg [dreg:$0x2]  }
0x4: {  	s4 =	srdreg.scid;
	_ =	strace $0x8000004A;
	s6 =	simm.s32 $0x2  }
0x5: {  	s13 =	simm.s32 $0x0;
	p0 =	por $0x0, $0x0;
	s11 =	simm.s32 $0x0  }
.Ltmp0:
0x6: {  	s12 =	simm.s32 $0x0;
	s8 =	simm.s32 $0x0;
	(pc) =	sbr.rel .LBB1_1-.Ltmp0, $4  }
0x7: {  	s9 =	simm.s32 $0x0;
	s3 =	sadd.s32 $0x1000, s1;
	s4 =	sshll.u32 s4, $0x4  }
0x8: {  	s1 =	stileid.u32;
	s5 =	sand.u32 $0x10, s4;
	s4 =	simm.s32 $0x1  }
0x9: {  	s7 =	simm.s32 $0x0;
	s5 =	sor.u32 s1, s5;
	[sflag:s4] =	ssyncpa.u1 $0x0  }
0xa: {  	[sflag:s6] =	ssyncpa.u1 $0x0;
	s6 =	simm.s32 $0xA000;
	s10 =	smov.u32 s5  }
.LBB1_5:
0xb: {  	s14 =	sadd.s32 $0x80, s8  }
0xc: {  	s11 =	simm.s32 $0x1;
	p2 =	sgt.s32 s14, $0x1387  }
0xd: {  	s11 =	simm.s32 @!p2 $0x0  }
0xe: {  	s15 =	sadd.s32 s11, s9  }
0xf: {  	s17 =	smov.u32 s10;
	s11 =	sadd.s32 $0x20, s10;
	p3 =	sgt.s32 s15, $0xB  }
0x10: {  	p1 =	slt.u32 s7, $0x2;
	s17 =	smov.u32 @p3 s11  }
0x11: {  	s7 =	sadd.s32 $0x1, s7;
	s14 =	simm.s32 @p2 $0x0;
	p2 =	sgt.s32 s17, $0x3F  }
0x12: {  	s17 =	smov.u32 @p2 s5;
	p2 =	sne.s32 s7, $0x3C2  }
.Ltmp1:
0x13: {  	s16 =	simm.s32 @!p1 $0x2;
	(pc) =	sbr.rel @!p2 .LBB1_6-.Ltmp1, $4  }
0x14: {  	s13 =	smov.u32 s8;
	_ =	swait.ge @!p1 [sflag:s16], $0x1000  }
0x15: {  	s12 =	smov.u32 s10;
	p0 =	por !p0, !p0;
	[sflag:s16] =	ssyncset.done @!p1 $0x0  }
0x16: {  	s8 =	smov.u32 s14;
	[sflag:s16] =	ssyncadd.s32 @!p1 $0xFFFFF000;
	s15 =	simm.s32 @p3 $0x0  }
0x17: {  	s11 =	smov.u32 s9;
	s9 =	smov.u32 s15;
	s10 =	smov.u32 s17  }
.LBB1_1:
0x18: {  	p1 =	sgt.u32 s7, $0x3BF;
	s16 =	smov.u32 s10  }
0x19: {  	s18 =	smov.u32 s9;
	s14 =	sand.u32 @!p1 $0x1FFFFFF, s8;
	p2 =	sgt.s32 @!p1 s10, $0x3F  }
0x1a: {  	s17 =	sshra.s32 @!p1 s10, $0x1F;
	s19 =	sshra.s32 @!p1 s9, $0x1F;
	p2 =	por !p2, p1  }
0x1b: {  	s15 =	smulhi.u32 @!p1 $0x1A36E2F, s14;
	s16 =	simm.s32 @p2 $0x3F;
	p2 =	sgt.s32 @!p1 s9, $0xB  }
0x1c: {  	s17 =	sand.u32 @!p1 s17, s10;
	s19 =	sand.u32 @!p1 s19, s9;
	p2 =	por !p2, p1  }
0x1d: {  	s15 =	sshrl.u32 @!p1 s15, $0x5;
	s16 =	ssub.s32 @!p1 s16, s17;
	s18 =	simm.s32 @p2 $0xB  }
0x1e: {  	p2 =	sgt.s32 @!p1 s8, $0x1308;
	s16 =	sadd.s32 @!p1 $0xFFFFFFC1, s16;
	s17 =	ssub.s32 @!p1 s18, s19  }
0x1f: {  	p2 =	por !p2, p1;
	s19 =	smov.u32 s8;
	s18 =	sadd.s32 @!p1 $0xFFFFFFF5, s17  }
0x20: {  	s19 =	simm.s32 @p2 $0x1308;
	p3 =	sgt.s32 @!p1 s18, $0x0;
	s18 =	sshra.s32 @!p1 s8, $0x1F  }
0x21: {  	p2 =	sgt.s32 @!p1 s16, $0x0;
	s16 =	sshll.u32 @!p1 s16, $0x5;
	s18 =	sand.u32 @!p1 s18, s8  }
0x22: {  	s17 =	ssub.s32 @!p1 $0xC, s17;
	s16 =	ssub.s32 @!p1 $0x20, s16;
	s18 =	ssub.s32 @!p1 s19, s18  }
0x23: {  	p2 =	por !p2, p1;
	p3 =	por !p3, p1;
	s19 =	sadd.s32 @!p1 $0xFFFFECF8, s18  }
0x24: {  	s16 =	simm.s32 @!p2 $0x0;
	s17 =	simm.s32 @!p3 $0x0;
	p3 =	sgt.s32 @!p1 s19, $0x7F  }
0x25: {  	s18 =	ssub.s32 @!p1 $0x1388, s18;
	s16 =	smul.u32 @!p1 s17, s16;
	p2 =	por !p3, p1  }
0x26: {  	s15 =	smul.u32 @!p1 $0x1388, s15;
	s18 =	simm.s32 @!p2 $0x0  }
0x27: {  	s16 =	smul.u32 @!p1 s18, s16  }
0x28: {  	s18 =	smul.u32 @!p1 $0xEA600, s10  }
0x29: {  	s14 =	ssub.s32 @!p1 s14, s15;
	s17 =	sxor.u32 @!p1 $0xFFFFFFFF, s7;
	s19 =	smul.u32 @!p1 $0x13880, s9  }
0x2a: {  	s14 =	sshll.u32 @!p1 s14, $0x4;
	s17 =	sshll.u32 @!p1 s17, $0xC;
	s15 =	sadd.s32 @!p1 s3, s18  }
0x2b: {  	s17 =	sand.u32 @!p1 $0x1000, s17;
	s16 =	sand.u32 @!p1 $0x3FFFFFE0, s16;
	s15 =	sadd.s32 @!p1 s19, s15  }
0x2c: {  	s18 =	simm.s32 @!p1 $0x80;
	s14 =	sadd.s32 @!p1 s14, s15;
	s15 =	simm.s32 @!p1 $0x20  }
0x2d: {  	[tilespmem:s17], [sflag:$0x1] =	stream.strided.gather @!p1 [hbm4b:s14+s15], s16, s18, s15, $0x38;
	[tilespmem:$0x4040] =	vst v63  }
0x2e: {  	p1 =	seq.s32 s7, $0x0  }
0x2f: {  	p2 =	seq.s32 @!p1 s7, $0x3C1  }
0x30: {  	p1 =	por p1, p2  }
.Ltmp2:
0x31: {  	_ = 	snop;
	(pc) =	sbr.rel @p1 .LBB1_5-.Ltmp2, $1  }
0x32: {  	_ =	sdelay $0x3  }
0x33: {  	p1 =	sgt.s32 s12, $0x3F  }
0x34: {  	s14 =	smov.u32 s12;
	s15 =	sshra.s32 s12, $0x1F;
	s16 =	sshra.s32 s11, $0x1F  }
0x35: {  	p2 =	sgt.s32 s13, $0x1308;
	s14 =	simm.s32 @!p1 $0x3F;
	s15 =	sand.u32 s15, s12  }
0x36: {  	s18 =	sshra.s32 s13, $0x1F;
	p1 =	sgt.s32 s11, $0xB;
	s14 =	ssub.s32 s14, s15  }
0x37: {  	s16 =	sand.u32 s16, s11;
	s15 =	smov.u32 s11;
	s14 =	sadd.s32 $0xFFFFFFC1, s14  }
0x38: {  	s26 =	sand.u32 s18, s13;
	s15 =	simm.s32 @!p1 $0xB;
	p1 =	sgt.s32 s14, $0x0  }
0x39: {  	s15 =	ssub.s32 s15, s16;
	s16 =	smov.u32 s13;
	s14 =	sshll.u32 s14, $0x5  }
0x3a: {  	s17 =	sadd.s32 $0xFFFFFFF5, s15;
	s16 =	simm.s32 @!p2 $0x1308;
	s15 =	ssub.s32 $0xC, s15  }
0x3b: {  	s14 =	ssub.s32 $0x20, s14;
	p2 =	sgt.s32 s17, $0x0;
	s16 =	ssub.s32 s16, s26  }
0x3c: {  	s14 =	simm.s32 @p1 $0x0;
	s15 =	simm.s32 @p2 $0x0;
	s17 =	sadd.s32 $0xFFFFECF8, s16  }
0x3d: {  	s16 =	ssub.s32 $0x1388, s16;
	p1 =	sgt.s32 s17, $0x7F;
	s14 =	smul.u32 s15, s14  }
0x3e: {  	s16 =	simm.s32 @p1 $0x0  }
0x3f: {  	s14 =	smul.u32 s16, s14;
	_ =	sdelay $0x1  }
0x40: {  	s15 =	simm.s32 $0x1;
	s14 =	sand.u32 $0x3FFFFFE0, s14  }
0x41: {  	s15 =	simm.s32 @!p0 $0x0;
	_ =	swait.ge [sflag:s4], s14  }
0x42: {  	s27 =	sshll.u32 s15, $0xC;
	s14 =	ssub.s32 $0x0, s14;
	[sflag:s4] =	ssyncset.done $0x0  }
0x43: {  	s28 =	sor.u32 $0x10, s27;
	[sflag:s4] =	ssyncadd.s32 s14  }
0x44: {  	s29 =	smul.u32 $0x4080, s15;
	v1 =	vld [tilespmem:s28+$0x0]  }
0x45: {  	s30 =	sand.u32 $0x1, s7;
	v0 =	vld [tilespmem:s28+$0xFFFFFFF0]  }
0x46: {  	s15 =	smul.u32 $0x4080, s30;
	s14 =	sshrl.u32 s29, $0x2  }
0x47: {  	s16 =	sor.u32 $0x2000, s14  }
0x48: {  	s31 =	sshrl.u32 s15, $0x2;
	s15 =	sadd.s32 $0x0, s16  }
0x49: {  	s17 =	simm.s32 $0x4;
	s18 =	sadd.s32 $0x20, s28;
	s14 =	sor.u32 $0x2000, s31;
	[tilespmem:s15+$0x810 ss:$0x81] =	vst.msk $0xffff, v1  }
.LBB1_3:
0x4a: {  	v1 =	vld [tilespmem:s18+$0x0];
	p1 =	sne.s32 s17, $0x1FC;
	[tilespmem:s15+$0x0 ss:$0x81] =	vst.msk $0xffff, v0;
	s15 =	smov.u32 s17;
	s17 =	sadd.s32 $0x4, s17  }
.Ltmp3:
0x4b: {  	v0 =	vld [tilespmem:s18+$0xFFFFFFF0];
	(pc) =	sbr.rel @p1 .LBB1_3-.Ltmp3, $4  }
0x4c: {  	_ = 	snop  }
0x4d: {  	s15 =	sshra.s32 s15, $0x2  }
0x4e: {  	s15 =	sadd.s32 s15, s16  }
0x4f: {  	s18 =	sadd.s32 $0x20, s18;
	[tilespmem:s15+$0x810 ss:$0x81] =	vst.msk $0xffff, v1  }
0x50: {  	s16 =	sshll.u32 s13, $0x3  }
0x51: {  	s30 =	sand.u32 $0x7F, s13;
	s17 =	sand.u32 $0xFFFFFC00, s16  }
0x52: {  	s16 =	smulhi.u32 $0xCCCCCCCD, s16;
	s13 =	sor.u32 s30, s17  }
0x53: {  	s17 =	smulhi.u32 $0xCCCCCCCD, s13  }
0x54: {  	s12 =	smul.u32 $0x3C000, s12  }
0x55: {  	s11 =	smul.u32 $0x5000, s11;
	s16 =	sshrl.u32 s16, $0xC;
	s17 =	sshrl.u32 s17, $0xC  }
0x56: {  	s16 =	sand.u32 $0x1F, s16;
	s17 =	smul.u32 $0x1400, s17  }
0x57: {  	s16 =	smul.u32 $0x280, s16  }
.Ltmp4:
0x58: {  	s12 =	sadd.s32 s2, s12;
	s13 =	ssub.s32 s13, s17;
	(pc) =	sbr.rel .LBB1_5-.Ltmp4, $4  }
0x59: {  	s11 =	sadd.s32 s11, s12;
	s31 =	sand.u32 $0x7, s13  }
0x5a: {  	s11 =	sadd.s32 s16, s11;
	s13 =	sshrl.u32 s13, $0x3;
	s12 =	sshll.u32 s31, $0x12  }
0x5b: {  	[tilespmem:s15+$0x0 ss:$0x81] =	vst.msk $0xffff, v0;
	s11 =	sadd.s32 s13, s11;
	s12 =	sor.u32 $0x400, s12  }
0x5c: {  	[hbm4b:s11+s12] =	stream.strided.scatter [tilespmem:s14], [sflag:$0x2], $0x1000, s6, s12, $0x20;
	[tilespmem:$0x4040] =	vst v63  }
.LBB1_6:
0x5d: {  	_ =	sfence.sel $0x180000  }
0x5e: {  	s2 =	simm.s32 $0x1;
	[bflag:$0x0] =	sbarrier.arrive $0xFFFF  }
0x5f: {  	s31 =	simm.s32 $0x2;
	[sflag:s2] =	ssyncpa.u1 $0x1  }
0x60: {  	[sflag:s31] =	ssyncpa.u1 $0x1  }
0x61: {  	p0 =	sne.s32 s1, $0x0;
	_ =	strace $0x9000004A  }
0x62: {  	s0 =	sadd.s32 @!p0 $0x100000, s0;
	[bflag:$0x2] =	sbarrier.arrive $0xFFFF  }
0x63: {  	[sflag:s0] =	ssyncadd.tile.s32 @!p0 $0x1;
	_ =	shalt  }
.Lfunc_end1:
_tile_overlayer_lowered:
.L_overlay_start_2:
0x64: {  	(tag) =	ssettag $0x2  }
0x65: {  	s0 =	rddreg [dreg:$0x0];
	s2 =	stileid.u32  }
0x66: {  	s1 =	rddreg [dreg:$0x1];
	p0 =	sne.s32 s2, $0x0  }
0x67: {  	s3 =	rddreg [dreg:$0x2];
	[bflag:$0x3] =	sbarrier.arrive $0xFFFF;
	s2 =	simm.s32 @!p0 $0x1C01  }
0x68: {  	[timem:s3], [sflag:s2] =	dma.local @!p0 [hbm:s0], s1  }
0x69: {  	s0 =	simm.s32 @!p0 $0x1  }
0x6a: {  	_ =	swait.ge @!p0 [sflag:s0], s1  }
0x6b: {  	s1 =	ssub.s32 @!p0 $0x0, s1;
	[sflag:s0] =	ssyncset.done @!p0 $0x0  }
0x6c: {  	[sflag:s0] =	ssyncadd.s32 @!p0 s1  }
0x6d: {  	[bflag:$0x3] =	sbarrier.arrive $0xFFFF  }
0x6e: {  	_ =	shalt  }

</sc_bundles>
